<compile_context>
chip_gen: v7x
topology: tpu7x:2x2x1
jax: 0.10.2.dev20260603
libtpu: 0.0.44.dev20260713+nightly
codegen_flags: <defaults>
</compile_context>

<pallas_src>
import functools

import jax
import jax.numpy as jnp
from jax import lax
from jax.experimental import pallas as pl
from jax.experimental.pallas import tpu as pltpu
from jax.experimental.pallas import tpu_sc as plsc

_N = 10000
_E = 320000
_H = 128
_G = 64
_C = 3

_NC = 2
_NS = 16
_NW = _NC * _NS
_EPW = _E // _NW
_CH = 125
_NCH = _EPW // _CH
_NBUF = 2
_PH = 40
_NP = 10240
_TPW = _NP // _NS

_mesh = plsc.VectorSubcoreMesh(core_axis_name="c", subcore_axis_name="s")



@functools.partial(
    pl.kernel,
    out_type=jax.ShapeDtypeStruct((_NW * _NP,), jnp.float32),
    mesh=_mesh,
    compiler_params=pltpu.CompilerParams(needs_layout_passes=False),
    scratch_types=[
        pltpu.VMEM((_EPW,), jnp.int32),
        pltpu.VMEM((_NP,), jnp.float32),
    ],
)
def _sc_degree(dst_flat, out, dstv, hist):
    c = lax.axis_index("c")
    s = lax.axis_index("s")
    w = s * _NC + c
    pltpu.sync_copy(dst_flat.at[pl.ds(w * _EPW, _EPW)], dstv)
    zero16 = jnp.zeros((16,), jnp.float32)

    def zbody(i, carry):
        hist[pl.ds(i * 16, 16)] = zero16
        return carry

    lax.fori_loop(0, _NP // 16, zbody, 0)
    ones16 = jnp.ones((16,), jnp.float32)

    def body(i, carry):
        for u in range(5):
            idx = dstv[pl.ds((i * 5 + u) * 16, 16)]
            plsc.addupdate_scatter(hist, [idx], ones16)
        return carry

    lax.fori_loop(0, _EPW // 80, body, 0)
    pltpu.sync_copy(hist, out.at[pl.ds(w * _NP, _NP)])


@functools.partial(
    pl.kernel,
    out_type=jax.ShapeDtypeStruct((_NC, _NP, _H), jnp.float32),
    mesh=_mesh,
    scratch_types=[
        pltpu.VMEM((_PH, _CH), jnp.int32) for _ in range(2)
    ] + [pltpu.VMEM((_CH, _H), jnp.float32) for _ in range(_NBUF)]
      + [pltpu.SemaphoreType.DMA for _ in range(_NBUF + 2)]
      + [pltpu.VMEM_SHARED((_NP, _H), jnp.float32)],
)
def _sc_edge_sum(g_hbm, src_r, dst_r, zero_hbm, out, srcv0, dstv0, *rest):
    c = lax.axis_index("c")
    s = lax.axis_index("s")
    bufs = rest[:_NBUF]
    gsems = rest[_NBUF:2 * _NBUF]
    isems = rest[2 * _NBUF:2 * _NBUF + 2]
    acc = rest[-1]
    w = s * _NC + c

    def _idx_fetch(ph):
        pltpu.async_copy(src_r.at[w, pl.ds(ph * _PH, _PH)], srcv0, isems[0])
        pltpu.async_copy(dst_r.at[w, pl.ds(ph * _PH, _PH)], dstv0, isems[1])

    def _idx_wait(ph):
        pltpu.make_async_copy(src_r.at[w, pl.ds(ph * _PH, _PH)], srcv0,
                              isems[0]).wait()
        pltpu.make_async_copy(dst_r.at[w, pl.ds(ph * _PH, _PH)], dstv0,
                              isems[1]).wait()

    def _gather(srcv, j, b):
        pltpu.async_copy(g_hbm.at[srcv.at[j]], bufs[b], gsems[b])

    def _gwait(srcv, j, b):
        pltpu.make_async_copy(g_hbm.at[srcv.at[j]], bufs[b], gsems[b]).wait()

    def _scatter(dstv, j, b):
        pltpu.sync_copy(bufs[b], acc.at[dstv.at[j]], add=True)

    _idx_fetch(0)
    _last = _N - (_NS - 1) * _TPW

    @pl.when((c == 0) & (s < _NS - 1))
    def _():
        pltpu.sync_copy(g_hbm.at[pl.ds(s * _TPW, _TPW)],
                        acc.at[pl.ds(s * _TPW, _TPW)])

    @pl.when((c == 0) & (s == _NS - 1))
    def _():
        pltpu.sync_copy(g_hbm.at[pl.ds(_N - _last, _last)],
                        acc.at[pl.ds(_N - _last, _last)])

    @pl.when((c == 1) & (s < _NS - 1))
    def _():
        pltpu.sync_copy(zero_hbm, acc.at[pl.ds(s * _TPW, _TPW)])

    @pl.when((c == 1) & (s == _NS - 1))
    def _():
        pltpu.sync_copy(zero_hbm.at[pl.ds(0, _last)],
                        acc.at[pl.ds(_N - _last, _last)])

    _nph = _NCH // _PH
    for ph in range(_nph):
        _idx_wait(ph)
        srcv, dstv = srcv0, dstv0
        for b in range(_NBUF):
            _gather(srcv, b, b)
        if ph == 0:
            plsc.subcore_barrier()

        def body(i, carry, srcv=srcv, dstv=dstv):
            j0 = i * _NBUF
            for b in range(_NBUF):
                j = j0 + b
                _gwait(srcv, j, b)
                _scatter(dstv, j, b)

                @pl.when(j + _NBUF < _PH)
                def _():
                    _gather(srcv, j + _NBUF, b)
            return carry

        lax.fori_loop(0, _PH // _NBUF, body, 0)
        if ph + 1 < _nph:
            _idx_fetch(ph + 1)
    plsc.subcore_barrier()

    @pl.when(s < _NS - 1)
    def _():
        pltpu.sync_copy(acc.at[pl.ds(s * _TPW, _TPW)],
                        out.at[c, pl.ds(s * _TPW, _TPW)])

    @pl.when(s == _NS - 1)
    def _():
        pltpu.sync_copy(acc.at[pl.ds(_N - _last, _last)],
                        out.at[c, pl.ds(_N - _last, _last)])



def _tc_first_body(deg_ref, x_ref, w1_ref, dinv_ref, g_ref):
    deg = jnp.sum(deg_ref[...], axis=0)[0:_N][:, None] + 1.0
    dinv = lax.rsqrt(deg)
    dinv_ref[...] = dinv
    g_ref[...] = jnp.dot(x_ref[...], w1_ref[...],
                         preferred_element_type=jnp.float32) * dinv


def _tc_layer_body(p_ref, dinv_ref, b_ref, w_ref, gout_ref):
    dinv = dinv_ref[...]
    h = jnp.maximum((p_ref[0, 0:_N] + p_ref[1, 0:_N]) * dinv
                    + b_ref[...], 0.0)
    gout_ref[...] = jnp.dot(h, w_ref[...],
                            preferred_element_type=jnp.float32) * dinv


def _tc_final_body(p_ref, dinv_ref, b_ref, batch_ref, wf1_ref,
                   bf1_ref, wf2_ref, bf2_ref, out_ref):
    h = jnp.maximum(
        (p_ref[0, 0:_N] + p_ref[1, 0:_N]) * dinv_ref[...]
        + b_ref[...], 0.0)
    gid = lax.broadcasted_iota(jnp.int32, (_N, _G), 1)
    oh = (batch_ref[...] == gid).astype(jnp.float32)
    sums = lax.dot_general(oh, h, (((0,), (0,)), ((), ())),
                           preferred_element_type=jnp.float32)
    counts = jnp.sum(oh, axis=0)[:, None]
    pooled = sums / jnp.maximum(counts, 1.0)
    z = jnp.maximum(
        jnp.dot(pooled, wf1_ref[...], preferred_element_type=jnp.float32)
        + bf1_ref[...], 0.0)
    logits = jnp.dot(z, wf2_ref[...],
                     preferred_element_type=jnp.float32) + bf2_ref[...]
    m = jnp.max(logits, axis=1, keepdims=True)
    lse = jnp.log(jnp.sum(jnp.exp(logits - m), axis=1, keepdims=True)) + m
    out_ref[...] = logits - lse


_tc_first = pl.pallas_call(
    _tc_first_body,
    out_shape=[jax.ShapeDtypeStruct((_N, 1), jnp.float32),
               jax.ShapeDtypeStruct((_N, _H), jnp.float32)],
)

_tc_layer = pl.pallas_call(
    _tc_layer_body,
    out_shape=jax.ShapeDtypeStruct((_N, _H), jnp.float32),
)

_tc_final = pl.pallas_call(
    _tc_final_body,
    out_shape=jax.ShapeDtypeStruct((_G, _C), jnp.float32),
)


def kernel(x, edge_index, batch, W1, b1, W2, b2, W3, b3, W4, b4,
           Wf1, bf1, Wf2, bf2):
    ei = edge_index.astype(jnp.int32)
    src_r = ei[:, 0].reshape(_NW, _NCH, _CH)
    dst_r = ei[:, 1].reshape(_NW, _NCH, _CH)
    batch2 = batch.astype(jnp.int32).reshape(_N, 1)

    zero_h = jnp.zeros((_TPW, _H), jnp.float32)

    deg = _sc_degree(ei[:, 1]).reshape(_NW, _NP)
    dinv, g = _tc_first(deg, x, W1)

    for b_prev, w_next in ((b1, W2), (b2, W3), (b3, W4)):
        p = _sc_edge_sum(g, src_r, dst_r, zero_h)
        g = _tc_layer(p, dinv, b_prev.reshape(1, _H), w_next)

    p = _sc_edge_sum(g, src_r, dst_r, zero_h)
    return _tc_final(p, dinv, b4.reshape(1, _H), batch2, Wf1,
                     bf1.reshape(1, _H), Wf2, bf2.reshape(1, _C))

# --- scband reference (transcript-rebuilt; emitter-appended) ---
"""Pipeline reference for scband-graph-conv-pool-nncollab-18270790877378 (READ-ONLY COPY).

The authoritative reference and input builder live on the scoring server;
editing this copy changes nothing except your own understanding.
"""

import jax, jax.numpy as jnp
import numpy as np

N = 10000
E = 320000
F_IN = 128
H = 128
C = 3
G = 64  # number of graphs in batch (segment ids)


def setup_inputs(seed: int = 0) -> dict:
    key = jax.random.key(seed)
    ks = jax.random.split(key, 16)
    x = jax.random.normal(ks[0], (N, F_IN), dtype=jnp.float32)
    edge_index = jax.random.randint(ks[1], (E, 2), 0, N)
    batch = jnp.sort(jax.random.randint(ks[2], (N,), 0, G))
    s = 0.05
    W1 = jax.random.normal(ks[3], (F_IN, H), dtype=jnp.float32) * s
    b1 = jnp.zeros((H,), dtype=jnp.float32)
    W2 = jax.random.normal(ks[4], (H, H), dtype=jnp.float32) * s
    b2 = jnp.zeros((H,), dtype=jnp.float32)
    W3 = jax.random.normal(ks[5], (H, H), dtype=jnp.float32) * s
    b3 = jnp.zeros((H,), dtype=jnp.float32)
    W4 = jax.random.normal(ks[6], (H, H), dtype=jnp.float32) * s
    b4 = jnp.zeros((H,), dtype=jnp.float32)
    Wf1 = jax.random.normal(ks[7], (H, H), dtype=jnp.float32) * s
    bf1 = jnp.zeros((H,), dtype=jnp.float32)
    Wf2 = jax.random.normal(ks[8], (H, C), dtype=jnp.float32) * s
    bf2 = jnp.zeros((C,), dtype=jnp.float32)
    return {"x": x, "edge_index": edge_index, "batch": batch,
            "W1": W1, "b1": b1, "W2": W2, "b2": b2,
            "W3": W3, "b3": b3, "W4": W4, "b4": b4,
            "Wf1": Wf1, "bf1": bf1, "Wf2": Wf2, "bf2": bf2}


def _gcn_conv(x, src, dst, W, b, num_nodes):
    # PyG GCNConv: add self-loops, symmetric normalization D^-1/2 (A+I) D^-1/2 X W + b
    h = x @ W
    loop = jnp.arange(num_nodes, dtype=src.dtype)
    src_sl = jnp.concatenate([src, loop])
    dst_sl = jnp.concatenate([dst, loop])
    deg = jax.ops.segment_sum(jnp.ones_like(dst_sl, dtype=h.dtype), dst_sl, num_segments=num_nodes)
    dinv = jax.lax.rsqrt(jnp.maximum(deg, 1.0))
    norm = dinv[src_sl] * dinv[dst_sl]
    msgs = h[src_sl] * norm[:, None]
    out = jax.ops.segment_sum(msgs, dst_sl, num_segments=num_nodes)
    return out + b


def reference(x, edge_index, batch, W1, b1, W2, b2, W3, b3, W4, b4, Wf1, bf1, Wf2, bf2):
    # data[1].t().contiguous(): edge_index arrives as [E, 2]
    src = edge_index[:, 0]
    dst = edge_index[:, 1]
    h = jax.nn.relu(_gcn_conv(x, src, dst, W1, b1, N))
    h = jax.nn.relu(_gcn_conv(h, src, dst, W2, b2, N))
    # pool1 (IdentityPool): passes x, edge_index, batch through unchanged
    h = jax.nn.relu(_gcn_conv(h, src, dst, W3, b3, N))
    h = jax.nn.relu(_gcn_conv(h, src, dst, W4, b4, N))
    # global_mean_pool over graph segment ids
    sums = jax.ops.segment_sum(h, batch, num_segments=G)
    counts = jax.ops.segment_sum(jnp.ones((h.shape[0],), dtype=h.dtype), batch, num_segments=G)
    pooled = sums / jnp.maximum(counts, 1.0)[:, None]
    h = jax.nn.relu(pooled @ Wf1 + bf1)
    logits = h @ Wf2 + bf2
    return jax.nn.log_softmax(logits, axis=1)

if __name__ == "__main__":
    import jax
    _d = setup_inputs()
    print(jax.jit(kernel)(*tuple(_d.values())))

</pallas_src>

<mosaic_0001>
#map = affine_map<(d0, d1) -> (0, 0)>
#map1 = affine_map<(d0, d1) -> (0, 0, 0)>
module attributes {stable_mosaic.version = 14 : i64} {
  func.func @_sc_edge_sum(%arg0: i32, %arg1: i32, %arg2: memref<10000x128xf32, #tpu.memory_space<hbm>>, %arg3: memref<32x80x125xi32, #tpu.memory_space<hbm>>, %arg4: memref<32x80x125xi32, #tpu.memory_space<hbm>>, %arg5: memref<640x128xf32, #tpu.memory_space<hbm>>, %arg6: memref<2x10240x128xf32, #tpu.memory_space<hbm>>, %arg7: memref<40x125xi32, #tpu.memory_space<vmem>>, %arg8: memref<40x125xi32, #tpu.memory_space<vmem>>, %arg9: memref<125x128xf32, #tpu.memory_space<vmem>>, %arg10: memref<125x128xf32, #tpu.memory_space<vmem>>, %arg11: memref<!tpu.dma_semaphore, #tpu.memory_space<semaphore_mem>>, %arg12: memref<!tpu.dma_semaphore, #tpu.memory_space<semaphore_mem>>, %arg13: memref<!tpu.dma_semaphore, #tpu.memory_space<semaphore_mem>>, %arg14: memref<!tpu.dma_semaphore, #tpu.memory_space<semaphore_mem>>, %arg15: memref<10240x128xf32, #tpu.memory_space<vmem_shared>>) attributes {dimension_semantics = [#tpu.dimension_semantics<core_parallel>, #tpu.dimension_semantics<subcore_parallel>], iteration_bounds = array<i64: 2, 16>, scalar_prefetch = 0 : i64, scratch_operands = 9 : i64, tpu.core_type = #tpu.core_type<sc_vector_subcore>, window_params = [{transform_indices = #map}, {transform_indices = #map1}, {transform_indices = #map1}, {transform_indices = #map}, {transform_indices = #map1}]} {
    %mul3A = arith.constant 2 : i32
    %mul3A_0 = arith.muli %arg1, %mul3A : i32
    %add3A = arith.addi %mul3A_0, %arg0 : i32
    %dma_start3A = arith.constant 0 : i32
    %dma_start3A_1 = arith.constant 0 : i32
    %dma_start3A_2 = tpu.memref_slice %arg3[%add3A, %dma_start3A, %dma_start3A_1] : memref<32x80x125xi32, #tpu.memory_space<hbm>> -> memref<1x40x125xi32, #tpu.memory_space<hbm>>
    %dma_start3A_3 = tpu.memref_squeeze %dma_start3A_2 : memref<1x40x125xi32, #tpu.memory_space<hbm>> -> memref<40x125xi32, #tpu.memory_space<hbm>>
    %dma_start3A_4 = arith.constant 0 : i32
    %dma_start3A_5 = arith.constant 0 : i32
    %dma_start3A_6 = tpu.memref_slice %arg3[%add3A, %dma_start3A_4, %dma_start3A_5] : memref<32x80x125xi32, #tpu.memory_space<hbm>> -> memref<1x40x125xi32, #tpu.memory_space<hbm>>
    %dma_start3A_7 = tpu.memref_squeeze %dma_start3A_6 : memref<1x40x125xi32, #tpu.memory_space<hbm>> -> memref<40x125xi32, #tpu.memory_space<hbm>>
    tpu.enqueue_dma source(%dma_start3A_7 : memref<40x125xi32, #tpu.memory_space<hbm>>) target(%arg7 : memref<40x125xi32, #tpu.memory_space<vmem>>) target_semaphore(%arg13 : memref<!tpu.dma_semaphore, #tpu.memory_space<semaphore_mem>>)
    %dma_start3A_8 = arith.constant 0 : i32
    %dma_start3A_9 = arith.constant 0 : i32
    %dma_start3A_10 = tpu.memref_slice %arg4[%add3A, %dma_start3A_8, %dma_start3A_9] : memref<32x80x125xi32, #tpu.memory_space<hbm>> -> memref<1x40x125xi32, #tpu.memory_space<hbm>>
    %dma_start3A_11 = tpu.memref_squeeze %dma_start3A_10 : memref<1x40x125xi32, #tpu.memory_space<hbm>> -> memref<40x125xi32, #tpu.memory_space<hbm>>
    %dma_start3A_12 = arith.constant 0 : i32
    %dma_start3A_13 = arith.constant 0 : i32
    %dma_start3A_14 = tpu.memref_slice %arg4[%add3A, %dma_start3A_12, %dma_start3A_13] : memref<32x80x125xi32, #tpu.memory_space<hbm>> -> memref<1x40x125xi32, #tpu.memory_space<hbm>>
    %dma_start3A_15 = tpu.memref_squeeze %dma_start3A_14 : memref<1x40x125xi32, #tpu.memory_space<hbm>> -> memref<40x125xi32, #tpu.memory_space<hbm>>
    tpu.enqueue_dma source(%dma_start3A_15 : memref<40x125xi32, #tpu.memory_space<hbm>>) target(%arg8 : memref<40x125xi32, #tpu.memory_space<vmem>>) target_semaphore(%arg14 : memref<!tpu.dma_semaphore, #tpu.memory_space<semaphore_mem>>)
    %eq3A = arith.constant 0 : i32
    %eq3A_16 = arith.cmpi eq, %arg0, %eq3A : i32
    %lt3A = arith.constant 15 : i32
    %lt3A_17 = arith.cmpi slt, %arg1, %lt3A : i32
    %and3A = arith.andi %eq3A_16, %lt3A_17 : i1
    %convert_element_type3A = arith.extui %and3A : i1 to i32
    %cond3A = arith.constant 0 : i32
    %cond3A_18 = arith.cmpi ne, %convert_element_type3A, %cond3A : i32
    scf.if %cond3A_18 {
      %mul3A_140 = arith.constant 640 : i32
      %mul3A_141 = arith.muli %arg1, %mul3A_140 : i32
      %mul3A_142 = arith.constant 640 : i32
      %mul3A_143 = arith.muli %arg1, %mul3A_142 : i32
      "tpu.region"() ({
        %run_scoped3A = tpu.sem_alloc : memref<!tpu.dma_semaphore, #tpu.memory_space<semaphore_mem>>
        %dma_start3A_144 = arith.constant 0 : i32
        %dma_start3A_145 = tpu.memref_slice %arg15[%mul3A_143, %dma_start3A_144] : memref<10240x128xf32, #tpu.memory_space<vmem_shared>> -> memref<640x128xf32, #tpu.memory_space<vmem_shared>>
        %dma_start3A_146 = arith.constant 0 : i32
        %dma_start3A_147 = tpu.memref_slice %arg2[%mul3A_141, %dma_start3A_146] : memref<10000x128xf32, #tpu.memory_space<hbm>> -> memref<640x128xf32, #tpu.memory_space<hbm>>
        tpu.enqueue_dma source(%dma_start3A_147 : memref<640x128xf32, #tpu.memory_space<hbm>>) target(%dma_start3A_145 : memref<640x128xf32, #tpu.memory_space<vmem_shared>>) target_semaphore(%run_scoped3A : memref<!tpu.dma_semaphore, #tpu.memory_space<semaphore_mem>>)
        %dma_wait3A_148 = arith.constant 0 : i32
        %dma_wait3A_149 = tpu.memref_slice %arg15[%mul3A_143, %dma_wait3A_148] : memref<10240x128xf32, #tpu.memory_space<vmem_shared>> -> memref<640x128xf32, #tpu.memory_space<vmem_shared>>
        %dma_wait3A_150 = arith.constant 0 : i32
        %dma_wait3A_151 = tpu.memref_slice %arg2[%mul3A_141, %dma_wait3A_150] : memref<10000x128xf32, #tpu.memory_space<hbm>> -> memref<640x128xf32, #tpu.memory_space<hbm>>
        tpu.wait_dma2 semaphore(%run_scoped3A : memref<!tpu.dma_semaphore, #tpu.memory_space<semaphore_mem>>) src(%dma_wait3A_151 : memref<640x128xf32, #tpu.memory_space<hbm>>) dst(%dma_wait3A_149 : memref<640x128xf32, #tpu.memory_space<vmem_shared>>)
        tpu.yield
      }) : () -> ()
    } else {
    }
    %eq3A_19 = arith.constant 0 : i32
    %eq3A_20 = arith.cmpi eq, %arg0, %eq3A_19 : i32
    %eq3A_21 = arith.constant 15 : i32
    %eq3A_22 = arith.cmpi eq, %arg1, %eq3A_21 : i32
    %and3A_23 = arith.andi %eq3A_20, %eq3A_22 : i1
    %convert_element_type3A_24 = arith.extui %and3A_23 : i1 to i32
    %cond3A_25 = arith.constant 0 : i32
    %cond3A_26 = arith.cmpi ne, %convert_element_type3A_24, %cond3A_25 : i32
    scf.if %cond3A_26 {
      "tpu.region"() ({
        %run_scoped3A = tpu.sem_alloc : memref<!tpu.dma_semaphore, #tpu.memory_space<semaphore_mem>>
        %dma_start3A_140 = arith.constant 9600 : i32
        %dma_start3A_141 = arith.constant 0 : i32
        %dma_start3A_142 = tpu.memref_slice %arg15[%dma_start3A_140, %dma_start3A_141] : memref<10240x128xf32, #tpu.memory_space<vmem_shared>> -> memref<400x128xf32, #tpu.memory_space<vmem_shared>>
        %dma_start3A_143 = arith.constant 9600 : i32
        %dma_start3A_144 = arith.constant 0 : i32
        %dma_start3A_145 = tpu.memref_slice %arg2[%dma_start3A_143, %dma_start3A_144] : memref<10000x128xf32, #tpu.memory_space<hbm>> -> memref<400x128xf32, #tpu.memory_space<hbm>>
        tpu.enqueue_dma source(%dma_start3A_145 : memref<400x128xf32, #tpu.memory_space<hbm>>) target(%dma_start3A_142 : memref<400x128xf32, #tpu.memory_space<vmem_shared>>) target_semaphore(%run_scoped3A : memref<!tpu.dma_semaphore, #tpu.memory_space<semaphore_mem>>)
        %dma_wait3A_146 = arith.constant 9600 : i32
        %dma_wait3A_147 = arith.constant 0 : i32
        %dma_wait3A_148 = tpu.memref_slice %arg15[%dma_wait3A_146, %dma_wait3A_147] : memref<10240x128xf32, #tpu.memory_space<vmem_shared>> -> memref<400x128xf32, #tpu.memory_space<vmem_shared>>
        %dma_wait3A_149 = arith.constant 9600 : i32
        %dma_wait3A_150 = arith.constant 0 : i32
        %dma_wait3A_151 = tpu.memref_slice %arg2[%dma_wait3A_149, %dma_wait3A_150] : memref<10000x128xf32, #tpu.memory_space<hbm>> -> memref<400x128xf32, #tpu.memory_space<hbm>>
        tpu.wait_dma2 semaphore(%run_scoped3A : memref<!tpu.dma_semaphore, #tpu.memory_space<semaphore_mem>>) src(%dma_wait3A_151 : memref<400x128xf32, #tpu.memory_space<hbm>>) dst(%dma_wait3A_148 : memref<400x128xf32, #tpu.memory_space<vmem_shared>>)
        tpu.yield
      }) : () -> ()
    } else {
    }
    %eq3A_27 = arith.constant 1 : i32
    %eq3A_28 = arith.cmpi eq, %arg0, %eq3A_27 : i32
    %lt3A_29 = arith.constant 15 : i32
    %lt3A_30 = arith.cmpi slt, %arg1, %lt3A_29 : i32
    %and3A_31 = arith.andi %eq3A_28, %lt3A_30 : i1
    %convert_element_type3A_32 = arith.extui %and3A_31 : i1 to i32
    %cond3A_33 = arith.constant 0 : i32
    %cond3A_34 = arith.cmpi ne, %convert_element_type3A_32, %cond3A_33 : i32
    scf.if %cond3A_34 {
      %mul3A_140 = arith.constant 640 : i32
      %mul3A_141 = arith.muli %arg1, %mul3A_140 : i32
      "tpu.region"() ({
        %run_scoped3A = tpu.sem_alloc : memref<!tpu.dma_semaphore, #tpu.memory_space<semaphore_mem>>
        %dma_start3A_142 = arith.constant 0 : i32
        %dma_start3A_143 = tpu.memref_slice %arg15[%mul3A_141, %dma_start3A_142] : memref<10240x128xf32, #tpu.memory_space<vmem_shared>> -> memref<640x128xf32, #tpu.memory_space<vmem_shared>>
        tpu.enqueue_dma source(%arg5 : memref<640x128xf32, #tpu.memory_space<hbm>>) target(%dma_start3A_143 : memref<640x128xf32, #tpu.memory_space<vmem_shared>>) target_semaphore(%run_scoped3A : memref<!tpu.dma_semaphore, #tpu.memory_space<semaphore_mem>>)
        %dma_wait3A_144 = arith.constant 0 : i32
        %dma_wait3A_145 = tpu.memref_slice %arg15[%mul3A_141, %dma_wait3A_144] : memref<10240x128xf32, #tpu.memory_space<vmem_shared>> -> memref<640x128xf32, #tpu.memory_space<vmem_shared>>
        tpu.wait_dma2 semaphore(%run_scoped3A : memref<!tpu.dma_semaphore, #tpu.memory_space<semaphore_mem>>) src(%arg5 : memref<640x128xf32, #tpu.memory_space<hbm>>) dst(%dma_wait3A_145 : memref<640x128xf32, #tpu.memory_space<vmem_shared>>)
        tpu.yield
      }) : () -> ()
    } else {
    }
    %eq3A_35 = arith.constant 1 : i32
    %eq3A_36 = arith.cmpi eq, %arg0, %eq3A_35 : i32
    %eq3A_37 = arith.constant 15 : i32
    %eq3A_38 = arith.cmpi eq, %arg1, %eq3A_37 : i32
    %and3A_39 = arith.andi %eq3A_36, %eq3A_38 : i1
    %convert_element_type3A_40 = arith.extui %and3A_39 : i1 to i32
    %cond3A_41 = arith.constant 0 : i32
    %cond3A_42 = arith.cmpi ne, %convert_element_type3A_40, %cond3A_41 : i32
    scf.if %cond3A_42 {
      "tpu.region"() ({
        %run_scoped3A = tpu.sem_alloc : memref<!tpu.dma_semaphore, #tpu.memory_space<semaphore_mem>>
        %dma_start3A_140 = arith.constant 9600 : i32
        %dma_start3A_141 = arith.constant 0 : i32
        %dma_start3A_142 = tpu.memref_slice %arg15[%dma_start3A_140, %dma_start3A_141] : memref<10240x128xf32, #tpu.memory_space<vmem_shared>> -> memref<400x128xf32, #tpu.memory_space<vmem_shared>>
        %dma_start3A_143 = arith.constant 0 : i32
        %dma_start3A_144 = arith.constant 0 : i32
        %dma_start3A_145 = tpu.memref_slice %arg5[%dma_start3A_143, %dma_start3A_144] : memref<640x128xf32, #tpu.memory_space<hbm>> -> memref<400x128xf32, #tpu.memory_space<hbm>>
        tpu.enqueue_dma source(%dma_start3A_145 : memref<400x128xf32, #tpu.memory_space<hbm>>) target(%dma_start3A_142 : memref<400x128xf32, #tpu.memory_space<vmem_shared>>) target_semaphore(%run_scoped3A : memref<!tpu.dma_semaphore, #tpu.memory_space<semaphore_mem>>)
        %dma_wait3A_146 = arith.constant 9600 : i32
        %dma_wait3A_147 = arith.constant 0 : i32
        %dma_wait3A_148 = tpu.memref_slice %arg15[%dma_wait3A_146, %dma_wait3A_147] : memref<10240x128xf32, #tpu.memory_space<vmem_shared>> -> memref<400x128xf32, #tpu.memory_space<vmem_shared>>
        %dma_wait3A_149 = arith.constant 0 : i32
        %dma_wait3A_150 = arith.constant 0 : i32
        %dma_wait3A_151 = tpu.memref_slice %arg5[%dma_wait3A_149, %dma_wait3A_150] : memref<640x128xf32, #tpu.memory_space<hbm>> -> memref<400x128xf32, #tpu.memory_space<hbm>>
        tpu.wait_dma2 semaphore(%run_scoped3A : memref<!tpu.dma_semaphore, #tpu.memory_space<semaphore_mem>>) src(%dma_wait3A_151 : memref<400x128xf32, #tpu.memory_space<hbm>>) dst(%dma_wait3A_148 : memref<400x128xf32, #tpu.memory_space<vmem_shared>>)
        tpu.yield
      }) : () -> ()
    } else {
    }
    %dma_wait3A = arith.constant 0 : i32
    %dma_wait3A_43 = arith.constant 0 : i32
    %dma_wait3A_44 = tpu.memref_slice %arg3[%add3A, %dma_wait3A, %dma_wait3A_43] : memref<32x80x125xi32, #tpu.memory_space<hbm>> -> memref<1x40x125xi32, #tpu.memory_space<hbm>>
    %dma_wait3A_45 = tpu.memref_squeeze %dma_wait3A_44 : memref<1x40x125xi32, #tpu.memory_space<hbm>> -> memref<40x125xi32, #tpu.memory_space<hbm>>
    %dma_wait3A_46 = arith.constant 0 : i32
    %dma_wait3A_47 = arith.constant 0 : i32
    %dma_wait3A_48 = tpu.memref_slice %arg3[%add3A, %dma_wait3A_46, %dma_wait3A_47] : memref<32x80x125xi32, #tpu.memory_space<hbm>> -> memref<1x40x125xi32, #tpu.memory_space<hbm>>
    %dma_wait3A_49 = tpu.memref_squeeze %dma_wait3A_48 : memref<1x40x125xi32, #tpu.memory_space<hbm>> -> memref<40x125xi32, #tpu.memory_space<hbm>>
    tpu.wait_dma2 semaphore(%arg13 : memref<!tpu.dma_semaphore, #tpu.memory_space<semaphore_mem>>) src(%dma_wait3A_49 : memref<40x125xi32, #tpu.memory_space<hbm>>) dst(%arg7 : memref<40x125xi32, #tpu.memory_space<vmem>>)
    %dma_wait3A_50 = arith.constant 0 : i32
    %dma_wait3A_51 = arith.constant 0 : i32
    %dma_wait3A_52 = tpu.memref_slice %arg4[%add3A, %dma_wait3A_50, %dma_wait3A_51] : memref<32x80x125xi32, #tpu.memory_space<hbm>> -> memref<1x40x125xi32, #tpu.memory_space<hbm>>
    %dma_wait3A_53 = tpu.memref_squeeze %dma_wait3A_52 : memref<1x40x125xi32, #tpu.memory_space<hbm>> -> memref<40x125xi32, #tpu.memory_space<hbm>>
    %dma_wait3A_54 = arith.constant 0 : i32
    %dma_wait3A_55 = arith.constant 0 : i32
    %dma_wait3A_56 = tpu.memref_slice %arg4[%add3A, %dma_wait3A_54, %dma_wait3A_55] : memref<32x80x125xi32, #tpu.memory_space<hbm>> -> memref<1x40x125xi32, #tpu.memory_space<hbm>>
    %dma_wait3A_57 = tpu.memref_squeeze %dma_wait3A_56 : memref<1x40x125xi32, #tpu.memory_space<hbm>> -> memref<40x125xi32, #tpu.memory_space<hbm>>
    tpu.wait_dma2 semaphore(%arg14 : memref<!tpu.dma_semaphore, #tpu.memory_space<semaphore_mem>>) src(%dma_wait3A_57 : memref<40x125xi32, #tpu.memory_space<hbm>>) dst(%arg8 : memref<40x125xi32, #tpu.memory_space<vmem>>)
    %dma_start3A_58 = arith.constant 0 : i32
    %dma_start3A_59 = arith.constant 0 : i32
    %dma_start3A_60 = tpu.memref_slice %arg7[%dma_start3A_58, %dma_start3A_59] : memref<40x125xi32, #tpu.memory_space<vmem>> -> memref<1x125xi32, #tpu.memory_space<vmem>>
    %dma_start3A_61 = tpu.memref_squeeze %dma_start3A_60 : memref<1x125xi32, #tpu.memory_space<vmem>> -> memref<125xi32, #tpu.memory_space<vmem>>
    %dma_start3A_62 = arith.constant 0 : i32
    %dma_start3A_63 = arith.constant 0 : i32
    %dma_start3A_64 = tpu.memref_slice %arg2[%dma_start3A_62, %dma_start3A_63] : memref<10000x128xf32, #tpu.memory_space<hbm>> -> memref<10000x128xf32, #tpu.memory_space<hbm>>
    tpu.enqueue_indirect_dma source(%dma_start3A_64 : memref<10000x128xf32, #tpu.memory_space<hbm>>) target(%arg9 : memref<125x128xf32, #tpu.memory_space<vmem>>) offsets(%dma_start3A_61 : memref<125xi32, #tpu.memory_space<vmem>>) semaphore(%arg11 : memref<!tpu.dma_semaphore, #tpu.memory_space<semaphore_mem>>)
    %dma_start3A_65 = arith.constant 1 : i32
    %dma_start3A_66 = arith.constant 0 : i32
    %dma_start3A_67 = tpu.memref_slice %arg7[%dma_start3A_65, %dma_start3A_66] : memref<40x125xi32, #tpu.memory_space<vmem>> -> memref<1x125xi32, #tpu.memory_space<vmem>>
    %dma_start3A_68 = tpu.memref_squeeze %dma_start3A_67 : memref<1x125xi32, #tpu.memory_space<vmem>> -> memref<125xi32, #tpu.memory_space<vmem>>
    %dma_start3A_69 = arith.constant 0 : i32
    %dma_start3A_70 = arith.constant 0 : i32
    %dma_start3A_71 = tpu.memref_slice %arg2[%dma_start3A_69, %dma_start3A_70] : memref<10000x128xf32, #tpu.memory_space<hbm>> -> memref<10000x128xf32, #tpu.memory_space<hbm>>
    tpu.enqueue_indirect_dma source(%dma_start3A_71 : memref<10000x128xf32, #tpu.memory_space<hbm>>) target(%arg10 : memref<125x128xf32, #tpu.memory_space<vmem>>) offsets(%dma_start3A_68 : memref<125xi32, #tpu.memory_space<vmem>>) semaphore(%arg12 : memref<!tpu.dma_semaphore, #tpu.memory_space<semaphore_mem>>)
    %barrier3A = arith.constant 0 : index
    tpu.barrier barrier_id(%barrier3A)
    %scan3A = arith.constant 0 : i32
    %scan3A_72 = arith.constant 0 : i32
    %scan3A_73 = arith.constant 20 : i32
    %scan3A_74 = arith.addi %scan3A_72, %scan3A_73 : i32
    %scan3A_75 = arith.constant 1 : i32
    scf.for %scan3A_140 = %scan3A_72 to %scan3A_74 step %scan3A_75  : i32 {
      %mul3A_141 = arith.constant 2 : i32
      %mul3A_142 = arith.muli %scan3A_140, %mul3A_141 : i32
      %add3A_143 = arith.constant 0 : i32
      %add3A_144 = arith.addi %mul3A_142, %add3A_143 : i32
      %dma_wait3A_145 = arith.constant 0 : i32
      %dma_wait3A_146 = tpu.memref_slice %arg7[%add3A_144, %dma_wait3A_145] : memref<40x125xi32, #tpu.memory_space<vmem>> -> memref<1x125xi32, #tpu.memory_space<vmem>>
      %dma_wait3A_147 = tpu.memref_squeeze %dma_wait3A_146 : memref<1x125xi32, #tpu.memory_space<vmem>> -> memref<125xi32, #tpu.memory_space<vmem>>
      %dma_wait3A_148 = arith.constant 0 : i32
      %dma_wait3A_149 = arith.constant 0 : i32
      %dma_wait3A_150 = tpu.memref_slice %arg2[%dma_wait3A_148, %dma_wait3A_149] : memref<10000x128xf32, #tpu.memory_space<hbm>> -> memref<10000x128xf32, #tpu.memory_space<hbm>>
      tpu.wait_indirect_dma semaphore(%arg11 : memref<!tpu.dma_semaphore, #tpu.memory_space<semaphore_mem>>) src(%dma_wait3A_150 : memref<10000x128xf32, #tpu.memory_space<hbm>>) dst(%arg9 : memref<125x128xf32, #tpu.memory_space<vmem>>)
      "tpu.region"() ({
        %run_scoped3A = tpu.sem_alloc : memref<!tpu.dma_semaphore, #tpu.memory_space<semaphore_mem>>
        %dma_start3A_173 = arith.constant 0 : i32
        %dma_start3A_174 = tpu.memref_slice %arg8[%add3A_144, %dma_start3A_173] : memref<40x125xi32, #tpu.memory_space<vmem>> -> memref<1x125xi32, #tpu.memory_space<vmem>>
        %dma_start3A_175 = tpu.memref_squeeze %dma_start3A_174 : memref<1x125xi32, #tpu.memory_space<vmem>> -> memref<125xi32, #tpu.memory_space<vmem>>
        %dma_start3A_176 = arith.constant 0 : i32
        %dma_start3A_177 = arith.constant 0 : i32
        %dma_start3A_178 = tpu.memref_slice %arg15[%dma_start3A_176, %dma_start3A_177] : memref<10240x128xf32, #tpu.memory_space<vmem_shared>> -> memref<10240x128xf32, #tpu.memory_space<vmem_shared>>
        tpu.enqueue_indirect_dma source(%arg9 : memref<125x128xf32, #tpu.memory_space<vmem>>) target(%dma_start3A_178 : memref<10240x128xf32, #tpu.memory_space<vmem_shared>>) offsets(%dma_start3A_175 : memref<125xi32, #tpu.memory_space<vmem>>) semaphore(%run_scoped3A : memref<!tpu.dma_semaphore, #tpu.memory_space<semaphore_mem>>) {add = true}
        %dma_wait3A_179 = arith.constant 0 : i32
        %dma_wait3A_180 = tpu.memref_slice %arg8[%add3A_144, %dma_wait3A_179] : memref<40x125xi32, #tpu.memory_space<vmem>> -> memref<1x125xi32, #tpu.memory_space<vmem>>
        %dma_wait3A_181 = tpu.memref_squeeze %dma_wait3A_180 : memref<1x125xi32, #tpu.memory_space<vmem>> -> memref<125xi32, #tpu.memory_space<vmem>>
        %dma_wait3A_182 = arith.constant 0 : i32
        %dma_wait3A_183 = arith.constant 0 : i32
        %dma_wait3A_184 = tpu.memref_slice %arg15[%dma_wait3A_182, %dma_wait3A_183] : memref<10240x128xf32, #tpu.memory_space<vmem_shared>> -> memref<10240x128xf32, #tpu.memory_space<vmem_shared>>
        tpu.wait_indirect_dma semaphore(%run_scoped3A : memref<!tpu.dma_semaphore, #tpu.memory_space<semaphore_mem>>) src(%arg9 : memref<125x128xf32, #tpu.memory_space<vmem>>) dst(%dma_wait3A_184 : memref<10240x128xf32, #tpu.memory_space<vmem_shared>>)
        tpu.yield
      }) : () -> ()
      %add3A_151 = arith.constant 2 : i32
      %add3A_152 = arith.addi %add3A_144, %add3A_151 : i32
      %lt3A_153 = arith.constant 40 : i32
      %lt3A_154 = arith.cmpi slt, %add3A_152, %lt3A_153 : i32
      %convert_element_type3A_155 = arith.extui %lt3A_154 : i1 to i32
      %cond3A_156 = arith.constant 0 : i32
      %cond3A_157 = arith.cmpi ne, %convert_element_type3A_155, %cond3A_156 : i32
      scf.if %cond3A_157 {
        %add3A_173 = arith.constant 2 : i32
        %add3A_174 = arith.addi %add3A_144, %add3A_173 : i32
        %dma_start3A_175 = arith.constant 0 : i32
        %dma_start3A_176 = tpu.memref_slice %arg7[%add3A_174, %dma_start3A_175] : memref<40x125xi32, #tpu.memory_space<vmem>> -> memref<1x125xi32, #tpu.memory_space<vmem>>
        %dma_start3A_177 = tpu.memref_squeeze %dma_start3A_176 : memref<1x125xi32, #tpu.memory_space<vmem>> -> memref<125xi32, #tpu.memory_space<vmem>>
        %dma_start3A_178 = arith.constant 0 : i32
        %dma_start3A_179 = arith.constant 0 : i32
        %dma_start3A_180 = tpu.memref_slice %arg2[%dma_start3A_178, %dma_start3A_179] : memref<10000x128xf32, #tpu.memory_space<hbm>> -> memref<10000x128xf32, #tpu.memory_space<hbm>>
        tpu.enqueue_indirect_dma source(%dma_start3A_180 : memref<10000x128xf32, #tpu.memory_space<hbm>>) target(%arg9 : memref<125x128xf32, #tpu.memory_space<vmem>>) offsets(%dma_start3A_177 : memref<125xi32, #tpu.memory_space<vmem>>) semaphore(%arg11 : memref<!tpu.dma_semaphore, #tpu.memory_space<semaphore_mem>>)
      } else {
      }
      %add3A_158 = arith.constant 1 : i32
      %add3A_159 = arith.addi %mul3A_142, %add3A_158 : i32
      %dma_wait3A_160 = arith.constant 0 : i32
      %dma_wait3A_161 = tpu.memref_slice %arg7[%add3A_159, %dma_wait3A_160] : memref<40x125xi32, #tpu.memory_space<vmem>> -> memref<1x125xi32, #tpu.memory_space<vmem>>
      %dma_wait3A_162 = tpu.memref_squeeze %dma_wait3A_161 : memref<1x125xi32, #tpu.memory_space<vmem>> -> memref<125xi32, #tpu.memory_space<vmem>>
      %dma_wait3A_163 = arith.constant 0 : i32
      %dma_wait3A_164 = arith.constant 0 : i32
      %dma_wait3A_165 = tpu.memref_slice %arg2[%dma_wait3A_163, %dma_wait3A_164] : memref<10000x128xf32, #tpu.memory_space<hbm>> -> memref<10000x128xf32, #tpu.memory_space<hbm>>
      tpu.wait_indirect_dma semaphore(%arg12 : memref<!tpu.dma_semaphore, #tpu.memory_space<semaphore_mem>>) src(%dma_wait3A_165 : memref<10000x128xf32, #tpu.memory_space<hbm>>) dst(%arg10 : memref<125x128xf32, #tpu.memory_space<vmem>>)
      "tpu.region"() ({
        %run_scoped3A = tpu.sem_alloc : memref<!tpu.dma_semaphore, #tpu.memory_space<semaphore_mem>>
        %dma_start3A_173 = arith.constant 0 : i32
        %dma_start3A_174 = tpu.memref_slice %arg8[%add3A_159, %dma_start3A_173] : memref<40x125xi32, #tpu.memory_space<vmem>> -> memref<1x125xi32, #tpu.memory_space<vmem>>
        %dma_start3A_175 = tpu.memref_squeeze %dma_start3A_174 : memref<1x125xi32, #tpu.memory_space<vmem>> -> memref<125xi32, #tpu.memory_space<vmem>>
        %dma_start3A_176 = arith.constant 0 : i32
        %dma_start3A_177 = arith.constant 0 : i32
        %dma_start3A_178 = tpu.memref_slice %arg15[%dma_start3A_176, %dma_start3A_177] : memref<10240x128xf32, #tpu.memory_space<vmem_shared>> -> memref<10240x128xf32, #tpu.memory_space<vmem_shared>>
        tpu.enqueue_indirect_dma source(%arg10 : memref<125x128xf32, #tpu.memory_space<vmem>>) target(%dma_start3A_178 : memref<10240x128xf32, #tpu.memory_space<vmem_shared>>) offsets(%dma_start3A_175 : memref<125xi32, #tpu.memory_space<vmem>>) semaphore(%run_scoped3A : memref<!tpu.dma_semaphore, #tpu.memory_space<semaphore_mem>>) {add = true}
        %dma_wait3A_179 = arith.constant 0 : i32
        %dma_wait3A_180 = tpu.memref_slice %arg8[%add3A_159, %dma_wait3A_179] : memref<40x125xi32, #tpu.memory_space<vmem>> -> memref<1x125xi32, #tpu.memory_space<vmem>>
        %dma_wait3A_181 = tpu.memref_squeeze %dma_wait3A_180 : memref<1x125xi32, #tpu.memory_space<vmem>> -> memref<125xi32, #tpu.memory_space<vmem>>
        %dma_wait3A_182 = arith.constant 0 : i32
        %dma_wait3A_183 = arith.constant 0 : i32
        %dma_wait3A_184 = tpu.memref_slice %arg15[%dma_wait3A_182, %dma_wait3A_183] : memref<10240x128xf32, #tpu.memory_space<vmem_shared>> -> memref<10240x128xf32, #tpu.memory_space<vmem_shared>>
        tpu.wait_indirect_dma semaphore(%run_scoped3A : memref<!tpu.dma_semaphore, #tpu.memory_space<semaphore_mem>>) src(%arg10 : memref<125x128xf32, #tpu.memory_space<vmem>>) dst(%dma_wait3A_184 : memref<10240x128xf32, #tpu.memory_space<vmem_shared>>)
        tpu.yield
      }) : () -> ()
      %add3A_166 = arith.constant 2 : i32
      %add3A_167 = arith.addi %add3A_159, %add3A_166 : i32
      %lt3A_168 = arith.constant 40 : i32
      %lt3A_169 = arith.cmpi slt, %add3A_167, %lt3A_168 : i32
      %convert_element_type3A_170 = arith.extui %lt3A_169 : i1 to i32
      %cond3A_171 = arith.constant 0 : i32
      %cond3A_172 = arith.cmpi ne, %convert_element_type3A_170, %cond3A_171 : i32
      scf.if %cond3A_172 {
        %add3A_173 = arith.constant 2 : i32
        %add3A_174 = arith.addi %add3A_159, %add3A_173 : i32
        %dma_start3A_175 = arith.constant 0 : i32
        %dma_start3A_176 = tpu.memref_slice %arg7[%add3A_174, %dma_start3A_175] : memref<40x125xi32, #tpu.memory_space<vmem>> -> memref<1x125xi32, #tpu.memory_space<vmem>>
        %dma_start3A_177 = tpu.memref_squeeze %dma_start3A_176 : memref<1x125xi32, #tpu.memory_space<vmem>> -> memref<125xi32, #tpu.memory_space<vmem>>
        %dma_start3A_178 = arith.constant 0 : i32
        %dma_start3A_179 = arith.constant 0 : i32
        %dma_start3A_180 = tpu.memref_slice %arg2[%dma_start3A_178, %dma_start3A_179] : memref<10000x128xf32, #tpu.memory_space<hbm>> -> memref<10000x128xf32, #tpu.memory_space<hbm>>
        tpu.enqueue_indirect_dma source(%dma_start3A_180 : memref<10000x128xf32, #tpu.memory_space<hbm>>) target(%arg10 : memref<125x128xf32, #tpu.memory_space<vmem>>) offsets(%dma_start3A_177 : memref<125xi32, #tpu.memory_space<vmem>>) semaphore(%arg12 : memref<!tpu.dma_semaphore, #tpu.memory_space<semaphore_mem>>)
      } else {
      }
    }
    %scan3A_76 = arith.constant 20 : i32
    %dma_start3A_77 = arith.constant 40 : i32
    %dma_start3A_78 = arith.constant 0 : i32
    %dma_start3A_79 = tpu.memref_slice %arg3[%add3A, %dma_start3A_77, %dma_start3A_78] : memref<32x80x125xi32, #tpu.memory_space<hbm>> -> memref<1x40x125xi32, #tpu.memory_space<hbm>>
    %dma_start3A_80 = tpu.memref_squeeze %dma_start3A_79 : memref<1x40x125xi32, #tpu.memory_space<hbm>> -> memref<40x125xi32, #tpu.memory_space<hbm>>
    %dma_start3A_81 = arith.constant 40 : i32
    %dma_start3A_82 = arith.constant 0 : i32
    %dma_start3A_83 = tpu.memref_slice %arg3[%add3A, %dma_start3A_81, %dma_start3A_82] : memref<32x80x125xi32, #tpu.memory_space<hbm>> -> memref<1x40x125xi32, #tpu.memory_space<hbm>>
    %dma_start3A_84 = tpu.memref_squeeze %dma_start3A_83 : memref<1x40x125xi32, #tpu.memory_space<hbm>> -> memref<40x125xi32, #tpu.memory_space<hbm>>
    tpu.enqueue_dma source(%dma_start3A_84 : memref<40x125xi32, #tpu.memory_space<hbm>>) target(%arg7 : memref<40x125xi32, #tpu.memory_space<vmem>>) target_semaphore(%arg13 : memref<!tpu.dma_semaphore, #tpu.memory_space<semaphore_mem>>)
    %dma_start3A_85 = arith.constant 40 : i32
    %dma_start3A_86 = arith.constant 0 : i32
    %dma_start3A_87 = tpu.memref_slice %arg4[%add3A, %dma_start3A_85, %dma_start3A_86] : memref<32x80x125xi32, #tpu.memory_space<hbm>> -> memref<1x40x125xi32, #tpu.memory_space<hbm>>
    %dma_start3A_88 = tpu.memref_squeeze %dma_start3A_87 : memref<1x40x125xi32, #tpu.memory_space<hbm>> -> memref<40x125xi32, #tpu.memory_space<hbm>>
    %dma_start3A_89 = arith.constant 40 : i32
    %dma_start3A_90 = arith.constant 0 : i32
    %dma_start3A_91 = tpu.memref_slice %arg4[%add3A, %dma_start3A_89, %dma_start3A_90] : memref<32x80x125xi32, #tpu.memory_space<hbm>> -> memref<1x40x125xi32, #tpu.memory_space<hbm>>
    %dma_start3A_92 = tpu.memref_squeeze %dma_start3A_91 : memref<1x40x125xi32, #tpu.memory_space<hbm>> -> memref<40x125xi32, #tpu.memory_space<hbm>>
    tpu.enqueue_dma source(%dma_start3A_92 : memref<40x125xi32, #tpu.memory_space<hbm>>) target(%arg8 : memref<40x125xi32, #tpu.memory_space<vmem>>) target_semaphore(%arg14 : memref<!tpu.dma_semaphore, #tpu.memory_space<semaphore_mem>>)
    %dma_wait3A_93 = arith.constant 40 : i32
    %dma_wait3A_94 = arith.constant 0 : i32
    %dma_wait3A_95 = tpu.memref_slice %arg3[%add3A, %dma_wait3A_93, %dma_wait3A_94] : memref<32x80x125xi32, #tpu.memory_space<hbm>> -> memref<1x40x125xi32, #tpu.memory_space<hbm>>
    %dma_wait3A_96 = tpu.memref_squeeze %dma_wait3A_95 : memref<1x40x125xi32, #tpu.memory_space<hbm>> -> memref<40x125xi32, #tpu.memory_space<hbm>>
    %dma_wait3A_97 = arith.constant 40 : i32
    %dma_wait3A_98 = arith.constant 0 : i32
    %dma_wait3A_99 = tpu.memref_slice %arg3[%add3A, %dma_wait3A_97, %dma_wait3A_98] : memref<32x80x125xi32, #tpu.memory_space<hbm>> -> memref<1x40x125xi32, #tpu.memory_space<hbm>>
    %dma_wait3A_100 = tpu.memref_squeeze %dma_wait3A_99 : memref<1x40x125xi32, #tpu.memory_space<hbm>> -> memref<40x125xi32, #tpu.memory_space<hbm>>
    tpu.wait_dma2 semaphore(%arg13 : memref<!tpu.dma_semaphore, #tpu.memory_space<semaphore_mem>>) src(%dma_wait3A_100 : memref<40x125xi32, #tpu.memory_space<hbm>>) dst(%arg7 : memref<40x125xi32, #tpu.memory_space<vmem>>)
    %dma_wait3A_101 = arith.constant 40 : i32
    %dma_wait3A_102 = arith.constant 0 : i32
    %dma_wait3A_103 = tpu.memref_slice %arg4[%add3A, %dma_wait3A_101, %dma_wait3A_102] : memref<32x80x125xi32, #tpu.memory_space<hbm>> -> memref<1x40x125xi32, #tpu.memory_space<hbm>>
    %dma_wait3A_104 = tpu.memref_squeeze %dma_wait3A_103 : memref<1x40x125xi32, #tpu.memory_space<hbm>> -> memref<40x125xi32, #tpu.memory_space<hbm>>
    %dma_wait3A_105 = arith.constant 40 : i32
    %dma_wait3A_106 = arith.constant 0 : i32
    %dma_wait3A_107 = tpu.memref_slice %arg4[%add3A, %dma_wait3A_105, %dma_wait3A_106] : memref<32x80x125xi32, #tpu.memory_space<hbm>> -> memref<1x40x125xi32, #tpu.memory_space<hbm>>
    %dma_wait3A_108 = tpu.memref_squeeze %dma_wait3A_107 : memref<1x40x125xi32, #tpu.memory_space<hbm>> -> memref<40x125xi32, #tpu.memory_space<hbm>>
    tpu.wait_dma2 semaphore(%arg14 : memref<!tpu.dma_semaphore, #tpu.memory_space<semaphore_mem>>) src(%dma_wait3A_108 : memref<40x125xi32, #tpu.memory_space<hbm>>) dst(%arg8 : memref<40x125xi32, #tpu.memory_space<vmem>>)
    %dma_start3A_109 = arith.constant 0 : i32
    %dma_start3A_110 = arith.constant 0 : i32
    %dma_start3A_111 = tpu.memref_slice %arg7[%dma_start3A_109, %dma_start3A_110] : memref<40x125xi32, #tpu.memory_space<vmem>> -> memref<1x125xi32, #tpu.memory_space<vmem>>
    %dma_start3A_112 = tpu.memref_squeeze %dma_start3A_111 : memref<1x125xi32, #tpu.memory_space<vmem>> -> memref<125xi32, #tpu.memory_space<vmem>>
    %dma_start3A_113 = arith.constant 0 : i32
    %dma_start3A_114 = arith.constant 0 : i32
    %dma_start3A_115 = tpu.memref_slice %arg2[%dma_start3A_113, %dma_start3A_114] : memref<10000x128xf32, #tpu.memory_space<hbm>> -> memref<10000x128xf32, #tpu.memory_space<hbm>>
    tpu.enqueue_indirect_dma source(%dma_start3A_115 : memref<10000x128xf32, #tpu.memory_space<hbm>>) target(%arg9 : memref<125x128xf32, #tpu.memory_space<vmem>>) offsets(%dma_start3A_112 : memref<125xi32, #tpu.memory_space<vmem>>) semaphore(%arg11 : memref<!tpu.dma_semaphore, #tpu.memory_space<semaphore_mem>>)
    %dma_start3A_116 = arith.constant 1 : i32
    %dma_start3A_117 = arith.constant 0 : i32
    %dma_start3A_118 = tpu.memref_slice %arg7[%dma_start3A_116, %dma_start3A_117] : memref<40x125xi32, #tpu.memory_space<vmem>> -> memref<1x125xi32, #tpu.memory_space<vmem>>
    %dma_start3A_119 = tpu.memref_squeeze %dma_start3A_118 : memref<1x125xi32, #tpu.memory_space<vmem>> -> memref<125xi32, #tpu.memory_space<vmem>>
    %dma_start3A_120 = arith.constant 0 : i32
    %dma_start3A_121 = arith.constant 0 : i32
    %dma_start3A_122 = tpu.memref_slice %arg2[%dma_start3A_120, %dma_start3A_121] : memref<10000x128xf32, #tpu.memory_space<hbm>> -> memref<10000x128xf32, #tpu.memory_space<hbm>>
    tpu.enqueue_indirect_dma source(%dma_start3A_122 : memref<10000x128xf32, #tpu.memory_space<hbm>>) target(%arg10 : memref<125x128xf32, #tpu.memory_space<vmem>>) offsets(%dma_start3A_119 : memref<125xi32, #tpu.memory_space<vmem>>) semaphore(%arg12 : memref<!tpu.dma_semaphore, #tpu.memory_space<semaphore_mem>>)
    %scan3A_123 = arith.constant 0 : i32
    %scan3A_124 = arith.constant 0 : i32
    %scan3A_125 = arith.constant 20 : i32
    %scan3A_126 = arith.addi %scan3A_124, %scan3A_125 : i32
    %scan3A_127 = arith.constant 1 : i32
    scf.for %scan3A_140 = %scan3A_124 to %scan3A_126 step %scan3A_127  : i32 {
      %mul3A_141 = arith.constant 2 : i32
      %mul3A_142 = arith.muli %scan3A_140, %mul3A_141 : i32
      %add3A_143 = arith.constant 0 : i32
      %add3A_144 = arith.addi %mul3A_142, %add3A_143 : i32
      %dma_wait3A_145 = arith.constant 0 : i32
      %dma_wait3A_146 = tpu.memref_slice %arg7[%add3A_144, %dma_wait3A_145] : memref<40x125xi32, #tpu.memory_space<vmem>> -> memref<1x125xi32, #tpu.memory_space<vmem>>
      %dma_wait3A_147 = tpu.memref_squeeze %dma_wait3A_146 : memref<1x125xi32, #tpu.memory_space<vmem>> -> memref<125xi32, #tpu.memory_space<vmem>>
      %dma_wait3A_148 = arith.constant 0 : i32
      %dma_wait3A_149 = arith.constant 0 : i32
      %dma_wait3A_150 = tpu.memref_slice %arg2[%dma_wait3A_148, %dma_wait3A_149] : memref<10000x128xf32, #tpu.memory_space<hbm>> -> memref<10000x128xf32, #tpu.memory_space<hbm>>
      tpu.wait_indirect_dma semaphore(%arg11 : memref<!tpu.dma_semaphore, #tpu.memory_space<semaphore_mem>>) src(%dma_wait3A_150 : memref<10000x128xf32, #tpu.memory_space<hbm>>) dst(%arg9 : memref<125x128xf32, #tpu.memory_space<vmem>>)
      "tpu.region"() ({
        %run_scoped3A = tpu.sem_alloc : memref<!tpu.dma_semaphore, #tpu.memory_space<semaphore_mem>>
        %dma_start3A_173 = arith.constant 0 : i32
        %dma_start3A_174 = tpu.memref_slice %arg8[%add3A_144, %dma_start3A_173] : memref<40x125xi32, #tpu.memory_space<vmem>> -> memref<1x125xi32, #tpu.memory_space<vmem>>
        %dma_start3A_175 = tpu.memref_squeeze %dma_start3A_174 : memref<1x125xi32, #tpu.memory_space<vmem>> -> memref<125xi32, #tpu.memory_space<vmem>>
        %dma_start3A_176 = arith.constant 0 : i32
        %dma_start3A_177 = arith.constant 0 : i32
        %dma_start3A_178 = tpu.memref_slice %arg15[%dma_start3A_176, %dma_start3A_177] : memref<10240x128xf32, #tpu.memory_space<vmem_shared>> -> memref<10240x128xf32, #tpu.memory_space<vmem_shared>>
        tpu.enqueue_indirect_dma source(%arg9 : memref<125x128xf32, #tpu.memory_space<vmem>>) target(%dma_start3A_178 : memref<10240x128xf32, #tpu.memory_space<vmem_shared>>) offsets(%dma_start3A_175 : memref<125xi32, #tpu.memory_space<vmem>>) semaphore(%run_scoped3A : memref<!tpu.dma_semaphore, #tpu.memory_space<semaphore_mem>>) {add = true}
        %dma_wait3A_179 = arith.constant 0 : i32
        %dma_wait3A_180 = tpu.memref_slice %arg8[%add3A_144, %dma_wait3A_179] : memref<40x125xi32, #tpu.memory_space<vmem>> -> memref<1x125xi32, #tpu.memory_space<vmem>>
        %dma_wait3A_181 = tpu.memref_squeeze %dma_wait3A_180 : memref<1x125xi32, #tpu.memory_space<vmem>> -> memref<125xi32, #tpu.memory_space<vmem>>
        %dma_wait3A_182 = arith.constant 0 : i32
        %dma_wait3A_183 = arith.constant 0 : i32
        %dma_wait3A_184 = tpu.memref_slice %arg15[%dma_wait3A_182, %dma_wait3A_183] : memref<10240x128xf32, #tpu.memory_space<vmem_shared>> -> memref<10240x128xf32, #tpu.memory_space<vmem_shared>>
        tpu.wait_indirect_dma semaphore(%run_scoped3A : memref<!tpu.dma_semaphore, #tpu.memory_space<semaphore_mem>>) src(%arg9 : memref<125x128xf32, #tpu.memory_space<vmem>>) dst(%dma_wait3A_184 : memref<10240x128xf32, #tpu.memory_space<vmem_shared>>)
        tpu.yield
      }) : () -> ()
      %add3A_151 = arith.constant 2 : i32
      %add3A_152 = arith.addi %add3A_144, %add3A_151 : i32
      %lt3A_153 = arith.constant 40 : i32
      %lt3A_154 = arith.cmpi slt, %add3A_152, %lt3A_153 : i32
      %convert_element_type3A_155 = arith.extui %lt3A_154 : i1 to i32
      %cond3A_156 = arith.constant 0 : i32
      %cond3A_157 = arith.cmpi ne, %convert_element_type3A_155, %cond3A_156 : i32
      scf.if %cond3A_157 {
        %add3A_173 = arith.constant 2 : i32
        %add3A_174 = arith.addi %add3A_144, %add3A_173 : i32
        %dma_start3A_175 = arith.constant 0 : i32
        %dma_start3A_176 = tpu.memref_slice %arg7[%add3A_174, %dma_start3A_175] : memref<40x125xi32, #tpu.memory_space<vmem>> -> memref<1x125xi32, #tpu.memory_space<vmem>>
        %dma_start3A_177 = tpu.memref_squeeze %dma_start3A_176 : memref<1x125xi32, #tpu.memory_space<vmem>> -> memref<125xi32, #tpu.memory_space<vmem>>
        %dma_start3A_178 = arith.constant 0 : i32
        %dma_start3A_179 = arith.constant 0 : i32
        %dma_start3A_180 = tpu.memref_slice %arg2[%dma_start3A_178, %dma_start3A_179] : memref<10000x128xf32, #tpu.memory_space<hbm>> -> memref<10000x128xf32, #tpu.memory_space<hbm>>
        tpu.enqueue_indirect_dma source(%dma_start3A_180 : memref<10000x128xf32, #tpu.memory_space<hbm>>) target(%arg9 : memref<125x128xf32, #tpu.memory_space<vmem>>) offsets(%dma_start3A_177 : memref<125xi32, #tpu.memory_space<vmem>>) semaphore(%arg11 : memref<!tpu.dma_semaphore, #tpu.memory_space<semaphore_mem>>)
      } else {
      }
      %add3A_158 = arith.constant 1 : i32
      %add3A_159 = arith.addi %mul3A_142, %add3A_158 : i32
      %dma_wait3A_160 = arith.constant 0 : i32
      %dma_wait3A_161 = tpu.memref_slice %arg7[%add3A_159, %dma_wait3A_160] : memref<40x125xi32, #tpu.memory_space<vmem>> -> memref<1x125xi32, #tpu.memory_space<vmem>>
      %dma_wait3A_162 = tpu.memref_squeeze %dma_wait3A_161 : memref<1x125xi32, #tpu.memory_space<vmem>> -> memref<125xi32, #tpu.memory_space<vmem>>
      %dma_wait3A_163 = arith.constant 0 : i32
      %dma_wait3A_164 = arith.constant 0 : i32
      %dma_wait3A_165 = tpu.memref_slice %arg2[%dma_wait3A_163, %dma_wait3A_164] : memref<10000x128xf32, #tpu.memory_space<hbm>> -> memref<10000x128xf32, #tpu.memory_space<hbm>>
      tpu.wait_indirect_dma semaphore(%arg12 : memref<!tpu.dma_semaphore, #tpu.memory_space<semaphore_mem>>) src(%dma_wait3A_165 : memref<10000x128xf32, #tpu.memory_space<hbm>>) dst(%arg10 : memref<125x128xf32, #tpu.memory_space<vmem>>)
      "tpu.region"() ({
        %run_scoped3A = tpu.sem_alloc : memref<!tpu.dma_semaphore, #tpu.memory_space<semaphore_mem>>
        %dma_start3A_173 = arith.constant 0 : i32
        %dma_start3A_174 = tpu.memref_slice %arg8[%add3A_159, %dma_start3A_173] : memref<40x125xi32, #tpu.memory_space<vmem>> -> memref<1x125xi32, #tpu.memory_space<vmem>>
        %dma_start3A_175 = tpu.memref_squeeze %dma_start3A_174 : memref<1x125xi32, #tpu.memory_space<vmem>> -> memref<125xi32, #tpu.memory_space<vmem>>
        %dma_start3A_176 = arith.constant 0 : i32
        %dma_start3A_177 = arith.constant 0 : i32
        %dma_start3A_178 = tpu.memref_slice %arg15[%dma_start3A_176, %dma_start3A_177] : memref<10240x128xf32, #tpu.memory_space<vmem_shared>> -> memref<10240x128xf32, #tpu.memory_space<vmem_shared>>
        tpu.enqueue_indirect_dma source(%arg10 : memref<125x128xf32, #tpu.memory_space<vmem>>) target(%dma_start3A_178 : memref<10240x128xf32, #tpu.memory_space<vmem_shared>>) offsets(%dma_start3A_175 : memref<125xi32, #tpu.memory_space<vmem>>) semaphore(%run_scoped3A : memref<!tpu.dma_semaphore, #tpu.memory_space<semaphore_mem>>) {add = true}
        %dma_wait3A_179 = arith.constant 0 : i32
        %dma_wait3A_180 = tpu.memref_slice %arg8[%add3A_159, %dma_wait3A_179] : memref<40x125xi32, #tpu.memory_space<vmem>> -> memref<1x125xi32, #tpu.memory_space<vmem>>
        %dma_wait3A_181 = tpu.memref_squeeze %dma_wait3A_180 : memref<1x125xi32, #tpu.memory_space<vmem>> -> memref<125xi32, #tpu.memory_space<vmem>>
        %dma_wait3A_182 = arith.constant 0 : i32
        %dma_wait3A_183 = arith.constant 0 : i32
        %dma_wait3A_184 = tpu.memref_slice %arg15[%dma_wait3A_182, %dma_wait3A_183] : memref<10240x128xf32, #tpu.memory_space<vmem_shared>> -> memref<10240x128xf32, #tpu.memory_space<vmem_shared>>
        tpu.wait_indirect_dma semaphore(%run_scoped3A : memref<!tpu.dma_semaphore, #tpu.memory_space<semaphore_mem>>) src(%arg10 : memref<125x128xf32, #tpu.memory_space<vmem>>) dst(%dma_wait3A_184 : memref<10240x128xf32, #tpu.memory_space<vmem_shared>>)
        tpu.yield
      }) : () -> ()
      %add3A_166 = arith.constant 2 : i32
      %add3A_167 = arith.addi %add3A_159, %add3A_166 : i32
      %lt3A_168 = arith.constant 40 : i32
      %lt3A_169 = arith.cmpi slt, %add3A_167, %lt3A_168 : i32
      %convert_element_type3A_170 = arith.extui %lt3A_169 : i1 to i32
      %cond3A_171 = arith.constant 0 : i32
      %cond3A_172 = arith.cmpi ne, %convert_element_type3A_170, %cond3A_171 : i32
      scf.if %cond3A_172 {
        %add3A_173 = arith.constant 2 : i32
        %add3A_174 = arith.addi %add3A_159, %add3A_173 : i32
        %dma_start3A_175 = arith.constant 0 : i32
        %dma_start3A_176 = tpu.memref_slice %arg7[%add3A_174, %dma_start3A_175] : memref<40x125xi32, #tpu.memory_space<vmem>> -> memref<1x125xi32, #tpu.memory_space<vmem>>
        %dma_start3A_177 = tpu.memref_squeeze %dma_start3A_176 : memref<1x125xi32, #tpu.memory_space<vmem>> -> memref<125xi32, #tpu.memory_space<vmem>>
        %dma_start3A_178 = arith.constant 0 : i32
        %dma_start3A_179 = arith.constant 0 : i32
        %dma_start3A_180 = tpu.memref_slice %arg2[%dma_start3A_178, %dma_start3A_179] : memref<10000x128xf32, #tpu.memory_space<hbm>> -> memref<10000x128xf32, #tpu.memory_space<hbm>>
        tpu.enqueue_indirect_dma source(%dma_start3A_180 : memref<10000x128xf32, #tpu.memory_space<hbm>>) target(%arg10 : memref<125x128xf32, #tpu.memory_space<vmem>>) offsets(%dma_start3A_177 : memref<125xi32, #tpu.memory_space<vmem>>) semaphore(%arg12 : memref<!tpu.dma_semaphore, #tpu.memory_space<semaphore_mem>>)
      } else {
      }
    }
    %scan3A_128 = arith.constant 20 : i32
    %barrier3A_129 = arith.constant 0 : index
    tpu.barrier barrier_id(%barrier3A_129)
    %lt3A_130 = arith.constant 15 : i32
    %lt3A_131 = arith.cmpi slt, %arg1, %lt3A_130 : i32
    %convert_element_type3A_132 = arith.extui %lt3A_131 : i1 to i32
    %cond3A_133 = arith.constant 0 : i32
    %cond3A_134 = arith.cmpi ne, %convert_element_type3A_132, %cond3A_133 : i32
    scf.if %cond3A_134 {
      %mul3A_140 = arith.constant 640 : i32
      %mul3A_141 = arith.muli %arg1, %mul3A_140 : i32
      %mul3A_142 = arith.constant 640 : i32
      %mul3A_143 = arith.muli %arg1, %mul3A_142 : i32
      "tpu.region"() ({
        %run_scoped3A = tpu.sem_alloc : memref<!tpu.dma_semaphore, #tpu.memory_space<semaphore_mem>>
        %dma_start3A_144 = arith.constant 0 : i32
        %dma_start3A_145 = tpu.memref_slice %arg6[%arg0, %mul3A_143, %dma_start3A_144] : memref<2x10240x128xf32, #tpu.memory_space<hbm>> -> memref<1x640x128xf32, #tpu.memory_space<hbm>>
        %dma_start3A_146 = tpu.memref_squeeze %dma_start3A_145 : memref<1x640x128xf32, #tpu.memory_space<hbm>> -> memref<640x128xf32, #tpu.memory_space<hbm>>
        %dma_start3A_147 = arith.constant 0 : i32
        %dma_start3A_148 = tpu.memref_slice %arg15[%mul3A_141, %dma_start3A_147] : memref<10240x128xf32, #tpu.memory_space<vmem_shared>> -> memref<640x128xf32, #tpu.memory_space<vmem_shared>>
        tpu.enqueue_dma source(%dma_start3A_148 : memref<640x128xf32, #tpu.memory_space<vmem_shared>>) target(%dma_start3A_146 : memref<640x128xf32, #tpu.memory_space<hbm>>) target_semaphore(%run_scoped3A : memref<!tpu.dma_semaphore, #tpu.memory_space<semaphore_mem>>)
        %dma_wait3A_149 = arith.constant 0 : i32
        %dma_wait3A_150 = tpu.memref_slice %arg6[%arg0, %mul3A_143, %dma_wait3A_149] : memref<2x10240x128xf32, #tpu.memory_space<hbm>> -> memref<1x640x128xf32, #tpu.memory_space<hbm>>
        %dma_wait3A_151 = tpu.memref_squeeze %dma_wait3A_150 : memref<1x640x128xf32, #tpu.memory_space<hbm>> -> memref<640x128xf32, #tpu.memory_space<hbm>>
        %dma_wait3A_152 = arith.constant 0 : i32
        %dma_wait3A_153 = tpu.memref_slice %arg15[%mul3A_141, %dma_wait3A_152] : memref<10240x128xf32, #tpu.memory_space<vmem_shared>> -> memref<640x128xf32, #tpu.memory_space<vmem_shared>>
        tpu.wait_dma2 semaphore(%run_scoped3A : memref<!tpu.dma_semaphore, #tpu.memory_space<semaphore_mem>>) src(%dma_wait3A_153 : memref<640x128xf32, #tpu.memory_space<vmem_shared>>) dst(%dma_wait3A_151 : memref<640x128xf32, #tpu.memory_space<hbm>>)
        tpu.yield
      }) : () -> ()
    } else {
    }
    %eq3A_135 = arith.constant 15 : i32
    %eq3A_136 = arith.cmpi eq, %arg1, %eq3A_135 : i32
    %convert_element_type3A_137 = arith.extui %eq3A_136 : i1 to i32
    %cond3A_138 = arith.constant 0 : i32
    %cond3A_139 = arith.cmpi ne, %convert_element_type3A_137, %cond3A_138 : i32
    scf.if %cond3A_139 {
      "tpu.region"() ({
        %run_scoped3A = tpu.sem_alloc : memref<!tpu.dma_semaphore, #tpu.memory_space<semaphore_mem>>
        %dma_start3A_140 = arith.constant 9600 : i32
        %dma_start3A_141 = arith.constant 0 : i32
        %dma_start3A_142 = tpu.memref_slice %arg6[%arg0, %dma_start3A_140, %dma_start3A_141] : memref<2x10240x128xf32, #tpu.memory_space<hbm>> -> memref<1x400x128xf32, #tpu.memory_space<hbm>>
        %dma_start3A_143 = tpu.memref_squeeze %dma_start3A_142 : memref<1x400x128xf32, #tpu.memory_space<hbm>> -> memref<400x128xf32, #tpu.memory_space<hbm>>
        %dma_start3A_144 = arith.constant 9600 : i32
        %dma_start3A_145 = arith.constant 0 : i32
        %dma_start3A_146 = tpu.memref_slice %arg15[%dma_start3A_144, %dma_start3A_145] : memref<10240x128xf32, #tpu.memory_space<vmem_shared>> -> memref<400x128xf32, #tpu.memory_space<vmem_shared>>
        tpu.enqueue_dma source(%dma_start3A_146 : memref<400x128xf32, #tpu.memory_space<vmem_shared>>) target(%dma_start3A_143 : memref<400x128xf32, #tpu.memory_space<hbm>>) target_semaphore(%run_scoped3A : memref<!tpu.dma_semaphore, #tpu.memory_space<semaphore_mem>>)
        %dma_wait3A_147 = arith.constant 9600 : i32
        %dma_wait3A_148 = arith.constant 0 : i32
        %dma_wait3A_149 = tpu.memref_slice %arg6[%arg0, %dma_wait3A_147, %dma_wait3A_148] : memref<2x10240x128xf32, #tpu.memory_space<hbm>> -> memref<1x400x128xf32, #tpu.memory_space<hbm>>
        %dma_wait3A_150 = tpu.memref_squeeze %dma_wait3A_149 : memref<1x400x128xf32, #tpu.memory_space<hbm>> -> memref<400x128xf32, #tpu.memory_space<hbm>>
        %dma_wait3A_151 = arith.constant 9600 : i32
        %dma_wait3A_152 = arith.constant 0 : i32
        %dma_wait3A_153 = tpu.memref_slice %arg15[%dma_wait3A_151, %dma_wait3A_152] : memref<10240x128xf32, #tpu.memory_space<vmem_shared>> -> memref<400x128xf32, #tpu.memory_space<vmem_shared>>
        tpu.wait_dma2 semaphore(%run_scoped3A : memref<!tpu.dma_semaphore, #tpu.memory_space<semaphore_mem>>) src(%dma_wait3A_153 : memref<400x128xf32, #tpu.memory_space<vmem_shared>>) dst(%dma_wait3A_150 : memref<400x128xf32, #tpu.memory_space<hbm>>)
        tpu.yield
      }) : () -> ()
    } else {
    }
    return
  }
}

#map = affine_map<(d0, d1) -> (0)>
module attributes {stable_mosaic.version = 14 : i64} {
  func.func @_sc_degree(%arg0: i32, %arg1: i32, %arg2: memref<320000xi32, #tpu.memory_space<hbm>>, %arg3: memref<327680xf32, #tpu.memory_space<hbm>>, %arg4: memref<10000xi32, #tpu.memory_space<vmem>>, %arg5: memref<10240xf32, #tpu.memory_space<vmem>>) attributes {dimension_semantics = [#tpu.dimension_semantics<core_parallel>, #tpu.dimension_semantics<subcore_parallel>], iteration_bounds = array<i64: 2, 16>, scalar_prefetch = 0 : i64, scratch_operands = 2 : i64, tpu.core_type = #tpu.core_type<sc_vector_subcore>, window_params = [{transform_indices = #map}, {transform_indices = #map}]} {
    %mul3A = arith.constant 2 : i32
    %mul3A_0 = arith.muli %arg1, %mul3A : i32
    %add3A = arith.addi %mul3A_0, %arg0 : i32
    %mul3A_1 = arith.constant 10000 : i32
    %mul3A_2 = arith.muli %add3A, %mul3A_1 : i32
    "tpu.region"() ({
      %run_scoped3A = tpu.sem_alloc : memref<!tpu.dma_semaphore, #tpu.memory_space<semaphore_mem>>
      %dma_start3A = tpu.memref_slice %arg2[%mul3A_2] : memref<320000xi32, #tpu.memory_space<hbm>> -> memref<10000xi32, #tpu.memory_space<hbm>>
      %dma_start3A_19 = tpu.memref_slice %arg2[%mul3A_2] : memref<320000xi32, #tpu.memory_space<hbm>> -> memref<10000xi32, #tpu.memory_space<hbm>>
      tpu.enqueue_dma source(%dma_start3A_19 : memref<10000xi32, #tpu.memory_space<hbm>>) target(%arg4 : memref<10000xi32, #tpu.memory_space<vmem>>) target_semaphore(%run_scoped3A : memref<!tpu.dma_semaphore, #tpu.memory_space<semaphore_mem>>)
      %dma_wait3A = tpu.memref_slice %arg2[%mul3A_2] : memref<320000xi32, #tpu.memory_space<hbm>> -> memref<10000xi32, #tpu.memory_space<hbm>>
      %dma_wait3A_20 = tpu.memref_slice %arg2[%mul3A_2] : memref<320000xi32, #tpu.memory_space<hbm>> -> memref<10000xi32, #tpu.memory_space<hbm>>
      tpu.wait_dma2 semaphore(%run_scoped3A : memref<!tpu.dma_semaphore, #tpu.memory_space<semaphore_mem>>) src(%dma_wait3A_20 : memref<10000xi32, #tpu.memory_space<hbm>>) dst(%arg4 : memref<10000xi32, #tpu.memory_space<vmem>>)
      tpu.yield
    }) : () -> ()
    %broadcast_in_dim3A = arith.constant 0.000000e+00 : f32
    %broadcast_in_dim3A_3 = vector.broadcast %broadcast_in_dim3A : f32 to vector<16xf32>
    %scan3A = arith.constant 0 : i32
    %scan3A_4 = arith.constant 0 : i32
    %scan3A_5 = arith.constant 640 : i32
    %scan3A_6 = arith.addi %scan3A_4, %scan3A_5 : i32
    %scan3A_7 = arith.constant 1 : i32
    scf.for %scan3A_19 = %scan3A_4 to %scan3A_6 step %scan3A_7  : i32 {
      %mul3A_20 = arith.constant 16 : i32
      %mul3A_21 = arith.muli %scan3A_19, %mul3A_20 : i32
      %swap3A = arith.index_cast %mul3A_21 : i32 to index
      %swap3A_22 = tpu.vector_load %arg5[%swap3A] {strides = array<i32>} : memref<10240xf32, #tpu.memory_space<vmem>>, vector<16xf32>,
      tpu.vector_store %arg5[%swap3A], %broadcast_in_dim3A_3 {strides = array<i32>} : memref<10240xf32, #tpu.memory_space<vmem>>, vector<16xf32>,
    }
    %scan3A_8 = arith.constant 640 : i32
    %broadcast_in_dim3A_9 = arith.constant 1.000000e+00 : f32
    %broadcast_in_dim3A_10 = vector.broadcast %broadcast_in_dim3A_9 : f32 to vector<16xf32>
    %scan3A_11 = arith.constant 0 : i32
    %scan3A_12 = arith.constant 0 : i32
    %scan3A_13 = arith.constant 125 : i32
    %scan3A_14 = arith.addi %scan3A_12, %scan3A_13 : i32
    %scan3A_15 = arith.constant 1 : i32
    scf.for %scan3A_19 = %scan3A_12 to %scan3A_14 step %scan3A_15  : i32 {
      %mul3A_20 = arith.constant 5 : i32
      %mul3A_21 = arith.muli %scan3A_19, %mul3A_20 : i32
      %add3A_22 = arith.constant 0 : i32
      %add3A_23 = arith.addi %mul3A_21, %add3A_22 : i32
      %mul3A_24 = arith.constant 16 : i32
      %mul3A_25 = arith.muli %add3A_23, %mul3A_24 : i32
      %get3A = arith.index_cast %mul3A_25 : i32 to index
      %get3A_26 = tpu.vector_load %arg4[%get3A] {strides = array<i32>} : memref<10000xi32, #tpu.memory_space<vmem>>, vector<16xi32>,
      tpu.vector_store_idx %arg5[%get3A_26], %broadcast_in_dim3A_10 {add = true} : memref<10240xf32, #tpu.memory_space<vmem>>[vector<16xi32>], vector<16xf32>,
      %mul3A_27 = arith.constant 5 : i32
      %mul3A_28 = arith.muli %scan3A_19, %mul3A_27 : i32
      %add3A_29 = arith.constant 1 : i32
      %add3A_30 = arith.addi %mul3A_28, %add3A_29 : i32
      %mul3A_31 = arith.constant 16 : i32
      %mul3A_32 = arith.muli %add3A_30, %mul3A_31 : i32
      %get3A_33 = arith.index_cast %mul3A_32 : i32 to index
      %get3A_34 = tpu.vector_load %arg4[%get3A_33] {strides = array<i32>} : memref<10000xi32, #tpu.memory_space<vmem>>, vector<16xi32>,
      tpu.vector_store_idx %arg5[%get3A_34], %broadcast_in_dim3A_10 {add = true} : memref<10240xf32, #tpu.memory_space<vmem>>[vector<16xi32>], vector<16xf32>,
      %mul3A_35 = arith.constant 5 : i32
      %mul3A_36 = arith.muli %scan3A_19, %mul3A_35 : i32
      %add3A_37 = arith.constant 2 : i32
      %add3A_38 = arith.addi %mul3A_36, %add3A_37 : i32
      %mul3A_39 = arith.constant 16 : i32
      %mul3A_40 = arith.muli %add3A_38, %mul3A_39 : i32
      %get3A_41 = arith.index_cast %mul3A_40 : i32 to index
      %get3A_42 = tpu.vector_load %arg4[%get3A_41] {strides = array<i32>} : memref<10000xi32, #tpu.memory_space<vmem>>, vector<16xi32>,
      tpu.vector_store_idx %arg5[%get3A_42], %broadcast_in_dim3A_10 {add = true} : memref<10240xf32, #tpu.memory_space<vmem>>[vector<16xi32>], vector<16xf32>,
      %mul3A_43 = arith.constant 5 : i32
      %mul3A_44 = arith.muli %scan3A_19, %mul3A_43 : i32
      %add3A_45 = arith.constant 3 : i32
      %add3A_46 = arith.addi %mul3A_44, %add3A_45 : i32
      %mul3A_47 = arith.constant 16 : i32
      %mul3A_48 = arith.muli %add3A_46, %mul3A_47 : i32
      %get3A_49 = arith.index_cast %mul3A_48 : i32 to index
      %get3A_50 = tpu.vector_load %arg4[%get3A_49] {strides = array<i32>} : memref<10000xi32, #tpu.memory_space<vmem>>, vector<16xi32>,
      tpu.vector_store_idx %arg5[%get3A_50], %broadcast_in_dim3A_10 {add = true} : memref<10240xf32, #tpu.memory_space<vmem>>[vector<16xi32>], vector<16xf32>,
      %mul3A_51 = arith.constant 5 : i32
      %mul3A_52 = arith.muli %scan3A_19, %mul3A_51 : i32
      %add3A_53 = arith.constant 4 : i32
      %add3A_54 = arith.addi %mul3A_52, %add3A_53 : i32
      %mul3A_55 = arith.constant 16 : i32
      %mul3A_56 = arith.muli %add3A_54, %mul3A_55 : i32
      %get3A_57 = arith.index_cast %mul3A_56 : i32 to index
      %get3A_58 = tpu.vector_load %arg4[%get3A_57] {strides = array<i32>} : memref<10000xi32, #tpu.memory_space<vmem>>, vector<16xi32>,
      tpu.vector_store_idx %arg5[%get3A_58], %broadcast_in_dim3A_10 {add = true} : memref<10240xf32, #tpu.memory_space<vmem>>[vector<16xi32>], vector<16xf32>,
    }
    %scan3A_16 = arith.constant 125 : i32
    %mul3A_17 = arith.constant 10240 : i32
    %mul3A_18 = arith.muli %add3A, %mul3A_17 : i32
    "tpu.region"() ({
      %run_scoped3A = tpu.sem_alloc : memref<!tpu.dma_semaphore, #tpu.memory_space<semaphore_mem>>
      %dma_start3A = tpu.memref_slice %arg3[%mul3A_18] : memref<327680xf32, #tpu.memory_space<hbm>> -> memref<10240xf32, #tpu.memory_space<hbm>>
      %dma_start3A_19 = tpu.memref_slice %arg3[%mul3A_18] : memref<327680xf32, #tpu.memory_space<hbm>> -> memref<10240xf32, #tpu.memory_space<hbm>>
      tpu.enqueue_dma source(%arg5 : memref<10240xf32, #tpu.memory_space<vmem>>) target(%dma_start3A_19 : memref<10240xf32, #tpu.memory_space<hbm>>) target_semaphore(%run_scoped3A : memref<!tpu.dma_semaphore, #tpu.memory_space<semaphore_mem>>)
      %dma_wait3A = tpu.memref_slice %arg3[%mul3A_18] : memref<327680xf32, #tpu.memory_space<hbm>> -> memref<10240xf32, #tpu.memory_space<hbm>>
      %dma_wait3A_20 = tpu.memref_slice %arg3[%mul3A_18] : memref<327680xf32, #tpu.memory_space<hbm>> -> memref<10240xf32, #tpu.memory_space<hbm>>
      tpu.wait_dma2 semaphore(%run_scoped3A : memref<!tpu.dma_semaphore, #tpu.memory_space<semaphore_mem>>) src(%arg5 : memref<10240xf32, #tpu.memory_space<vmem>>) dst(%dma_wait3A_20 : memref<10240xf32, #tpu.memory_space<hbm>>)
      tpu.yield
    }) : () -> ()
    return
  }
}

#map = affine_map<(d0, d1) -> (0, 0)>
#map1 = affine_map<(d0, d1) -> (0, 0, 0)>
module attributes {stable_mosaic.version = 14 : i64} {
  func.func @_sc_edge_sum(%arg0: i32, %arg1: i32, %arg2: memref<10000x128xf32, #tpu.memory_space<hbm>>, %arg3: memref<32x80x125xi32, #tpu.memory_space<hbm>>, %arg4: memref<32x80x125xi32, #tpu.memory_space<hbm>>, %arg5: memref<640x128xf32, #tpu.memory_space<hbm>>, %arg6: memref<2x10240x128xf32, #tpu.memory_space<hbm>>, %arg7: memref<40x125xi32, #tpu.memory_space<vmem>>, %arg8: memref<40x125xi32, #tpu.memory_space<vmem>>, %arg9: memref<125x128xf32, #tpu.memory_space<vmem>>, %arg10: memref<125x128xf32, #tpu.memory_space<vmem>>, %arg11: memref<!tpu.dma_semaphore, #tpu.memory_space<semaphore_mem>>, %arg12: memref<!tpu.dma_semaphore, #tpu.memory_space<semaphore_mem>>, %arg13: memref<!tpu.dma_semaphore, #tpu.memory_space<semaphore_mem>>, %arg14: memref<!tpu.dma_semaphore, #tpu.memory_space<semaphore_mem>>, %arg15: memref<10240x128xf32, #tpu.memory_space<vmem_shared>>) attributes {dimension_semantics = [#tpu.dimension_semantics<core_parallel>, #tpu.dimension_semantics<subcore_parallel>], iteration_bounds = array<i64: 2, 16>, scalar_prefetch = 0 : i64, scratch_operands = 9 : i64, tpu.core_type = #tpu.core_type<sc_vector_subcore>, window_params = [{transform_indices = #map}, {transform_indices = #map1}, {transform_indices = #map1}, {transform_indices = #map}, {transform_indices = #map1}]} {
    %mul3A = arith.constant 2 : i32
    %mul3A_0 = arith.muli %arg1, %mul3A : i32
    %add3A = arith.addi %mul3A_0, %arg0 : i32
    %dma_start3A = arith.constant 0 : i32
    %dma_start3A_1 = arith.constant 0 : i32
    %dma_start3A_2 = tpu.memref_slice %arg3[%add3A, %dma_start3A, %dma_start3A_1] : memref<32x80x125xi32, #tpu.memory_space<hbm>> -> memref<1x40x125xi32, #tpu.memory_space<hbm>>
    %dma_start3A_3 = tpu.memref_squeeze %dma_start3A_2 : memref<1x40x125xi32, #tpu.memory_space<hbm>> -> memref<40x125xi32, #tpu.memory_space<hbm>>
    %dma_start3A_4 = arith.constant 0 : i32
    %dma_start3A_5 = arith.constant 0 : i32
    %dma_start3A_6 = tpu.memref_slice %arg3[%add3A, %dma_start3A_4, %dma_start3A_5] : memref<32x80x125xi32, #tpu.memory_space<hbm>> -> memref<1x40x125xi32, #tpu.memory_space<hbm>>
    %dma_start3A_7 = tpu.memref_squeeze %dma_start3A_6 : memref<1x40x125xi32, #tpu.memory_space<hbm>> -> memref<40x125xi32, #tpu.memory_space<hbm>>
    tpu.enqueue_dma source(%dma_start3A_7 : memref<40x125xi32, #tpu.memory_space<hbm>>) target(%arg7 : memref<40x125xi32, #tpu.memory_space<vmem>>) target_semaphore(%arg13 : memref<!tpu.dma_semaphore, #tpu.memory_space<semaphore_mem>>)
    %dma_start3A_8 = arith.constant 0 : i32
    %dma_start3A_9 = arith.constant 0 : i32
    %dma_start3A_10 = tpu.memref_slice %arg4[%add3A, %dma_start3A_8, %dma_start3A_9] : memref<32x80x125xi32, #tpu.memory_space<hbm>> -> memref<1x40x125xi32, #tpu.memory_space<hbm>>
    %dma_start3A_11 = tpu.memref_squeeze %dma_start3A_10 : memref<1x40x125xi32, #tpu.memory_space<hbm>> -> memref<40x125xi32, #tpu.memory_space<hbm>>
    %dma_start3A_12 = arith.constant 0 : i32
    %dma_start3A_13 = arith.constant 0 : i32
    %dma_start3A_14 = tpu.memref_slice %arg4[%add3A, %dma_start3A_12, %dma_start3A_13] : memref<32x80x125xi32, #tpu.memory_space<hbm>> -> memref<1x40x125xi32, #tpu.memory_space<hbm>>
    %dma_start3A_15 = tpu.memref_squeeze %dma_start3A_14 : memref<1x40x125xi32, #tpu.memory_space<hbm>> -> memref<40x125xi32, #tpu.memory_space<hbm>>
    tpu.enqueue_dma source(%dma_start3A_15 : memref<40x125xi32, #tpu.memory_space<hbm>>) target(%arg8 : memref<40x125xi32, #tpu.memory_space<vmem>>) target_semaphore(%arg14 : memref<!tpu.dma_semaphore, #tpu.memory_space<semaphore_mem>>)
    %eq3A = arith.constant 0 : i32
    %eq3A_16 = arith.cmpi eq, %arg0, %eq3A : i32
    %lt3A = arith.constant 15 : i32
    %lt3A_17 = arith.cmpi slt, %arg1, %lt3A : i32
    %and3A = arith.andi %eq3A_16, %lt3A_17 : i1
    %convert_element_type3A = arith.extui %and3A : i1 to i32
    %cond3A = arith.constant 0 : i32
    %cond3A_18 = arith.cmpi ne, %convert_element_type3A, %cond3A : i32
    scf.if %cond3A_18 {
      %mul3A_140 = arith.constant 640 : i32
      %mul3A_141 = arith.muli %arg1, %mul3A_140 : i32
      %mul3A_142 = arith.constant 640 : i32
      %mul3A_143 = arith.muli %arg1, %mul3A_142 : i32
      "tpu.region"() ({
        %run_scoped3A = tpu.sem_alloc : memref<!tpu.dma_semaphore, #tpu.memory_space<semaphore_mem>>
        %dma_start3A_144 = arith.constant 0 : i32
        %dma_start3A_145 = tpu.memref_slice %arg15[%mul3A_143, %dma_start3A_144] : memref<10240x128xf32, #tpu.memory_space<vmem_shared>> -> memref<640x128xf32, #tpu.memory_space<vmem_shared>>
        %dma_start3A_146 = arith.constant 0 : i32
        %dma_start3A_147 = tpu.memref_slice %arg2[%mul3A_141, %dma_start3A_146] : memref<10000x128xf32, #tpu.memory_space<hbm>> -> memref<640x128xf32, #tpu.memory_space<hbm>>
        tpu.enqueue_dma source(%dma_start3A_147 : memref<640x128xf32, #tpu.memory_space<hbm>>) target(%dma_start3A_145 : memref<640x128xf32, #tpu.memory_space<vmem_shared>>) target_semaphore(%run_scoped3A : memref<!tpu.dma_semaphore, #tpu.memory_space<semaphore_mem>>)
        %dma_wait3A_148 = arith.constant 0 : i32
        %dma_wait3A_149 = tpu.memref_slice %arg15[%mul3A_143, %dma_wait3A_148] : memref<10240x128xf32, #tpu.memory_space<vmem_shared>> -> memref<640x128xf32, #tpu.memory_space<vmem_shared>>
        %dma_wait3A_150 = arith.constant 0 : i32
        %dma_wait3A_151 = tpu.memref_slice %arg2[%mul3A_141, %dma_wait3A_150] : memref<10000x128xf32, #tpu.memory_space<hbm>> -> memref<640x128xf32, #tpu.memory_space<hbm>>
        tpu.wait_dma2 semaphore(%run_scoped3A : memref<!tpu.dma_semaphore, #tpu.memory_space<semaphore_mem>>) src(%dma_wait3A_151 : memref<640x128xf32, #tpu.memory_space<hbm>>) dst(%dma_wait3A_149 : memref<640x128xf32, #tpu.memory_space<vmem_shared>>)
        tpu.yield
      }) : () -> ()
    } else {
    }
    %eq3A_19 = arith.constant 0 : i32
    %eq3A_20 = arith.cmpi eq, %arg0, %eq3A_19 : i32
    %eq3A_21 = arith.constant 15 : i32
    %eq3A_22 = arith.cmpi eq, %arg1, %eq3A_21 : i32
    %and3A_23 = arith.andi %eq3A_20, %eq3A_22 : i1
    %convert_element_type3A_24 = arith.extui %and3A_23 : i1 to i32
    %cond3A_25 = arith.constant 0 : i32
    %cond3A_26 = arith.cmpi ne, %convert_element_type3A_24, %cond3A_25 : i32
    scf.if %cond3A_26 {
      "tpu.region"() ({
        %run_scoped3A = tpu.sem_alloc : memref<!tpu.dma_semaphore, #tpu.memory_space<semaphore_mem>>
        %dma_start3A_140 = arith.constant 9600 : i32
        %dma_start3A_141 = arith.constant 0 : i32
        %dma_start3A_142 = tpu.memref_slice %arg15[%dma_start3A_140, %dma_start3A_141] : memref<10240x128xf32, #tpu.memory_space<vmem_shared>> -> memref<400x128xf32, #tpu.memory_space<vmem_shared>>
        %dma_start3A_143 = arith.constant 9600 : i32
        %dma_start3A_144 = arith.constant 0 : i32
        %dma_start3A_145 = tpu.memref_slice %arg2[%dma_start3A_143, %dma_start3A_144] : memref<10000x128xf32, #tpu.memory_space<hbm>> -> memref<400x128xf32, #tpu.memory_space<hbm>>
        tpu.enqueue_dma source(%dma_start3A_145 : memref<400x128xf32, #tpu.memory_space<hbm>>) target(%dma_start3A_142 : memref<400x128xf32, #tpu.memory_space<vmem_shared>>) target_semaphore(%run_scoped3A : memref<!tpu.dma_semaphore, #tpu.memory_space<semaphore_mem>>)
        %dma_wait3A_146 = arith.constant 9600 : i32
        %dma_wait3A_147 = arith.constant 0 : i32
        %dma_wait3A_148 = tpu.memref_slice %arg15[%dma_wait3A_146, %dma_wait3A_147] : memref<10240x128xf32, #tpu.memory_space<vmem_shared>> -> memref<400x128xf32, #tpu.memory_space<vmem_shared>>
        %dma_wait3A_149 = arith.constant 9600 : i32
        %dma_wait3A_150 = arith.constant 0 : i32
        %dma_wait3A_151 = tpu.memref_slice %arg2[%dma_wait3A_149, %dma_wait3A_150] : memref<10000x128xf32, #tpu.memory_space<hbm>> -> memref<400x128xf32, #tpu.memory_space<hbm>>
        tpu.wait_dma2 semaphore(%run_scoped3A : memref<!tpu.dma_semaphore, #tpu.memory_space<semaphore_mem>>) src(%dma_wait3A_151 : memref<400x128xf32, #tpu.memory_space<hbm>>) dst(%dma_wait3A_148 : memref<400x128xf32, #tpu.memory_space<vmem_shared>>)
        tpu.yield
      }) : () -> ()
    } else {
    }
    %eq3A_27 = arith.constant 1 : i32
    %eq3A_28 = arith.cmpi eq, %arg0, %eq3A_27 : i32
    %lt3A_29 = arith.constant 15 : i32
    %lt3A_30 = arith.cmpi slt, %arg1, %lt3A_29 : i32
    %and3A_31 = arith.andi %eq3A_28, %lt3A_30 : i1
    %convert_element_type3A_32 = arith.extui %and3A_31 : i1 to i32
    %cond3A_33 = arith.constant 0 : i32
    %cond3A_34 = arith.cmpi ne, %convert_element_type3A_32, %cond3A_33 : i32
    scf.if %cond3A_34 {
      %mul3A_140 = arith.constant 640 : i32
      %mul3A_141 = arith.muli %arg1, %mul3A_140 : i32
      "tpu.region"() ({
        %run_scoped3A = tpu.sem_alloc : memref<!tpu.dma_semaphore, #tpu.memory_space<semaphore_mem>>
        %dma_start3A_142 = arith.constant 0 : i32
        %dma_start3A_143 = tpu.memref_slice %arg15[%mul3A_141, %dma_start3A_142] : memref<10240x128xf32, #tpu.memory_space<vmem_shared>> -> memref<640x128xf32, #tpu.memory_space<vmem_shared>>
        tpu.enqueue_dma source(%arg5 : memref<640x128xf32, #tpu.memory_space<hbm>>) target(%dma_start3A_143 : memref<640x128xf32, #tpu.memory_space<vmem_shared>>) target_semaphore(%run_scoped3A : memref<!tpu.dma_semaphore, #tpu.memory_space<semaphore_mem>>)
        %dma_wait3A_144 = arith.constant 0 : i32
        %dma_wait3A_145 = tpu.memref_slice %arg15[%mul3A_141, %dma_wait3A_144] : memref<10240x128xf32, #tpu.memory_space<vmem_shared>> -> memref<640x128xf32, #tpu.memory_space<vmem_shared>>
        tpu.wait_dma2 semaphore(%run_scoped3A : memref<!tpu.dma_semaphore, #tpu.memory_space<semaphore_mem>>) src(%arg5 : memref<640x128xf32, #tpu.memory_space<hbm>>) dst(%dma_wait3A_145 : memref<640x128xf32, #tpu.memory_space<vmem_shared>>)
        tpu.yield
      }) : () -> ()
    } else {
    }
    %eq3A_35 = arith.constant 1 : i32
    %eq3A_36 = arith.cmpi eq, %arg0, %eq3A_35 : i32
    %eq3A_37 = arith.constant 15 : i32
    %eq3A_38 = arith.cmpi eq, %arg1, %eq3A_37 : i32
    %and3A_39 = arith.andi %eq3A_36, %eq3A_38 : i1
    %convert_element_type3A_40 = arith.extui %and3A_39 : i1 to i32
    %cond3A_41 = arith.constant 0 : i32
    %cond3A_42 = arith.cmpi ne, %convert_element_type3A_40, %cond3A_41 : i32
    scf.if %cond3A_42 {
      "tpu.region"() ({
        %run_scoped3A = tpu.sem_alloc : memref<!tpu.dma_semaphore, #tpu.memory_space<semaphore_mem>>
        %dma_start3A_140 = arith.constant 9600 : i32
        %dma_start3A_141 = arith.constant 0 : i32
        %dma_start3A_142 = tpu.memref_slice %arg15[%dma_start3A_140, %dma_start3A_141] : memref<10240x128xf32, #tpu.memory_space<vmem_shared>> -> memref<400x128xf32, #tpu.memory_space<vmem_shared>>
        %dma_start3A_143 = arith.constant 0 : i32
        %dma_start3A_144 = arith.constant 0 : i32
        %dma_start3A_145 = tpu.memref_slice %arg5[%dma_start3A_143, %dma_start3A_144] : memref<640x128xf32, #tpu.memory_space<hbm>> -> memref<400x128xf32, #tpu.memory_space<hbm>>
        tpu.enqueue_dma source(%dma_start3A_145 : memref<400x128xf32, #tpu.memory_space<hbm>>) target(%dma_start3A_142 : memref<400x128xf32, #tpu.memory_space<vmem_shared>>) target_semaphore(%run_scoped3A : memref<!tpu.dma_semaphore, #tpu.memory_space<semaphore_mem>>)
        %dma_wait3A_146 = arith.constant 9600 : i32
        %dma_wait3A_147 = arith.constant 0 : i32
        %dma_wait3A_148 = tpu.memref_slice %arg15[%dma_wait3A_146, %dma_wait3A_147] : memref<10240x128xf32, #tpu.memory_space<vmem_shared>> -> memref<400x128xf32, #tpu.memory_space<vmem_shared>>
        %dma_wait3A_149 = arith.constant 0 : i32
        %dma_wait3A_150 = arith.constant 0 : i32
        %dma_wait3A_151 = tpu.memref_slice %arg5[%dma_wait3A_149, %dma_wait3A_150] : memref<640x128xf32, #tpu.memory_space<hbm>> -> memref<400x128xf32, #tpu.memory_space<hbm>>
        tpu.wait_dma2 semaphore(%run_scoped3A : memref<!tpu.dma_semaphore, #tpu.memory_space<semaphore_mem>>) src(%dma_wait3A_151 : memref<400x128xf32, #tpu.memory_space<hbm>>) dst(%dma_wait3A_148 : memref<400x128xf32, #tpu.memory_space<vmem_shared>>)
        tpu.yield
      }) : () -> ()
    } else {
    }
    %dma_wait3A = arith.constant 0 : i32
    %dma_wait3A_43 = arith.constant 0 : i32
    %dma_wait3A_44 = tpu.memref_slice %arg3[%add3A, %dma_wait3A, %dma_wait3A_43] : memref<32x80x125xi32, #tpu.memory_space<hbm>> -> memref<1x40x125xi32, #tpu.memory_space<hbm>>
    %dma_wait3A_45 = tpu.memref_squeeze %dma_wait3A_44 : memref<1x40x125xi32, #tpu.memory_space<hbm>> -> memref<40x125xi32, #tpu.memory_space<hbm>>
    %dma_wait3A_46 = arith.constant 0 : i32
    %dma_wait3A_47 = arith.constant 0 : i32
    %dma_wait3A_48 = tpu.memref_slice %arg3[%add3A, %dma_wait3A_46, %dma_wait3A_47] : memref<32x80x125xi32, #tpu.memory_space<hbm>> -> memref<1x40x125xi32, #tpu.memory_space<hbm>>
    %dma_wait3A_49 = tpu.memref_squeeze %dma_wait3A_48 : memref<1x40x125xi32, #tpu.memory_space<hbm>> -> memref<40x125xi32, #tpu.memory_space<hbm>>
    tpu.wait_dma2 semaphore(%arg13 : memref<!tpu.dma_semaphore, #tpu.memory_space<semaphore_mem>>) src(%dma_wait3A_49 : memref<40x125xi32, #tpu.memory_space<hbm>>) dst(%arg7 : memref<40x125xi32, #tpu.memory_space<vmem>>)
    %dma_wait3A_50 = arith.constant 0 : i32
    %dma_wait3A_51 = arith.constant 0 : i32
    %dma_wait3A_52 = tpu.memref_slice %arg4[%add3A, %dma_wait3A_50, %dma_wait3A_51] : memref<32x80x125xi32, #tpu.memory_space<hbm>> -> memref<1x40x125xi32, #tpu.memory_space<hbm>>
    %dma_wait3A_53 = tpu.memref_squeeze %dma_wait3A_52 : memref<1x40x125xi32, #tpu.memory_space<hbm>> -> memref<40x125xi32, #tpu.memory_space<hbm>>
    %dma_wait3A_54 = arith.constant 0 : i32
    %dma_wait3A_55 = arith.constant 0 : i32
    %dma_wait3A_56 = tpu.memref_slice %arg4[%add3A, %dma_wait3A_54, %dma_wait3A_55] : memref<32x80x125xi32, #tpu.memory_space<hbm>> -> memref<1x40x125xi32, #tpu.memory_space<hbm>>
    %dma_wait3A_57 = tpu.memref_squeeze %dma_wait3A_56 : memref<1x40x125xi32, #tpu.memory_space<hbm>> -> memref<40x125xi32, #tpu.memory_space<hbm>>
    tpu.wait_dma2 semaphore(%arg14 : memref<!tpu.dma_semaphore, #tpu.memory_space<semaphore_mem>>) src(%dma_wait3A_57 : memref<40x125xi32, #tpu.memory_space<hbm>>) dst(%arg8 : memref<40x125xi32, #tpu.memory_space<vmem>>)
    %dma_start3A_58 = arith.constant 0 : i32
    %dma_start3A_59 = arith.constant 0 : i32
    %dma_start3A_60 = tpu.memref_slice %arg7[%dma_start3A_58, %dma_start3A_59] : memref<40x125xi32, #tpu.memory_space<vmem>> -> memref<1x125xi32, #tpu.memory_space<vmem>>
    %dma_start3A_61 = tpu.memref_squeeze %dma_start3A_60 : memref<1x125xi32, #tpu.memory_space<vmem>> -> memref<125xi32, #tpu.memory_space<vmem>>
    %dma_start3A_62 = arith.constant 0 : i32
    %dma_start3A_63 = arith.constant 0 : i32
    %dma_start3A_64 = tpu.memref_slice %arg2[%dma_start3A_62, %dma_start3A_63] : memref<10000x128xf32, #tpu.memory_space<hbm>> -> memref<10000x128xf32, #tpu.memory_space<hbm>>
    tpu.enqueue_indirect_dma source(%dma_start3A_64 : memref<10000x128xf32, #tpu.memory_space<hbm>>) target(%arg9 : memref<125x128xf32, #tpu.memory_space<vmem>>) offsets(%dma_start3A_61 : memref<125xi32, #tpu.memory_space<vmem>>) semaphore(%arg11 : memref<!tpu.dma_semaphore, #tpu.memory_space<semaphore_mem>>)
    %dma_start3A_65 = arith.constant 1 : i32
    %dma_start3A_66 = arith.constant 0 : i32
    %dma_start3A_67 = tpu.memref_slice %arg7[%dma_start3A_65, %dma_start3A_66] : memref<40x125xi32, #tpu.memory_space<vmem>> -> memref<1x125xi32, #tpu.memory_space<vmem>>
    %dma_start3A_68 = tpu.memref_squeeze %dma_start3A_67 : memref<1x125xi32, #tpu.memory_space<vmem>> -> memref<125xi32, #tpu.memory_space<vmem>>
    %dma_start3A_69 = arith.constant 0 : i32
    %dma_start3A_70 = arith.constant 0 : i32
    %dma_start3A_71 = tpu.memref_slice %arg2[%dma_start3A_69, %dma_start3A_70] : memref<10000x128xf32, #tpu.memory_space<hbm>> -> memref<10000x128xf32, #tpu.memory_space<hbm>>
    tpu.enqueue_indirect_dma source(%dma_start3A_71 : memref<10000x128xf32, #tpu.memory_space<hbm>>) target(%arg10 : memref<125x128xf32, #tpu.memory_space<vmem>>) offsets(%dma_start3A_68 : memref<125xi32, #tpu.memory_space<vmem>>) semaphore(%arg12 : memref<!tpu.dma_semaphore, #tpu.memory_space<semaphore_mem>>)
    %barrier3A = arith.constant 0 : index
    tpu.barrier barrier_id(%barrier3A)
    %scan3A = arith.constant 0 : i32
    %scan3A_72 = arith.constant 0 : i32
    %scan3A_73 = arith.constant 20 : i32
    %scan3A_74 = arith.addi %scan3A_72, %scan3A_73 : i32
    %scan3A_75 = arith.constant 1 : i32
    scf.for %scan3A_140 = %scan3A_72 to %scan3A_74 step %scan3A_75  : i32 {
      %mul3A_141 = arith.constant 2 : i32
      %mul3A_142 = arith.muli %scan3A_140, %mul3A_141 : i32
      %add3A_143 = arith.constant 0 : i32
      %add3A_144 = arith.addi %mul3A_142, %add3A_143 : i32
      %dma_wait3A_145 = arith.constant 0 : i32
      %dma_wait3A_146 = tpu.memref_slice %arg7[%add3A_144, %dma_wait3A_145] : memref<40x125xi32, #tpu.memory_space<vmem>> -> memref<1x125xi32, #tpu.memory_space<vmem>>
      %dma_wait3A_147 = tpu.memref_squeeze %dma_wait3A_146 : memref<1x125xi32, #tpu.memory_space<vmem>> -> memref<125xi32, #tpu.memory_space<vmem>>
      %dma_wait3A_148 = arith.constant 0 : i32
      %dma_wait3A_149 = arith.constant 0 : i32
      %dma_wait3A_150 = tpu.memref_slice %arg2[%dma_wait3A_148, %dma_wait3A_149] : memref<10000x128xf32, #tpu.memory_space<hbm>> -> memref<10000x128xf32, #tpu.memory_space<hbm>>
      tpu.wait_indirect_dma semaphore(%arg11 : memref<!tpu.dma_semaphore, #tpu.memory_space<semaphore_mem>>) src(%dma_wait3A_150 : memref<10000x128xf32, #tpu.memory_space<hbm>>) dst(%arg9 : memref<125x128xf32, #tpu.memory_space<vmem>>)
      "tpu.region"() ({
        %run_scoped3A = tpu.sem_alloc : memref<!tpu.dma_semaphore, #tpu.memory_space<semaphore_mem>>
        %dma_start3A_173 = arith.constant 0 : i32
        %dma_start3A_174 = tpu.memref_slice %arg8[%add3A_144, %dma_start3A_173] : memref<40x125xi32, #tpu.memory_space<vmem>> -> memref<1x125xi32, #tpu.memory_space<vmem>>
        %dma_start3A_175 = tpu.memref_squeeze %dma_start3A_174 : memref<1x125xi32, #tpu.memory_space<vmem>> -> memref<125xi32, #tpu.memory_space<vmem>>
        %dma_start3A_176 = arith.constant 0 : i32
        %dma_start3A_177 = arith.constant 0 : i32
        %dma_start3A_178 = tpu.memref_slice %arg15[%dma_start3A_176, %dma_start3A_177] : memref<10240x128xf32, #tpu.memory_space<vmem_shared>> -> memref<10240x128xf32, #tpu.memory_space<vmem_shared>>
        tpu.enqueue_indirect_dma source(%arg9 : memref<125x128xf32, #tpu.memory_space<vmem>>) target(%dma_start3A_178 : memref<10240x128xf32, #tpu.memory_space<vmem_shared>>) offsets(%dma_start3A_175 : memref<125xi32, #tpu.memory_space<vmem>>) semaphore(%run_scoped3A : memref<!tpu.dma_semaphore, #tpu.memory_space<semaphore_mem>>) {add = true}
        %dma_wait3A_179 = arith.constant 0 : i32
        %dma_wait3A_180 = tpu.memref_slice %arg8[%add3A_144, %dma_wait3A_179] : memref<40x125xi32, #tpu.memory_space<vmem>> -> memref<1x125xi32, #tpu.memory_space<vmem>>
        %dma_wait3A_181 = tpu.memref_squeeze %dma_wait3A_180 : memref<1x125xi32, #tpu.memory_space<vmem>> -> memref<125xi32, #tpu.memory_space<vmem>>
        %dma_wait3A_182 = arith.constant 0 : i32
        %dma_wait3A_183 = arith.constant 0 : i32
        %dma_wait3A_184 = tpu.memref_slice %arg15[%dma_wait3A_182, %dma_wait3A_183] : memref<10240x128xf32, #tpu.memory_space<vmem_shared>> -> memref<10240x128xf32, #tpu.memory_space<vmem_shared>>
        tpu.wait_indirect_dma semaphore(%run_scoped3A : memref<!tpu.dma_semaphore, #tpu.memory_space<semaphore_mem>>) src(%arg9 : memref<125x128xf32, #tpu.memory_space<vmem>>) dst(%dma_wait3A_184 : memref<10240x128xf32, #tpu.memory_space<vmem_shared>>)
        tpu.yield
      }) : () -> ()
      %add3A_151 = arith.constant 2 : i32
      %add3A_152 = arith.addi %add3A_144, %add3A_151 : i32
      %lt3A_153 = arith.constant 40 : i32
      %lt3A_154 = arith.cmpi slt, %add3A_152, %lt3A_153 : i32
      %convert_element_type3A_155 = arith.extui %lt3A_154 : i1 to i32
      %cond3A_156 = arith.constant 0 : i32
      %cond3A_157 = arith.cmpi ne, %convert_element_type3A_155, %cond3A_156 : i32
      scf.if %cond3A_157 {
        %add3A_173 = arith.constant 2 : i32
        %add3A_174 = arith.addi %add3A_144, %add3A_173 : i32
        %dma_start3A_175 = arith.constant 0 : i32
        %dma_start3A_176 = tpu.memref_slice %arg7[%add3A_174, %dma_start3A_175] : memref<40x125xi32, #tpu.memory_space<vmem>> -> memref<1x125xi32, #tpu.memory_space<vmem>>
        %dma_start3A_177 = tpu.memref_squeeze %dma_start3A_176 : memref<1x125xi32, #tpu.memory_space<vmem>> -> memref<125xi32, #tpu.memory_space<vmem>>
        %dma_start3A_178 = arith.constant 0 : i32
        %dma_start3A_179 = arith.constant 0 : i32
        %dma_start3A_180 = tpu.memref_slice %arg2[%dma_start3A_178, %dma_start3A_179] : memref<10000x128xf32, #tpu.memory_space<hbm>> -> memref<10000x128xf32, #tpu.memory_space<hbm>>
        tpu.enqueue_indirect_dma source(%dma_start3A_180 : memref<10000x128xf32, #tpu.memory_space<hbm>>) target(%arg9 : memref<125x128xf32, #tpu.memory_space<vmem>>) offsets(%dma_start3A_177 : memref<125xi32, #tpu.memory_space<vmem>>) semaphore(%arg11 : memref<!tpu.dma_semaphore, #tpu.memory_space<semaphore_mem>>)
      } else {
      }
      %add3A_158 = arith.constant 1 : i32
      %add3A_159 = arith.addi %mul3A_142, %add3A_158 : i32
      %dma_wait3A_160 = arith.constant 0 : i32
      %dma_wait3A_161 = tpu.memref_slice %arg7[%add3A_159, %dma_wait3A_160] : memref<40x125xi32, #tpu.memory_space<vmem>> -> memref<1x125xi32, #tpu.memory_space<vmem>>
      %dma_wait3A_162 = tpu.memref_squeeze %dma_wait3A_161 : memref<1x125xi32, #tpu.memory_space<vmem>> -> memref<125xi32, #tpu.memory_space<vmem>>
      %dma_wait3A_163 = arith.constant 0 : i32
      %dma_wait3A_164 = arith.constant 0 : i32
      %dma_wait3A_165 = tpu.memref_slice %arg2[%dma_wait3A_163, %dma_wait3A_164] : memref<10000x128xf32, #tpu.memory_space<hbm>> -> memref<10000x128xf32, #tpu.memory_space<hbm>>
      tpu.wait_indirect_dma semaphore(%arg12 : memref<!tpu.dma_semaphore, #tpu.memory_space<semaphore_mem>>) src(%dma_wait3A_165 : memref<10000x128xf32, #tpu.memory_space<hbm>>) dst(%arg10 : memref<125x128xf32, #tpu.memory_space<vmem>>)
      "tpu.region"() ({
        %run_scoped3A = tpu.sem_alloc : memref<!tpu.dma_semaphore, #tpu.memory_space<semaphore_mem>>
        %dma_start3A_173 = arith.constant 0 : i32
        %dma_start3A_174 = tpu.memref_slice %arg8[%add3A_159, %dma_start3A_173] : memref<40x125xi32, #tpu.memory_space<vmem>> -> memref<1x125xi32, #tpu.memory_space<vmem>>
        %dma_start3A_175 = tpu.memref_squeeze %dma_start3A_174 : memref<1x125xi32, #tpu.memory_space<vmem>> -> memref<125xi32, #tpu.memory_space<vmem>>
        %dma_start3A_176 = arith.constant 0 : i32
        %dma_start3A_177 = arith.constant 0 : i32
        %dma_start3A_178 = tpu.memref_slice %arg15[%dma_start3A_176, %dma_start3A_177] : memref<10240x128xf32, #tpu.memory_space<vmem_shared>> -> memref<10240x128xf32, #tpu.memory_space<vmem_shared>>
        tpu.enqueue_indirect_dma source(%arg10 : memref<125x128xf32, #tpu.memory_space<vmem>>) target(%dma_start3A_178 : memref<10240x128xf32, #tpu.memory_space<vmem_shared>>) offsets(%dma_start3A_175 : memref<125xi32, #tpu.memory_space<vmem>>) semaphore(%run_scoped3A : memref<!tpu.dma_semaphore, #tpu.memory_space<semaphore_mem>>) {add = true}
        %dma_wait3A_179 = arith.constant 0 : i32
        %dma_wait3A_180 = tpu.memref_slice %arg8[%add3A_159, %dma_wait3A_179] : memref<40x125xi32, #tpu.memory_space<vmem>> -> memref<1x125xi32, #tpu.memory_space<vmem>>
        %dma_wait3A_181 = tpu.memref_squeeze %dma_wait3A_180 : memref<1x125xi32, #tpu.memory_space<vmem>> -> memref<125xi32, #tpu.memory_space<vmem>>
        %dma_wait3A_182 = arith.constant 0 : i32
        %dma_wait3A_183 = arith.constant 0 : i32
        %dma_wait3A_184 = tpu.memref_slice %arg15[%dma_wait3A_182, %dma_wait3A_183] : memref<10240x128xf32, #tpu.memory_space<vmem_shared>> -> memref<10240x128xf32, #tpu.memory_space<vmem_shared>>
        tpu.wait_indirect_dma semaphore(%run_scoped3A : memref<!tpu.dma_semaphore, #tpu.memory_space<semaphore_mem>>) src(%arg10 : memref<125x128xf32, #tpu.memory_space<vmem>>) dst(%dma_wait3A_184 : memref<10240x128xf32, #tpu.memory_space<vmem_shared>>)
        tpu.yield
      }) : () -> ()
      %add3A_166 = arith.constant 2 : i32
      %add3A_167 = arith.addi %add3A_159, %add3A_166 : i32
      %lt3A_168 = arith.constant 40 : i32
      %lt3A_169 = arith.cmpi slt, %add3A_167, %lt3A_168 : i32
      %convert_element_type3A_170 = arith.extui %lt3A_169 : i1 to i32
      %cond3A_171 = arith.constant 0 : i32
      %cond3A_172 = arith.cmpi ne, %convert_element_type3A_170, %cond3A_171 : i32
      scf.if %cond3A_172 {
        %add3A_173 = arith.constant 2 : i32
        %add3A_174 = arith.addi %add3A_159, %add3A_173 : i32
        %dma_start3A_175 = arith.constant 0 : i32
        %dma_start3A_176 = tpu.memref_slice %arg7[%add3A_174, %dma_start3A_175] : memref<40x125xi32, #tpu.memory_space<vmem>> -> memref<1x125xi32, #tpu.memory_space<vmem>>
        %dma_start3A_177 = tpu.memref_squeeze %dma_start3A_176 : memref<1x125xi32, #tpu.memory_space<vmem>> -> memref<125xi32, #tpu.memory_space<vmem>>
        %dma_start3A_178 = arith.constant 0 : i32
        %dma_start3A_179 = arith.constant 0 : i32
        %dma_start3A_180 = tpu.memref_slice %arg2[%dma_start3A_178, %dma_start3A_179] : memref<10000x128xf32, #tpu.memory_space<hbm>> -> memref<10000x128xf32, #tpu.memory_space<hbm>>
        tpu.enqueue_indirect_dma source(%dma_start3A_180 : memref<10000x128xf32, #tpu.memory_space<hbm>>) target(%arg10 : memref<125x128xf32, #tpu.memory_space<vmem>>) offsets(%dma_start3A_177 : memref<125xi32, #tpu.memory_space<vmem>>) semaphore(%arg12 : memref<!tpu.dma_semaphore, #tpu.memory_space<semaphore_mem>>)
      } else {
      }
    }
    %scan3A_76 = arith.constant 20 : i32
    %dma_start3A_77 = arith.constant 40 : i32
    %dma_start3A_78 = arith.constant 0 : i32
    %dma_start3A_79 = tpu.memref_slice %arg3[%add3A, %dma_start3A_77, %dma_start3A_78] : memref<32x80x125xi32, #tpu.memory_space<hbm>> -> memref<1x40x125xi32, #tpu.memory_space<hbm>>
    %dma_start3A_80 = tpu.memref_squeeze %dma_start3A_79 : memref<1x40x125xi32, #tpu.memory_space<hbm>> -> memref<40x125xi32, #tpu.memory_space<hbm>>
    %dma_start3A_81 = arith.constant 40 : i32
    %dma_start3A_82 = arith.constant 0 : i32
    %dma_start3A_83 = tpu.memref_slice %arg3[%add3A, %dma_start3A_81, %dma_start3A_82] : memref<32x80x125xi32, #tpu.memory_space<hbm>> -> memref<1x40x125xi32, #tpu.memory_space<hbm>>
    %dma_start3A_84 = tpu.memref_squeeze %dma_start3A_83 : memref<1x40x125xi32, #tpu.memory_space<hbm>> -> memref<40x125xi32, #tpu.memory_space<hbm>>
    tpu.enqueue_dma source(%dma_start3A_84 : memref<40x125xi32, #tpu.memory_space<hbm>>) target(%arg7 : memref<40x125xi32, #tpu.memory_space<vmem>>) target_semaphore(%arg13 : memref<!tpu.dma_semaphore, #tpu.memory_space<semaphore_mem>>)
    %dma_start3A_85 = arith.constant 40 : i32
    %dma_start3A_86 = arith.constant 0 : i32
    %dma_start3A_87 = tpu.memref_slice %arg4[%add3A, %dma_start3A_85, %dma_start3A_86] : memref<32x80x125xi32, #tpu.memory_space<hbm>> -> memref<1x40x125xi32, #tpu.memory_space<hbm>>
    %dma_start3A_88 = tpu.memref_squeeze %dma_start3A_87 : memref<1x40x125xi32, #tpu.memory_space<hbm>> -> memref<40x125xi32, #tpu.memory_space<hbm>>
    %dma_start3A_89 = arith.constant 40 : i32
    %dma_start3A_90 = arith.constant 0 : i32
    %dma_start3A_91 = tpu.memref_slice %arg4[%add3A, %dma_start3A_89, %dma_start3A_90] : memref<32x80x125xi32, #tpu.memory_space<hbm>> -> memref<1x40x125xi32, #tpu.memory_space<hbm>>
    %dma_start3A_92 = tpu.memref_squeeze %dma_start3A_91 : memref<1x40x125xi32, #tpu.memory_space<hbm>> -> memref<40x125xi32, #tpu.memory_space<hbm>>
    tpu.enqueue_dma source(%dma_start3A_92 : memref<40x125xi32, #tpu.memory_space<hbm>>) target(%arg8 : memref<40x125xi32, #tpu.memory_space<vmem>>) target_semaphore(%arg14 : memref<!tpu.dma_semaphore, #tpu.memory_space<semaphore_mem>>)
    %dma_wait3A_93 = arith.constant 40 : i32
    %dma_wait3A_94 = arith.constant 0 : i32
    %dma_wait3A_95 = tpu.memref_slice %arg3[%add3A, %dma_wait3A_93, %dma_wait3A_94] : memref<32x80x125xi32, #tpu.memory_space<hbm>> -> memref<1x40x125xi32, #tpu.memory_space<hbm>>
    %dma_wait3A_96 = tpu.memref_squeeze %dma_wait3A_95 : memref<1x40x125xi32, #tpu.memory_space<hbm>> -> memref<40x125xi32, #tpu.memory_space<hbm>>
    %dma_wait3A_97 = arith.constant 40 : i32
    %dma_wait3A_98 = arith.constant 0 : i32
    %dma_wait3A_99 = tpu.memref_slice %arg3[%add3A, %dma_wait3A_97, %dma_wait3A_98] : memref<32x80x125xi32, #tpu.memory_space<hbm>> -> memref<1x40x125xi32, #tpu.memory_space<hbm>>
    %dma_wait3A_100 = tpu.memref_squeeze %dma_wait3A_99 : memref<1x40x125xi32, #tpu.memory_space<hbm>> -> memref<40x125xi32, #tpu.memory_space<hbm>>
    tpu.wait_dma2 semaphore(%arg13 : memref<!tpu.dma_semaphore, #tpu.memory_space<semaphore_mem>>) src(%dma_wait3A_100 : memref<40x125xi32, #tpu.memory_space<hbm>>) dst(%arg7 : memref<40x125xi32, #tpu.memory_space<vmem>>)
    %dma_wait3A_101 = arith.constant 40 : i32
    %dma_wait3A_102 = arith.constant 0 : i32
    %dma_wait3A_103 = tpu.memref_slice %arg4[%add3A, %dma_wait3A_101, %dma_wait3A_102] : memref<32x80x125xi32, #tpu.memory_space<hbm>> -> memref<1x40x125xi32, #tpu.memory_space<hbm>>
    %dma_wait3A_104 = tpu.memref_squeeze %dma_wait3A_103 : memref<1x40x125xi32, #tpu.memory_space<hbm>> -> memref<40x125xi32, #tpu.memory_space<hbm>>
    %dma_wait3A_105 = arith.constant 40 : i32
    %dma_wait3A_106 = arith.constant 0 : i32
    %dma_wait3A_107 = tpu.memref_slice %arg4[%add3A, %dma_wait3A_105, %dma_wait3A_106] : memref<32x80x125xi32, #tpu.memory_space<hbm>> -> memref<1x40x125xi32, #tpu.memory_space<hbm>>
    %dma_wait3A_108 = tpu.memref_squeeze %dma_wait3A_107 : memref<1x40x125xi32, #tpu.memory_space<hbm>> -> memref<40x125xi32, #tpu.memory_space<hbm>>
    tpu.wait_dma2 semaphore(%arg14 : memref<!tpu.dma_semaphore, #tpu.memory_space<semaphore_mem>>) src(%dma_wait3A_108 : memref<40x125xi32, #tpu.memory_space<hbm>>) dst(%arg8 : memref<40x125xi32, #tpu.memory_space<vmem>>)
    %dma_start3A_109 = arith.constant 0 : i32
    %dma_start3A_110 = arith.constant 0 : i32
    %dma_start3A_111 = tpu.memref_slice %arg7[%dma_start3A_109, %dma_start3A_110] : memref<40x125xi32, #tpu.memory_space<vmem>> -> memref<1x125xi32, #tpu.memory_space<vmem>>
    %dma_start3A_112 = tpu.memref_squeeze %dma_start3A_111 : memref<1x125xi32, #tpu.memory_space<vmem>> -> memref<125xi32, #tpu.memory_space<vmem>>
    %dma_start3A_113 = arith.constant 0 : i32
    %dma_start3A_114 = arith.constant 0 : i32
    %dma_start3A_115 = tpu.memref_slice %arg2[%dma_start3A_113, %dma_start3A_114] : memref<10000x128xf32, #tpu.memory_space<hbm>> -> memref<10000x128xf32, #tpu.memory_space<hbm>>
    tpu.enqueue_indirect_dma source(%dma_start3A_115 : memref<10000x128xf32, #tpu.memory_space<hbm>>) target(%arg9 : memref<125x128xf32, #tpu.memory_space<vmem>>) offsets(%dma_start3A_112 : memref<125xi32, #tpu.memory_space<vmem>>) semaphore(%arg11 : memref<!tpu.dma_semaphore, #tpu.memory_space<semaphore_mem>>)
    %dma_start3A_116 = arith.constant 1 : i32
    %dma_start3A_117 = arith.constant 0 : i32
    %dma_start3A_118 = tpu.memref_slice %arg7[%dma_start3A_116, %dma_start3A_117] : memref<40x125xi32, #tpu.memory_space<vmem>> -> memref<1x125xi32, #tpu.memory_space<vmem>>
    %dma_start3A_119 = tpu.memref_squeeze %dma_start3A_118 : memref<1x125xi32, #tpu.memory_space<vmem>> -> memref<125xi32, #tpu.memory_space<vmem>>
    %dma_start3A_120 = arith.constant 0 : i32
    %dma_start3A_121 = arith.constant 0 : i32
    %dma_start3A_122 = tpu.memref_slice %arg2[%dma_start3A_120, %dma_start3A_121] : memref<10000x128xf32, #tpu.memory_space<hbm>> -> memref<10000x128xf32, #tpu.memory_space<hbm>>
    tpu.enqueue_indirect_dma source(%dma_start3A_122 : memref<10000x128xf32, #tpu.memory_space<hbm>>) target(%arg10 : memref<125x128xf32, #tpu.memory_space<vmem>>) offsets(%dma_start3A_119 : memref<125xi32, #tpu.memory_space<vmem>>) semaphore(%arg12 : memref<!tpu.dma_semaphore, #tpu.memory_space<semaphore_mem>>)
    %scan3A_123 = arith.constant 0 : i32
    %scan3A_124 = arith.constant 0 : i32
    %scan3A_125 = arith.constant 20 : i32
    %scan3A_126 = arith.addi %scan3A_124, %scan3A_125 : i32
    %scan3A_127 = arith.constant 1 : i32
    scf.for %scan3A_140 = %scan3A_124 to %scan3A_126 step %scan3A_127  : i32 {
      %mul3A_141 = arith.constant 2 : i32
      %mul3A_142 = arith.muli %scan3A_140, %mul3A_141 : i32
      %add3A_143 = arith.constant 0 : i32
      %add3A_144 = arith.addi %mul3A_142, %add3A_143 : i32
      %dma_wait3A_145 = arith.constant 0 : i32
      %dma_wait3A_146 = tpu.memref_slice %arg7[%add3A_144, %dma_wait3A_145] : memref<40x125xi32, #tpu.memory_space<vmem>> -> memref<1x125xi32, #tpu.memory_space<vmem>>
      %dma_wait3A_147 = tpu.memref_squeeze %dma_wait3A_146 : memref<1x125xi32, #tpu.memory_space<vmem>> -> memref<125xi32, #tpu.memory_space<vmem>>
      %dma_wait3A_148 = arith.constant 0 : i32
      %dma_wait3A_149 = arith.constant 0 : i32
      %dma_wait3A_150 = tpu.memref_slice %arg2[%dma_wait3A_148, %dma_wait3A_149] : memref<10000x128xf32, #tpu.memory_space<hbm>> -> memref<10000x128xf32, #tpu.memory_space<hbm>>
      tpu.wait_indirect_dma semaphore(%arg11 : memref<!tpu.dma_semaphore, #tpu.memory_space<semaphore_mem>>) src(%dma_wait3A_150 : memref<10000x128xf32, #tpu.memory_space<hbm>>) dst(%arg9 : memref<125x128xf32, #tpu.memory_space<vmem>>)
      "tpu.region"() ({
        %run_scoped3A = tpu.sem_alloc : memref<!tpu.dma_semaphore, #tpu.memory_space<semaphore_mem>>
        %dma_start3A_173 = arith.constant 0 : i32
        %dma_start3A_174 = tpu.memref_slice %arg8[%add3A_144, %dma_start3A_173] : memref<40x125xi32, #tpu.memory_space<vmem>> -> memref<1x125xi32, #tpu.memory_space<vmem>>
        %dma_start3A_175 = tpu.memref_squeeze %dma_start3A_174 : memref<1x125xi32, #tpu.memory_space<vmem>> -> memref<125xi32, #tpu.memory_space<vmem>>
        %dma_start3A_176 = arith.constant 0 : i32
        %dma_start3A_177 = arith.constant 0 : i32
        %dma_start3A_178 = tpu.memref_slice %arg15[%dma_start3A_176, %dma_start3A_177] : memref<10240x128xf32, #tpu.memory_space<vmem_shared>> -> memref<10240x128xf32, #tpu.memory_space<vmem_shared>>
        tpu.enqueue_indirect_dma source(%arg9 : memref<125x128xf32, #tpu.memory_space<vmem>>) target(%dma_start3A_178 : memref<10240x128xf32, #tpu.memory_space<vmem_shared>>) offsets(%dma_start3A_175 : memref<125xi32, #tpu.memory_space<vmem>>) semaphore(%run_scoped3A : memref<!tpu.dma_semaphore, #tpu.memory_space<semaphore_mem>>) {add = true}
        %dma_wait3A_179 = arith.constant 0 : i32
        %dma_wait3A_180 = tpu.memref_slice %arg8[%add3A_144, %dma_wait3A_179] : memref<40x125xi32, #tpu.memory_space<vmem>> -> memref<1x125xi32, #tpu.memory_space<vmem>>
        %dma_wait3A_181 = tpu.memref_squeeze %dma_wait3A_180 : memref<1x125xi32, #tpu.memory_space<vmem>> -> memref<125xi32, #tpu.memory_space<vmem>>
        %dma_wait3A_182 = arith.constant 0 : i32
        %dma_wait3A_183 = arith.constant 0 : i32
        %dma_wait3A_184 = tpu.memref_slice %arg15[%dma_wait3A_182, %dma_wait3A_183] : memref<10240x128xf32, #tpu.memory_space<vmem_shared>> -> memref<10240x128xf32, #tpu.memory_space<vmem_shared>>
        tpu.wait_indirect_dma semaphore(%run_scoped3A : memref<!tpu.dma_semaphore, #tpu.memory_space<semaphore_mem>>) src(%arg9 : memref<125x128xf32, #tpu.memory_space<vmem>>) dst(%dma_wait3A_184 : memref<10240x128xf32, #tpu.memory_space<vmem_shared>>)
        tpu.yield
      }) : () -> ()
      %add3A_151 = arith.constant 2 : i32
      %add3A_152 = arith.addi %add3A_144, %add3A_151 : i32
      %lt3A_153 = arith.constant 40 : i32
      %lt3A_154 = arith.cmpi slt, %add3A_152, %lt3A_153 : i32
      %convert_element_type3A_155 = arith.extui %lt3A_154 : i1 to i32
      %cond3A_156 = arith.constant 0 : i32
      %cond3A_157 = arith.cmpi ne, %convert_element_type3A_155, %cond3A_156 : i32
      scf.if %cond3A_157 {
        %add3A_173 = arith.constant 2 : i32
        %add3A_174 = arith.addi %add3A_144, %add3A_173 : i32
        %dma_start3A_175 = arith.constant 0 : i32
        %dma_start3A_176 = tpu.memref_slice %arg7[%add3A_174, %dma_start3A_175] : memref<40x125xi32, #tpu.memory_space<vmem>> -> memref<1x125xi32, #tpu.memory_space<vmem>>
        %dma_start3A_177 = tpu.memref_squeeze %dma_start3A_176 : memref<1x125xi32, #tpu.memory_space<vmem>> -> memref<125xi32, #tpu.memory_space<vmem>>
        %dma_start3A_178 = arith.constant 0 : i32
        %dma_start3A_179 = arith.constant 0 : i32
        %dma_start3A_180 = tpu.memref_slice %arg2[%dma_start3A_178, %dma_start3A_179] : memref<10000x128xf32, #tpu.memory_space<hbm>> -> memref<10000x128xf32, #tpu.memory_space<hbm>>
        tpu.enqueue_indirect_dma source(%dma_start3A_180 : memref<10000x128xf32, #tpu.memory_space<hbm>>) target(%arg9 : memref<125x128xf32, #tpu.memory_space<vmem>>) offsets(%dma_start3A_177 : memref<125xi32, #tpu.memory_space<vmem>>) semaphore(%arg11 : memref<!tpu.dma_semaphore, #tpu.memory_space<semaphore_mem>>)
      } else {
      }
      %add3A_158 = arith.constant 1 : i32
      %add3A_159 = arith.addi %mul3A_142, %add3A_158 : i32
      %dma_wait3A_160 = arith.constant 0 : i32
      %dma_wait3A_161 = tpu.memref_slice %arg7[%add3A_159, %dma_wait3A_160] : memref<40x125xi32, #tpu.memory_space<vmem>> -> memref<1x125xi32, #tpu.memory_space<vmem>>
      %dma_wait3A_162 = tpu.memref_squeeze %dma_wait3A_161 : memref<1x125xi32, #tpu.memory_space<vmem>> -> memref<125xi32, #tpu.memory_space<vmem>>
      %dma_wait3A_163 = arith.constant 0 : i32
      %dma_wait3A_164 = arith.constant 0 : i32
      %dma_wait3A_165 = tpu.memref_slice %arg2[%dma_wait3A_163, %dma_wait3A_164] : memref<10000x128xf32, #tpu.memory_space<hbm>> -> memref<10000x128xf32, #tpu.memory_space<hbm>>
      tpu.wait_indirect_dma semaphore(%arg12 : memref<!tpu.dma_semaphore, #tpu.memory_space<semaphore_mem>>) src(%dma_wait3A_165 : memref<10000x128xf32, #tpu.memory_space<hbm>>) dst(%arg10 : memref<125x128xf32, #tpu.memory_space<vmem>>)
      "tpu.region"() ({
        %run_scoped3A = tpu.sem_alloc : memref<!tpu.dma_semaphore, #tpu.memory_space<semaphore_mem>>
        %dma_start3A_173 = arith.constant 0 : i32
        %dma_start3A_174 = tpu.memref_slice %arg8[%add3A_159, %dma_start3A_173] : memref<40x125xi32, #tpu.memory_space<vmem>> -> memref<1x125xi32, #tpu.memory_space<vmem>>
        %dma_start3A_175 = tpu.memref_squeeze %dma_start3A_174 : memref<1x125xi32, #tpu.memory_space<vmem>> -> memref<125xi32, #tpu.memory_space<vmem>>
        %dma_start3A_176 = arith.constant 0 : i32
        %dma_start3A_177 = arith.constant 0 : i32
        %dma_start3A_178 = tpu.memref_slice %arg15[%dma_start3A_176, %dma_start3A_177] : memref<10240x128xf32, #tpu.memory_space<vmem_shared>> -> memref<10240x128xf32, #tpu.memory_space<vmem_shared>>
        tpu.enqueue_indirect_dma source(%arg10 : memref<125x128xf32, #tpu.memory_space<vmem>>) target(%dma_start3A_178 : memref<10240x128xf32, #tpu.memory_space<vmem_shared>>) offsets(%dma_start3A_175 : memref<125xi32, #tpu.memory_space<vmem>>) semaphore(%run_scoped3A : memref<!tpu.dma_semaphore, #tpu.memory_space<semaphore_mem>>) {add = true}
        %dma_wait3A_179 = arith.constant 0 : i32
        %dma_wait3A_180 = tpu.memref_slice %arg8[%add3A_159, %dma_wait3A_179] : memref<40x125xi32, #tpu.memory_space<vmem>> -> memref<1x125xi32, #tpu.memory_space<vmem>>
        %dma_wait3A_181 = tpu.memref_squeeze %dma_wait3A_180 : memref<1x125xi32, #tpu.memory_space<vmem>> -> memref<125xi32, #tpu.memory_space<vmem>>
        %dma_wait3A_182 = arith.constant 0 : i32
        %dma_wait3A_183 = arith.constant 0 : i32
        %dma_wait3A_184 = tpu.memref_slice %arg15[%dma_wait3A_182, %dma_wait3A_183] : memref<10240x128xf32, #tpu.memory_space<vmem_shared>> -> memref<10240x128xf32, #tpu.memory_space<vmem_shared>>
        tpu.wait_indirect_dma semaphore(%run_scoped3A : memref<!tpu.dma_semaphore, #tpu.memory_space<semaphore_mem>>) src(%arg10 : memref<125x128xf32, #tpu.memory_space<vmem>>) dst(%dma_wait3A_184 : memref<10240x128xf32, #tpu.memory_space<vmem_shared>>)
        tpu.yield
      }) : () -> ()
      %add3A_166 = arith.constant 2 : i32
      %add3A_167 = arith.addi %add3A_159, %add3A_166 : i32
      %lt3A_168 = arith.constant 40 : i32
      %lt3A_169 = arith.cmpi slt, %add3A_167, %lt3A_168 : i32
      %convert_element_type3A_170 = arith.extui %lt3A_169 : i1 to i32
      %cond3A_171 = arith.constant 0 : i32
      %cond3A_172 = arith.cmpi ne, %convert_element_type3A_170, %cond3A_171 : i32
      scf.if %cond3A_172 {
        %add3A_173 = arith.constant 2 : i32
        %add3A_174 = arith.addi %add3A_159, %add3A_173 : i32
        %dma_start3A_175 = arith.constant 0 : i32
        %dma_start3A_176 = tpu.memref_slice %arg7[%add3A_174, %dma_start3A_175] : memref<40x125xi32, #tpu.memory_space<vmem>> -> memref<1x125xi32, #tpu.memory_space<vmem>>
        %dma_start3A_177 = tpu.memref_squeeze %dma_start3A_176 : memref<1x125xi32, #tpu.memory_space<vmem>> -> memref<125xi32, #tpu.memory_space<vmem>>
        %dma_start3A_178 = arith.constant 0 : i32
        %dma_start3A_179 = arith.constant 0 : i32
        %dma_start3A_180 = tpu.memref_slice %arg2[%dma_start3A_178, %dma_start3A_179] : memref<10000x128xf32, #tpu.memory_space<hbm>> -> memref<10000x128xf32, #tpu.memory_space<hbm>>
        tpu.enqueue_indirect_dma source(%dma_start3A_180 : memref<10000x128xf32, #tpu.memory_space<hbm>>) target(%arg10 : memref<125x128xf32, #tpu.memory_space<vmem>>) offsets(%dma_start3A_177 : memref<125xi32, #tpu.memory_space<vmem>>) semaphore(%arg12 : memref<!tpu.dma_semaphore, #tpu.memory_space<semaphore_mem>>)
      } else {
      }
    }
    %scan3A_128 = arith.constant 20 : i32
    %barrier3A_129 = arith.constant 0 : index
    tpu.barrier barrier_id(%barrier3A_129)
    %lt3A_130 = arith.constant 15 : i32
    %lt3A_131 = arith.cmpi slt, %arg1, %lt3A_130 : i32
    %convert_element_type3A_132 = arith.extui %lt3A_131 : i1 to i32
    %cond3A_133 = arith.constant 0 : i32
    %cond3A_134 = arith.cmpi ne, %convert_element_type3A_132, %cond3A_133 : i32
    scf.if %cond3A_134 {
      %mul3A_140 = arith.constant 640 : i32
      %mul3A_141 = arith.muli %arg1, %mul3A_140 : i32
      %mul3A_142 = arith.constant 640 : i32
      %mul3A_143 = arith.muli %arg1, %mul3A_142 : i32
      "tpu.region"() ({
        %run_scoped3A = tpu.sem_alloc : memref<!tpu.dma_semaphore, #tpu.memory_space<semaphore_mem>>
        %dma_start3A_144 = arith.constant 0 : i32
        %dma_start3A_145 = tpu.memref_slice %arg6[%arg0, %mul3A_143, %dma_start3A_144] : memref<2x10240x128xf32, #tpu.memory_space<hbm>> -> memref<1x640x128xf32, #tpu.memory_space<hbm>>
        %dma_start3A_146 = tpu.memref_squeeze %dma_start3A_145 : memref<1x640x128xf32, #tpu.memory_space<hbm>> -> memref<640x128xf32, #tpu.memory_space<hbm>>
        %dma_start3A_147 = arith.constant 0 : i32
        %dma_start3A_148 = tpu.memref_slice %arg15[%mul3A_141, %dma_start3A_147] : memref<10240x128xf32, #tpu.memory_space<vmem_shared>> -> memref<640x128xf32, #tpu.memory_space<vmem_shared>>
        tpu.enqueue_dma source(%dma_start3A_148 : memref<640x128xf32, #tpu.memory_space<vmem_shared>>) target(%dma_start3A_146 : memref<640x128xf32, #tpu.memory_space<hbm>>) target_semaphore(%run_scoped3A : memref<!tpu.dma_semaphore, #tpu.memory_space<semaphore_mem>>)
        %dma_wait3A_149 = arith.constant 0 : i32
        %dma_wait3A_150 = tpu.memref_slice %arg6[%arg0, %mul3A_143, %dma_wait3A_149] : memref<2x10240x128xf32, #tpu.memory_space<hbm>> -> memref<1x640x128xf32, #tpu.memory_space<hbm>>
        %dma_wait3A_151 = tpu.memref_squeeze %dma_wait3A_150 : memref<1x640x128xf32, #tpu.memory_space<hbm>> -> memref<640x128xf32, #tpu.memory_space<hbm>>
        %dma_wait3A_152 = arith.constant 0 : i32
        %dma_wait3A_153 = tpu.memref_slice %arg15[%mul3A_141, %dma_wait3A_152] : memref<10240x128xf32, #tpu.memory_space<vmem_shared>> -> memref<640x128xf32, #tpu.memory_space<vmem_shared>>
        tpu.wait_dma2 semaphore(%run_scoped3A : memref<!tpu.dma_semaphore, #tpu.memory_space<semaphore_mem>>) src(%dma_wait3A_153 : memref<640x128xf32, #tpu.memory_space<vmem_shared>>) dst(%dma_wait3A_151 : memref<640x128xf32, #tpu.memory_space<hbm>>)
        tpu.yield
      }) : () -> ()
    } else {
    }
    %eq3A_135 = arith.constant 15 : i32
    %eq3A_136 = arith.cmpi eq, %arg1, %eq3A_135 : i32
    %convert_element_type3A_137 = arith.extui %eq3A_136 : i1 to i32
    %cond3A_138 = arith.constant 0 : i32
    %cond3A_139 = arith.cmpi ne, %convert_element_type3A_137, %cond3A_138 : i32
    scf.if %cond3A_139 {
      "tpu.region"() ({
        %run_scoped3A = tpu.sem_alloc : memref<!tpu.dma_semaphore, #tpu.memory_space<semaphore_mem>>
        %dma_start3A_140 = arith.constant 9600 : i32
        %dma_start3A_141 = arith.constant 0 : i32
        %dma_start3A_142 = tpu.memref_slice %arg6[%arg0, %dma_start3A_140, %dma_start3A_141] : memref<2x10240x128xf32, #tpu.memory_space<hbm>> -> memref<1x400x128xf32, #tpu.memory_space<hbm>>
        %dma_start3A_143 = tpu.memref_squeeze %dma_start3A_142 : memref<1x400x128xf32, #tpu.memory_space<hbm>> -> memref<400x128xf32, #tpu.memory_space<hbm>>
        %dma_start3A_144 = arith.constant 9600 : i32
        %dma_start3A_145 = arith.constant 0 : i32
        %dma_start3A_146 = tpu.memref_slice %arg15[%dma_start3A_144, %dma_start3A_145] : memref<10240x128xf32, #tpu.memory_space<vmem_shared>> -> memref<400x128xf32, #tpu.memory_space<vmem_shared>>
        tpu.enqueue_dma source(%dma_start3A_146 : memref<400x128xf32, #tpu.memory_space<vmem_shared>>) target(%dma_start3A_143 : memref<400x128xf32, #tpu.memory_space<hbm>>) target_semaphore(%run_scoped3A : memref<!tpu.dma_semaphore, #tpu.memory_space<semaphore_mem>>)
        %dma_wait3A_147 = arith.constant 9600 : i32
        %dma_wait3A_148 = arith.constant 0 : i32
        %dma_wait3A_149 = tpu.memref_slice %arg6[%arg0, %dma_wait3A_147, %dma_wait3A_148] : memref<2x10240x128xf32, #tpu.memory_space<hbm>> -> memref<1x400x128xf32, #tpu.memory_space<hbm>>
        %dma_wait3A_150 = tpu.memref_squeeze %dma_wait3A_149 : memref<1x400x128xf32, #tpu.memory_space<hbm>> -> memref<400x128xf32, #tpu.memory_space<hbm>>
        %dma_wait3A_151 = arith.constant 9600 : i32
        %dma_wait3A_152 = arith.constant 0 : i32
        %dma_wait3A_153 = tpu.memref_slice %arg15[%dma_wait3A_151, %dma_wait3A_152] : memref<10240x128xf32, #tpu.memory_space<vmem_shared>> -> memref<400x128xf32, #tpu.memory_space<vmem_shared>>
        tpu.wait_dma2 semaphore(%run_scoped3A : memref<!tpu.dma_semaphore, #tpu.memory_space<semaphore_mem>>) src(%dma_wait3A_153 : memref<400x128xf32, #tpu.memory_space<vmem_shared>>) dst(%dma_wait3A_150 : memref<400x128xf32, #tpu.memory_space<hbm>>)
        tpu.yield
      }) : () -> ()
    } else {
    }
    return
  }
}

#map = affine_map<(d0, d1) -> (0, 0)>
#map1 = affine_map<(d0, d1) -> (0, 0, 0)>
module attributes {stable_mosaic.version = 14 : i64} {
  func.func @_sc_edge_sum(%arg0: i32, %arg1: i32, %arg2: memref<10000x128xf32, #tpu.memory_space<hbm>>, %arg3: memref<32x80x125xi32, #tpu.memory_space<hbm>>, %arg4: memref<32x80x125xi32, #tpu.memory_space<hbm>>, %arg5: memref<640x128xf32, #tpu.memory_space<hbm>>, %arg6: memref<2x10240x128xf32, #tpu.memory_space<hbm>>, %arg7: memref<40x125xi32, #tpu.memory_space<vmem>>, %arg8: memref<40x125xi32, #tpu.memory_space<vmem>>, %arg9: memref<125x128xf32, #tpu.memory_space<vmem>>, %arg10: memref<125x128xf32, #tpu.memory_space<vmem>>, %arg11: memref<!tpu.dma_semaphore, #tpu.memory_space<semaphore_mem>>, %arg12: memref<!tpu.dma_semaphore, #tpu.memory_space<semaphore_mem>>, %arg13: memref<!tpu.dma_semaphore, #tpu.memory_space<semaphore_mem>>, %arg14: memref<!tpu.dma_semaphore, #tpu.memory_space<semaphore_mem>>, %arg15: memref<10240x128xf32, #tpu.memory_space<vmem_shared>>) attributes {dimension_semantics = [#tpu.dimension_semantics<core_parallel>, #tpu.dimension_semantics<subcore_parallel>], iteration_bounds = array<i64: 2, 16>, scalar_prefetch = 0 : i64, scratch_operands = 9 : i64, tpu.core_type = #tpu.core_type<sc_vector_subcore>, window_params = [{transform_indices = #map}, {transform_indices = #map1}, {transform_indices = #map1}, {transform_indices = #map}, {transform_indices = #map1}]} {
    %mul3A = arith.constant 2 : i32
    %mul3A_0 = arith.muli %arg1, %mul3A : i32
    %add3A = arith.addi %mul3A_0, %arg0 : i32
    %dma_start3A = arith.constant 0 : i32
    %dma_start3A_1 = arith.constant 0 : i32
    %dma_start3A_2 = tpu.memref_slice %arg3[%add3A, %dma_start3A, %dma_start3A_1] : memref<32x80x125xi32, #tpu.memory_space<hbm>> -> memref<1x40x125xi32, #tpu.memory_space<hbm>>
    %dma_start3A_3 = tpu.memref_squeeze %dma_start3A_2 : memref<1x40x125xi32, #tpu.memory_space<hbm>> -> memref<40x125xi32, #tpu.memory_space<hbm>>
    %dma_start3A_4 = arith.constant 0 : i32
    %dma_start3A_5 = arith.constant 0 : i32
    %dma_start3A_6 = tpu.memref_slice %arg3[%add3A, %dma_start3A_4, %dma_start3A_5] : memref<32x80x125xi32, #tpu.memory_space<hbm>> -> memref<1x40x125xi32, #tpu.memory_space<hbm>>
    %dma_start3A_7 = tpu.memref_squeeze %dma_start3A_6 : memref<1x40x125xi32, #tpu.memory_space<hbm>> -> memref<40x125xi32, #tpu.memory_space<hbm>>
    tpu.enqueue_dma source(%dma_start3A_7 : memref<40x125xi32, #tpu.memory_space<hbm>>) target(%arg7 : memref<40x125xi32, #tpu.memory_space<vmem>>) target_semaphore(%arg13 : memref<!tpu.dma_semaphore, #tpu.memory_space<semaphore_mem>>)
    %dma_start3A_8 = arith.constant 0 : i32
    %dma_start3A_9 = arith.constant 0 : i32
    %dma_start3A_10 = tpu.memref_slice %arg4[%add3A, %dma_start3A_8, %dma_start3A_9] : memref<32x80x125xi32, #tpu.memory_space<hbm>> -> memref<1x40x125xi32, #tpu.memory_space<hbm>>
    %dma_start3A_11 = tpu.memref_squeeze %dma_start3A_10 : memref<1x40x125xi32, #tpu.memory_space<hbm>> -> memref<40x125xi32, #tpu.memory_space<hbm>>
    %dma_start3A_12 = arith.constant 0 : i32
    %dma_start3A_13 = arith.constant 0 : i32
    %dma_start3A_14 = tpu.memref_slice %arg4[%add3A, %dma_start3A_12, %dma_start3A_13] : memref<32x80x125xi32, #tpu.memory_space<hbm>> -> memref<1x40x125xi32, #tpu.memory_space<hbm>>
    %dma_start3A_15 = tpu.memref_squeeze %dma_start3A_14 : memref<1x40x125xi32, #tpu.memory_space<hbm>> -> memref<40x125xi32, #tpu.memory_space<hbm>>
    tpu.enqueue_dma source(%dma_start3A_15 : memref<40x125xi32, #tpu.memory_space<hbm>>) target(%arg8 : memref<40x125xi32, #tpu.memory_space<vmem>>) target_semaphore(%arg14 : memref<!tpu.dma_semaphore, #tpu.memory_space<semaphore_mem>>)
    %eq3A = arith.constant 0 : i32
    %eq3A_16 = arith.cmpi eq, %arg0, %eq3A : i32
    %lt3A = arith.constant 15 : i32
    %lt3A_17 = arith.cmpi slt, %arg1, %lt3A : i32
    %and3A = arith.andi %eq3A_16, %lt3A_17 : i1
    %convert_element_type3A = arith.extui %and3A : i1 to i32
    %cond3A = arith.constant 0 : i32
    %cond3A_18 = arith.cmpi ne, %convert_element_type3A, %cond3A : i32
    scf.if %cond3A_18 {
      %mul3A_140 = arith.constant 640 : i32
      %mul3A_141 = arith.muli %arg1, %mul3A_140 : i32
      %mul3A_142 = arith.constant 640 : i32
      %mul3A_143 = arith.muli %arg1, %mul3A_142 : i32
      "tpu.region"() ({
        %run_scoped3A = tpu.sem_alloc : memref<!tpu.dma_semaphore, #tpu.memory_space<semaphore_mem>>
        %dma_start3A_144 = arith.constant 0 : i32
        %dma_start3A_145 = tpu.memref_slice %arg15[%mul3A_143, %dma_start3A_144] : memref<10240x128xf32, #tpu.memory_space<vmem_shared>> -> memref<640x128xf32, #tpu.memory_space<vmem_shared>>
        %dma_start3A_146 = arith.constant 0 : i32
        %dma_start3A_147 = tpu.memref_slice %arg2[%mul3A_141, %dma_start3A_146] : memref<10000x128xf32, #tpu.memory_space<hbm>> -> memref<640x128xf32, #tpu.memory_space<hbm>>
        tpu.enqueue_dma source(%dma_start3A_147 : memref<640x128xf32, #tpu.memory_space<hbm>>) target(%dma_start3A_145 : memref<640x128xf32, #tpu.memory_space<vmem_shared>>) target_semaphore(%run_scoped3A : memref<!tpu.dma_semaphore, #tpu.memory_space<semaphore_mem>>)
        %dma_wait3A_148 = arith.constant 0 : i32
        %dma_wait3A_149 = tpu.memref_slice %arg15[%mul3A_143, %dma_wait3A_148] : memref<10240x128xf32, #tpu.memory_space<vmem_shared>> -> memref<640x128xf32, #tpu.memory_space<vmem_shared>>
        %dma_wait3A_150 = arith.constant 0 : i32
        %dma_wait3A_151 = tpu.memref_slice %arg2[%mul3A_141, %dma_wait3A_150] : memref<10000x128xf32, #tpu.memory_space<hbm>> -> memref<640x128xf32, #tpu.memory_space<hbm>>
        tpu.wait_dma2 semaphore(%run_scoped3A : memref<!tpu.dma_semaphore, #tpu.memory_space<semaphore_mem>>) src(%dma_wait3A_151 : memref<640x128xf32, #tpu.memory_space<hbm>>) dst(%dma_wait3A_149 : memref<640x128xf32, #tpu.memory_space<vmem_shared>>)
        tpu.yield
      }) : () -> ()
    } else {
    }
    %eq3A_19 = arith.constant 0 : i32
    %eq3A_20 = arith.cmpi eq, %arg0, %eq3A_19 : i32
    %eq3A_21 = arith.constant 15 : i32
    %eq3A_22 = arith.cmpi eq, %arg1, %eq3A_21 : i32
    %and3A_23 = arith.andi %eq3A_20, %eq3A_22 : i1
    %convert_element_type3A_24 = arith.extui %and3A_23 : i1 to i32
    %cond3A_25 = arith.constant 0 : i32
    %cond3A_26 = arith.cmpi ne, %convert_element_type3A_24, %cond3A_25 : i32
    scf.if %cond3A_26 {
      "tpu.region"() ({
        %run_scoped3A = tpu.sem_alloc : memref<!tpu.dma_semaphore, #tpu.memory_space<semaphore_mem>>
        %dma_start3A_140 = arith.constant 9600 : i32
        %dma_start3A_141 = arith.constant 0 : i32
        %dma_start3A_142 = tpu.memref_slice %arg15[%dma_start3A_140, %dma_start3A_141] : memref<10240x128xf32, #tpu.memory_space<vmem_shared>> -> memref<400x128xf32, #tpu.memory_space<vmem_shared>>
        %dma_start3A_143 = arith.constant 9600 : i32
        %dma_start3A_144 = arith.constant 0 : i32
        %dma_start3A_145 = tpu.memref_slice %arg2[%dma_start3A_143, %dma_start3A_144] : memref<10000x128xf32, #tpu.memory_space<hbm>> -> memref<400x128xf32, #tpu.memory_space<hbm>>
        tpu.enqueue_dma source(%dma_start3A_145 : memref<400x128xf32, #tpu.memory_space<hbm>>) target(%dma_start3A_142 : memref<400x128xf32, #tpu.memory_space<vmem_shared>>) target_semaphore(%run_scoped3A : memref<!tpu.dma_semaphore, #tpu.memory_space<semaphore_mem>>)
        %dma_wait3A_146 = arith.constant 9600 : i32
        %dma_wait3A_147 = arith.constant 0 : i32
        %dma_wait3A_148 = tpu.memref_slice %arg15[%dma_wait3A_146, %dma_wait3A_147] : memref<10240x128xf32, #tpu.memory_space<vmem_shared>> -> memref<400x128xf32, #tpu.memory_space<vmem_shared>>
        %dma_wait3A_149 = arith.constant 9600 : i32
        %dma_wait3A_150 = arith.constant 0 : i32
        %dma_wait3A_151 = tpu.memref_slice %arg2[%dma_wait3A_149, %dma_wait3A_150] : memref<10000x128xf32, #tpu.memory_space<hbm>> -> memref<400x128xf32, #tpu.memory_space<hbm>>
        tpu.wait_dma2 semaphore(%run_scoped3A : memref<!tpu.dma_semaphore, #tpu.memory_space<semaphore_mem>>) src(%dma_wait3A_151 : memref<400x128xf32, #tpu.memory_space<hbm>>) dst(%dma_wait3A_148 : memref<400x128xf32, #tpu.memory_space<vmem_shared>>)
        tpu.yield
      }) : () -> ()
    } else {
    }
    %eq3A_27 = arith.constant 1 : i32
    %eq3A_28 = arith.cmpi eq, %arg0, %eq3A_27 : i32
    %lt3A_29 = arith.constant 15 : i32
    %lt3A_30 = arith.cmpi slt, %arg1, %lt3A_29 : i32
    %and3A_31 = arith.andi %eq3A_28, %lt3A_30 : i1
    %convert_element_type3A_32 = arith.extui %and3A_31 : i1 to i32
    %cond3A_33 = arith.constant 0 : i32
    %cond3A_34 = arith.cmpi ne, %convert_element_type3A_32, %cond3A_33 : i32
    scf.if %cond3A_34 {
      %mul3A_140 = arith.constant 640 : i32
      %mul3A_141 = arith.muli %arg1, %mul3A_140 : i32
      "tpu.region"() ({
        %run_scoped3A = tpu.sem_alloc : memref<!tpu.dma_semaphore, #tpu.memory_space<semaphore_mem>>
        %dma_start3A_142 = arith.constant 0 : i32
        %dma_start3A_143 = tpu.memref_slice %arg15[%mul3A_141, %dma_start3A_142] : memref<10240x128xf32, #tpu.memory_space<vmem_shared>> -> memref<640x128xf32, #tpu.memory_space<vmem_shared>>
        tpu.enqueue_dma source(%arg5 : memref<640x128xf32, #tpu.memory_space<hbm>>) target(%dma_start3A_143 : memref<640x128xf32, #tpu.memory_space<vmem_shared>>) target_semaphore(%run_scoped3A : memref<!tpu.dma_semaphore, #tpu.memory_space<semaphore_mem>>)
        %dma_wait3A_144 = arith.constant 0 : i32
        %dma_wait3A_145 = tpu.memref_slice %arg15[%mul3A_141, %dma_wait3A_144] : memref<10240x128xf32, #tpu.memory_space<vmem_shared>> -> memref<640x128xf32, #tpu.memory_space<vmem_shared>>
        tpu.wait_dma2 semaphore(%run_scoped3A : memref<!tpu.dma_semaphore, #tpu.memory_space<semaphore_mem>>) src(%arg5 : memref<640x128xf32, #tpu.memory_space<hbm>>) dst(%dma_wait3A_145 : memref<640x128xf32, #tpu.memory_space<vmem_shared>>)
        tpu.yield
      }) : () -> ()
    } else {
    }
    %eq3A_35 = arith.constant 1 : i32
    %eq3A_36 = arith.cmpi eq, %arg0, %eq3A_35 : i32
    %eq3A_37 = arith.constant 15 : i32
    %eq3A_38 = arith.cmpi eq, %arg1, %eq3A_37 : i32
    %and3A_39 = arith.andi %eq3A_36, %eq3A_38 : i1
    %convert_element_type3A_40 = arith.extui %and3A_39 : i1 to i32
    %cond3A_41 = arith.constant 0 : i32
    %cond3A_42 = arith.cmpi ne, %convert_element_type3A_40, %cond3A_41 : i32
    scf.if %cond3A_42 {
      "tpu.region"() ({
        %run_scoped3A = tpu.sem_alloc : memref<!tpu.dma_semaphore, #tpu.memory_space<semaphore_mem>>
        %dma_start3A_140 = arith.constant 9600 : i32
        %dma_start3A_141 = arith.constant 0 : i32
        %dma_start3A_142 = tpu.memref_slice %arg15[%dma_start3A_140, %dma_start3A_141] : memref<10240x128xf32, #tpu.memory_space<vmem_shared>> -> memref<400x128xf32, #tpu.memory_space<vmem_shared>>
        %dma_start3A_143 = arith.constant 0 : i32
        %dma_start3A_144 = arith.constant 0 : i32
        %dma_start3A_145 = tpu.memref_slice %arg5[%dma_start3A_143, %dma_start3A_144] : memref<640x128xf32, #tpu.memory_space<hbm>> -> memref<400x128xf32, #tpu.memory_space<hbm>>
        tpu.enqueue_dma source(%dma_start3A_145 : memref<400x128xf32, #tpu.memory_space<hbm>>) target(%dma_start3A_142 : memref<400x128xf32, #tpu.memory_space<vmem_shared>>) target_semaphore(%run_scoped3A : memref<!tpu.dma_semaphore, #tpu.memory_space<semaphore_mem>>)
        %dma_wait3A_146 = arith.constant 9600 : i32
        %dma_wait3A_147 = arith.constant 0 : i32
        %dma_wait3A_148 = tpu.memref_slice %arg15[%dma_wait3A_146, %dma_wait3A_147] : memref<10240x128xf32, #tpu.memory_space<vmem_shared>> -> memref<400x128xf32, #tpu.memory_space<vmem_shared>>
        %dma_wait3A_149 = arith.constant 0 : i32
        %dma_wait3A_150 = arith.constant 0 : i32
        %dma_wait3A_151 = tpu.memref_slice %arg5[%dma_wait3A_149, %dma_wait3A_150] : memref<640x128xf32, #tpu.memory_space<hbm>> -> memref<400x128xf32, #tpu.memory_space<hbm>>
        tpu.wait_dma2 semaphore(%run_scoped3A : memref<!tpu.dma_semaphore, #tpu.memory_space<semaphore_mem>>) src(%dma_wait3A_151 : memref<400x128xf32, #tpu.memory_space<hbm>>) dst(%dma_wait3A_148 : memref<400x128xf32, #tpu.memory_space<vmem_shared>>)
        tpu.yield
      }) : () -> ()
    } else {
    }
    %dma_wait3A = arith.constant 0 : i32
    %dma_wait3A_43 = arith.constant 0 : i32
    %dma_wait3A_44 = tpu.memref_slice %arg3[%add3A, %dma_wait3A, %dma_wait3A_43] : memref<32x80x125xi32, #tpu.memory_space<hbm>> -> memref<1x40x125xi32, #tpu.memory_space<hbm>>
    %dma_wait3A_45 = tpu.memref_squeeze %dma_wait3A_44 : memref<1x40x125xi32, #tpu.memory_space<hbm>> -> memref<40x125xi32, #tpu.memory_space<hbm>>
    %dma_wait3A_46 = arith.constant 0 : i32
    %dma_wait3A_47 = arith.constant 0 : i32
    %dma_wait3A_48 = tpu.memref_slice %arg3[%add3A, %dma_wait3A_46, %dma_wait3A_47] : memref<32x80x125xi32, #tpu.memory_space<hbm>> -> memref<1x40x125xi32, #tpu.memory_space<hbm>>
    %dma_wait3A_49 = tpu.memref_squeeze %dma_wait3A_48 : memref<1x40x125xi32, #tpu.memory_space<hbm>> -> memref<40x125xi32, #tpu.memory_space<hbm>>
    tpu.wait_dma2 semaphore(%arg13 : memref<!tpu.dma_semaphore, #tpu.memory_space<semaphore_mem>>) src(%dma_wait3A_49 : memref<40x125xi32, #tpu.memory_space<hbm>>) dst(%arg7 : memref<40x125xi32, #tpu.memory_space<vmem>>)
    %dma_wait3A_50 = arith.constant 0 : i32
    %dma_wait3A_51 = arith.constant 0 : i32
    %dma_wait3A_52 = tpu.memref_slice %arg4[%add3A, %dma_wait3A_50, %dma_wait3A_51] : memref<32x80x125xi32, #tpu.memory_space<hbm>> -> memref<1x40x125xi32, #tpu.memory_space<hbm>>
    %dma_wait3A_53 = tpu.memref_squeeze %dma_wait3A_52 : memref<1x40x125xi32, #tpu.memory_space<hbm>> -> memref<40x125xi32, #tpu.memory_space<hbm>>
    %dma_wait3A_54 = arith.constant 0 : i32
    %dma_wait3A_55 = arith.constant 0 : i32
    %dma_wait3A_56 = tpu.memref_slice %arg4[%add3A, %dma_wait3A_54, %dma_wait3A_55] : memref<32x80x125xi32, #tpu.memory_space<hbm>> -> memref<1x40x125xi32, #tpu.memory_space<hbm>>
    %dma_wait3A_57 = tpu.memref_squeeze %dma_wait3A_56 : memref<1x40x125xi32, #tpu.memory_space<hbm>> -> memref<40x125xi32, #tpu.memory_space<hbm>>
    tpu.wait_dma2 semaphore(%arg14 : memref<!tpu.dma_semaphore, #tpu.memory_space<semaphore_mem>>) src(%dma_wait3A_57 : memref<40x125xi32, #tpu.memory_space<hbm>>) dst(%arg8 : memref<40x125xi32, #tpu.memory_space<vmem>>)
    %dma_start3A_58 = arith.constant 0 : i32
    %dma_start3A_59 = arith.constant 0 : i32
    %dma_start3A_60 = tpu.memref_slice %arg7[%dma_start3A_58, %dma_start3A_59] : memref<40x125xi32, #tpu.memory_space<vmem>> -> memref<1x125xi32, #tpu.memory_space<vmem>>
    %dma_start3A_61 = tpu.memref_squeeze %dma_start3A_60 : memref<1x125xi32, #tpu.memory_space<vmem>> -> memref<125xi32, #tpu.memory_space<vmem>>
    %dma_start3A_62 = arith.constant 0 : i32
    %dma_start3A_63 = arith.constant 0 : i32
    %dma_start3A_64 = tpu.memref_slice %arg2[%dma_start3A_62, %dma_start3A_63] : memref<10000x128xf32, #tpu.memory_space<hbm>> -> memref<10000x128xf32, #tpu.memory_space<hbm>>
    tpu.enqueue_indirect_dma source(%dma_start3A_64 : memref<10000x128xf32, #tpu.memory_space<hbm>>) target(%arg9 : memref<125x128xf32, #tpu.memory_space<vmem>>) offsets(%dma_start3A_61 : memref<125xi32, #tpu.memory_space<vmem>>) semaphore(%arg11 : memref<!tpu.dma_semaphore, #tpu.memory_space<semaphore_mem>>)
    %dma_start3A_65 = arith.constant 1 : i32
    %dma_start3A_66 = arith.constant 0 : i32
    %dma_start3A_67 = tpu.memref_slice %arg7[%dma_start3A_65, %dma_start3A_66] : memref<40x125xi32, #tpu.memory_space<vmem>> -> memref<1x125xi32, #tpu.memory_space<vmem>>
    %dma_start3A_68 = tpu.memref_squeeze %dma_start3A_67 : memref<1x125xi32, #tpu.memory_space<vmem>> -> memref<125xi32, #tpu.memory_space<vmem>>
    %dma_start3A_69 = arith.constant 0 : i32
    %dma_start3A_70 = arith.constant 0 : i32
    %dma_start3A_71 = tpu.memref_slice %arg2[%dma_start3A_69, %dma_start3A_70] : memref<10000x128xf32, #tpu.memory_space<hbm>> -> memref<10000x128xf32, #tpu.memory_space<hbm>>
    tpu.enqueue_indirect_dma source(%dma_start3A_71 : memref<10000x128xf32, #tpu.memory_space<hbm>>) target(%arg10 : memref<125x128xf32, #tpu.memory_space<vmem>>) offsets(%dma_start3A_68 : memref<125xi32, #tpu.memory_space<vmem>>) semaphore(%arg12 : memref<!tpu.dma_semaphore, #tpu.memory_space<semaphore_mem>>)
    %barrier3A = arith.constant 0 : index
    tpu.barrier barrier_id(%barrier3A)
    %scan3A = arith.constant 0 : i32
    %scan3A_72 = arith.constant 0 : i32
    %scan3A_73 = arith.constant 20 : i32
    %scan3A_74 = arith.addi %scan3A_72, %scan3A_73 : i32
    %scan3A_75 = arith.constant 1 : i32
    scf.for %scan3A_140 = %scan3A_72 to %scan3A_74 step %scan3A_75  : i32 {
      %mul3A_141 = arith.constant 2 : i32
      %mul3A_142 = arith.muli %scan3A_140, %mul3A_141 : i32
      %add3A_143 = arith.constant 0 : i32
      %add3A_144 = arith.addi %mul3A_142, %add3A_143 : i32
      %dma_wait3A_145 = arith.constant 0 : i32
      %dma_wait3A_146 = tpu.memref_slice %arg7[%add3A_144, %dma_wait3A_145] : memref<40x125xi32, #tpu.memory_space<vmem>> -> memref<1x125xi32, #tpu.memory_space<vmem>>
      %dma_wait3A_147 = tpu.memref_squeeze %dma_wait3A_146 : memref<1x125xi32, #tpu.memory_space<vmem>> -> memref<125xi32, #tpu.memory_space<vmem>>
      %dma_wait3A_148 = arith.constant 0 : i32
      %dma_wait3A_149 = arith.constant 0 : i32
      %dma_wait3A_150 = tpu.memref_slice %arg2[%dma_wait3A_148, %dma_wait3A_149] : memref<10000x128xf32, #tpu.memory_space<hbm>> -> memref<10000x128xf32, #tpu.memory_space<hbm>>
      tpu.wait_indirect_dma semaphore(%arg11 : memref<!tpu.dma_semaphore, #tpu.memory_space<semaphore_mem>>) src(%dma_wait3A_150 : memref<10000x128xf32, #tpu.memory_space<hbm>>) dst(%arg9 : memref<125x128xf32, #tpu.memory_space<vmem>>)
      "tpu.region"() ({
        %run_scoped3A = tpu.sem_alloc : memref<!tpu.dma_semaphore, #tpu.memory_space<semaphore_mem>>
        %dma_start3A_173 = arith.constant 0 : i32
        %dma_start3A_174 = tpu.memref_slice %arg8[%add3A_144, %dma_start3A_173] : memref<40x125xi32, #tpu.memory_space<vmem>> -> memref<1x125xi32, #tpu.memory_space<vmem>>
        %dma_start3A_175 = tpu.memref_squeeze %dma_start3A_174 : memref<1x125xi32, #tpu.memory_space<vmem>> -> memref<125xi32, #tpu.memory_space<vmem>>
        %dma_start3A_176 = arith.constant 0 : i32
        %dma_start3A_177 = arith.constant 0 : i32
        %dma_start3A_178 = tpu.memref_slice %arg15[%dma_start3A_176, %dma_start3A_177] : memref<10240x128xf32, #tpu.memory_space<vmem_shared>> -> memref<10240x128xf32, #tpu.memory_space<vmem_shared>>
        tpu.enqueue_indirect_dma source(%arg9 : memref<125x128xf32, #tpu.memory_space<vmem>>) target(%dma_start3A_178 : memref<10240x128xf32, #tpu.memory_space<vmem_shared>>) offsets(%dma_start3A_175 : memref<125xi32, #tpu.memory_space<vmem>>) semaphore(%run_scoped3A : memref<!tpu.dma_semaphore, #tpu.memory_space<semaphore_mem>>) {add = true}
        %dma_wait3A_179 = arith.constant 0 : i32
        %dma_wait3A_180 = tpu.memref_slice %arg8[%add3A_144, %dma_wait3A_179] : memref<40x125xi32, #tpu.memory_space<vmem>> -> memref<1x125xi32, #tpu.memory_space<vmem>>
        %dma_wait3A_181 = tpu.memref_squeeze %dma_wait3A_180 : memref<1x125xi32, #tpu.memory_space<vmem>> -> memref<125xi32, #tpu.memory_space<vmem>>
        %dma_wait3A_182 = arith.constant 0 : i32
        %dma_wait3A_183 = arith.constant 0 : i32
        %dma_wait3A_184 = tpu.memref_slice %arg15[%dma_wait3A_182, %dma_wait3A_183] : memref<10240x128xf32, #tpu.memory_space<vmem_shared>> -> memref<10240x128xf32, #tpu.memory_space<vmem_shared>>
        tpu.wait_indirect_dma semaphore(%run_scoped3A : memref<!tpu.dma_semaphore, #tpu.memory_space<semaphore_mem>>) src(%arg9 : memref<125x128xf32, #tpu.memory_space<vmem>>) dst(%dma_wait3A_184 : memref<10240x128xf32, #tpu.memory_space<vmem_shared>>)
        tpu.yield
      }) : () -> ()
      %add3A_151 = arith.constant 2 : i32
      %add3A_152 = arith.addi %add3A_144, %add3A_151 : i32
      %lt3A_153 = arith.constant 40 : i32
      %lt3A_154 = arith.cmpi slt, %add3A_152, %lt3A_153 : i32
      %convert_element_type3A_155 = arith.extui %lt3A_154 : i1 to i32
      %cond3A_156 = arith.constant 0 : i32
      %cond3A_157 = arith.cmpi ne, %convert_element_type3A_155, %cond3A_156 : i32
      scf.if %cond3A_157 {
        %add3A_173 = arith.constant 2 : i32
        %add3A_174 = arith.addi %add3A_144, %add3A_173 : i32
        %dma_start3A_175 = arith.constant 0 : i32
        %dma_start3A_176 = tpu.memref_slice %arg7[%add3A_174, %dma_start3A_175] : memref<40x125xi32, #tpu.memory_space<vmem>> -> memref<1x125xi32, #tpu.memory_space<vmem>>
        %dma_start3A_177 = tpu.memref_squeeze %dma_start3A_176 : memref<1x125xi32, #tpu.memory_space<vmem>> -> memref<125xi32, #tpu.memory_space<vmem>>
        %dma_start3A_178 = arith.constant 0 : i32
        %dma_start3A_179 = arith.constant 0 : i32
        %dma_start3A_180 = tpu.memref_slice %arg2[%dma_start3A_178, %dma_start3A_179] : memref<10000x128xf32, #tpu.memory_space<hbm>> -> memref<10000x128xf32, #tpu.memory_space<hbm>>
        tpu.enqueue_indirect_dma source(%dma_start3A_180 : memref<10000x128xf32, #tpu.memory_space<hbm>>) target(%arg9 : memref<125x128xf32, #tpu.memory_space<vmem>>) offsets(%dma_start3A_177 : memref<125xi32, #tpu.memory_space<vmem>>) semaphore(%arg11 : memref<!tpu.dma_semaphore, #tpu.memory_space<semaphore_mem>>)
      } else {
      }
      %add3A_158 = arith.constant 1 : i32
      %add3A_159 = arith.addi %mul3A_142, %add3A_158 : i32
      %dma_wait3A_160 = arith.constant 0 : i32
      %dma_wait3A_161 = tpu.memref_slice %arg7[%add3A_159, %dma_wait3A_160] : memref<40x125xi32, #tpu.memory_space<vmem>> -> memref<1x125xi32, #tpu.memory_space<vmem>>
      %dma_wait3A_162 = tpu.memref_squeeze %dma_wait3A_161 : memref<1x125xi32, #tpu.memory_space<vmem>> -> memref<125xi32, #tpu.memory_space<vmem>>
      %dma_wait3A_163 = arith.constant 0 : i32
      %dma_wait3A_164 = arith.constant 0 : i32
      %dma_wait3A_165 = tpu.memref_slice %arg2[%dma_wait3A_163, %dma_wait3A_164] : memref<10000x128xf32, #tpu.memory_space<hbm>> -> memref<10000x128xf32, #tpu.memory_space<hbm>>
      tpu.wait_indirect_dma semaphore(%arg12 : memref<!tpu.dma_semaphore, #tpu.memory_space<semaphore_mem>>) src(%dma_wait3A_165 : memref<10000x128xf32, #tpu.memory_space<hbm>>) dst(%arg10 : memref<125x128xf32, #tpu.memory_space<vmem>>)
      "tpu.region"() ({
        %run_scoped3A = tpu.sem_alloc : memref<!tpu.dma_semaphore, #tpu.memory_space<semaphore_mem>>
        %dma_start3A_173 = arith.constant 0 : i32
        %dma_start3A_174 = tpu.memref_slice %arg8[%add3A_159, %dma_start3A_173] : memref<40x125xi32, #tpu.memory_space<vmem>> -> memref<1x125xi32, #tpu.memory_space<vmem>>
        %dma_start3A_175 = tpu.memref_squeeze %dma_start3A_174 : memref<1x125xi32, #tpu.memory_space<vmem>> -> memref<125xi32, #tpu.memory_space<vmem>>
        %dma_start3A_176 = arith.constant 0 : i32
        %dma_start3A_177 = arith.constant 0 : i32
        %dma_start3A_178 = tpu.memref_slice %arg15[%dma_start3A_176, %dma_start3A_177] : memref<10240x128xf32, #tpu.memory_space<vmem_shared>> -> memref<10240x128xf32, #tpu.memory_space<vmem_shared>>
        tpu.enqueue_indirect_dma source(%arg10 : memref<125x128xf32, #tpu.memory_space<vmem>>) target(%dma_start3A_178 : memref<10240x128xf32, #tpu.memory_space<vmem_shared>>) offsets(%dma_start3A_175 : memref<125xi32, #tpu.memory_space<vmem>>) semaphore(%run_scoped3A : memref<!tpu.dma_semaphore, #tpu.memory_space<semaphore_mem>>) {add = true}
        %dma_wait3A_179 = arith.constant 0 : i32
        %dma_wait3A_180 = tpu.memref_slice %arg8[%add3A_159, %dma_wait3A_179] : memref<40x125xi32, #tpu.memory_space<vmem>> -> memref<1x125xi32, #tpu.memory_space<vmem>>
        %dma_wait3A_181 = tpu.memref_squeeze %dma_wait3A_180 : memref<1x125xi32, #tpu.memory_space<vmem>> -> memref<125xi32, #tpu.memory_space<vmem>>
        %dma_wait3A_182 = arith.constant 0 : i32
        %dma_wait3A_183 = arith.constant 0 : i32
        %dma_wait3A_184 = tpu.memref_slice %arg15[%dma_wait3A_182, %dma_wait3A_183] : memref<10240x128xf32, #tpu.memory_space<vmem_shared>> -> memref<10240x128xf32, #tpu.memory_space<vmem_shared>>
        tpu.wait_indirect_dma semaphore(%run_scoped3A : memref<!tpu.dma_semaphore, #tpu.memory_space<semaphore_mem>>) src(%arg10 : memref<125x128xf32, #tpu.memory_space<vmem>>) dst(%dma_wait3A_184 : memref<10240x128xf32, #tpu.memory_space<vmem_shared>>)
        tpu.yield
      }) : () -> ()
      %add3A_166 = arith.constant 2 : i32
      %add3A_167 = arith.addi %add3A_159, %add3A_166 : i32
      %lt3A_168 = arith.constant 40 : i32
      %lt3A_169 = arith.cmpi slt, %add3A_167, %lt3A_168 : i32
      %convert_element_type3A_170 = arith.extui %lt3A_169 : i1 to i32
      %cond3A_171 = arith.constant 0 : i32
      %cond3A_172 = arith.cmpi ne, %convert_element_type3A_170, %cond3A_171 : i32
      scf.if %cond3A_172 {
        %add3A_173 = arith.constant 2 : i32
        %add3A_174 = arith.addi %add3A_159, %add3A_173 : i32
        %dma_start3A_175 = arith.constant 0 : i32
        %dma_start3A_176 = tpu.memref_slice %arg7[%add3A_174, %dma_start3A_175] : memref<40x125xi32, #tpu.memory_space<vmem>> -> memref<1x125xi32, #tpu.memory_space<vmem>>
        %dma_start3A_177 = tpu.memref_squeeze %dma_start3A_176 : memref<1x125xi32, #tpu.memory_space<vmem>> -> memref<125xi32, #tpu.memory_space<vmem>>
        %dma_start3A_178 = arith.constant 0 : i32
        %dma_start3A_179 = arith.constant 0 : i32
        %dma_start3A_180 = tpu.memref_slice %arg2[%dma_start3A_178, %dma_start3A_179] : memref<10000x128xf32, #tpu.memory_space<hbm>> -> memref<10000x128xf32, #tpu.memory_space<hbm>>
        tpu.enqueue_indirect_dma source(%dma_start3A_180 : memref<10000x128xf32, #tpu.memory_space<hbm>>) target(%arg10 : memref<125x128xf32, #tpu.memory_space<vmem>>) offsets(%dma_start3A_177 : memref<125xi32, #tpu.memory_space<vmem>>) semaphore(%arg12 : memref<!tpu.dma_semaphore, #tpu.memory_space<semaphore_mem>>)
      } else {
      }
    }
    %scan3A_76 = arith.constant 20 : i32
    %dma_start3A_77 = arith.constant 40 : i32
    %dma_start3A_78 = arith.constant 0 : i32
    %dma_start3A_79 = tpu.memref_slice %arg3[%add3A, %dma_start3A_77, %dma_start3A_78] : memref<32x80x125xi32, #tpu.memory_space<hbm>> -> memref<1x40x125xi32, #tpu.memory_space<hbm>>
    %dma_start3A_80 = tpu.memref_squeeze %dma_start3A_79 : memref<1x40x125xi32, #tpu.memory_space<hbm>> -> memref<40x125xi32, #tpu.memory_space<hbm>>
    %dma_start3A_81 = arith.constant 40 : i32
    %dma_start3A_82 = arith.constant 0 : i32
    %dma_start3A_83 = tpu.memref_slice %arg3[%add3A, %dma_start3A_81, %dma_start3A_82] : memref<32x80x125xi32, #tpu.memory_space<hbm>> -> memref<1x40x125xi32, #tpu.memory_space<hbm>>
    %dma_start3A_84 = tpu.memref_squeeze %dma_start3A_83 : memref<1x40x125xi32, #tpu.memory_space<hbm>> -> memref<40x125xi32, #tpu.memory_space<hbm>>
    tpu.enqueue_dma source(%dma_start3A_84 : memref<40x125xi32, #tpu.memory_space<hbm>>) target(%arg7 : memref<40x125xi32, #tpu.memory_space<vmem>>) target_semaphore(%arg13 : memref<!tpu.dma_semaphore, #tpu.memory_space<semaphore_mem>>)
    %dma_start3A_85 = arith.constant 40 : i32
    %dma_start3A_86 = arith.constant 0 : i32
    %dma_start3A_87 = tpu.memref_slice %arg4[%add3A, %dma_start3A_85, %dma_start3A_86] : memref<32x80x125xi32, #tpu.memory_space<hbm>> -> memref<1x40x125xi32, #tpu.memory_space<hbm>>
    %dma_start3A_88 = tpu.memref_squeeze %dma_start3A_87 : memref<1x40x125xi32, #tpu.memory_space<hbm>> -> memref<40x125xi32, #tpu.memory_space<hbm>>
    %dma_start3A_89 = arith.constant 40 : i32
    %dma_start3A_90 = arith.constant 0 : i32
    %dma_start3A_91 = tpu.memref_slice %arg4[%add3A, %dma_start3A_89, %dma_start3A_90] : memref<32x80x125xi32, #tpu.memory_space<hbm>> -> memref<1x40x125xi32, #tpu.memory_space<hbm>>
    %dma_start3A_92 = tpu.memref_squeeze %dma_start3A_91 : memref<1x40x125xi32, #tpu.memory_space<hbm>> -> memref<40x125xi32, #tpu.memory_space<hbm>>
    tpu.enqueue_dma source(%dma_start3A_92 : memref<40x125xi32, #tpu.memory_space<hbm>>) target(%arg8 : memref<40x125xi32, #tpu.memory_space<vmem>>) target_semaphore(%arg14 : memref<!tpu.dma_semaphore, #tpu.memory_space<semaphore_mem>>)
    %dma_wait3A_93 = arith.constant 40 : i32
    %dma_wait3A_94 = arith.constant 0 : i32
    %dma_wait3A_95 = tpu.memref_slice %arg3[%add3A, %dma_wait3A_93, %dma_wait3A_94] : memref<32x80x125xi32, #tpu.memory_space<hbm>> -> memref<1x40x125xi32, #tpu.memory_space<hbm>>
    %dma_wait3A_96 = tpu.memref_squeeze %dma_wait3A_95 : memref<1x40x125xi32, #tpu.memory_space<hbm>> -> memref<40x125xi32, #tpu.memory_space<hbm>>
    %dma_wait3A_97 = arith.constant 40 : i32
    %dma_wait3A_98 = arith.constant 0 : i32
    %dma_wait3A_99 = tpu.memref_slice %arg3[%add3A, %dma_wait3A_97, %dma_wait3A_98] : memref<32x80x125xi32, #tpu.memory_space<hbm>> -> memref<1x40x125xi32, #tpu.memory_space<hbm>>
    %dma_wait3A_100 = tpu.memref_squeeze %dma_wait3A_99 : memref<1x40x125xi32, #tpu.memory_space<hbm>> -> memref<40x125xi32, #tpu.memory_space<hbm>>
    tpu.wait_dma2 semaphore(%arg13 : memref<!tpu.dma_semaphore, #tpu.memory_space<semaphore_mem>>) src(%dma_wait3A_100 : memref<40x125xi32, #tpu.memory_space<hbm>>) dst(%arg7 : memref<40x125xi32, #tpu.memory_space<vmem>>)
    %dma_wait3A_101 = arith.constant 40 : i32
    %dma_wait3A_102 = arith.constant 0 : i32
    %dma_wait3A_103 = tpu.memref_slice %arg4[%add3A, %dma_wait3A_101, %dma_wait3A_102] : memref<32x80x125xi32, #tpu.memory_space<hbm>> -> memref<1x40x125xi32, #tpu.memory_space<hbm>>
    %dma_wait3A_104 = tpu.memref_squeeze %dma_wait3A_103 : memref<1x40x125xi32, #tpu.memory_space<hbm>> -> memref<40x125xi32, #tpu.memory_space<hbm>>
    %dma_wait3A_105 = arith.constant 40 : i32
    %dma_wait3A_106 = arith.constant 0 : i32
    %dma_wait3A_107 = tpu.memref_slice %arg4[%add3A, %dma_wait3A_105, %dma_wait3A_106] : memref<32x80x125xi32, #tpu.memory_space<hbm>> -> memref<1x40x125xi32, #tpu.memory_space<hbm>>
    %dma_wait3A_108 = tpu.memref_squeeze %dma_wait3A_107 : memref<1x40x125xi32, #tpu.memory_space<hbm>> -> memref<40x125xi32, #tpu.memory_space<hbm>>
    tpu.wait_dma2 semaphore(%arg14 : memref<!tpu.dma_semaphore, #tpu.memory_space<semaphore_mem>>) src(%dma_wait3A_108 : memref<40x125xi32, #tpu.memory_space<hbm>>) dst(%arg8 : memref<40x125xi32, #tpu.memory_space<vmem>>)
    %dma_start3A_109 = arith.constant 0 : i32
    %dma_start3A_110 = arith.constant 0 : i32
    %dma_start3A_111 = tpu.memref_slice %arg7[%dma_start3A_109, %dma_start3A_110] : memref<40x125xi32, #tpu.memory_space<vmem>> -> memref<1x125xi32, #tpu.memory_space<vmem>>
    %dma_start3A_112 = tpu.memref_squeeze %dma_start3A_111 : memref<1x125xi32, #tpu.memory_space<vmem>> -> memref<125xi32, #tpu.memory_space<vmem>>
    %dma_start3A_113 = arith.constant 0 : i32
    %dma_start3A_114 = arith.constant 0 : i32
    %dma_start3A_115 = tpu.memref_slice %arg2[%dma_start3A_113, %dma_start3A_114] : memref<10000x128xf32, #tpu.memory_space<hbm>> -> memref<10000x128xf32, #tpu.memory_space<hbm>>
    tpu.enqueue_indirect_dma source(%dma_start3A_115 : memref<10000x128xf32, #tpu.memory_space<hbm>>) target(%arg9 : memref<125x128xf32, #tpu.memory_space<vmem>>) offsets(%dma_start3A_112 : memref<125xi32, #tpu.memory_space<vmem>>) semaphore(%arg11 : memref<!tpu.dma_semaphore, #tpu.memory_space<semaphore_mem>>)
    %dma_start3A_116 = arith.constant 1 : i32
    %dma_start3A_117 = arith.constant 0 : i32
    %dma_start3A_118 = tpu.memref_slice %arg7[%dma_start3A_116, %dma_start3A_117] : memref<40x125xi32, #tpu.memory_space<vmem>> -> memref<1x125xi32, #tpu.memory_space<vmem>>
    %dma_start3A_119 = tpu.memref_squeeze %dma_start3A_118 : memref<1x125xi32, #tpu.memory_space<vmem>> -> memref<125xi32, #tpu.memory_space<vmem>>
    %dma_start3A_120 = arith.constant 0 : i32
    %dma_start3A_121 = arith.constant 0 : i32
    %dma_start3A_122 = tpu.memref_slice %arg2[%dma_start3A_120, %dma_start3A_121] : memref<10000x128xf32, #tpu.memory_space<hbm>> -> memref<10000x128xf32, #tpu.memory_space<hbm>>
    tpu.enqueue_indirect_dma source(%dma_start3A_122 : memref<10000x128xf32, #tpu.memory_space<hbm>>) target(%arg10 : memref<125x128xf32, #tpu.memory_space<vmem>>) offsets(%dma_start3A_119 : memref<125xi32, #tpu.memory_space<vmem>>) semaphore(%arg12 : memref<!tpu.dma_semaphore, #tpu.memory_space<semaphore_mem>>)
    %scan3A_123 = arith.constant 0 : i32
    %scan3A_124 = arith.constant 0 : i32
    %scan3A_125 = arith.constant 20 : i32
    %scan3A_126 = arith.addi %scan3A_124, %scan3A_125 : i32
    %scan3A_127 = arith.constant 1 : i32
    scf.for %scan3A_140 = %scan3A_124 to %scan3A_126 step %scan3A_127  : i32 {
      %mul3A_141 = arith.constant 2 : i32
      %mul3A_142 = arith.muli %scan3A_140, %mul3A_141 : i32
      %add3A_143 = arith.constant 0 : i32
      %add3A_144 = arith.addi %mul3A_142, %add3A_143 : i32
      %dma_wait3A_145 = arith.constant 0 : i32
      %dma_wait3A_146 = tpu.memref_slice %arg7[%add3A_144, %dma_wait3A_145] : memref<40x125xi32, #tpu.memory_space<vmem>> -> memref<1x125xi32, #tpu.memory_space<vmem>>
      %dma_wait3A_147 = tpu.memref_squeeze %dma_wait3A_146 : memref<1x125xi32, #tpu.memory_space<vmem>> -> memref<125xi32, #tpu.memory_space<vmem>>
      %dma_wait3A_148 = arith.constant 0 : i32
      %dma_wait3A_149 = arith.constant 0 : i32
      %dma_wait3A_150 = tpu.memref_slice %arg2[%dma_wait3A_148, %dma_wait3A_149] : memref<10000x128xf32, #tpu.memory_space<hbm>> -> memref<10000x128xf32, #tpu.memory_space<hbm>>
      tpu.wait_indirect_dma semaphore(%arg11 : memref<!tpu.dma_semaphore, #tpu.memory_space<semaphore_mem>>) src(%dma_wait3A_150 : memref<10000x128xf32, #tpu.memory_space<hbm>>) dst(%arg9 : memref<125x128xf32, #tpu.memory_space<vmem>>)
      "tpu.region"() ({
        %run_scoped3A = tpu.sem_alloc : memref<!tpu.dma_semaphore, #tpu.memory_space<semaphore_mem>>
        %dma_start3A_173 = arith.constant 0 : i32
        %dma_start3A_174 = tpu.memref_slice %arg8[%add3A_144, %dma_start3A_173] : memref<40x125xi32, #tpu.memory_space<vmem>> -> memref<1x125xi32, #tpu.memory_space<vmem>>
        %dma_start3A_175 = tpu.memref_squeeze %dma_start3A_174 : memref<1x125xi32, #tpu.memory_space<vmem>> -> memref<125xi32, #tpu.memory_space<vmem>>
        %dma_start3A_176 = arith.constant 0 : i32
        %dma_start3A_177 = arith.constant 0 : i32
        %dma_start3A_178 = tpu.memref_slice %arg15[%dma_start3A_176, %dma_start3A_177] : memref<10240x128xf32, #tpu.memory_space<vmem_shared>> -> memref<10240x128xf32, #tpu.memory_space<vmem_shared>>
        tpu.enqueue_indirect_dma source(%arg9 : memref<125x128xf32, #tpu.memory_space<vmem>>) target(%dma_start3A_178 : memref<10240x128xf32, #tpu.memory_space<vmem_shared>>) offsets(%dma_start3A_175 : memref<125xi32, #tpu.memory_space<vmem>>) semaphore(%run_scoped3A : memref<!tpu.dma_semaphore, #tpu.memory_space<semaphore_mem>>) {add = true}
        %dma_wait3A_179 = arith.constant 0 : i32
        %dma_wait3A_180 = tpu.memref_slice %arg8[%add3A_144, %dma_wait3A_179] : memref<40x125xi32, #tpu.memory_space<vmem>> -> memref<1x125xi32, #tpu.memory_space<vmem>>
        %dma_wait3A_181 = tpu.memref_squeeze %dma_wait3A_180 : memref<1x125xi32, #tpu.memory_space<vmem>> -> memref<125xi32, #tpu.memory_space<vmem>>
        %dma_wait3A_182 = arith.constant 0 : i32
        %dma_wait3A_183 = arith.constant 0 : i32
        %dma_wait3A_184 = tpu.memref_slice %arg15[%dma_wait3A_182, %dma_wait3A_183] : memref<10240x128xf32, #tpu.memory_space<vmem_shared>> -> memref<10240x128xf32, #tpu.memory_space<vmem_shared>>
        tpu.wait_indirect_dma semaphore(%run_scoped3A : memref<!tpu.dma_semaphore, #tpu.memory_space<semaphore_mem>>) src(%arg9 : memref<125x128xf32, #tpu.memory_space<vmem>>) dst(%dma_wait3A_184 : memref<10240x128xf32, #tpu.memory_space<vmem_shared>>)
        tpu.yield
      }) : () -> ()
      %add3A_151 = arith.constant 2 : i32
      %add3A_152 = arith.addi %add3A_144, %add3A_151 : i32
      %lt3A_153 = arith.constant 40 : i32
      %lt3A_154 = arith.cmpi slt, %add3A_152, %lt3A_153 : i32
      %convert_element_type3A_155 = arith.extui %lt3A_154 : i1 to i32
      %cond3A_156 = arith.constant 0 : i32
      %cond3A_157 = arith.cmpi ne, %convert_element_type3A_155, %cond3A_156 : i32
      scf.if %cond3A_157 {
        %add3A_173 = arith.constant 2 : i32
        %add3A_174 = arith.addi %add3A_144, %add3A_173 : i32
        %dma_start3A_175 = arith.constant 0 : i32
        %dma_start3A_176 = tpu.memref_slice %arg7[%add3A_174, %dma_start3A_175] : memref<40x125xi32, #tpu.memory_space<vmem>> -> memref<1x125xi32, #tpu.memory_space<vmem>>
        %dma_start3A_177 = tpu.memref_squeeze %dma_start3A_176 : memref<1x125xi32, #tpu.memory_space<vmem>> -> memref<125xi32, #tpu.memory_space<vmem>>
        %dma_start3A_178 = arith.constant 0 : i32
        %dma_start3A_179 = arith.constant 0 : i32
        %dma_start3A_180 = tpu.memref_slice %arg2[%dma_start3A_178, %dma_start3A_179] : memref<10000x128xf32, #tpu.memory_space<hbm>> -> memref<10000x128xf32, #tpu.memory_space<hbm>>
        tpu.enqueue_indirect_dma source(%dma_start3A_180 : memref<10000x128xf32, #tpu.memory_space<hbm>>) target(%arg9 : memref<125x128xf32, #tpu.memory_space<vmem>>) offsets(%dma_start3A_177 : memref<125xi32, #tpu.memory_space<vmem>>) semaphore(%arg11 : memref<!tpu.dma_semaphore, #tpu.memory_space<semaphore_mem>>)
      } else {
      }
      %add3A_158 = arith.constant 1 : i32
      %add3A_159 = arith.addi %mul3A_142, %add3A_158 : i32
      %dma_wait3A_160 = arith.constant 0 : i32
      %dma_wait3A_161 = tpu.memref_slice %arg7[%add3A_159, %dma_wait3A_160] : memref<40x125xi32, #tpu.memory_space<vmem>> -> memref<1x125xi32, #tpu.memory_space<vmem>>
      %dma_wait3A_162 = tpu.memref_squeeze %dma_wait3A_161 : memref<1x125xi32, #tpu.memory_space<vmem>> -> memref<125xi32, #tpu.memory_space<vmem>>
      %dma_wait3A_163 = arith.constant 0 : i32
      %dma_wait3A_164 = arith.constant 0 : i32
      %dma_wait3A_165 = tpu.memref_slice %arg2[%dma_wait3A_163, %dma_wait3A_164] : memref<10000x128xf32, #tpu.memory_space<hbm>> -> memref<10000x128xf32, #tpu.memory_space<hbm>>
      tpu.wait_indirect_dma semaphore(%arg12 : memref<!tpu.dma_semaphore, #tpu.memory_space<semaphore_mem>>) src(%dma_wait3A_165 : memref<10000x128xf32, #tpu.memory_space<hbm>>) dst(%arg10 : memref<125x128xf32, #tpu.memory_space<vmem>>)
      "tpu.region"() ({
        %run_scoped3A = tpu.sem_alloc : memref<!tpu.dma_semaphore, #tpu.memory_space<semaphore_mem>>
        %dma_start3A_173 = arith.constant 0 : i32
        %dma_start3A_174 = tpu.memref_slice %arg8[%add3A_159, %dma_start3A_173] : memref<40x125xi32, #tpu.memory_space<vmem>> -> memref<1x125xi32, #tpu.memory_space<vmem>>
        %dma_start3A_175 = tpu.memref_squeeze %dma_start3A_174 : memref<1x125xi32, #tpu.memory_space<vmem>> -> memref<125xi32, #tpu.memory_space<vmem>>
        %dma_start3A_176 = arith.constant 0 : i32
        %dma_start3A_177 = arith.constant 0 : i32
        %dma_start3A_178 = tpu.memref_slice %arg15[%dma_start3A_176, %dma_start3A_177] : memref<10240x128xf32, #tpu.memory_space<vmem_shared>> -> memref<10240x128xf32, #tpu.memory_space<vmem_shared>>
        tpu.enqueue_indirect_dma source(%arg10 : memref<125x128xf32, #tpu.memory_space<vmem>>) target(%dma_start3A_178 : memref<10240x128xf32, #tpu.memory_space<vmem_shared>>) offsets(%dma_start3A_175 : memref<125xi32, #tpu.memory_space<vmem>>) semaphore(%run_scoped3A : memref<!tpu.dma_semaphore, #tpu.memory_space<semaphore_mem>>) {add = true}
        %dma_wait3A_179 = arith.constant 0 : i32
        %dma_wait3A_180 = tpu.memref_slice %arg8[%add3A_159, %dma_wait3A_179] : memref<40x125xi32, #tpu.memory_space<vmem>> -> memref<1x125xi32, #tpu.memory_space<vmem>>
        %dma_wait3A_181 = tpu.memref_squeeze %dma_wait3A_180 : memref<1x125xi32, #tpu.memory_space<vmem>> -> memref<125xi32, #tpu.memory_space<vmem>>
        %dma_wait3A_182 = arith.constant 0 : i32
        %dma_wait3A_183 = arith.constant 0 : i32
        %dma_wait3A_184 = tpu.memref_slice %arg15[%dma_wait3A_182, %dma_wait3A_183] : memref<10240x128xf32, #tpu.memory_space<vmem_shared>> -> memref<10240x128xf32, #tpu.memory_space<vmem_shared>>
        tpu.wait_indirect_dma semaphore(%run_scoped3A : memref<!tpu.dma_semaphore, #tpu.memory_space<semaphore_mem>>) src(%arg10 : memref<125x128xf32, #tpu.memory_space<vmem>>) dst(%dma_wait3A_184 : memref<10240x128xf32, #tpu.memory_space<vmem_shared>>)
        tpu.yield
      }) : () -> ()
      %add3A_166 = arith.constant 2 : i32
      %add3A_167 = arith.addi %add3A_159, %add3A_166 : i32
      %lt3A_168 = arith.constant 40 : i32
      %lt3A_169 = arith.cmpi slt, %add3A_167, %lt3A_168 : i32
      %convert_element_type3A_170 = arith.extui %lt3A_169 : i1 to i32
      %cond3A_171 = arith.constant 0 : i32
      %cond3A_172 = arith.cmpi ne, %convert_element_type3A_170, %cond3A_171 : i32
      scf.if %cond3A_172 {
        %add3A_173 = arith.constant 2 : i32
        %add3A_174 = arith.addi %add3A_159, %add3A_173 : i32
        %dma_start3A_175 = arith.constant 0 : i32
        %dma_start3A_176 = tpu.memref_slice %arg7[%add3A_174, %dma_start3A_175] : memref<40x125xi32, #tpu.memory_space<vmem>> -> memref<1x125xi32, #tpu.memory_space<vmem>>
        %dma_start3A_177 = tpu.memref_squeeze %dma_start3A_176 : memref<1x125xi32, #tpu.memory_space<vmem>> -> memref<125xi32, #tpu.memory_space<vmem>>
        %dma_start3A_178 = arith.constant 0 : i32
        %dma_start3A_179 = arith.constant 0 : i32
        %dma_start3A_180 = tpu.memref_slice %arg2[%dma_start3A_178, %dma_start3A_179] : memref<10000x128xf32, #tpu.memory_space<hbm>> -> memref<10000x128xf32, #tpu.memory_space<hbm>>
        tpu.enqueue_indirect_dma source(%dma_start3A_180 : memref<10000x128xf32, #tpu.memory_space<hbm>>) target(%arg10 : memref<125x128xf32, #tpu.memory_space<vmem>>) offsets(%dma_start3A_177 : memref<125xi32, #tpu.memory_space<vmem>>) semaphore(%arg12 : memref<!tpu.dma_semaphore, #tpu.memory_space<semaphore_mem>>)
      } else {
      }
    }
    %scan3A_128 = arith.constant 20 : i32
    %barrier3A_129 = arith.constant 0 : index
    tpu.barrier barrier_id(%barrier3A_129)
    %lt3A_130 = arith.constant 15 : i32
    %lt3A_131 = arith.cmpi slt, %arg1, %lt3A_130 : i32
    %convert_element_type3A_132 = arith.extui %lt3A_131 : i1 to i32
    %cond3A_133 = arith.constant 0 : i32
    %cond3A_134 = arith.cmpi ne, %convert_element_type3A_132, %cond3A_133 : i32
    scf.if %cond3A_134 {
      %mul3A_140 = arith.constant 640 : i32
      %mul3A_141 = arith.muli %arg1, %mul3A_140 : i32
      %mul3A_142 = arith.constant 640 : i32
      %mul3A_143 = arith.muli %arg1, %mul3A_142 : i32
      "tpu.region"() ({
        %run_scoped3A = tpu.sem_alloc : memref<!tpu.dma_semaphore, #tpu.memory_space<semaphore_mem>>
        %dma_start3A_144 = arith.constant 0 : i32
        %dma_start3A_145 = tpu.memref_slice %arg6[%arg0, %mul3A_143, %dma_start3A_144] : memref<2x10240x128xf32, #tpu.memory_space<hbm>> -> memref<1x640x128xf32, #tpu.memory_space<hbm>>
        %dma_start3A_146 = tpu.memref_squeeze %dma_start3A_145 : memref<1x640x128xf32, #tpu.memory_space<hbm>> -> memref<640x128xf32, #tpu.memory_space<hbm>>
        %dma_start3A_147 = arith.constant 0 : i32
        %dma_start3A_148 = tpu.memref_slice %arg15[%mul3A_141, %dma_start3A_147] : memref<10240x128xf32, #tpu.memory_space<vmem_shared>> -> memref<640x128xf32, #tpu.memory_space<vmem_shared>>
        tpu.enqueue_dma source(%dma_start3A_148 : memref<640x128xf32, #tpu.memory_space<vmem_shared>>) target(%dma_start3A_146 : memref<640x128xf32, #tpu.memory_space<hbm>>) target_semaphore(%run_scoped3A : memref<!tpu.dma_semaphore, #tpu.memory_space<semaphore_mem>>)
        %dma_wait3A_149 = arith.constant 0 : i32
        %dma_wait3A_150 = tpu.memref_slice %arg6[%arg0, %mul3A_143, %dma_wait3A_149] : memref<2x10240x128xf32, #tpu.memory_space<hbm>> -> memref<1x640x128xf32, #tpu.memory_space<hbm>>
        %dma_wait3A_151 = tpu.memref_squeeze %dma_wait3A_150 : memref<1x640x128xf32, #tpu.memory_space<hbm>> -> memref<640x128xf32, #tpu.memory_space<hbm>>
        %dma_wait3A_152 = arith.constant 0 : i32
        %dma_wait3A_153 = tpu.memref_slice %arg15[%mul3A_141, %dma_wait3A_152] : memref<10240x128xf32, #tpu.memory_space<vmem_shared>> -> memref<640x128xf32, #tpu.memory_space<vmem_shared>>
        tpu.wait_dma2 semaphore(%run_scoped3A : memref<!tpu.dma_semaphore, #tpu.memory_space<semaphore_mem>>) src(%dma_wait3A_153 : memref<640x128xf32, #tpu.memory_space<vmem_shared>>) dst(%dma_wait3A_151 : memref<640x128xf32, #tpu.memory_space<hbm>>)
        tpu.yield
      }) : () -> ()
    } else {
    }
    %eq3A_135 = arith.constant 15 : i32
    %eq3A_136 = arith.cmpi eq, %arg1, %eq3A_135 : i32
    %convert_element_type3A_137 = arith.extui %eq3A_136 : i1 to i32
    %cond3A_138 = arith.constant 0 : i32
    %cond3A_139 = arith.cmpi ne, %convert_element_type3A_137, %cond3A_138 : i32
    scf.if %cond3A_139 {
      "tpu.region"() ({
        %run_scoped3A = tpu.sem_alloc : memref<!tpu.dma_semaphore, #tpu.memory_space<semaphore_mem>>
        %dma_start3A_140 = arith.constant 9600 : i32
        %dma_start3A_141 = arith.constant 0 : i32
        %dma_start3A_142 = tpu.memref_slice %arg6[%arg0, %dma_start3A_140, %dma_start3A_141] : memref<2x10240x128xf32, #tpu.memory_space<hbm>> -> memref<1x400x128xf32, #tpu.memory_space<hbm>>
        %dma_start3A_143 = tpu.memref_squeeze %dma_start3A_142 : memref<1x400x128xf32, #tpu.memory_space<hbm>> -> memref<400x128xf32, #tpu.memory_space<hbm>>
        %dma_start3A_144 = arith.constant 9600 : i32
        %dma_start3A_145 = arith.constant 0 : i32
        %dma_start3A_146 = tpu.memref_slice %arg15[%dma_start3A_144, %dma_start3A_145] : memref<10240x128xf32, #tpu.memory_space<vmem_shared>> -> memref<400x128xf32, #tpu.memory_space<vmem_shared>>
        tpu.enqueue_dma source(%dma_start3A_146 : memref<400x128xf32, #tpu.memory_space<vmem_shared>>) target(%dma_start3A_143 : memref<400x128xf32, #tpu.memory_space<hbm>>) target_semaphore(%run_scoped3A : memref<!tpu.dma_semaphore, #tpu.memory_space<semaphore_mem>>)
        %dma_wait3A_147 = arith.constant 9600 : i32
        %dma_wait3A_148 = arith.constant 0 : i32
        %dma_wait3A_149 = tpu.memref_slice %arg6[%arg0, %dma_wait3A_147, %dma_wait3A_148] : memref<2x10240x128xf32, #tpu.memory_space<hbm>> -> memref<1x400x128xf32, #tpu.memory_space<hbm>>
        %dma_wait3A_150 = tpu.memref_squeeze %dma_wait3A_149 : memref<1x400x128xf32, #tpu.memory_space<hbm>> -> memref<400x128xf32, #tpu.memory_space<hbm>>
        %dma_wait3A_151 = arith.constant 9600 : i32
        %dma_wait3A_152 = arith.constant 0 : i32
        %dma_wait3A_153 = tpu.memref_slice %arg15[%dma_wait3A_151, %dma_wait3A_152] : memref<10240x128xf32, #tpu.memory_space<vmem_shared>> -> memref<400x128xf32, #tpu.memory_space<vmem_shared>>
        tpu.wait_dma2 semaphore(%run_scoped3A : memref<!tpu.dma_semaphore, #tpu.memory_space<semaphore_mem>>) src(%dma_wait3A_153 : memref<400x128xf32, #tpu.memory_space<vmem_shared>>) dst(%dma_wait3A_150 : memref<400x128xf32, #tpu.memory_space<hbm>>)
        tpu.yield
      }) : () -> ()
    } else {
    }
    return
  }
}

#map = affine_map<(d0, d1) -> (0, 0)>
#map1 = affine_map<(d0, d1) -> (0, 0, 0)>
module attributes {stable_mosaic.version = 14 : i64} {
  func.func @_sc_edge_sum(%arg0: i32, %arg1: i32, %arg2: memref<10000x128xf32, #tpu.memory_space<hbm>>, %arg3: memref<32x80x125xi32, #tpu.memory_space<hbm>>, %arg4: memref<32x80x125xi32, #tpu.memory_space<hbm>>, %arg5: memref<640x128xf32, #tpu.memory_space<hbm>>, %arg6: memref<2x10240x128xf32, #tpu.memory_space<hbm>>, %arg7: memref<40x125xi32, #tpu.memory_space<vmem>>, %arg8: memref<40x125xi32, #tpu.memory_space<vmem>>, %arg9: memref<125x128xf32, #tpu.memory_space<vmem>>, %arg10: memref<125x128xf32, #tpu.memory_space<vmem>>, %arg11: memref<!tpu.dma_semaphore, #tpu.memory_space<semaphore_mem>>, %arg12: memref<!tpu.dma_semaphore, #tpu.memory_space<semaphore_mem>>, %arg13: memref<!tpu.dma_semaphore, #tpu.memory_space<semaphore_mem>>, %arg14: memref<!tpu.dma_semaphore, #tpu.memory_space<semaphore_mem>>, %arg15: memref<10240x128xf32, #tpu.memory_space<vmem_shared>>) attributes {dimension_semantics = [#tpu.dimension_semantics<core_parallel>, #tpu.dimension_semantics<subcore_parallel>], iteration_bounds = array<i64: 2, 16>, scalar_prefetch = 0 : i64, scratch_operands = 9 : i64, tpu.core_type = #tpu.core_type<sc_vector_subcore>, window_params = [{transform_indices = #map}, {transform_indices = #map1}, {transform_indices = #map1}, {transform_indices = #map}, {transform_indices = #map1}]} {
    %mul3A = arith.constant 2 : i32
    %mul3A_0 = arith.muli %arg1, %mul3A : i32
    %add3A = arith.addi %mul3A_0, %arg0 : i32
    %dma_start3A = arith.constant 0 : i32
    %dma_start3A_1 = arith.constant 0 : i32
    %dma_start3A_2 = tpu.memref_slice %arg3[%add3A, %dma_start3A, %dma_start3A_1] : memref<32x80x125xi32, #tpu.memory_space<hbm>> -> memref<1x40x125xi32, #tpu.memory_space<hbm>>
    %dma_start3A_3 = tpu.memref_squeeze %dma_start3A_2 : memref<1x40x125xi32, #tpu.memory_space<hbm>> -> memref<40x125xi32, #tpu.memory_space<hbm>>
    %dma_start3A_4 = arith.constant 0 : i32
    %dma_start3A_5 = arith.constant 0 : i32
    %dma_start3A_6 = tpu.memref_slice %arg3[%add3A, %dma_start3A_4, %dma_start3A_5] : memref<32x80x125xi32, #tpu.memory_space<hbm>> -> memref<1x40x125xi32, #tpu.memory_space<hbm>>
    %dma_start3A_7 = tpu.memref_squeeze %dma_start3A_6 : memref<1x40x125xi32, #tpu.memory_space<hbm>> -> memref<40x125xi32, #tpu.memory_space<hbm>>
    tpu.enqueue_dma source(%dma_start3A_7 : memref<40x125xi32, #tpu.memory_space<hbm>>) target(%arg7 : memref<40x125xi32, #tpu.memory_space<vmem>>) target_semaphore(%arg13 : memref<!tpu.dma_semaphore, #tpu.memory_space<semaphore_mem>>)
    %dma_start3A_8 = arith.constant 0 : i32
    %dma_start3A_9 = arith.constant 0 : i32
    %dma_start3A_10 = tpu.memref_slice %arg4[%add3A, %dma_start3A_8, %dma_start3A_9] : memref<32x80x125xi32, #tpu.memory_space<hbm>> -> memref<1x40x125xi32, #tpu.memory_space<hbm>>
    %dma_start3A_11 = tpu.memref_squeeze %dma_start3A_10 : memref<1x40x125xi32, #tpu.memory_space<hbm>> -> memref<40x125xi32, #tpu.memory_space<hbm>>
    %dma_start3A_12 = arith.constant 0 : i32
    %dma_start3A_13 = arith.constant 0 : i32
    %dma_start3A_14 = tpu.memref_slice %arg4[%add3A, %dma_start3A_12, %dma_start3A_13] : memref<32x80x125xi32, #tpu.memory_space<hbm>> -> memref<1x40x125xi32, #tpu.memory_space<hbm>>
    %dma_start3A_15 = tpu.memref_squeeze %dma_start3A_14 : memref<1x40x125xi32, #tpu.memory_space<hbm>> -> memref<40x125xi32, #tpu.memory_space<hbm>>
    tpu.enqueue_dma source(%dma_start3A_15 : memref<40x125xi32, #tpu.memory_space<hbm>>) target(%arg8 : memref<40x125xi32, #tpu.memory_space<vmem>>) target_semaphore(%arg14 : memref<!tpu.dma_semaphore, #tpu.memory_space<semaphore_mem>>)
    %eq3A = arith.constant 0 : i32
    %eq3A_16 = arith.cmpi eq, %arg0, %eq3A : i32
    %lt3A = arith.constant 15 : i32
    %lt3A_17 = arith.cmpi slt, %arg1, %lt3A : i32
    %and3A = arith.andi %eq3A_16, %lt3A_17 : i1
    %convert_element_type3A = arith.extui %and3A : i1 to i32
    %cond3A = arith.constant 0 : i32
    %cond3A_18 = arith.cmpi ne, %convert_element_type3A, %cond3A : i32
    scf.if %cond3A_18 {
      %mul3A_140 = arith.constant 640 : i32
      %mul3A_141 = arith.muli %arg1, %mul3A_140 : i32
      %mul3A_142 = arith.constant 640 : i32
      %mul3A_143 = arith.muli %arg1, %mul3A_142 : i32
      "tpu.region"() ({
        %run_scoped3A = tpu.sem_alloc : memref<!tpu.dma_semaphore, #tpu.memory_space<semaphore_mem>>
        %dma_start3A_144 = arith.constant 0 : i32
        %dma_start3A_145 = tpu.memref_slice %arg15[%mul3A_143, %dma_start3A_144] : memref<10240x128xf32, #tpu.memory_space<vmem_shared>> -> memref<640x128xf32, #tpu.memory_space<vmem_shared>>
        %dma_start3A_146 = arith.constant 0 : i32
        %dma_start3A_147 = tpu.memref_slice %arg2[%mul3A_141, %dma_start3A_146] : memref<10000x128xf32, #tpu.memory_space<hbm>> -> memref<640x128xf32, #tpu.memory_space<hbm>>
        tpu.enqueue_dma source(%dma_start3A_147 : memref<640x128xf32, #tpu.memory_space<hbm>>) target(%dma_start3A_145 : memref<640x128xf32, #tpu.memory_space<vmem_shared>>) target_semaphore(%run_scoped3A : memref<!tpu.dma_semaphore, #tpu.memory_space<semaphore_mem>>)
        %dma_wait3A_148 = arith.constant 0 : i32
        %dma_wait3A_149 = tpu.memref_slice %arg15[%mul3A_143, %dma_wait3A_148] : memref<10240x128xf32, #tpu.memory_space<vmem_shared>> -> memref<640x128xf32, #tpu.memory_space<vmem_shared>>
        %dma_wait3A_150 = arith.constant 0 : i32
        %dma_wait3A_151 = tpu.memref_slice %arg2[%mul3A_141, %dma_wait3A_150] : memref<10000x128xf32, #tpu.memory_space<hbm>> -> memref<640x128xf32, #tpu.memory_space<hbm>>
        tpu.wait_dma2 semaphore(%run_scoped3A : memref<!tpu.dma_semaphore, #tpu.memory_space<semaphore_mem>>) src(%dma_wait3A_151 : memref<640x128xf32, #tpu.memory_space<hbm>>) dst(%dma_wait3A_149 : memref<640x128xf32, #tpu.memory_space<vmem_shared>>)
        tpu.yield
      }) : () -> ()
    } else {
    }
    %eq3A_19 = arith.constant 0 : i32
    %eq3A_20 = arith.cmpi eq, %arg0, %eq3A_19 : i32
    %eq3A_21 = arith.constant 15 : i32
    %eq3A_22 = arith.cmpi eq, %arg1, %eq3A_21 : i32
    %and3A_23 = arith.andi %eq3A_20, %eq3A_22 : i1
    %convert_element_type3A_24 = arith.extui %and3A_23 : i1 to i32
    %cond3A_25 = arith.constant 0 : i32
    %cond3A_26 = arith.cmpi ne, %convert_element_type3A_24, %cond3A_25 : i32
    scf.if %cond3A_26 {
      "tpu.region"() ({
        %run_scoped3A = tpu.sem_alloc : memref<!tpu.dma_semaphore, #tpu.memory_space<semaphore_mem>>
        %dma_start3A_140 = arith.constant 9600 : i32
        %dma_start3A_141 = arith.constant 0 : i32
        %dma_start3A_142 = tpu.memref_slice %arg15[%dma_start3A_140, %dma_start3A_141] : memref<10240x128xf32, #tpu.memory_space<vmem_shared>> -> memref<400x128xf32, #tpu.memory_space<vmem_shared>>
        %dma_start3A_143 = arith.constant 9600 : i32
        %dma_start3A_144 = arith.constant 0 : i32
        %dma_start3A_145 = tpu.memref_slice %arg2[%dma_start3A_143, %dma_start3A_144] : memref<10000x128xf32, #tpu.memory_space<hbm>> -> memref<400x128xf32, #tpu.memory_space<hbm>>
        tpu.enqueue_dma source(%dma_start3A_145 : memref<400x128xf32, #tpu.memory_space<hbm>>) target(%dma_start3A_142 : memref<400x128xf32, #tpu.memory_space<vmem_shared>>) target_semaphore(%run_scoped3A : memref<!tpu.dma_semaphore, #tpu.memory_space<semaphore_mem>>)
        %dma_wait3A_146 = arith.constant 9600 : i32
        %dma_wait3A_147 = arith.constant 0 : i32
        %dma_wait3A_148 = tpu.memref_slice %arg15[%dma_wait3A_146, %dma_wait3A_147] : memref<10240x128xf32, #tpu.memory_space<vmem_shared>> -> memref<400x128xf32, #tpu.memory_space<vmem_shared>>
        %dma_wait3A_149 = arith.constant 9600 : i32
        %dma_wait3A_150 = arith.constant 0 : i32
        %dma_wait3A_151 = tpu.memref_slice %arg2[%dma_wait3A_149, %dma_wait3A_150] : memref<10000x128xf32, #tpu.memory_space<hbm>> -> memref<400x128xf32, #tpu.memory_space<hbm>>
        tpu.wait_dma2 semaphore(%run_scoped3A : memref<!tpu.dma_semaphore, #tpu.memory_space<semaphore_mem>>) src(%dma_wait3A_151 : memref<400x128xf32, #tpu.memory_space<hbm>>) dst(%dma_wait3A_148 : memref<400x128xf32, #tpu.memory_space<vmem_shared>>)
        tpu.yield
      }) : () -> ()
    } else {
    }
    %eq3A_27 = arith.constant 1 : i32
    %eq3A_28 = arith.cmpi eq, %arg0, %eq3A_27 : i32
    %lt3A_29 = arith.constant 15 : i32
    %lt3A_30 = arith.cmpi slt, %arg1, %lt3A_29 : i32
    %and3A_31 = arith.andi %eq3A_28, %lt3A_30 : i1
    %convert_element_type3A_32 = arith.extui %and3A_31 : i1 to i32
    %cond3A_33 = arith.constant 0 : i32
    %cond3A_34 = arith.cmpi ne, %convert_element_type3A_32, %cond3A_33 : i32
    scf.if %cond3A_34 {
      %mul3A_140 = arith.constant 640 : i32
      %mul3A_141 = arith.muli %arg1, %mul3A_140 : i32
      "tpu.region"() ({
        %run_scoped3A = tpu.sem_alloc : memref<!tpu.dma_semaphore, #tpu.memory_space<semaphore_mem>>
        %dma_start3A_142 = arith.constant 0 : i32
        %dma_start3A_143 = tpu.memref_slice %arg15[%mul3A_141, %dma_start3A_142] : memref<10240x128xf32, #tpu.memory_space<vmem_shared>> -> memref<640x128xf32, #tpu.memory_space<vmem_shared>>
        tpu.enqueue_dma source(%arg5 : memref<640x128xf32, #tpu.memory_space<hbm>>) target(%dma_start3A_143 : memref<640x128xf32, #tpu.memory_space<vmem_shared>>) target_semaphore(%run_scoped3A : memref<!tpu.dma_semaphore, #tpu.memory_space<semaphore_mem>>)
        %dma_wait3A_144 = arith.constant 0 : i32
        %dma_wait3A_145 = tpu.memref_slice %arg15[%mul3A_141, %dma_wait3A_144] : memref<10240x128xf32, #tpu.memory_space<vmem_shared>> -> memref<640x128xf32, #tpu.memory_space<vmem_shared>>
        tpu.wait_dma2 semaphore(%run_scoped3A : memref<!tpu.dma_semaphore, #tpu.memory_space<semaphore_mem>>) src(%arg5 : memref<640x128xf32, #tpu.memory_space<hbm>>) dst(%dma_wait3A_145 : memref<640x128xf32, #tpu.memory_space<vmem_shared>>)
        tpu.yield
      }) : () -> ()
    } else {
    }
    %eq3A_35 = arith.constant 1 : i32
    %eq3A_36 = arith.cmpi eq, %arg0, %eq3A_35 : i32
    %eq3A_37 = arith.constant 15 : i32
    %eq3A_38 = arith.cmpi eq, %arg1, %eq3A_37 : i32
    %and3A_39 = arith.andi %eq3A_36, %eq3A_38 : i1
    %convert_element_type3A_40 = arith.extui %and3A_39 : i1 to i32
    %cond3A_41 = arith.constant 0 : i32
    %cond3A_42 = arith.cmpi ne, %convert_element_type3A_40, %cond3A_41 : i32
    scf.if %cond3A_42 {
      "tpu.region"() ({
        %run_scoped3A = tpu.sem_alloc : memref<!tpu.dma_semaphore, #tpu.memory_space<semaphore_mem>>
        %dma_start3A_140 = arith.constant 9600 : i32
        %dma_start3A_141 = arith.constant 0 : i32
        %dma_start3A_142 = tpu.memref_slice %arg15[%dma_start3A_140, %dma_start3A_141] : memref<10240x128xf32, #tpu.memory_space<vmem_shared>> -> memref<400x128xf32, #tpu.memory_space<vmem_shared>>
        %dma_start3A_143 = arith.constant 0 : i32
        %dma_start3A_144 = arith.constant 0 : i32
        %dma_start3A_145 = tpu.memref_slice %arg5[%dma_start3A_143, %dma_start3A_144] : memref<640x128xf32, #tpu.memory_space<hbm>> -> memref<400x128xf32, #tpu.memory_space<hbm>>
        tpu.enqueue_dma source(%dma_start3A_145 : memref<400x128xf32, #tpu.memory_space<hbm>>) target(%dma_start3A_142 : memref<400x128xf32, #tpu.memory_space<vmem_shared>>) target_semaphore(%run_scoped3A : memref<!tpu.dma_semaphore, #tpu.memory_space<semaphore_mem>>)
        %dma_wait3A_146 = arith.constant 9600 : i32
        %dma_wait3A_147 = arith.constant 0 : i32
        %dma_wait3A_148 = tpu.memref_slice %arg15[%dma_wait3A_146, %dma_wait3A_147] : memref<10240x128xf32, #tpu.memory_space<vmem_shared>> -> memref<400x128xf32, #tpu.memory_space<vmem_shared>>
        %dma_wait3A_149 = arith.constant 0 : i32
        %dma_wait3A_150 = arith.constant 0 : i32
        %dma_wait3A_151 = tpu.memref_slice %arg5[%dma_wait3A_149, %dma_wait3A_150] : memref<640x128xf32, #tpu.memory_space<hbm>> -> memref<400x128xf32, #tpu.memory_space<hbm>>
        tpu.wait_dma2 semaphore(%run_scoped3A : memref<!tpu.dma_semaphore, #tpu.memory_space<semaphore_mem>>) src(%dma_wait3A_151 : memref<400x128xf32, #tpu.memory_space<hbm>>) dst(%dma_wait3A_148 : memref<400x128xf32, #tpu.memory_space<vmem_shared>>)
        tpu.yield
      }) : () -> ()
    } else {
    }
    %dma_wait3A = arith.constant 0 : i32
    %dma_wait3A_43 = arith.constant 0 : i32
    %dma_wait3A_44 = tpu.memref_slice %arg3[%add3A, %dma_wait3A, %dma_wait3A_43] : memref<32x80x125xi32, #tpu.memory_space<hbm>> -> memref<1x40x125xi32, #tpu.memory_space<hbm>>
    %dma_wait3A_45 = tpu.memref_squeeze %dma_wait3A_44 : memref<1x40x125xi32, #tpu.memory_space<hbm>> -> memref<40x125xi32, #tpu.memory_space<hbm>>
    %dma_wait3A_46 = arith.constant 0 : i32
    %dma_wait3A_47 = arith.constant 0 : i32
    %dma_wait3A_48 = tpu.memref_slice %arg3[%add3A, %dma_wait3A_46, %dma_wait3A_47] : memref<32x80x125xi32, #tpu.memory_space<hbm>> -> memref<1x40x125xi32, #tpu.memory_space<hbm>>
    %dma_wait3A_49 = tpu.memref_squeeze %dma_wait3A_48 : memref<1x40x125xi32, #tpu.memory_space<hbm>> -> memref<40x125xi32, #tpu.memory_space<hbm>>
    tpu.wait_dma2 semaphore(%arg13 : memref<!tpu.dma_semaphore, #tpu.memory_space<semaphore_mem>>) src(%dma_wait3A_49 : memref<40x125xi32, #tpu.memory_space<hbm>>) dst(%arg7 : memref<40x125xi32, #tpu.memory_space<vmem>>)
    %dma_wait3A_50 = arith.constant 0 : i32
    %dma_wait3A_51 = arith.constant 0 : i32
    %dma_wait3A_52 = tpu.memref_slice %arg4[%add3A, %dma_wait3A_50, %dma_wait3A_51] : memref<32x80x125xi32, #tpu.memory_space<hbm>> -> memref<1x40x125xi32, #tpu.memory_space<hbm>>
    %dma_wait3A_53 = tpu.memref_squeeze %dma_wait3A_52 : memref<1x40x125xi32, #tpu.memory_space<hbm>> -> memref<40x125xi32, #tpu.memory_space<hbm>>
    %dma_wait3A_54 = arith.constant 0 : i32
    %dma_wait3A_55 = arith.constant 0 : i32
    %dma_wait3A_56 = tpu.memref_slice %arg4[%add3A, %dma_wait3A_54, %dma_wait3A_55] : memref<32x80x125xi32, #tpu.memory_space<hbm>> -> memref<1x40x125xi32, #tpu.memory_space<hbm>>
    %dma_wait3A_57 = tpu.memref_squeeze %dma_wait3A_56 : memref<1x40x125xi32, #tpu.memory_space<hbm>> -> memref<40x125xi32, #tpu.memory_space<hbm>>
    tpu.wait_dma2 semaphore(%arg14 : memref<!tpu.dma_semaphore, #tpu.memory_space<semaphore_mem>>) src(%dma_wait3A_57 : memref<40x125xi32, #tpu.memory_space<hbm>>) dst(%arg8 : memref<40x125xi32, #tpu.memory_space<vmem>>)
    %dma_start3A_58 = arith.constant 0 : i32
    %dma_start3A_59 = arith.constant 0 : i32
    %dma_start3A_60 = tpu.memref_slice %arg7[%dma_start3A_58, %dma_start3A_59] : memref<40x125xi32, #tpu.memory_space<vmem>> -> memref<1x125xi32, #tpu.memory_space<vmem>>
    %dma_start3A_61 = tpu.memref_squeeze %dma_start3A_60 : memref<1x125xi32, #tpu.memory_space<vmem>> -> memref<125xi32, #tpu.memory_space<vmem>>
    %dma_start3A_62 = arith.constant 0 : i32
    %dma_start3A_63 = arith.constant 0 : i32
    %dma_start3A_64 = tpu.memref_slice %arg2[%dma_start3A_62, %dma_start3A_63] : memref<10000x128xf32, #tpu.memory_space<hbm>> -> memref<10000x128xf32, #tpu.memory_space<hbm>>
    tpu.enqueue_indirect_dma source(%dma_start3A_64 : memref<10000x128xf32, #tpu.memory_space<hbm>>) target(%arg9 : memref<125x128xf32, #tpu.memory_space<vmem>>) offsets(%dma_start3A_61 : memref<125xi32, #tpu.memory_space<vmem>>) semaphore(%arg11 : memref<!tpu.dma_semaphore, #tpu.memory_space<semaphore_mem>>)
    %dma_start3A_65 = arith.constant 1 : i32
    %dma_start3A_66 = arith.constant 0 : i32
    %dma_start3A_67 = tpu.memref_slice %arg7[%dma_start3A_65, %dma_start3A_66] : memref<40x125xi32, #tpu.memory_space<vmem>> -> memref<1x125xi32, #tpu.memory_space<vmem>>
    %dma_start3A_68 = tpu.memref_squeeze %dma_start3A_67 : memref<1x125xi32, #tpu.memory_space<vmem>> -> memref<125xi32, #tpu.memory_space<vmem>>
    %dma_start3A_69 = arith.constant 0 : i32
    %dma_start3A_70 = arith.constant 0 : i32
    %dma_start3A_71 = tpu.memref_slice %arg2[%dma_start3A_69, %dma_start3A_70] : memref<10000x128xf32, #tpu.memory_space<hbm>> -> memref<10000x128xf32, #tpu.memory_space<hbm>>
    tpu.enqueue_indirect_dma source(%dma_start3A_71 : memref<10000x128xf32, #tpu.memory_space<hbm>>) target(%arg10 : memref<125x128xf32, #tpu.memory_space<vmem>>) offsets(%dma_start3A_68 : memref<125xi32, #tpu.memory_space<vmem>>) semaphore(%arg12 : memref<!tpu.dma_semaphore, #tpu.memory_space<semaphore_mem>>)
    %barrier3A = arith.constant 0 : index
    tpu.barrier barrier_id(%barrier3A)
    %scan3A = arith.constant 0 : i32
    %scan3A_72 = arith.constant 0 : i32
    %scan3A_73 = arith.constant 20 : i32
    %scan3A_74 = arith.addi %scan3A_72, %scan3A_73 : i32
    %scan3A_75 = arith.constant 1 : i32
    scf.for %scan3A_140 = %scan3A_72 to %scan3A_74 step %scan3A_75  : i32 {
      %mul3A_141 = arith.constant 2 : i32
      %mul3A_142 = arith.muli %scan3A_140, %mul3A_141 : i32
      %add3A_143 = arith.constant 0 : i32
      %add3A_144 = arith.addi %mul3A_142, %add3A_143 : i32
      %dma_wait3A_145 = arith.constant 0 : i32
      %dma_wait3A_146 = tpu.memref_slice %arg7[%add3A_144, %dma_wait3A_145] : memref<40x125xi32, #tpu.memory_space<vmem>> -> memref<1x125xi32, #tpu.memory_space<vmem>>
      %dma_wait3A_147 = tpu.memref_squeeze %dma_wait3A_146 : memref<1x125xi32, #tpu.memory_space<vmem>> -> memref<125xi32, #tpu.memory_space<vmem>>
      %dma_wait3A_148 = arith.constant 0 : i32
      %dma_wait3A_149 = arith.constant 0 : i32
      %dma_wait3A_150 = tpu.memref_slice %arg2[%dma_wait3A_148, %dma_wait3A_149] : memref<10000x128xf32, #tpu.memory_space<hbm>> -> memref<10000x128xf32, #tpu.memory_space<hbm>>
      tpu.wait_indirect_dma semaphore(%arg11 : memref<!tpu.dma_semaphore, #tpu.memory_space<semaphore_mem>>) src(%dma_wait3A_150 : memref<10000x128xf32, #tpu.memory_space<hbm>>) dst(%arg9 : memref<125x128xf32, #tpu.memory_space<vmem>>)
      "tpu.region"() ({
        %run_scoped3A = tpu.sem_alloc : memref<!tpu.dma_semaphore, #tpu.memory_space<semaphore_mem>>
        %dma_start3A_173 = arith.constant 0 : i32
        %dma_start3A_174 = tpu.memref_slice %arg8[%add3A_144, %dma_start3A_173] : memref<40x125xi32, #tpu.memory_space<vmem>> -> memref<1x125xi32, #tpu.memory_space<vmem>>
        %dma_start3A_175 = tpu.memref_squeeze %dma_start3A_174 : memref<1x125xi32, #tpu.memory_space<vmem>> -> memref<125xi32, #tpu.memory_space<vmem>>
        %dma_start3A_176 = arith.constant 0 : i32
        %dma_start3A_177 = arith.constant 0 : i32
        %dma_start3A_178 = tpu.memref_slice %arg15[%dma_start3A_176, %dma_start3A_177] : memref<10240x128xf32, #tpu.memory_space<vmem_shared>> -> memref<10240x128xf32, #tpu.memory_space<vmem_shared>>
        tpu.enqueue_indirect_dma source(%arg9 : memref<125x128xf32, #tpu.memory_space<vmem>>) target(%dma_start3A_178 : memref<10240x128xf32, #tpu.memory_space<vmem_shared>>) offsets(%dma_start3A_175 : memref<125xi32, #tpu.memory_space<vmem>>) semaphore(%run_scoped3A : memref<!tpu.dma_semaphore, #tpu.memory_space<semaphore_mem>>) {add = true}
        %dma_wait3A_179 = arith.constant 0 : i32
        %dma_wait3A_180 = tpu.memref_slice %arg8[%add3A_144, %dma_wait3A_179] : memref<40x125xi32, #tpu.memory_space<vmem>> -> memref<1x125xi32, #tpu.memory_space<vmem>>
        %dma_wait3A_181 = tpu.memref_squeeze %dma_wait3A_180 : memref<1x125xi32, #tpu.memory_space<vmem>> -> memref<125xi32, #tpu.memory_space<vmem>>
        %dma_wait3A_182 = arith.constant 0 : i32
        %dma_wait3A_183 = arith.constant 0 : i32
        %dma_wait3A_184 = tpu.memref_slice %arg15[%dma_wait3A_182, %dma_wait3A_183] : memref<10240x128xf32, #tpu.memory_space<vmem_shared>> -> memref<10240x128xf32, #tpu.memory_space<vmem_shared>>
        tpu.wait_indirect_dma semaphore(%run_scoped3A : memref<!tpu.dma_semaphore, #tpu.memory_space<semaphore_mem>>) src(%arg9 : memref<125x128xf32, #tpu.memory_space<vmem>>) dst(%dma_wait3A_184 : memref<10240x128xf32, #tpu.memory_space<vmem_shared>>)
        tpu.yield
      }) : () -> ()
      %add3A_151 = arith.constant 2 : i32
      %add3A_152 = arith.addi %add3A_144, %add3A_151 : i32
      %lt3A_153 = arith.constant 40 : i32
      %lt3A_154 = arith.cmpi slt, %add3A_152, %lt3A_153 : i32
      %convert_element_type3A_155 = arith.extui %lt3A_154 : i1 to i32
      %cond3A_156 = arith.constant 0 : i32
      %cond3A_157 = arith.cmpi ne, %convert_element_type3A_155, %cond3A_156 : i32
      scf.if %cond3A_157 {
        %add3A_173 = arith.constant 2 : i32
        %add3A_174 = arith.addi %add3A_144, %add3A_173 : i32
        %dma_start3A_175 = arith.constant 0 : i32
        %dma_start3A_176 = tpu.memref_slice %arg7[%add3A_174, %dma_start3A_175] : memref<40x125xi32, #tpu.memory_space<vmem>> -> memref<1x125xi32, #tpu.memory_space<vmem>>
        %dma_start3A_177 = tpu.memref_squeeze %dma_start3A_176 : memref<1x125xi32, #tpu.memory_space<vmem>> -> memref<125xi32, #tpu.memory_space<vmem>>
        %dma_start3A_178 = arith.constant 0 : i32
        %dma_start3A_179 = arith.constant 0 : i32
        %dma_start3A_180 = tpu.memref_slice %arg2[%dma_start3A_178, %dma_start3A_179] : memref<10000x128xf32, #tpu.memory_space<hbm>> -> memref<10000x128xf32, #tpu.memory_space<hbm>>
        tpu.enqueue_indirect_dma source(%dma_start3A_180 : memref<10000x128xf32, #tpu.memory_space<hbm>>) target(%arg9 : memref<125x128xf32, #tpu.memory_space<vmem>>) offsets(%dma_start3A_177 : memref<125xi32, #tpu.memory_space<vmem>>) semaphore(%arg11 : memref<!tpu.dma_semaphore, #tpu.memory_space<semaphore_mem>>)
      } else {
      }
      %add3A_158 = arith.constant 1 : i32
      %add3A_159 = arith.addi %mul3A_142, %add3A_158 : i32
      %dma_wait3A_160 = arith.constant 0 : i32
      %dma_wait3A_161 = tpu.memref_slice %arg7[%add3A_159, %dma_wait3A_160] : memref<40x125xi32, #tpu.memory_space<vmem>> -> memref<1x125xi32, #tpu.memory_space<vmem>>
      %dma_wait3A_162 = tpu.memref_squeeze %dma_wait3A_161 : memref<1x125xi32, #tpu.memory_space<vmem>> -> memref<125xi32, #tpu.memory_space<vmem>>
      %dma_wait3A_163 = arith.constant 0 : i32
      %dma_wait3A_164 = arith.constant 0 : i32
      %dma_wait3A_165 = tpu.memref_slice %arg2[%dma_wait3A_163, %dma_wait3A_164] : memref<10000x128xf32, #tpu.memory_space<hbm>> -> memref<10000x128xf32, #tpu.memory_space<hbm>>
      tpu.wait_indirect_dma semaphore(%arg12 : memref<!tpu.dma_semaphore, #tpu.memory_space<semaphore_mem>>) src(%dma_wait3A_165 : memref<10000x128xf32, #tpu.memory_space<hbm>>) dst(%arg10 : memref<125x128xf32, #tpu.memory_space<vmem>>)
      "tpu.region"() ({
        %run_scoped3A = tpu.sem_alloc : memref<!tpu.dma_semaphore, #tpu.memory_space<semaphore_mem>>
        %dma_start3A_173 = arith.constant 0 : i32
        %dma_start3A_174 = tpu.memref_slice %arg8[%add3A_159, %dma_start3A_173] : memref<40x125xi32, #tpu.memory_space<vmem>> -> memref<1x125xi32, #tpu.memory_space<vmem>>
        %dma_start3A_175 = tpu.memref_squeeze %dma_start3A_174 : memref<1x125xi32, #tpu.memory_space<vmem>> -> memref<125xi32, #tpu.memory_space<vmem>>
        %dma_start3A_176 = arith.constant 0 : i32
        %dma_start3A_177 = arith.constant 0 : i32
        %dma_start3A_178 = tpu.memref_slice %arg15[%dma_start3A_176, %dma_start3A_177] : memref<10240x128xf32, #tpu.memory_space<vmem_shared>> -> memref<10240x128xf32, #tpu.memory_space<vmem_shared>>
        tpu.enqueue_indirect_dma source(%arg10 : memref<125x128xf32, #tpu.memory_space<vmem>>) target(%dma_start3A_178 : memref<10240x128xf32, #tpu.memory_space<vmem_shared>>) offsets(%dma_start3A_175 : memref<125xi32, #tpu.memory_space<vmem>>) semaphore(%run_scoped3A : memref<!tpu.dma_semaphore, #tpu.memory_space<semaphore_mem>>) {add = true}
        %dma_wait3A_179 = arith.constant 0 : i32
        %dma_wait3A_180 = tpu.memref_slice %arg8[%add3A_159, %dma_wait3A_179] : memref<40x125xi32, #tpu.memory_space<vmem>> -> memref<1x125xi32, #tpu.memory_space<vmem>>
        %dma_wait3A_181 = tpu.memref_squeeze %dma_wait3A_180 : memref<1x125xi32, #tpu.memory_space<vmem>> -> memref<125xi32, #tpu.memory_space<vmem>>
        %dma_wait3A_182 = arith.constant 0 : i32
        %dma_wait3A_183 = arith.constant 0 : i32
        %dma_wait3A_184 = tpu.memref_slice %arg15[%dma_wait3A_182, %dma_wait3A_183] : memref<10240x128xf32, #tpu.memory_space<vmem_shared>> -> memref<10240x128xf32, #tpu.memory_space<vmem_shared>>
        tpu.wait_indirect_dma semaphore(%run_scoped3A : memref<!tpu.dma_semaphore, #tpu.memory_space<semaphore_mem>>) src(%arg10 : memref<125x128xf32, #tpu.memory_space<vmem>>) dst(%dma_wait3A_184 : memref<10240x128xf32, #tpu.memory_space<vmem_shared>>)
        tpu.yield
      }) : () -> ()
      %add3A_166 = arith.constant 2 : i32
      %add3A_167 = arith.addi %add3A_159, %add3A_166 : i32
      %lt3A_168 = arith.constant 40 : i32
      %lt3A_169 = arith.cmpi slt, %add3A_167, %lt3A_168 : i32
      %convert_element_type3A_170 = arith.extui %lt3A_169 : i1 to i32
      %cond3A_171 = arith.constant 0 : i32
      %cond3A_172 = arith.cmpi ne, %convert_element_type3A_170, %cond3A_171 : i32
      scf.if %cond3A_172 {
        %add3A_173 = arith.constant 2 : i32
        %add3A_174 = arith.addi %add3A_159, %add3A_173 : i32
        %dma_start3A_175 = arith.constant 0 : i32
        %dma_start3A_176 = tpu.memref_slice %arg7[%add3A_174, %dma_start3A_175] : memref<40x125xi32, #tpu.memory_space<vmem>> -> memref<1x125xi32, #tpu.memory_space<vmem>>
        %dma_start3A_177 = tpu.memref_squeeze %dma_start3A_176 : memref<1x125xi32, #tpu.memory_space<vmem>> -> memref<125xi32, #tpu.memory_space<vmem>>
        %dma_start3A_178 = arith.constant 0 : i32
        %dma_start3A_179 = arith.constant 0 : i32
        %dma_start3A_180 = tpu.memref_slice %arg2[%dma_start3A_178, %dma_start3A_179] : memref<10000x128xf32, #tpu.memory_space<hbm>> -> memref<10000x128xf32, #tpu.memory_space<hbm>>
        tpu.enqueue_indirect_dma source(%dma_start3A_180 : memref<10000x128xf32, #tpu.memory_space<hbm>>) target(%arg10 : memref<125x128xf32, #tpu.memory_space<vmem>>) offsets(%dma_start3A_177 : memref<125xi32, #tpu.memory_space<vmem>>) semaphore(%arg12 : memref<!tpu.dma_semaphore, #tpu.memory_space<semaphore_mem>>)
      } else {
      }
    }
    %scan3A_76 = arith.constant 20 : i32
    %dma_start3A_77 = arith.constant 40 : i32
    %dma_start3A_78 = arith.constant 0 : i32
    %dma_start3A_79 = tpu.memref_slice %arg3[%add3A, %dma_start3A_77, %dma_start3A_78] : memref<32x80x125xi32, #tpu.memory_space<hbm>> -> memref<1x40x125xi32, #tpu.memory_space<hbm>>
    %dma_start3A_80 = tpu.memref_squeeze %dma_start3A_79 : memref<1x40x125xi32, #tpu.memory_space<hbm>> -> memref<40x125xi32, #tpu.memory_space<hbm>>
    %dma_start3A_81 = arith.constant 40 : i32
    %dma_start3A_82 = arith.constant 0 : i32
    %dma_start3A_83 = tpu.memref_slice %arg3[%add3A, %dma_start3A_81, %dma_start3A_82] : memref<32x80x125xi32, #tpu.memory_space<hbm>> -> memref<1x40x125xi32, #tpu.memory_space<hbm>>
    %dma_start3A_84 = tpu.memref_squeeze %dma_start3A_83 : memref<1x40x125xi32, #tpu.memory_space<hbm>> -> memref<40x125xi32, #tpu.memory_space<hbm>>
    tpu.enqueue_dma source(%dma_start3A_84 : memref<40x125xi32, #tpu.memory_space<hbm>>) target(%arg7 : memref<40x125xi32, #tpu.memory_space<vmem>>) target_semaphore(%arg13 : memref<!tpu.dma_semaphore, #tpu.memory_space<semaphore_mem>>)
    %dma_start3A_85 = arith.constant 40 : i32
    %dma_start3A_86 = arith.constant 0 : i32
    %dma_start3A_87 = tpu.memref_slice %arg4[%add3A, %dma_start3A_85, %dma_start3A_86] : memref<32x80x125xi32, #tpu.memory_space<hbm>> -> memref<1x40x125xi32, #tpu.memory_space<hbm>>
    %dma_start3A_88 = tpu.memref_squeeze %dma_start3A_87 : memref<1x40x125xi32, #tpu.memory_space<hbm>> -> memref<40x125xi32, #tpu.memory_space<hbm>>
    %dma_start3A_89 = arith.constant 40 : i32
    %dma_start3A_90 = arith.constant 0 : i32
    %dma_start3A_91 = tpu.memref_slice %arg4[%add3A, %dma_start3A_89, %dma_start3A_90] : memref<32x80x125xi32, #tpu.memory_space<hbm>> -> memref<1x40x125xi32, #tpu.memory_space<hbm>>
    %dma_start3A_92 = tpu.memref_squeeze %dma_start3A_91 : memref<1x40x125xi32, #tpu.memory_space<hbm>> -> memref<40x125xi32, #tpu.memory_space<hbm>>
    tpu.enqueue_dma source(%dma_start3A_92 : memref<40x125xi32, #tpu.memory_space<hbm>>) target(%arg8 : memref<40x125xi32, #tpu.memory_space<vmem>>) target_semaphore(%arg14 : memref<!tpu.dma_semaphore, #tpu.memory_space<semaphore_mem>>)
    %dma_wait3A_93 = arith.constant 40 : i32
    %dma_wait3A_94 = arith.constant 0 : i32
    %dma_wait3A_95 = tpu.memref_slice %arg3[%add3A, %dma_wait3A_93, %dma_wait3A_94] : memref<32x80x125xi32, #tpu.memory_space<hbm>> -> memref<1x40x125xi32, #tpu.memory_space<hbm>>
    %dma_wait3A_96 = tpu.memref_squeeze %dma_wait3A_95 : memref<1x40x125xi32, #tpu.memory_space<hbm>> -> memref<40x125xi32, #tpu.memory_space<hbm>>
    %dma_wait3A_97 = arith.constant 40 : i32
    %dma_wait3A_98 = arith.constant 0 : i32
    %dma_wait3A_99 = tpu.memref_slice %arg3[%add3A, %dma_wait3A_97, %dma_wait3A_98] : memref<32x80x125xi32, #tpu.memory_space<hbm>> -> memref<1x40x125xi32, #tpu.memory_space<hbm>>
    %dma_wait3A_100 = tpu.memref_squeeze %dma_wait3A_99 : memref<1x40x125xi32, #tpu.memory_space<hbm>> -> memref<40x125xi32, #tpu.memory_space<hbm>>
    tpu.wait_dma2 semaphore(%arg13 : memref<!tpu.dma_semaphore, #tpu.memory_space<semaphore_mem>>) src(%dma_wait3A_100 : memref<40x125xi32, #tpu.memory_space<hbm>>) dst(%arg7 : memref<40x125xi32, #tpu.memory_space<vmem>>)
    %dma_wait3A_101 = arith.constant 40 : i32
    %dma_wait3A_102 = arith.constant 0 : i32
    %dma_wait3A_103 = tpu.memref_slice %arg4[%add3A, %dma_wait3A_101, %dma_wait3A_102] : memref<32x80x125xi32, #tpu.memory_space<hbm>> -> memref<1x40x125xi32, #tpu.memory_space<hbm>>
    %dma_wait3A_104 = tpu.memref_squeeze %dma_wait3A_103 : memref<1x40x125xi32, #tpu.memory_space<hbm>> -> memref<40x125xi32, #tpu.memory_space<hbm>>
    %dma_wait3A_105 = arith.constant 40 : i32
    %dma_wait3A_106 = arith.constant 0 : i32
    %dma_wait3A_107 = tpu.memref_slice %arg4[%add3A, %dma_wait3A_105, %dma_wait3A_106] : memref<32x80x125xi32, #tpu.memory_space<hbm>> -> memref<1x40x125xi32, #tpu.memory_space<hbm>>
    %dma_wait3A_108 = tpu.memref_squeeze %dma_wait3A_107 : memref<1x40x125xi32, #tpu.memory_space<hbm>> -> memref<40x125xi32, #tpu.memory_space<hbm>>
    tpu.wait_dma2 semaphore(%arg14 : memref<!tpu.dma_semaphore, #tpu.memory_space<semaphore_mem>>) src(%dma_wait3A_108 : memref<40x125xi32, #tpu.memory_space<hbm>>) dst(%arg8 : memref<40x125xi32, #tpu.memory_space<vmem>>)
    %dma_start3A_109 = arith.constant 0 : i32
    %dma_start3A_110 = arith.constant 0 : i32
    %dma_start3A_111 = tpu.memref_slice %arg7[%dma_start3A_109, %dma_start3A_110] : memref<40x125xi32, #tpu.memory_space<vmem>> -> memref<1x125xi32, #tpu.memory_space<vmem>>
    %dma_start3A_112 = tpu.memref_squeeze %dma_start3A_111 : memref<1x125xi32, #tpu.memory_space<vmem>> -> memref<125xi32, #tpu.memory_space<vmem>>
    %dma_start3A_113 = arith.constant 0 : i32
    %dma_start3A_114 = arith.constant 0 : i32
    %dma_start3A_115 = tpu.memref_slice %arg2[%dma_start3A_113, %dma_start3A_114] : memref<10000x128xf32, #tpu.memory_space<hbm>> -> memref<10000x128xf32, #tpu.memory_space<hbm>>
    tpu.enqueue_indirect_dma source(%dma_start3A_115 : memref<10000x128xf32, #tpu.memory_space<hbm>>) target(%arg9 : memref<125x128xf32, #tpu.memory_space<vmem>>) offsets(%dma_start3A_112 : memref<125xi32, #tpu.memory_space<vmem>>) semaphore(%arg11 : memref<!tpu.dma_semaphore, #tpu.memory_space<semaphore_mem>>)
    %dma_start3A_116 = arith.constant 1 : i32
    %dma_start3A_117 = arith.constant 0 : i32
    %dma_start3A_118 = tpu.memref_slice %arg7[%dma_start3A_116, %dma_start3A_117] : memref<40x125xi32, #tpu.memory_space<vmem>> -> memref<1x125xi32, #tpu.memory_space<vmem>>
    %dma_start3A_119 = tpu.memref_squeeze %dma_start3A_118 : memref<1x125xi32, #tpu.memory_space<vmem>> -> memref<125xi32, #tpu.memory_space<vmem>>
    %dma_start3A_120 = arith.constant 0 : i32
    %dma_start3A_121 = arith.constant 0 : i32
    %dma_start3A_122 = tpu.memref_slice %arg2[%dma_start3A_120, %dma_start3A_121] : memref<10000x128xf32, #tpu.memory_space<hbm>> -> memref<10000x128xf32, #tpu.memory_space<hbm>>
    tpu.enqueue_indirect_dma source(%dma_start3A_122 : memref<10000x128xf32, #tpu.memory_space<hbm>>) target(%arg10 : memref<125x128xf32, #tpu.memory_space<vmem>>) offsets(%dma_start3A_119 : memref<125xi32, #tpu.memory_space<vmem>>) semaphore(%arg12 : memref<!tpu.dma_semaphore, #tpu.memory_space<semaphore_mem>>)
    %scan3A_123 = arith.constant 0 : i32
    %scan3A_124 = arith.constant 0 : i32
    %scan3A_125 = arith.constant 20 : i32
    %scan3A_126 = arith.addi %scan3A_124, %scan3A_125 : i32
    %scan3A_127 = arith.constant 1 : i32
    scf.for %scan3A_140 = %scan3A_124 to %scan3A_126 step %scan3A_127  : i32 {
      %mul3A_141 = arith.constant 2 : i32
      %mul3A_142 = arith.muli %scan3A_140, %mul3A_141 : i32
      %add3A_143 = arith.constant 0 : i32
      %add3A_144 = arith.addi %mul3A_142, %add3A_143 : i32
      %dma_wait3A_145 = arith.constant 0 : i32
      %dma_wait3A_146 = tpu.memref_slice %arg7[%add3A_144, %dma_wait3A_145] : memref<40x125xi32, #tpu.memory_space<vmem>> -> memref<1x125xi32, #tpu.memory_space<vmem>>
      %dma_wait3A_147 = tpu.memref_squeeze %dma_wait3A_146 : memref<1x125xi32, #tpu.memory_space<vmem>> -> memref<125xi32, #tpu.memory_space<vmem>>
      %dma_wait3A_148 = arith.constant 0 : i32
      %dma_wait3A_149 = arith.constant 0 : i32
      %dma_wait3A_150 = tpu.memref_slice %arg2[%dma_wait3A_148, %dma_wait3A_149] : memref<10000x128xf32, #tpu.memory_space<hbm>> -> memref<10000x128xf32, #tpu.memory_space<hbm>>
      tpu.wait_indirect_dma semaphore(%arg11 : memref<!tpu.dma_semaphore, #tpu.memory_space<semaphore_mem>>) src(%dma_wait3A_150 : memref<10000x128xf32, #tpu.memory_space<hbm>>) dst(%arg9 : memref<125x128xf32, #tpu.memory_space<vmem>>)
      "tpu.region"() ({
        %run_scoped3A = tpu.sem_alloc : memref<!tpu.dma_semaphore, #tpu.memory_space<semaphore_mem>>
        %dma_start3A_173 = arith.constant 0 : i32
        %dma_start3A_174 = tpu.memref_slice %arg8[%add3A_144, %dma_start3A_173] : memref<40x125xi32, #tpu.memory_space<vmem>> -> memref<1x125xi32, #tpu.memory_space<vmem>>
        %dma_start3A_175 = tpu.memref_squeeze %dma_start3A_174 : memref<1x125xi32, #tpu.memory_space<vmem>> -> memref<125xi32, #tpu.memory_space<vmem>>
        %dma_start3A_176 = arith.constant 0 : i32
        %dma_start3A_177 = arith.constant 0 : i32
        %dma_start3A_178 = tpu.memref_slice %arg15[%dma_start3A_176, %dma_start3A_177] : memref<10240x128xf32, #tpu.memory_space<vmem_shared>> -> memref<10240x128xf32, #tpu.memory_space<vmem_shared>>
        tpu.enqueue_indirect_dma source(%arg9 : memref<125x128xf32, #tpu.memory_space<vmem>>) target(%dma_start3A_178 : memref<10240x128xf32, #tpu.memory_space<vmem_shared>>) offsets(%dma_start3A_175 : memref<125xi32, #tpu.memory_space<vmem>>) semaphore(%run_scoped3A : memref<!tpu.dma_semaphore, #tpu.memory_space<semaphore_mem>>) {add = true}
        %dma_wait3A_179 = arith.constant 0 : i32
        %dma_wait3A_180 = tpu.memref_slice %arg8[%add3A_144, %dma_wait3A_179] : memref<40x125xi32, #tpu.memory_space<vmem>> -> memref<1x125xi32, #tpu.memory_space<vmem>>
        %dma_wait3A_181 = tpu.memref_squeeze %dma_wait3A_180 : memref<1x125xi32, #tpu.memory_space<vmem>> -> memref<125xi32, #tpu.memory_space<vmem>>
        %dma_wait3A_182 = arith.constant 0 : i32
        %dma_wait3A_183 = arith.constant 0 : i32
        %dma_wait3A_184 = tpu.memref_slice %arg15[%dma_wait3A_182, %dma_wait3A_183] : memref<10240x128xf32, #tpu.memory_space<vmem_shared>> -> memref<10240x128xf32, #tpu.memory_space<vmem_shared>>
        tpu.wait_indirect_dma semaphore(%run_scoped3A : memref<!tpu.dma_semaphore, #tpu.memory_space<semaphore_mem>>) src(%arg9 : memref<125x128xf32, #tpu.memory_space<vmem>>) dst(%dma_wait3A_184 : memref<10240x128xf32, #tpu.memory_space<vmem_shared>>)
        tpu.yield
      }) : () -> ()
      %add3A_151 = arith.constant 2 : i32
      %add3A_152 = arith.addi %add3A_144, %add3A_151 : i32
      %lt3A_153 = arith.constant 40 : i32
      %lt3A_154 = arith.cmpi slt, %add3A_152, %lt3A_153 : i32
      %convert_element_type3A_155 = arith.extui %lt3A_154 : i1 to i32
      %cond3A_156 = arith.constant 0 : i32
      %cond3A_157 = arith.cmpi ne, %convert_element_type3A_155, %cond3A_156 : i32
      scf.if %cond3A_157 {
        %add3A_173 = arith.constant 2 : i32
        %add3A_174 = arith.addi %add3A_144, %add3A_173 : i32
        %dma_start3A_175 = arith.constant 0 : i32
        %dma_start3A_176 = tpu.memref_slice %arg7[%add3A_174, %dma_start3A_175] : memref<40x125xi32, #tpu.memory_space<vmem>> -> memref<1x125xi32, #tpu.memory_space<vmem>>
        %dma_start3A_177 = tpu.memref_squeeze %dma_start3A_176 : memref<1x125xi32, #tpu.memory_space<vmem>> -> memref<125xi32, #tpu.memory_space<vmem>>
        %dma_start3A_178 = arith.constant 0 : i32
        %dma_start3A_179 = arith.constant 0 : i32
        %dma_start3A_180 = tpu.memref_slice %arg2[%dma_start3A_178, %dma_start3A_179] : memref<10000x128xf32, #tpu.memory_space<hbm>> -> memref<10000x128xf32, #tpu.memory_space<hbm>>
        tpu.enqueue_indirect_dma source(%dma_start3A_180 : memref<10000x128xf32, #tpu.memory_space<hbm>>) target(%arg9 : memref<125x128xf32, #tpu.memory_space<vmem>>) offsets(%dma_start3A_177 : memref<125xi32, #tpu.memory_space<vmem>>) semaphore(%arg11 : memref<!tpu.dma_semaphore, #tpu.memory_space<semaphore_mem>>)
      } else {
      }
      %add3A_158 = arith.constant 1 : i32
      %add3A_159 = arith.addi %mul3A_142, %add3A_158 : i32
      %dma_wait3A_160 = arith.constant 0 : i32
      %dma_wait3A_161 = tpu.memref_slice %arg7[%add3A_159, %dma_wait3A_160] : memref<40x125xi32, #tpu.memory_space<vmem>> -> memref<1x125xi32, #tpu.memory_space<vmem>>
      %dma_wait3A_162 = tpu.memref_squeeze %dma_wait3A_161 : memref<1x125xi32, #tpu.memory_space<vmem>> -> memref<125xi32, #tpu.memory_space<vmem>>
      %dma_wait3A_163 = arith.constant 0 : i32
      %dma_wait3A_164 = arith.constant 0 : i32
      %dma_wait3A_165 = tpu.memref_slice %arg2[%dma_wait3A_163, %dma_wait3A_164] : memref<10000x128xf32, #tpu.memory_space<hbm>> -> memref<10000x128xf32, #tpu.memory_space<hbm>>
      tpu.wait_indirect_dma semaphore(%arg12 : memref<!tpu.dma_semaphore, #tpu.memory_space<semaphore_mem>>) src(%dma_wait3A_165 : memref<10000x128xf32, #tpu.memory_space<hbm>>) dst(%arg10 : memref<125x128xf32, #tpu.memory_space<vmem>>)
      "tpu.region"() ({
        %run_scoped3A = tpu.sem_alloc : memref<!tpu.dma_semaphore, #tpu.memory_space<semaphore_mem>>
        %dma_start3A_173 = arith.constant 0 : i32
        %dma_start3A_174 = tpu.memref_slice %arg8[%add3A_159, %dma_start3A_173] : memref<40x125xi32, #tpu.memory_space<vmem>> -> memref<1x125xi32, #tpu.memory_space<vmem>>
        %dma_start3A_175 = tpu.memref_squeeze %dma_start3A_174 : memref<1x125xi32, #tpu.memory_space<vmem>> -> memref<125xi32, #tpu.memory_space<vmem>>
        %dma_start3A_176 = arith.constant 0 : i32
        %dma_start3A_177 = arith.constant 0 : i32
        %dma_start3A_178 = tpu.memref_slice %arg15[%dma_start3A_176, %dma_start3A_177] : memref<10240x128xf32, #tpu.memory_space<vmem_shared>> -> memref<10240x128xf32, #tpu.memory_space<vmem_shared>>
        tpu.enqueue_indirect_dma source(%arg10 : memref<125x128xf32, #tpu.memory_space<vmem>>) target(%dma_start3A_178 : memref<10240x128xf32, #tpu.memory_space<vmem_shared>>) offsets(%dma_start3A_175 : memref<125xi32, #tpu.memory_space<vmem>>) semaphore(%run_scoped3A : memref<!tpu.dma_semaphore, #tpu.memory_space<semaphore_mem>>) {add = true}
        %dma_wait3A_179 = arith.constant 0 : i32
        %dma_wait3A_180 = tpu.memref_slice %arg8[%add3A_159, %dma_wait3A_179] : memref<40x125xi32, #tpu.memory_space<vmem>> -> memref<1x125xi32, #tpu.memory_space<vmem>>
        %dma_wait3A_181 = tpu.memref_squeeze %dma_wait3A_180 : memref<1x125xi32, #tpu.memory_space<vmem>> -> memref<125xi32, #tpu.memory_space<vmem>>
        %dma_wait3A_182 = arith.constant 0 : i32
        %dma_wait3A_183 = arith.constant 0 : i32
        %dma_wait3A_184 = tpu.memref_slice %arg15[%dma_wait3A_182, %dma_wait3A_183] : memref<10240x128xf32, #tpu.memory_space<vmem_shared>> -> memref<10240x128xf32, #tpu.memory_space<vmem_shared>>
        tpu.wait_indirect_dma semaphore(%run_scoped3A : memref<!tpu.dma_semaphore, #tpu.memory_space<semaphore_mem>>) src(%arg10 : memref<125x128xf32, #tpu.memory_space<vmem>>) dst(%dma_wait3A_184 : memref<10240x128xf32, #tpu.memory_space<vmem_shared>>)
        tpu.yield
      }) : () -> ()
      %add3A_166 = arith.constant 2 : i32
      %add3A_167 = arith.addi %add3A_159, %add3A_166 : i32
      %lt3A_168 = arith.constant 40 : i32
      %lt3A_169 = arith.cmpi slt, %add3A_167, %lt3A_168 : i32
      %convert_element_type3A_170 = arith.extui %lt3A_169 : i1 to i32
      %cond3A_171 = arith.constant 0 : i32
      %cond3A_172 = arith.cmpi ne, %convert_element_type3A_170, %cond3A_171 : i32
      scf.if %cond3A_172 {
        %add3A_173 = arith.constant 2 : i32
        %add3A_174 = arith.addi %add3A_159, %add3A_173 : i32
        %dma_start3A_175 = arith.constant 0 : i32
        %dma_start3A_176 = tpu.memref_slice %arg7[%add3A_174, %dma_start3A_175] : memref<40x125xi32, #tpu.memory_space<vmem>> -> memref<1x125xi32, #tpu.memory_space<vmem>>
        %dma_start3A_177 = tpu.memref_squeeze %dma_start3A_176 : memref<1x125xi32, #tpu.memory_space<vmem>> -> memref<125xi32, #tpu.memory_space<vmem>>
        %dma_start3A_178 = arith.constant 0 : i32
        %dma_start3A_179 = arith.constant 0 : i32
        %dma_start3A_180 = tpu.memref_slice %arg2[%dma_start3A_178, %dma_start3A_179] : memref<10000x128xf32, #tpu.memory_space<hbm>> -> memref<10000x128xf32, #tpu.memory_space<hbm>>
        tpu.enqueue_indirect_dma source(%dma_start3A_180 : memref<10000x128xf32, #tpu.memory_space<hbm>>) target(%arg10 : memref<125x128xf32, #tpu.memory_space<vmem>>) offsets(%dma_start3A_177 : memref<125xi32, #tpu.memory_space<vmem>>) semaphore(%arg12 : memref<!tpu.dma_semaphore, #tpu.memory_space<semaphore_mem>>)
      } else {
      }
    }
    %scan3A_128 = arith.constant 20 : i32
    %barrier3A_129 = arith.constant 0 : index
    tpu.barrier barrier_id(%barrier3A_129)
    %lt3A_130 = arith.constant 15 : i32
    %lt3A_131 = arith.cmpi slt, %arg1, %lt3A_130 : i32
    %convert_element_type3A_132 = arith.extui %lt3A_131 : i1 to i32
    %cond3A_133 = arith.constant 0 : i32
    %cond3A_134 = arith.cmpi ne, %convert_element_type3A_132, %cond3A_133 : i32
    scf.if %cond3A_134 {
      %mul3A_140 = arith.constant 640 : i32
      %mul3A_141 = arith.muli %arg1, %mul3A_140 : i32
      %mul3A_142 = arith.constant 640 : i32
      %mul3A_143 = arith.muli %arg1, %mul3A_142 : i32
      "tpu.region"() ({
        %run_scoped3A = tpu.sem_alloc : memref<!tpu.dma_semaphore, #tpu.memory_space<semaphore_mem>>
        %dma_start3A_144 = arith.constant 0 : i32
        %dma_start3A_145 = tpu.memref_slice %arg6[%arg0, %mul3A_143, %dma_start3A_144] : memref<2x10240x128xf32, #tpu.memory_space<hbm>> -> memref<1x640x128xf32, #tpu.memory_space<hbm>>
        %dma_start3A_146 = tpu.memref_squeeze %dma_start3A_145 : memref<1x640x128xf32, #tpu.memory_space<hbm>> -> memref<640x128xf32, #tpu.memory_space<hbm>>
        %dma_start3A_147 = arith.constant 0 : i32
        %dma_start3A_148 = tpu.memref_slice %arg15[%mul3A_141, %dma_start3A_147] : memref<10240x128xf32, #tpu.memory_space<vmem_shared>> -> memref<640x128xf32, #tpu.memory_space<vmem_shared>>
        tpu.enqueue_dma source(%dma_start3A_148 : memref<640x128xf32, #tpu.memory_space<vmem_shared>>) target(%dma_start3A_146 : memref<640x128xf32, #tpu.memory_space<hbm>>) target_semaphore(%run_scoped3A : memref<!tpu.dma_semaphore, #tpu.memory_space<semaphore_mem>>)
        %dma_wait3A_149 = arith.constant 0 : i32
        %dma_wait3A_150 = tpu.memref_slice %arg6[%arg0, %mul3A_143, %dma_wait3A_149] : memref<2x10240x128xf32, #tpu.memory_space<hbm>> -> memref<1x640x128xf32, #tpu.memory_space<hbm>>
        %dma_wait3A_151 = tpu.memref_squeeze %dma_wait3A_150 : memref<1x640x128xf32, #tpu.memory_space<hbm>> -> memref<640x128xf32, #tpu.memory_space<hbm>>
        %dma_wait3A_152 = arith.constant 0 : i32
        %dma_wait3A_153 = tpu.memref_slice %arg15[%mul3A_141, %dma_wait3A_152] : memref<10240x128xf32, #tpu.memory_space<vmem_shared>> -> memref<640x128xf32, #tpu.memory_space<vmem_shared>>
        tpu.wait_dma2 semaphore(%run_scoped3A : memref<!tpu.dma_semaphore, #tpu.memory_space<semaphore_mem>>) src(%dma_wait3A_153 : memref<640x128xf32, #tpu.memory_space<vmem_shared>>) dst(%dma_wait3A_151 : memref<640x128xf32, #tpu.memory_space<hbm>>)
        tpu.yield
      }) : () -> ()
    } else {
    }
    %eq3A_135 = arith.constant 15 : i32
    %eq3A_136 = arith.cmpi eq, %arg1, %eq3A_135 : i32
    %convert_element_type3A_137 = arith.extui %eq3A_136 : i1 to i32
    %cond3A_138 = arith.constant 0 : i32
    %cond3A_139 = arith.cmpi ne, %convert_element_type3A_137, %cond3A_138 : i32
    scf.if %cond3A_139 {
      "tpu.region"() ({
        %run_scoped3A = tpu.sem_alloc : memref<!tpu.dma_semaphore, #tpu.memory_space<semaphore_mem>>
        %dma_start3A_140 = arith.constant 9600 : i32
        %dma_start3A_141 = arith.constant 0 : i32
        %dma_start3A_142 = tpu.memref_slice %arg6[%arg0, %dma_start3A_140, %dma_start3A_141] : memref<2x10240x128xf32, #tpu.memory_space<hbm>> -> memref<1x400x128xf32, #tpu.memory_space<hbm>>
        %dma_start3A_143 = tpu.memref_squeeze %dma_start3A_142 : memref<1x400x128xf32, #tpu.memory_space<hbm>> -> memref<400x128xf32, #tpu.memory_space<hbm>>
        %dma_start3A_144 = arith.constant 9600 : i32
        %dma_start3A_145 = arith.constant 0 : i32
        %dma_start3A_146 = tpu.memref_slice %arg15[%dma_start3A_144, %dma_start3A_145] : memref<10240x128xf32, #tpu.memory_space<vmem_shared>> -> memref<400x128xf32, #tpu.memory_space<vmem_shared>>
        tpu.enqueue_dma source(%dma_start3A_146 : memref<400x128xf32, #tpu.memory_space<vmem_shared>>) target(%dma_start3A_143 : memref<400x128xf32, #tpu.memory_space<hbm>>) target_semaphore(%run_scoped3A : memref<!tpu.dma_semaphore, #tpu.memory_space<semaphore_mem>>)
        %dma_wait3A_147 = arith.constant 9600 : i32
        %dma_wait3A_148 = arith.constant 0 : i32
        %dma_wait3A_149 = tpu.memref_slice %arg6[%arg0, %dma_wait3A_147, %dma_wait3A_148] : memref<2x10240x128xf32, #tpu.memory_space<hbm>> -> memref<1x400x128xf32, #tpu.memory_space<hbm>>
        %dma_wait3A_150 = tpu.memref_squeeze %dma_wait3A_149 : memref<1x400x128xf32, #tpu.memory_space<hbm>> -> memref<400x128xf32, #tpu.memory_space<hbm>>
        %dma_wait3A_151 = arith.constant 9600 : i32
        %dma_wait3A_152 = arith.constant 0 : i32
        %dma_wait3A_153 = tpu.memref_slice %arg15[%dma_wait3A_151, %dma_wait3A_152] : memref<10240x128xf32, #tpu.memory_space<vmem_shared>> -> memref<400x128xf32, #tpu.memory_space<vmem_shared>>
        tpu.wait_dma2 semaphore(%run_scoped3A : memref<!tpu.dma_semaphore, #tpu.memory_space<semaphore_mem>>) src(%dma_wait3A_153 : memref<400x128xf32, #tpu.memory_space<vmem_shared>>) dst(%dma_wait3A_150 : memref<400x128xf32, #tpu.memory_space<hbm>>)
        tpu.yield
      }) : () -> ()
    } else {
    }
    return
  }
}

module attributes {stable_mosaic.version = 14 : i64} {
  func.func @_tc_first_body(%arg0: memref<32x10240xf32, #tpu.memory_space<vmem>>, %arg1: memref<10000x128xf32, #tpu.memory_space<vmem>>, %arg2: memref<128x128xf32, #tpu.memory_space<vmem>>, %arg3: memref<10000x1xf32, #tpu.memory_space<vmem>>, %arg4: memref<10000x128xf32, #tpu.memory_space<vmem>>) attributes {dimension_semantics = [], scalar_prefetch = 0 : i64, scratch_operands = 0 : i64, tpu.core_type = #tpu.core_type<tc>} {
    %get3A = arith.constant 0 : index
    %get3A_0 = arith.constant 0 : index
    %get3A_1 = vector.load %arg0[%get3A, %get3A_0] : memref<32x10240xf32, #tpu.memory_space<vmem>>, vector<32x10240xf32>
    %reduce_sum3A = arith.constant dense<0.000000e+00> : vector<10240xf32>
    %reduce_sum3A_2 = vector.multi_reduction <add>, %get3A_1, %reduce_sum3A [0] : vector<32x10240xf32> to vector<10240xf32>
    %slice3A = vector.extract_strided_slice %reduce_sum3A_2 {offsets = [0], sizes = [10000], strides = [1]} : vector<10240xf32> to vector<10000xf32>
    %broadcast_in_dim3A = vector.shape_cast %slice3A : vector<10000xf32> to vector<10000x1xf32>
    %add3A = arith.constant 1.000000e+00 : f32
    %add3A_3 = vector.broadcast %add3A : f32 to vector<10000x1xf32>
    %add3A_4 = arith.addf %broadcast_in_dim3A, %add3A_3 : vector<10000x1xf32>
    %rsqrt3A = math.rsqrt %add3A_4 : vector<10000x1xf32>
    %swap3A = arith.constant 0 : index
    %swap3A_5 = arith.constant 0 : index
    %swap3A_6 = vector.load %arg3[%swap3A, %swap3A_5] : memref<10000x1xf32, #tpu.memory_space<vmem>>, vector<10000x1xf32>
    tpu.vector_store %arg3[%swap3A, %swap3A_5], %rsqrt3A {strides = array<i32>} : memref<10000x1xf32, #tpu.memory_space<vmem>>, vector<10000x1xf32>,
    %get3A_7 = arith.constant 0 : index
    %get3A_8 = arith.constant 0 : index
    %get3A_9 = vector.load %arg1[%get3A_7, %get3A_8] : memref<10000x128xf32, #tpu.memory_space<vmem>>, vector<10000x128xf32>
    %get3A_10 = arith.constant 0 : index
    %get3A_11 = arith.constant 0 : index
    %get3A_12 = vector.load %arg2[%get3A_10, %get3A_11] : memref<128x128xf32, #tpu.memory_space<vmem>>, vector<128x128xf32>
    %dot_general3A = arith.constant dense<0.000000e+00> : vector<10000x128xf32>
    %dot_general3A_13 = tpu.matmul %get3A_9, %get3A_12, %dot_general3A {dimension_numbers = #tpu.dot_dimension_numbers<[1], [0], [0], [1], [0, 0, 1, 1], [], []>, transpose_lhs_hint = false} : vector<10000x128xf32>, vector<128x128xf32>, vector<10000x128xf32> -> vector<10000x128xf32>
    %mul3A = vector.broadcast %rsqrt3A : vector<10000x1xf32> to vector<10000x128xf32>
    %mul3A_14 = arith.mulf %dot_general3A_13, %mul3A : vector<10000x128xf32>
    %swap3A_15 = arith.constant 0 : index
    %swap3A_16 = arith.constant 0 : index
    %swap3A_17 = vector.load %arg4[%swap3A_15, %swap3A_16] : memref<10000x128xf32, #tpu.memory_space<vmem>>, vector<10000x128xf32>
    tpu.vector_store %arg4[%swap3A_15, %swap3A_16], %mul3A_14 {strides = array<i32>} : memref<10000x128xf32, #tpu.memory_space<vmem>>, vector<10000x128xf32>,
    return
  }
}

module attributes {stable_mosaic.version = 14 : i64} {
  func.func @_tc_layer_body(%arg0: memref<2x10240x128xf32, #tpu.memory_space<vmem>>, %arg1: memref<10000x1xf32, #tpu.memory_space<vmem>>, %arg2: memref<1x128xf32, #tpu.memory_space<vmem>>, %arg3: memref<128x128xf32, #tpu.memory_space<vmem>>, %arg4: memref<10000x128xf32, #tpu.memory_space<vmem>>) attributes {dimension_semantics = [], scalar_prefetch = 0 : i64, scratch_operands = 0 : i64, tpu.core_type = #tpu.core_type<tc>} {
    %get3A = arith.constant 0 : index
    %get3A_0 = arith.constant 0 : index
    %get3A_1 = vector.load %arg1[%get3A, %get3A_0] : memref<10000x1xf32, #tpu.memory_space<vmem>>, vector<10000x1xf32>
    %get3A_2 = arith.constant 0 : index
    %get3A_3 = arith.constant 0 : index
    %get3A_4 = arith.constant 0 : index
    %get3A_5 = vector.load %arg0[%get3A_2, %get3A_3, %get3A_4] : memref<2x10240x128xf32, #tpu.memory_space<vmem>>, vector<1x10000x128xf32>
    %get3A_6 = vector.shape_cast %get3A_5 : vector<1x10000x128xf32> to vector<10000x128xf32>
    %get3A_7 = arith.constant 1 : index
    %get3A_8 = arith.constant 0 : index
    %get3A_9 = arith.constant 0 : index
    %get3A_10 = vector.load %arg0[%get3A_7, %get3A_8, %get3A_9] : memref<2x10240x128xf32, #tpu.memory_space<vmem>>, vector<1x10000x128xf32>
    %get3A_11 = vector.shape_cast %get3A_10 : vector<1x10000x128xf32> to vector<10000x128xf32>
    %add3A = arith.addf %get3A_6, %get3A_11 : vector<10000x128xf32>
    %mul3A = vector.broadcast %get3A_1 : vector<10000x1xf32> to vector<10000x128xf32>
    %mul3A_12 = arith.mulf %add3A, %mul3A : vector<10000x128xf32>
    %get3A_13 = arith.constant 0 : index
    %get3A_14 = arith.constant 0 : index
    %get3A_15 = vector.load %arg2[%get3A_13, %get3A_14] : memref<1x128xf32, #tpu.memory_space<vmem>>, vector<1x128xf32>
    %add3A_16 = vector.broadcast %get3A_15 : vector<1x128xf32> to vector<10000x128xf32>
    %add3A_17 = arith.addf %mul3A_12, %add3A_16 : vector<10000x128xf32>
    %max3A = arith.constant 0.000000e+00 : f32
    %max3A_18 = vector.broadcast %max3A : f32 to vector<10000x128xf32>
    %max3A_19 = arith.maximumf %add3A_17, %max3A_18 : vector<10000x128xf32>
    %get3A_20 = arith.constant 0 : index
    %get3A_21 = arith.constant 0 : index
    %get3A_22 = vector.load %arg3[%get3A_20, %get3A_21] : memref<128x128xf32, #tpu.memory_space<vmem>>, vector<128x128xf32>
    %dot_general3A = arith.constant dense<0.000000e+00> : vector<10000x128xf32>
    %dot_general3A_23 = tpu.matmul %max3A_19, %get3A_22, %dot_general3A {dimension_numbers = #tpu.dot_dimension_numbers<[1], [0], [0], [1], [0, 0, 1, 1], [], []>, transpose_lhs_hint = false} : vector<10000x128xf32>, vector<128x128xf32>, vector<10000x128xf32> -> vector<10000x128xf32>
    %mul3A_24 = vector.broadcast %get3A_1 : vector<10000x1xf32> to vector<10000x128xf32>
    %mul3A_25 = arith.mulf %dot_general3A_23, %mul3A_24 : vector<10000x128xf32>
    %swap3A = arith.constant 0 : index
    %swap3A_26 = arith.constant 0 : index
    %swap3A_27 = vector.load %arg4[%swap3A, %swap3A_26] : memref<10000x128xf32, #tpu.memory_space<vmem>>, vector<10000x128xf32>
    tpu.vector_store %arg4[%swap3A, %swap3A_26], %mul3A_25 {strides = array<i32>} : memref<10000x128xf32, #tpu.memory_space<vmem>>, vector<10000x128xf32>,
    return
  }
}

module attributes {stable_mosaic.version = 14 : i64} {
  func.func @_tc_final_body(%arg0: memref<2x10240x128xf32, #tpu.memory_space<vmem>>, %arg1: memref<10000x1xf32, #tpu.memory_space<vmem>>, %arg2: memref<1x128xf32, #tpu.memory_space<vmem>>, %arg3: memref<10000x1xi32, #tpu.memory_space<vmem>>, %arg4: memref<128x128xf32, #tpu.memory_space<vmem>>, %arg5: memref<1x128xf32, #tpu.memory_space<vmem>>, %arg6: memref<128x3xf32, #tpu.memory_space<vmem>>, %arg7: memref<1x3xf32, #tpu.memory_space<vmem>>, %arg8: memref<64x3xf32, #tpu.memory_space<vmem>>) attributes {dimension_semantics = [], scalar_prefetch = 0 : i64, scratch_operands = 0 : i64, tpu.core_type = #tpu.core_type<tc>} {
    %get3A = arith.constant 0 : index
    %get3A_0 = arith.constant 0 : index
    %get3A_1 = arith.constant 0 : index
    %get3A_2 = vector.load %arg0[%get3A, %get3A_0, %get3A_1] : memref<2x10240x128xf32, #tpu.memory_space<vmem>>, vector<1x10000x128xf32>
    %get3A_3 = vector.shape_cast %get3A_2 : vector<1x10000x128xf32> to vector<10000x128xf32>
    %get3A_4 = arith.constant 1 : index
    %get3A_5 = arith.constant 0 : index
    %get3A_6 = arith.constant 0 : index
    %get3A_7 = vector.load %arg0[%get3A_4, %get3A_5, %get3A_6] : memref<2x10240x128xf32, #tpu.memory_space<vmem>>, vector<1x10000x128xf32>
    %get3A_8 = vector.shape_cast %get3A_7 : vector<1x10000x128xf32> to vector<10000x128xf32>
    %add3A = arith.addf %get3A_3, %get3A_8 : vector<10000x128xf32>
    %get3A_9 = arith.constant 0 : index
    %get3A_10 = arith.constant 0 : index
    %get3A_11 = vector.load %arg1[%get3A_9, %get3A_10] : memref<10000x1xf32, #tpu.memory_space<vmem>>, vector<10000x1xf32>
    %mul3A = vector.broadcast %get3A_11 : vector<10000x1xf32> to vector<10000x128xf32>
    %mul3A_12 = arith.mulf %add3A, %mul3A : vector<10000x128xf32>
    %get3A_13 = arith.constant 0 : index
    %get3A_14 = arith.constant 0 : index
    %get3A_15 = vector.load %arg2[%get3A_13, %get3A_14] : memref<1x128xf32, #tpu.memory_space<vmem>>, vector<1x128xf32>
    %add3A_16 = vector.broadcast %get3A_15 : vector<1x128xf32> to vector<10000x128xf32>
    %add3A_17 = arith.addf %mul3A_12, %add3A_16 : vector<10000x128xf32>
    %max3A = arith.constant 0.000000e+00 : f32
    %max3A_18 = vector.broadcast %max3A : f32 to vector<10000x128xf32>
    %max3A_19 = arith.maximumf %add3A_17, %max3A_18 : vector<10000x128xf32>
    %iota3A = tpu.iota {dimensions = array<i32: 1>} : vector<10000x64xi32>
    %get3A_20 = arith.constant 0 : index
    %get3A_21 = arith.constant 0 : index
    %get3A_22 = vector.load %arg3[%get3A_20, %get3A_21] : memref<10000x1xi32, #tpu.memory_space<vmem>>, vector<10000x1xi32>
    %eq3A = vector.broadcast %get3A_22 : vector<10000x1xi32> to vector<10000x64xi32>
    %eq3A_23 = arith.cmpi eq, %eq3A, %iota3A : vector<10000x64xi32>
    %convert_element_type3A = arith.extui %eq3A_23 : vector<10000x64xi1> to vector<10000x64xi32>
    %convert_element_type3A_24 = arith.sitofp %convert_element_type3A : vector<10000x64xi32> to vector<10000x64xf32>
    %dot_general3A = arith.constant dense<0.000000e+00> : vector<64x128xf32>
    %dot_general3A_25 = tpu.matmul %convert_element_type3A_24, %max3A_19, %dot_general3A {dimension_numbers = #tpu.dot_dimension_numbers<[0], [0], [1], [1], [0, 1, 1, 1], [], []>, transpose_lhs_hint = false} : vector<10000x64xf32>, vector<10000x128xf32>, vector<64x128xf32> -> vector<64x128xf32>
    %reduce_sum3A = arith.constant dense<0.000000e+00> : vector<64xf32>
    %reduce_sum3A_26 = vector.multi_reduction <add>, %convert_element_type3A_24, %reduce_sum3A [0] : vector<10000x64xf32> to vector<64xf32>
    %broadcast_in_dim3A = vector.shape_cast %reduce_sum3A_26 : vector<64xf32> to vector<64x1xf32>
    %max3A_27 = arith.constant 1.000000e+00 : f32
    %max3A_28 = vector.broadcast %max3A_27 : f32 to vector<64x1xf32>
    %max3A_29 = arith.maximumf %broadcast_in_dim3A, %max3A_28 : vector<64x1xf32>
    %div3A = vector.broadcast %max3A_29 : vector<64x1xf32> to vector<64x128xf32>
    %div3A_30 = arith.divf %dot_general3A_25, %div3A : vector<64x128xf32>
    %get3A_31 = arith.constant 0 : index
    %get3A_32 = arith.constant 0 : index
    %get3A_33 = vector.load %arg4[%get3A_31, %get3A_32] : memref<128x128xf32, #tpu.memory_space<vmem>>, vector<128x128xf32>
    %dot_general3A_34 = arith.constant dense<0.000000e+00> : vector<64x128xf32>
    %dot_general3A_35 = tpu.matmul %div3A_30, %get3A_33, %dot_general3A_34 {dimension_numbers = #tpu.dot_dimension_numbers<[1], [0], [0], [1], [0, 0, 1, 1], [], []>, transpose_lhs_hint = false} : vector<64x128xf32>, vector<128x128xf32>, vector<64x128xf32> -> vector<64x128xf32>
    %get3A_36 = arith.constant 0 : index
    %get3A_37 = arith.constant 0 : index
    %get3A_38 = vector.load %arg5[%get3A_36, %get3A_37] : memref<1x128xf32, #tpu.memory_space<vmem>>, vector<1x128xf32>
    %add3A_39 = vector.broadcast %get3A_38 : vector<1x128xf32> to vector<64x128xf32>
    %add3A_40 = arith.addf %dot_general3A_35, %add3A_39 : vector<64x128xf32>
    %max3A_41 = arith.constant 0.000000e+00 : f32
    %max3A_42 = vector.broadcast %max3A_41 : f32 to vector<64x128xf32>
    %max3A_43 = arith.maximumf %add3A_40, %max3A_42 : vector<64x128xf32>
    %get3A_44 = arith.constant 0 : index
    %get3A_45 = arith.constant 0 : index
    %get3A_46 = vector.load %arg6[%get3A_44, %get3A_45] : memref<128x3xf32, #tpu.memory_space<vmem>>, vector<128x3xf32>
    %dot_general3A_47 = arith.constant dense<0.000000e+00> : vector<64x3xf32>
    %dot_general3A_48 = tpu.matmul %max3A_43, %get3A_46, %dot_general3A_47 {dimension_numbers = #tpu.dot_dimension_numbers<[1], [0], [0], [1], [0, 0, 1, 1], [], []>, transpose_lhs_hint = false} : vector<64x128xf32>, vector<128x3xf32>, vector<64x3xf32> -> vector<64x3xf32>
    %get3A_49 = arith.constant 0 : index
    %get3A_50 = arith.constant 0 : index
    %get3A_51 = vector.load %arg7[%get3A_49, %get3A_50] : memref<1x3xf32, #tpu.memory_space<vmem>>, vector<1x3xf32>
    %add3A_52 = vector.broadcast %get3A_51 : vector<1x3xf32> to vector<64x3xf32>
    %add3A_53 = arith.addf %dot_general3A_48, %add3A_52 : vector<64x3xf32>
    %reduce_max3A = arith.constant dense<0xFF800000> : vector<64xf32>
    %reduce_max3A_54 = vector.multi_reduction <maximumf>, %add3A_53, %reduce_max3A [1] : vector<64x3xf32> to vector<64xf32>
    %broadcast_in_dim3A_55 = vector.shape_cast %reduce_max3A_54 : vector<64xf32> to vector<64x1xf32>
    %sub3A = vector.broadcast %broadcast_in_dim3A_55 : vector<64x1xf32> to vector<64x3xf32>
    %sub3A_56 = arith.subf %add3A_53, %sub3A : vector<64x3xf32>
    %exp3A = math.exp %sub3A_56 : vector<64x3xf32>
    %reduce_sum3A_57 = arith.constant dense<0.000000e+00> : vector<64xf32>
    %reduce_sum3A_58 = vector.multi_reduction <add>, %exp3A, %reduce_sum3A_57 [1] : vector<64x3xf32> to vector<64xf32>
    %broadcast_in_dim3A_59 = vector.shape_cast %reduce_sum3A_58 : vector<64xf32> to vector<64x1xf32>
    %log3A = math.log %broadcast_in_dim3A_59 : vector<64x1xf32>
    %add3A_60 = arith.addf %log3A, %broadcast_in_dim3A_55 : vector<64x1xf32>
    %sub3A_61 = vector.broadcast %add3A_60 : vector<64x1xf32> to vector<64x3xf32>
    %sub3A_62 = arith.subf %add3A_53, %sub3A_61 : vector<64x3xf32>
    %swap3A = arith.constant 0 : index
    %swap3A_63 = arith.constant 0 : index
    %swap3A_64 = vector.load %arg8[%swap3A, %swap3A_63] : memref<64x3xf32, #tpu.memory_space<vmem>>, vector<64x3xf32>
    tpu.vector_store %arg8[%swap3A, %swap3A_63], %sub3A_62 {strides = array<i32>} : memref<64x3xf32, #tpu.memory_space<vmem>>, vector<64x3xf32>,
    return
  }
}

</mosaic_0001>

<sc_bundles>
// kernel: kernel.12.cloned.1.call-start
scs
__scs_entry_jumppad:
0x0: {  	(pc) =	sbr.rel $0x88, $3  }
0x1: {  	(tag) =	ssettag $0x0;
	lr =	simm.s32 $0x1  }
0x2: {  	[smem:$0x3F92] =	sst lr;
	_ =	strace $0xD0000000  }
0x3: {  	_ = 	snop  }
0x4: {  	_ = 	snop  }
0x5: {  	_ = 	snop  }
0x6: {  	_ = 	snop  }
0x7: {  	_ = 	snop  }
__scs_overlays_trampoline_lowered:
0x8: {  	[smem:$0x3FA1] =	sst s0  }
0x9: {  	[smem:$0x3FA2] =	sst s1  }
0xa: {  	[smem:$0x3FA3] =	sst s2  }
0xb: {  	[smem:$0x3FA4] =	sst s3  }
0xc: {  	[smem:$0x3FA5] =	sst s4  }
0xd: {  	[smem:$0x3FA6] =	sst s5  }
0xe: {  	[smem:$0x3FA7] =	sst s6  }
0xf: {  	[smem:$0x3FA8] =	sst s7  }
0x10: {  	[smem:$0x3FA9] =	sst s8  }
0x11: {  	[smem:$0x3FAA] =	sst s9;
	s0 =	simm.s32 @!p0 $0x0  }
0x12: {  	s1 =	sld [smem:$0x3F90];
	s0 =	simm.s32 @p0 $0x1  }
0x13: {  	[smem:$0x3FAB] =	sst s0;
	s0 =	simm.s32 @!p1 $0x0  }
0x14: {  	s2 =	sld [smem:$0x3F8F];
	s0 =	simm.s32 @p1 $0x1  }
0x15: {  	[smem:$0x3FAC] =	sst s0;
	s0 =	simm.s32 @!p2 $0x0  }
0x16: {  	s3 =	sld [smem:$0x3FDB];
	s0 =	simm.s32 @p2 $0x1  }
0x17: {  	s4 =	simm.s32 $0x1BF5;
	[smem:$0x3FAE] =	sst s0  }
0x18: {  	s0 =	sld [smem:$0x3F91];
	_ =	swait.ge [sflag:s4], $0x0  }
0x19: {  	s7 =	sld [smem:$0x3F92]  }
0x1a: {  	s8 =	sadd.s32 $0xFFFFE003, lr  }
0x1b: {  	s9 =	sadd.s32 $0xFFFFFEF7, lr;
	s5 =	simm.s32 $0xFFFFFFFF;
	p2 =	slt.u32 s8, $0xFFFFF086  }
0x1c: {  	p1 =	slt.u32 s9, $0xF7A;
	s5 =	simm.s32 @!p2 $0x0  }
0x1d: {  	s5 =	simm.s32 @p1 $0x1;
	p0 =	seq.s32 s7, s2  }
0x1e: {  	s7 =	smul.u32 @!p0 $0xF7A, s2;
	p2 =	seq.s32 @!p0 s5, $0x0  }
0x1f: {  	s9 =	smul.u32 $0xF7A, s1;
	s8 =	simm.s32 @!p0 $0x1BF5;
	p2 =	por !p2, p0  }
0x20: {  	[sflag:s8] =	ssyncset.s32 @!p0 $0xFFFFF086;
	s6 =	sadd.s32 @!p0 s3, s7;
	s7 =	simm.s32 @!p0 $0x108  }
0x21: {  	s3 =	sadd.s32 s3, s9;
	s6 =	sadd.s32 @!p0 $0x88, s6;
	s7 =	simm.s32 @p2 $0x1082  }
0x22: {  	[simem:s7], [sflag:s8] =	dma.local @!p0 [hbm:s6], $0xF7A  }
0x23: {  	s9 =	sor.u32 $0xD0000000, s2;
	s6 =	simm.s32 $0x108;
	_ =	swait.ge @!p0 [sflag:s8], $0x0  }
0x24: {  	s3 =	sadd.s32 $0x88, s3;
	s6 =	simm.s32 @!p1 $0x1082;
	[sflag:s4] =	ssyncset.s32 $0xFFFFF086  }
0x25: {  	[simem:s6], [sflag:s4] =	dma.local [hbm:s3], $0xF7A  }
0x26: {  	[smem:$0x3F92] =	sst s1;
	(tag) =	ssettag s2;
	_ =	strace s9  }
0x27: {  	s1 =	sld [smem:$0x3FA2]  }
0x28: {  	s2 =	sld [smem:$0x3FA3]  }
0x29: {  	s4 =	sld [smem:$0x3FA5]  }
0x2a: {  	p0 =	seq.s32 s5, $0x0;
	s5 =	sld [smem:$0x3FA6]  }
0x2b: {  	s6 =	sld [smem:$0x3FA7]  }
0x2c: {  	s7 =	sld [smem:$0x3FA8]  }
0x2d: {  	s3 =	simm.s32 $0x108;
	s8 =	sld [smem:$0x3FA9]  }
0x2e: {  	s3 =	simm.s32 @!p0 $0x1082;
	s9 =	sld [smem:$0x3FAA]  }
0x2f: {  	lr =	sadd.s32 s0, s3;
	s0 =	sld [smem:$0x3FA1]  }
0x30: {  	s3 =	sld [smem:$0x3FA4]  }
0x31: {  	[smem:$0x3FAD] =	sst s10  }
0x32: {  	s10 =	sld [smem:$0x3FAB];
	_ =	sdelay $0x3  }
0x33: {  	p0 =	seq.s32 s10, $0x1;
	s10 =	sld [smem:$0x3FAD];
	_ =	sdelay $0x3  }
0x34: {  	[smem:$0x3FAD] =	sst s10  }
0x35: {  	s10 =	sld [smem:$0x3FAC];
	_ =	sdelay $0x3  }
0x36: {  	p1 =	seq.s32 s10, $0x1;
	s10 =	sld [smem:$0x3FAD];
	_ =	sdelay $0x3  }
0x37: {  	[smem:$0x3FAD] =	sst s10  }
0x38: {  	s10 =	sld [smem:$0x3FAE]  }
0x39: {  	_ = 	snop;
	(pc) =	sbr.ind lr, $3  }
0x3a: {  	_ = 	snop  }
0x3b: {  	_ = 	snop  }
0x3c: {  	p2 =	seq.s32 s10, $0x1;
	s10 =	sld [smem:$0x3FAD]  }
0x3d: {  	_ =	shalt  }
0x3e: {  	_ =	shalt  }
0x3f: {  	_ =	shalt  }
0x40: {  	_ =	shalt  }
0x41: {  	_ =	shalt  }
0x42: {  	_ =	shalt  }
0x43: {  	_ =	shalt  }
0x44: {  	_ =	shalt  }
0x45: {  	_ =	shalt  }
0x46: {  	_ =	shalt  }
0x47: {  	_ =	shalt  }
0x48: {  	_ =	shalt  }
0x49: {  	_ =	shalt  }
0x4a: {  	_ =	shalt  }
0x4b: {  	_ =	shalt  }
0x4c: {  	_ =	shalt  }
0x4d: {  	_ =	shalt  }
0x4e: {  	_ =	shalt  }
0x4f: {  	_ =	shalt  }
0x50: {  	_ =	shalt  }
0x51: {  	_ =	shalt  }
0x52: {  	_ =	shalt  }
0x53: {  	_ =	shalt  }
0x54: {  	_ =	shalt  }
0x55: {  	_ =	shalt  }
0x56: {  	_ =	shalt  }
0x57: {  	_ =	shalt  }
0x58: {  	_ =	shalt  }
0x59: {  	_ =	shalt  }
0x5a: {  	_ =	shalt  }
0x5b: {  	_ =	shalt  }
0x5c: {  	_ =	shalt  }
0x5d: {  	_ =	shalt  }
0x5e: {  	_ =	shalt  }
0x5f: {  	_ =	shalt  }
0x60: {  	_ =	shalt  }
0x61: {  	_ =	shalt  }
0x62: {  	_ =	shalt  }
0x63: {  	_ =	shalt  }
0x64: {  	_ =	shalt  }
0x65: {  	_ =	shalt  }
0x66: {  	_ =	shalt  }
0x67: {  	_ =	shalt  }
0x68: {  	_ =	shalt  }
0x69: {  	_ =	shalt  }
0x6a: {  	_ =	shalt  }
0x6b: {  	_ =	shalt  }
0x6c: {  	_ =	shalt  }
0x6d: {  	_ =	shalt  }
0x6e: {  	_ =	shalt  }
0x6f: {  	_ =	shalt  }
0x70: {  	_ =	shalt  }
0x71: {  	_ =	shalt  }
0x72: {  	_ =	shalt  }
0x73: {  	_ =	shalt  }
0x74: {  	_ =	shalt  }
0x75: {  	_ =	shalt  }
0x76: {  	_ =	shalt  }
0x77: {  	_ =	shalt  }
0x78: {  	_ =	shalt  }
0x79: {  	_ =	shalt  }
0x7a: {  	_ =	shalt  }
0x7b: {  	_ =	shalt  }
0x7c: {  	_ =	shalt  }
0x7d: {  	_ =	shalt  }
0x7e: {  	_ =	shalt  }
0x7f: {  	_ =	shalt  }
0x80: {  	_ =	shalt  }
0x81: {  	_ =	shalt  }
0x82: {  	_ =	shalt  }
0x83: {  	_ =	shalt  }
0x84: {  	_ =	shalt  }
0x85: {  	_ =	shalt  }
0x86: {  	_ =	shalt  }
0x87: {  	_ =	shalt  }
.Lfunc_end0:
.L_simem_size_0:
called_computation_lowered:
.L_overlay_start_0:
0x88: {  	s2 =	sld [smem:$0x3FD9]  }
0x89: {  	s3 =	sld [smem:$0x3FFE];
	_ =	sdelay $0x1  }
0x8a: {  	s1 =	srdreg.scid  }
0x8b: {  	s0 =	sand.u32 $0x1, s1  }
0x8c: {  	s16 =	sshll.u32 s0, $0xA;
	s2 =	sadd.s32 s3, s2  }
0x8d: {  	s2 =	sadd.s32 s2, s16  }
0x8e: {  	[smem:$0x3FB9] =	sst s2  }
0x8f: {  	_ = 	snop  }
0x90: {  	(tm) =	ssettm $0x1  }
0x91: {  	s17 =	sld [smem:$0x3FFB];
	_ =	sdelay $0x3  }
0x92: {  	_ =	strace s17  }
0x93: {  	s2 =	sld [smem:$0x3FFC];
	_ =	sdelay $0x3  }
0x94: {  	_ =	strace s2  }
0x95: {  	s2 =	sld [smem:$0x3FFD];
	_ =	sdelay $0x3  }
0x96: {  	_ =	strace s2  }
0x97: {  	_ =	strace $0x8FFFFFFF  }
0x98: {  	s18 =	sld [smem:$0x3FDB];
	_ =	sdelay $0x1  }
0x99: {  	s19 =	simm.s32 $_scs_section_size  }
0x9a: {  	s4 =	simm.s32 $_size__tile_overlayer_lowered;
	s5 =	simm.s32 $_tile_overlayer_lowered  }
0x9b: {  	s22 =	simm.s32 $0x1BFF;
	s21 =	sshll.u32 s5, $0x1;
	s2 =	sadd.s32 s19, s18  }
0x9c: {  	s6 =	simm.s32 $0x0;
	s20 =	sshll.u32 s4, $0x1;
	s4 =	sadd.s32 s21, s2  }
0x9d: {  	[timem:s6], [sflag:s22] =	dma.local [hbm:s4], s20  }
0x9e: {  	_ =	swait.ge [sflag:s22], s20  }
0x9f: {  	s3 =	ssub.s32 $0x0, s20;
	[sflag:s22] =	ssyncset.done $0x0  }
0xa0: {  	[sflag:s22] =	ssyncadd.s32 s3;
	_ =	sdelay $0x1  }
0xa1: {  	s23 =	simm.s32 $0x1B8B  }
0xa2: {  	_ =	swait.ge [sflag:s23], $0x1  }
0xa3: {  	[sflag:s23] =	ssyncset.done $0x0  }
0xa4: {  	s25 =	simm.s32 $0x1B8E;
	s24 =	sld [smem:$0x3FFE];
	[sflag:s23] =	ssyncadd.s32 $0xFFFFFFFF  }
0xa5: {  	s26 =	simm.s32 $execute0_lowered;
	[smem:$0x3FD2] =	sst s25  }
0xa6: {  	s4 =	sshll.u32 s26, $0x1;
	_ =	strace $0x80000046;
	[dreg:$0x1] =	wrdreg $0xFFFFFFFF  }
0xa7: {  	s28 =	simm.s32 $_size_execute0_lowered;
	s2 =	sadd.s32 s2, s4;
	[dreg:$0x0] =	wrdreg $0x0  }
0xa8: {  	s4 =	sshll.u32 s28, $0x1;
	[dreg:$0x2] =	wrdreg s2  }
0xa9: {  	[dreg:$0x3] =	wrdreg s4  }
0xaa: {  	[dreg:$0x4] =	wrdreg $0xC0  }
0xab: {  	_ =	task [dreg:s6], $0x5FFFF  }
0xac: {  	[dreg:$0x1] =	wrdreg $0xFFFFFFFF  }
0xad: {  	[dreg:$0x0] =	wrdreg $0x60  }
0xae: {  	[dreg:$0x2] =	wrdreg s24  }
0xaf: {  	[dreg:$0x3] =	wrdreg $0x9  }
0xb0: {  	_ =	task.clear_ibuf [dreg:s6], $0x4FFFF;
	_ =	strace $0x90000046  }
0xb1: {  	s29 =	simm.s32 $0x9;
	_ =	strace $0x80000048  }
0xb2: {  	_ =	swait.ge [sflag:s29], $0x1  }
0xb3: {  	[sflag:s29] =	ssyncadd.s32 $0xFFFFFFFF  }
0xb4: {  	_ =	strace $0x90000048  }
0xb5: {  	_ =	sfence  }
0xb6: {  	s30 =	sld [smem:$0x0];
	_ =	sdelay $0x2  }
0xb7: {  	s31 =	sshll.u32 s1, $0xD;
	s1 =	sshrl.u32 s1, $0x2  }
0xb8: {  	s3 =	sand.u32 $0x4000, s31;
	s1 =	sadd.s32 s1, s30  }
0xb9: {  	s0 =	sor.u32 s3, s0;
	s1 =	sshll.u32 s1, $0x11  }
0xba: {  	s0 =	sor.u32 s1, s0  }
0xbb: {  	s0 =	sadd.s32 $0x8F2B, s0  }
0xbc: {  	[sflag:s0] =	ssyncadd.remote.s32 $0x1  }
0xbd: {  	_ =	sfence.sel $0xFFFF  }
0xbe: {  	[dreg:$0x0] =	wrdreg $0xFFFFFFFF;
	(pc) =	sbr.abs _section_cstart, $3  }
0xbf: {  	[dreg:$0x1] =	wrdreg $0xFFFFFFFF  }
0xc0: {  	_ =	task.clear_ibuf [dreg:s6], $0x2FFFF;
	_ =	strace $0x9FFFFFFF  }
0xc1: {  	(tm) =	ssettm $0x7FFFFFFF  }
tec
execute0_lowered:
.L_overlay_start_1:
0x0: {  	(tag) =	ssettag $0x1  }
0x1: {  	s1 =	srdreg.scid;
	s0 =	stileid.u32  }
0x2: {  	s4 =	rddreg [dreg:$0x0];
	s3 =	sand.u32 $0x1, s1;
	s30 =	sshll.u32 s0, $0x1  }
0x3: {  	s2 =	simm.s32 $0x0;
	s8 =	simm.s32 $0x0;
	s5 =	sor.u32 s3, s30  }
0x4: {  	s1 =	rddreg [dreg:$0x1];
	s3 =	ssub.s32 $0x2, s3;
	s6 =	smul.u32 $0x4E2, s5  }
0x5: {  	[smem:$0x7FF] =	sst s2;
	s5 =	smul.u32 $0x500, s5;
	s7 =	sshrl.u32 s3, $0x1  }
0x6: {  	_ =	strace $0x80000047;
	s31 =	ssub.s32 s3, s7;
	s7 =	simm.s32 $0x2780  }
0x7: {  	s6 =	sadd.s32 s6, s4;
	s4 =	sadd.s32 s5, s4;
	s5 =	smax.u32 s31, $0x1  }
0x8: {  	v0 =	vimm.f32 $0.0e+00;
	v1 =	vimm.f32 $1.000000000e+00;
	s3 =	sadd.s32 $0x4200, s6;
	s4 =	sadd.s32 $0xE000, s4;
	s6 =	simm.s32 $0x1  }
.LBB2_1:
0x9: {  	[tilespmem:s2], [sflag:$0x1] =	stream.linear.gather [hbm4b:s3+s2], $0x2710, $0x38;
	[tilespmem:$0x4F80] =	vst v63  }
0xa: {  	_ =	swait.ge [sflag:s6], $0x2710  }
0xb: {  	[sflag:s6] =	ssyncset.done $0x0  }
0xc: {  	s9 =	simm.s32 $0x0;
	[sflag:s6] =	ssyncadd.s32 $0xFFFFD8F0  }
.LBB2_2:
0xd: {  	p0 =	sne.s32 s9, $0x9FC0  }
.Ltmp0:
0xe: {  	_ = 	snop;
	(pc) =	sbr.rel @p0 .LBB2_2-.Ltmp0, $3  }
0xf: {  	_ =	sdelay $0x1  }
0x10: {  	s10 =	sshra.s32 s9, $0x2  }
0x11: {  	s9 =	sadd.s32 $0x40, s9;
	[tilespmem:s10+$0x2780] =	vst v0  }
0x12: {  	s9 =	simm.s32 $0x0  }
.LBB2_4:
0x13: {  	s10 =	sshra.s32 s9, $0x2  }
0x14: {  	v2 =	vld [tilespmem:s10+$0x0];
	_ =	sdelay $0x7  }
0x15: {  	[tilespmem:v2+s7+$0x0] =	vst.idx.add.f32.msk $0xffff, v1  }
0x16: {  	v2 =	vld [tilespmem:s10+$0x10];
	_ =	sdelay $0x7  }
0x17: {  	[tilespmem:v2+s7+$0x0] =	vst.idx.add.f32.msk $0xffff, v1  }
0x18: {  	v2 =	vld [tilespmem:s10+$0x20];
	_ =	sdelay $0x7  }
0x19: {  	[tilespmem:v2+s7+$0x0] =	vst.idx.add.f32.msk $0xffff, v1  }
0x1a: {  	v2 =	vld [tilespmem:s10+$0x30];
	_ =	sdelay $0x7  }
0x1b: {  	[tilespmem:v2+s7+$0x0] =	vst.idx.add.f32.msk $0xffff, v1  }
0x1c: {  	v2 =	vld [tilespmem:s10+$0x40];
	_ =	sdelay $0x2  }
0x1d: {  	p0 =	sne.s32 s9, $0x9B00  }
.Ltmp1:
0x1e: {  	_ = 	snop;
	(pc) =	sbr.rel @p0 .LBB2_4-.Ltmp1, $2  }
0x1f: {  	_ =	sdelay $0x2  }
0x20: {  	s9 =	sadd.s32 $0x140, s9;
	[tilespmem:v2+s7+$0x0] =	vst.idx.add.f32.msk $0xffff, v1  }
0x21: {  	s8 =	sadd.s32 $0x1, s8  }
0x22: {  	p0 =	sne.s32 s8, s5  }
.Ltmp2:
0x23: {  	_ = 	snop;
	(pc) =	sbr.rel @p0 .LBB2_1-.Ltmp2, $4  }
0x24: {  	[hbm4b:s4+s2] =	stream.linear.scatter [tilespmem:s7], [sflag:$0x1], $0x2800, $0x38;
	[tilespmem:$0x4F80] =	vst v63  }
0x25: {  	_ =	swait.ge [sflag:s6], $0x2800  }
0x26: {  	[sflag:s6] =	ssyncset.done $0x0  }
0x27: {  	[sflag:s6] =	ssyncadd.s32 $0xFFFFD800  }
0x28: {  	_ =	sfence.sel $0x180000  }
0x29: {  	[bflag:$0x0] =	sbarrier.arrive $0xFFFF  }
0x2a: {  	p0 =	sne.s32 s0, $0x0;
	_ =	strace $0x90000047  }
0x2b: {  	s0 =	sadd.s32 @!p0 $0x100000, s1;
	[bflag:$0x2] =	sbarrier.arrive $0xFFFF  }
0x2c: {  	[sflag:s0] =	ssyncadd.tile.s32 @!p0 $0x1;
	_ =	shalt  }
.Lfunc_end2:
_tile_overlayer_lowered:
.L_overlay_start_2:
0x2d: {  	(tag) =	ssettag $0x2  }
0x2e: {  	s0 =	rddreg [dreg:$0x0];
	s2 =	stileid.u32  }
0x2f: {  	s1 =	rddreg [dreg:$0x1];
	p0 =	sne.s32 s2, $0x0  }
0x30: {  	s3 =	rddreg [dreg:$0x2];
	[bflag:$0x3] =	sbarrier.arrive $0xFFFF;
	s2 =	simm.s32 @!p0 $0x1C01  }
0x31: {  	[timem:s3], [sflag:s2] =	dma.local @!p0 [hbm:s0], s1  }
0x32: {  	s0 =	simm.s32 @!p0 $0x1  }
0x33: {  	_ =	swait.ge @!p0 [sflag:s0], s1  }
0x34: {  	s1 =	ssub.s32 @!p0 $0x0, s1;
	[sflag:s0] =	ssyncset.done @!p0 $0x0  }
0x35: {  	[sflag:s0] =	ssyncadd.s32 @!p0 s1  }
0x36: {  	[bflag:$0x3] =	sbarrier.arrive $0xFFFF  }
0x37: {  	_ =	shalt  }

// kernel: kernel.15.cloned.1.call-start
scs
__scs_entry_jumppad:
0x0: {  	(pc) =	sbr.rel $0x88, $3  }
0x1: {  	(tag) =	ssettag $0x0;
	lr =	simm.s32 $0x1  }
0x2: {  	[smem:$0x3F92] =	sst lr;
	_ =	strace $0xD0000000  }
0x3: {  	_ = 	snop  }
0x4: {  	_ = 	snop  }
0x5: {  	_ = 	snop  }
0x6: {  	_ = 	snop  }
0x7: {  	_ = 	snop  }
__scs_overlays_trampoline_lowered:
0x8: {  	[smem:$0x3FA1] =	sst s0  }
0x9: {  	[smem:$0x3FA2] =	sst s1  }
0xa: {  	[smem:$0x3FA3] =	sst s2  }
0xb: {  	[smem:$0x3FA4] =	sst s3  }
0xc: {  	[smem:$0x3FA5] =	sst s4  }
0xd: {  	[smem:$0x3FA6] =	sst s5  }
0xe: {  	[smem:$0x3FA7] =	sst s6  }
0xf: {  	[smem:$0x3FA8] =	sst s7  }
0x10: {  	[smem:$0x3FA9] =	sst s8  }
0x11: {  	[smem:$0x3FAA] =	sst s9;
	s0 =	simm.s32 @!p0 $0x0  }
0x12: {  	s1 =	sld [smem:$0x3F90];
	s0 =	simm.s32 @p0 $0x1  }
0x13: {  	[smem:$0x3FAB] =	sst s0;
	s0 =	simm.s32 @!p1 $0x0  }
0x14: {  	s2 =	sld [smem:$0x3F8F];
	s0 =	simm.s32 @p1 $0x1  }
0x15: {  	[smem:$0x3FAC] =	sst s0;
	s0 =	simm.s32 @!p2 $0x0  }
0x16: {  	s3 =	sld [smem:$0x3FDB];
	s0 =	simm.s32 @p2 $0x1  }
0x17: {  	s4 =	simm.s32 $0x1BF5;
	[smem:$0x3FAE] =	sst s0  }
0x18: {  	s0 =	sld [smem:$0x3F91];
	_ =	swait.ge [sflag:s4], $0x0  }
0x19: {  	s7 =	sld [smem:$0x3F92]  }
0x1a: {  	s8 =	sadd.s32 $0xFFFFE003, lr  }
0x1b: {  	s9 =	sadd.s32 $0xFFFFFEF7, lr;
	s5 =	simm.s32 $0xFFFFFFFF;
	p2 =	slt.u32 s8, $0xFFFFF086  }
0x1c: {  	p1 =	slt.u32 s9, $0xF7A;
	s5 =	simm.s32 @!p2 $0x0  }
0x1d: {  	s5 =	simm.s32 @p1 $0x1;
	p0 =	seq.s32 s7, s2  }
0x1e: {  	s7 =	smul.u32 @!p0 $0xF7A, s2;
	p2 =	seq.s32 @!p0 s5, $0x0  }
0x1f: {  	s9 =	smul.u32 $0xF7A, s1;
	s8 =	simm.s32 @!p0 $0x1BF5;
	p2 =	por !p2, p0  }
0x20: {  	[sflag:s8] =	ssyncset.s32 @!p0 $0xFFFFF086;
	s6 =	sadd.s32 @!p0 s3, s7;
	s7 =	simm.s32 @!p0 $0x108  }
0x21: {  	s3 =	sadd.s32 s3, s9;
	s6 =	sadd.s32 @!p0 $0x88, s6;
	s7 =	simm.s32 @p2 $0x1082  }
0x22: {  	[simem:s7], [sflag:s8] =	dma.local @!p0 [hbm:s6], $0xF7A  }
0x23: {  	s9 =	sor.u32 $0xD0000000, s2;
	s6 =	simm.s32 $0x108;
	_ =	swait.ge @!p0 [sflag:s8], $0x0  }
0x24: {  	s3 =	sadd.s32 $0x88, s3;
	s6 =	simm.s32 @!p1 $0x1082;
	[sflag:s4] =	ssyncset.s32 $0xFFFFF086  }
0x25: {  	[simem:s6], [sflag:s4] =	dma.local [hbm:s3], $0xF7A  }
0x26: {  	[smem:$0x3F92] =	sst s1;
	(tag) =	ssettag s2;
	_ =	strace s9  }
0x27: {  	s1 =	sld [smem:$0x3FA2]  }
0x28: {  	s2 =	sld [smem:$0x3FA3]  }
0x29: {  	s4 =	sld [smem:$0x3FA5]  }
0x2a: {  	p0 =	seq.s32 s5, $0x0;
	s5 =	sld [smem:$0x3FA6]  }
0x2b: {  	s6 =	sld [smem:$0x3FA7]  }
0x2c: {  	s7 =	sld [smem:$0x3FA8]  }
0x2d: {  	s3 =	simm.s32 $0x108;
	s8 =	sld [smem:$0x3FA9]  }
0x2e: {  	s3 =	simm.s32 @!p0 $0x1082;
	s9 =	sld [smem:$0x3FAA]  }
0x2f: {  	lr =	sadd.s32 s0, s3;
	s0 =	sld [smem:$0x3FA1]  }
0x30: {  	s3 =	sld [smem:$0x3FA4]  }
0x31: {  	[smem:$0x3FAD] =	sst s10  }
0x32: {  	s10 =	sld [smem:$0x3FAB];
	_ =	sdelay $0x3  }
0x33: {  	p0 =	seq.s32 s10, $0x1;
	s10 =	sld [smem:$0x3FAD];
	_ =	sdelay $0x3  }
0x34: {  	[smem:$0x3FAD] =	sst s10  }
0x35: {  	s10 =	sld [smem:$0x3FAC];
	_ =	sdelay $0x3  }
0x36: {  	p1 =	seq.s32 s10, $0x1;
	s10 =	sld [smem:$0x3FAD];
	_ =	sdelay $0x3  }
0x37: {  	[smem:$0x3FAD] =	sst s10  }
0x38: {  	s10 =	sld [smem:$0x3FAE]  }
0x39: {  	_ = 	snop;
	(pc) =	sbr.ind lr, $3  }
0x3a: {  	_ = 	snop  }
0x3b: {  	_ = 	snop  }
0x3c: {  	p2 =	seq.s32 s10, $0x1;
	s10 =	sld [smem:$0x3FAD]  }
0x3d: {  	_ =	shalt  }
0x3e: {  	_ =	shalt  }
0x3f: {  	_ =	shalt  }
0x40: {  	_ =	shalt  }
0x41: {  	_ =	shalt  }
0x42: {  	_ =	shalt  }
0x43: {  	_ =	shalt  }
0x44: {  	_ =	shalt  }
0x45: {  	_ =	shalt  }
0x46: {  	_ =	shalt  }
0x47: {  	_ =	shalt  }
0x48: {  	_ =	shalt  }
0x49: {  	_ =	shalt  }
0x4a: {  	_ =	shalt  }
0x4b: {  	_ =	shalt  }
0x4c: {  	_ =	shalt  }
0x4d: {  	_ =	shalt  }
0x4e: {  	_ =	shalt  }
0x4f: {  	_ =	shalt  }
0x50: {  	_ =	shalt  }
0x51: {  	_ =	shalt  }
0x52: {  	_ =	shalt  }
0x53: {  	_ =	shalt  }
0x54: {  	_ =	shalt  }
0x55: {  	_ =	shalt  }
0x56: {  	_ =	shalt  }
0x57: {  	_ =	shalt  }
0x58: {  	_ =	shalt  }
0x59: {  	_ =	shalt  }
0x5a: {  	_ =	shalt  }
0x5b: {  	_ =	shalt  }
0x5c: {  	_ =	shalt  }
0x5d: {  	_ =	shalt  }
0x5e: {  	_ =	shalt  }
0x5f: {  	_ =	shalt  }
0x60: {  	_ =	shalt  }
0x61: {  	_ =	shalt  }
0x62: {  	_ =	shalt  }
0x63: {  	_ =	shalt  }
0x64: {  	_ =	shalt  }
0x65: {  	_ =	shalt  }
0x66: {  	_ =	shalt  }
0x67: {  	_ =	shalt  }
0x68: {  	_ =	shalt  }
0x69: {  	_ =	shalt  }
0x6a: {  	_ =	shalt  }
0x6b: {  	_ =	shalt  }
0x6c: {  	_ =	shalt  }
0x6d: {  	_ =	shalt  }
0x6e: {  	_ =	shalt  }
0x6f: {  	_ =	shalt  }
0x70: {  	_ =	shalt  }
0x71: {  	_ =	shalt  }
0x72: {  	_ =	shalt  }
0x73: {  	_ =	shalt  }
0x74: {  	_ =	shalt  }
0x75: {  	_ =	shalt  }
0x76: {  	_ =	shalt  }
0x77: {  	_ =	shalt  }
0x78: {  	_ =	shalt  }
0x79: {  	_ =	shalt  }
0x7a: {  	_ =	shalt  }
0x7b: {  	_ =	shalt  }
0x7c: {  	_ =	shalt  }
0x7d: {  	_ =	shalt  }
0x7e: {  	_ =	shalt  }
0x7f: {  	_ =	shalt  }
0x80: {  	_ =	shalt  }
0x81: {  	_ =	shalt  }
0x82: {  	_ =	shalt  }
0x83: {  	_ =	shalt  }
0x84: {  	_ =	shalt  }
0x85: {  	_ =	shalt  }
0x86: {  	_ =	shalt  }
0x87: {  	_ =	shalt  }
.Lfunc_end0:
.L_simem_size_0:
called_computation.1_lowered:
.L_overlay_start_0:
0x88: {  	s2 =	sld [smem:$0x3FD9]  }
0x89: {  	s3 =	sld [smem:$0x3FFE];
	_ =	sdelay $0x1  }
0x8a: {  	s1 =	srdreg.scid  }
0x8b: {  	s0 =	sand.u32 $0x1, s1  }
0x8c: {  	s16 =	sshll.u32 s0, $0xA;
	s2 =	sadd.s32 s3, s2  }
0x8d: {  	s2 =	sadd.s32 s2, s16  }
0x8e: {  	[smem:$0x3FB9] =	sst s2  }
0x8f: {  	_ = 	snop  }
0x90: {  	(tm) =	ssettm $0x1  }
0x91: {  	s17 =	sld [smem:$0x3FFB];
	_ =	sdelay $0x3  }
0x92: {  	_ =	strace s17  }
0x93: {  	s2 =	sld [smem:$0x3FFC];
	_ =	sdelay $0x3  }
0x94: {  	_ =	strace s2  }
0x95: {  	s2 =	sld [smem:$0x3FFD];
	_ =	sdelay $0x3  }
0x96: {  	_ =	strace s2  }
0x97: {  	_ =	strace $0x8FFFFFFF  }
0x98: {  	s18 =	sld [smem:$0x3FDB];
	_ =	sdelay $0x1  }
0x99: {  	s19 =	simm.s32 $_scs_section_size  }
0x9a: {  	s4 =	simm.s32 $_size__tile_overlayer_lowered;
	s5 =	simm.s32 $_tile_overlayer_lowered  }
0x9b: {  	s22 =	simm.s32 $0x1BFF;
	s21 =	sshll.u32 s5, $0x1;
	s2 =	sadd.s32 s19, s18  }
0x9c: {  	s6 =	simm.s32 $0x0;
	s20 =	sshll.u32 s4, $0x1;
	s4 =	sadd.s32 s21, s2  }
0x9d: {  	[timem:s6], [sflag:s22] =	dma.local [hbm:s4], s20  }
0x9e: {  	_ =	swait.ge [sflag:s22], s20  }
0x9f: {  	s3 =	ssub.s32 $0x0, s20;
	[sflag:s22] =	ssyncset.done $0x0  }
0xa0: {  	[sflag:s22] =	ssyncadd.s32 s3;
	_ =	sdelay $0x1  }
0xa1: {  	s23 =	simm.s32 $0x1B8B  }
0xa2: {  	_ =	swait.ge [sflag:s23], $0x1  }
0xa3: {  	[sflag:s23] =	ssyncset.done $0x0  }
0xa4: {  	s25 =	simm.s32 $0x1B8E;
	s24 =	sld [smem:$0x3FFE];
	[sflag:s23] =	ssyncadd.s32 $0xFFFFFFFF  }
0xa5: {  	s26 =	simm.s32 $execute0_lowered;
	[smem:$0x3FD2] =	sst s25  }
0xa6: {  	s4 =	sshll.u32 s26, $0x1;
	_ =	strace $0x80000049;
	[dreg:$0x1] =	wrdreg $0xFFFFFFFF  }
0xa7: {  	s28 =	simm.s32 $_size_execute0_lowered;
	s2 =	sadd.s32 s2, s4;
	[dreg:$0x0] =	wrdreg $0x0  }
0xa8: {  	s4 =	sshll.u32 s28, $0x1;
	[dreg:$0x2] =	wrdreg s2  }
0xa9: {  	[dreg:$0x3] =	wrdreg s4  }
0xaa: {  	[dreg:$0x4] =	wrdreg $0xC0  }
0xab: {  	_ =	task [dreg:s6], $0x5FFFF  }
0xac: {  	[dreg:$0x1] =	wrdreg $0xFFFFFFFF  }
0xad: {  	[dreg:$0x0] =	wrdreg $0x60  }
0xae: {  	[dreg:$0x2] =	wrdreg s24  }
0xaf: {  	[dreg:$0x3] =	wrdreg $0xA8000  }
0xb0: {  	[dreg:$0x4] =	wrdreg $0x9  }
0xb1: {  	_ =	task.clear_ibuf [dreg:s6], $0x5FFFF;
	_ =	strace $0x90000049  }
0xb2: {  	s29 =	simm.s32 $0x9;
	_ =	strace $0x8000004B  }
0xb3: {  	_ =	swait.ge [sflag:s29], $0x1  }
0xb4: {  	[sflag:s29] =	ssyncadd.s32 $0xFFFFFFFF  }
0xb5: {  	_ =	strace $0x9000004B  }
0xb6: {  	_ =	sfence  }
0xb7: {  	s30 =	sld [smem:$0x0];
	_ =	sdelay $0x2  }
0xb8: {  	s31 =	sshll.u32 s1, $0xD;
	s1 =	sshrl.u32 s1, $0x2  }
0xb9: {  	s3 =	sand.u32 $0x4000, s31;
	s1 =	sadd.s32 s1, s30  }
0xba: {  	s0 =	sor.u32 s3, s0;
	s1 =	sshll.u32 s1, $0x11  }
0xbb: {  	s0 =	sor.u32 s1, s0  }
0xbc: {  	s0 =	sadd.s32 $0x8F2B, s0  }
0xbd: {  	[sflag:s0] =	ssyncadd.remote.s32 $0x1  }
0xbe: {  	_ =	sfence.sel $0xFFFF  }
0xbf: {  	[dreg:$0x0] =	wrdreg $0xFFFFFFFF;
	(pc) =	sbr.abs _section_cstart, $3  }
0xc0: {  	[dreg:$0x1] =	wrdreg $0xFFFFFFFF  }
0xc1: {  	_ =	task.clear_ibuf [dreg:s6], $0x2FFFF;
	_ =	strace $0x9FFFFFFF  }
0xc2: {  	(tm) =	ssettm $0x7FFFFFFF  }
0xc3: {  	_ =	shalt  }
tec
execute0_lowered:
.L_overlay_start_1:
0x0: {  	(tag) =	ssettag $0x1  }
0x1: {  	s0 =	rddreg [dreg:$0x0]  }
0x2: {  	s2 =	rddreg [dreg:$0x1];
	s3 =	simm.s32 $0x0;
	s4 =	srdreg.scid  }
0x3: {  	s1 =	stileid.u32;
	s28 =	simm.s32 $0x1;
	s29 =	simm.s32 $0x2  }
0x4: {  	s30 =	simm.s32 $0x2700;
	s31 =	simm.s32 $0x2780;
	[smem:$0x7FF] =	sst s3  }
0x5: {  	s9 =	sand.u32 $0x1, s4;
	s5 =	sshll.u32 s1, $0x1;
	s4 =	sadd.s32 $0x2C000, s0  }
0x6: {  	s11 =	sadd.s32 $0x22000, s0;
	s13 =	sadd.s32 $0x18000, s0;
	s10 =	smul.u32 $0x50000, s1  }
0x7: {  	s14 =	sadd.s32 $0x53200, s0;
	p4 =	sne.s32 s1, $0xF;
	s15 =	smul.u32 $0x2800, s1  }
0x8: {  	p0 =	seq.s32 s1, $0xF;
	s17 =	smul.u32 $0x14000, s1;
	s25 =	sshll.u32 s1, $0x6  }
0x9: {  	_ =	strace $0x8000004A;
	s5 =	sor.u32 s9, s5;
	s6 =	ssub.s32 $0x2, s9  }
0xa: {  	p2 =	seq.s32 s9, $0x0;
	p3 =	seq.s32 s9, $0x1;
	s19 =	smul.u32 $0x140000, s9  }
0xb: {  	s18 =	sor.u32 $0x1C05, s25;
	s25 =	simm.s32 $0x80;
	s7 =	smul.u32 $0x2800, s5  }
0xc: {  	s5 =	sadd.s32 $0x4200, s0;
	s8 =	sshrl.u32 s6, $0x1;
	p1 =	por !p2, !p4  }
0xd: {  	p2 =	por !p2, !p0;
	s0 =	sadd.s32 $0x51800, s0;
	s20 =	sshrl.u32 s10, $0x2  }
0xe: {  	p4 =	por !p4, !p3;
	s21 =	sadd.s32 s4, s15;
	s16 =	ssub.s32 s6, s8  }
0xf: {  	p1 =	por !p1, !p1;
	p2 =	por !p2, !p2;
	[dreg:$0x3] =	wrdreg s0  }
0x10: {  	s8 =	sadd.s32 $0x12C000, s2;
	s10 =	sadd.s32 s20, s2;
	[dreg:$0x4] =	wrdreg s21  }
0x11: {  	p4 =	por !p4, !p4;
	s23 =	sadd.s32 s17, s19;
	s0 =	sshrl.u32 s19, $0x3  }
0x12: {  	s17 =	simm.s32 $0x1400;
	s20 =	simm.s32 $0x5;
	s21 =	simm.s32 $0x3  }
0x13: {  	s12 =	sshrl.u32 s7, $0x3;
	s24 =	sshrl.u32 s23, $0x3;
	s0 =	sadd.s32 s14, s0  }
0x14: {  	s16 =	smax.u32 s16, $0x1;
	s26 =	sshrl.u32 s10, $0x3;
	s23 =	simm.s32 $0x7D  }
0x15: {  	s6 =	sadd.s32 s11, s12;
	s7 =	sadd.s32 s13, s12;
	s22 =	sadd.s32 $0x280, s12  }
0x16: {  	s14 =	sadd.s32 s14, s24;
	s15 =	sadd.s32 $0x25800, s0;
	[dreg:$0x5] =	wrdreg s26  }
0x17: {  	s24 =	simm.s32 $0x2800;
	s26 =	simm.s32 $0x6800;
	s0 =	simm.s32 $0x0  }
0x18: {  	s12 =	sadd.s32 s11, s22;
	s13 =	sadd.s32 s13, s22;
	s22 =	simm.s32 $0x4  }
.LBB2_1:
.Ltmp0:
0x19: {  	(pc) =	sbr.rel @!p1 .LBB2_5-.Ltmp0, $4  }
0x1a: {  	_ = 	snop  }
0x1b: {  	[tilespmem:s3], [sflag:$0x3] =	stream.linear.gather [hbm4b:s6+s3], $0x1400, $0x38;
	[tilespmem:$0x1E800] =	vst v63  }
0x1c: {  	_ = 	snop  }
0x1d: {  	[tilespmem:s17], [sflag:$0x4] =	stream.linear.gather [hbm4b:s7+s3], $0x1400, $0x38;
	[tilespmem:$0x1E800] =	vst v63  }
0x1e: {  	s9 =	rddreg [dreg:$0x4]  }
.Ltmp1:
0x1f: {  	s11 =	rddreg [dreg:$0x5];
	(pc) =	sbr.rel .LBB2_3-.Ltmp1, $4  }
0x20: {  	[spmem:s11], [sflag:s18] =	dma.local [hbm:s9], $0x2800  }
0x21: {  	_ =	swait.ge [sflag:s20], $0x2800  }
0x22: {  	[sflag:s20] =	ssyncset.done $0x0  }
0x23: {  	p5 =	por $0x0, $0x0;
	[sflag:s20] =	ssyncadd.s32 $0xFFFFD800  }
.LBB2_5:
.Ltmp2:
0x24: {  	(pc) =	sbr.rel @!p2 .LBB2_3-.Ltmp2, $2  }
0x25: {  	_ =	sdelay $0x2  }
0x26: {  	p5 =	por p0, p0  }
.Ltmp3:
0x27: {  	(pc) =	sbr.rel .LBB2_7-.Ltmp3, $4  }
0x28: {  	_ = 	snop  }
0x29: {  	s9 =	sshrl.u32 s8, $0x3  }
0x2a: {  	s11 =	rddreg [dreg:$0x3];
	s19 =	simm.s32 $0x1FC5;
	p5 =	por $0x1, $0x1  }
0x2b: {  	[spmem:s9], [sflag:s19] =	dma.local [hbm:s11], $0x1900  }
.LBB2_3:
0x2c: {  	s9 =	sshll.u32 @p4 s1, $0x6;
	p6 =	por @p4 $0x1, $0x1  }
0x2d: {  	s11 =	sshrl.u32 @p4 s10, $0x3;
	s9 =	sor.u32 @p4 $0x1C05, s9;
	p6 =	por @!p4 p3, p3  }
0x2e: {  	[spmem:s11], [sflag:s9] =	dma.local @p4 [hbm:s5], $0x2800  }
0x2f: {  	p6 =	por !p6, !p5  }
0x30: {  	p6 =	por !p6, !p6  }
.Ltmp4:
0x31: {  	_ = 	snop;
	(pc) =	sbr.rel @!p6 .LBB2_8-.Ltmp4, $4  }
0x32: {  	s9 =	simm.s32 @p4 $0x5  }
0x33: {  	_ =	swait.ge @p4 [sflag:s9], $0x2800  }
0x34: {  	[sflag:s9] =	ssyncset.done @p4 $0x0  }
0x35: {  	[sflag:s9] =	ssyncadd.s32 @p4 $0xFFFFD800  }
0x36: {  	s9 =	sshrl.u32 s8, $0x3  }
0x37: {  	[spmem:s9], [sflag:s18] =	dma.local [hbm:s5], $0x1900  }
.LBB2_7:
0x38: {  	_ =	swait.ge [sflag:s20], $0x1900  }
0x39: {  	[sflag:s20] =	ssyncset.done $0x0  }
0x3a: {  	[sflag:s20] =	ssyncadd.s32 $0xFFFFE700  }
.LBB2_8:
0x3b: {  	_ =	swait.ge [sflag:s21], $0x1400  }
0x3c: {  	[sflag:s21] =	ssyncset.done $0x0  }
0x3d: {  	[sflag:s21] =	ssyncadd.s32 $0xFFFFEC00  }
0x3e: {  	_ =	swait.ge [sflag:s22], $0x1400  }
0x3f: {  	[sflag:s22] =	ssyncset.done $0x0  }
0x40: {  	s9 =	simm.s32 $0x0;
	[sflag:s22] =	ssyncadd.s32 $0xFFFFEC00  }
0x41: {  	[tilespmem:s24], [sflag:$0x1] =	stream.indirect.gather [hbm4b:s4+s23], $0x80, s9, s23, $0xb8;
	[tilespmem:$0x1E800] =	vst v63  }
0x42: {  	_ = 	snop  }
0x43: {  	[tilespmem:s26], [sflag:$0x2] =	stream.indirect.gather [hbm4b:s4+s23], $0x80, s25, s23, $0xb8;
	[tilespmem:$0x1E800] =	vst v63  }
0x44: {  	[bflag:$0x0] =	sbarrier.arrive $0xFFFF  }
0x45: {  	_ =	swait.ge [sflag:s28], $0x3E80  }
0x46: {  	[sflag:s28] =	ssyncset.done $0x0  }
0x47: {  	s19 =	simm.s32 $0x1400;
	[sflag:s28] =	ssyncadd.s32 $0xFFFFC180  }
0x48: {  	[spmem:s2] =	stream.indirect.scatter.add.f32 [tilespmem:s24], [sflag:$0x5], $0x80, s19, s23, $0xb8;
	[tilespmem:$0x1E800] =	vst v63  }
0x49: {  	_ =	swait.ge [sflag:s20], $0x3E80  }
0x4a: {  	[sflag:s20] =	ssyncset.done $0x0  }
0x4b: {  	s11 =	simm.s32 $0x100;
	[sflag:s20] =	ssyncadd.s32 $0xFFFFC180  }
0x4c: {  	[tilespmem:s24], [sflag:$0x1] =	stream.indirect.gather [hbm4b:s4+s23], $0x80, s11, s23, $0xb8;
	[tilespmem:$0x1E800] =	vst v63  }
0x4d: {  	_ =	swait.ge [sflag:s29], $0x3E80  }
0x4e: {  	[sflag:s29] =	ssyncset.done $0x0  }
0x4f: {  	s19 =	simm.s32 $0x1480;
	[sflag:s29] =	ssyncadd.s32 $0xFFFFC180  }
0x50: {  	[spmem:s2] =	stream.indirect.scatter.add.f32 [tilespmem:s26], [sflag:$0x5], $0x80, s19, s23, $0xb8;
	[tilespmem:$0x1E800] =	vst v63  }
0x51: {  	_ =	swait.ge [sflag:s20], $0x3E80  }
0x52: {  	[sflag:s20] =	ssyncset.done $0x0  }
0x53: {  	s9 =	simm.s32 $0x400;
	s11 =	simm.s32 $0x180;
	[sflag:s20] =	ssyncadd.s32 $0xFFFFC180  }
.LBB2_9:
0x54: {  	[tilespmem:s26], [sflag:$0x2] =	stream.indirect.gather [hbm4b:s4+s23], $0x80, s11, s23, $0xb8;
	[tilespmem:$0x1E800] =	vst v63  }
0x55: {  	s11 =	smov.u32 s9  }
0x56: {  	p6 =	sne.s32 s9, $0x4800;
	s9 =	sadd.s32 $0x400, s9;
	_ =	swait.ge [sflag:s28], $0x3E80  }
0x57: {  	s11 =	sshra.s32 s11, $0x2;
	[sflag:s28] =	ssyncset.done $0x0  }
0x58: {  	s19 =	sadd.s32 $0x1400, s11;
	[sflag:s28] =	ssyncadd.s32 $0xFFFFC180  }
0x59: {  	[spmem:s2] =	stream.indirect.scatter.add.f32 [tilespmem:s24], [sflag:$0x5], $0x80, s19, s23, $0xb8;
	[tilespmem:$0x1E800] =	vst v63  }
0x5a: {  	_ =	swait.ge [sflag:s20], $0x3E80  }
0x5b: {  	[sflag:s20] =	ssyncset.done $0x0  }
0x5c: {  	s19 =	sadd.s32 $0x100, s11;
	[sflag:s20] =	ssyncadd.s32 $0xFFFFC180  }
0x5d: {  	[tilespmem:s24], [sflag:$0x1] =	stream.indirect.gather [hbm4b:s4+s23], $0x80, s19, s23, $0xb8;
	[tilespmem:$0x1E800] =	vst v63  }
0x5e: {  	_ =	swait.ge [sflag:s29], $0x3E80  }
0x5f: {  	[sflag:s29] =	ssyncset.done $0x0  }
.Ltmp5:
0x60: {  	s19 =	sadd.s32 $0x1480, s11;
	[sflag:s29] =	ssyncadd.s32 $0xFFFFC180;
	(pc) =	sbr.rel @p6 .LBB2_9-.Ltmp5, $4  }
0x61: {  	[spmem:s2] =	stream.indirect.scatter.add.f32 [tilespmem:s26], [sflag:$0x5], $0x80, s19, s23, $0xb8;
	[tilespmem:$0x1E800] =	vst v63  }
0x62: {  	_ =	swait.ge [sflag:s20], $0x3E80  }
0x63: {  	[sflag:s20] =	ssyncset.done $0x0  }
0x64: {  	s11 =	sadd.s32 $0x180, s11;
	[sflag:s20] =	ssyncadd.s32 $0xFFFFC180  }
0x65: {  	[tilespmem:s26], [sflag:$0x2] =	stream.indirect.gather [hbm4b:s4+s23], $0x80, s11, s23, $0xb8;
	[tilespmem:$0x1E800] =	vst v63  }
0x66: {  	_ =	swait.ge [sflag:s28], $0x3E80  }
0x67: {  	[sflag:s28] =	ssyncset.done $0x0  }
0x68: {  	[sflag:s28] =	ssyncadd.s32 $0xFFFFC180  }
0x69: {  	[spmem:s2] =	stream.indirect.scatter.add.f32 [tilespmem:s24], [sflag:$0x5], $0x80, s30, s23, $0xb8;
	[tilespmem:$0x1E800] =	vst v63  }
0x6a: {  	_ =	swait.ge [sflag:s20], $0x3E80  }
0x6b: {  	[sflag:s20] =	ssyncset.done $0x0  }
0x6c: {  	[sflag:s20] =	ssyncadd.s32 $0xFFFFC180  }
0x6d: {  	_ =	swait.ge [sflag:s29], $0x3E80  }
0x6e: {  	[sflag:s29] =	ssyncset.done $0x0  }
0x6f: {  	[sflag:s29] =	ssyncadd.s32 $0xFFFFC180  }
0x70: {  	[spmem:s2] =	stream.indirect.scatter.add.f32 [tilespmem:s26], [sflag:$0x5], $0x80, s31, s23, $0xb8;
	[tilespmem:$0x1E800] =	vst v63  }
0x71: {  	_ =	swait.ge [sflag:s20], $0x3E80  }
0x72: {  	[sflag:s20] =	ssyncset.done $0x0  }
0x73: {  	s9 =	simm.s32 $0x0;
	[sflag:s20] =	ssyncadd.s32 $0xFFFFC180  }
0x74: {  	[tilespmem:s9], [sflag:$0x3] =	stream.linear.gather [hbm4b:s12+s9], $0x1400, $0x38;
	[tilespmem:$0x1E800] =	vst v63  }
0x75: {  	_ = 	snop  }
0x76: {  	[tilespmem:s17], [sflag:$0x4] =	stream.linear.gather [hbm4b:s13+s9], $0x1400, $0x38;
	[tilespmem:$0x1E800] =	vst v63  }
0x77: {  	_ =	swait.ge [sflag:s21], $0x1400  }
0x78: {  	[sflag:s21] =	ssyncset.done $0x0  }
0x79: {  	[sflag:s21] =	ssyncadd.s32 $0xFFFFEC00  }
0x7a: {  	_ =	swait.ge [sflag:s22], $0x1400  }
0x7b: {  	[sflag:s22] =	ssyncset.done $0x0  }
0x7c: {  	[sflag:s22] =	ssyncadd.s32 $0xFFFFEC00  }
0x7d: {  	[tilespmem:s24], [sflag:$0x1] =	stream.indirect.gather [hbm4b:s4+s23], $0x80, s9, s23, $0xb8;
	[tilespmem:$0x1E800] =	vst v63  }
0x7e: {  	_ = 	snop  }
0x7f: {  	[tilespmem:s26], [sflag:$0x2] =	stream.indirect.gather [hbm4b:s4+s23], $0x80, s25, s23, $0xb8;
	[tilespmem:$0x1E800] =	vst v63  }
0x80: {  	_ =	swait.ge [sflag:s28], $0x3E80  }
0x81: {  	[sflag:s28] =	ssyncset.done $0x0  }
0x82: {  	s19 =	simm.s32 $0x1400;
	[sflag:s28] =	ssyncadd.s32 $0xFFFFC180  }
0x83: {  	[spmem:s2] =	stream.indirect.scatter.add.f32 [tilespmem:s24], [sflag:$0x5], $0x80, s19, s23, $0xb8;
	[tilespmem:$0x1E800] =	vst v63  }
0x84: {  	_ =	swait.ge [sflag:s20], $0x3E80  }
0x85: {  	[sflag:s20] =	ssyncset.done $0x0  }
0x86: {  	s11 =	simm.s32 $0x100;
	[sflag:s20] =	ssyncadd.s32 $0xFFFFC180  }
0x87: {  	[tilespmem:s24], [sflag:$0x1] =	stream.indirect.gather [hbm4b:s4+s23], $0x80, s11, s23, $0xb8;
	[tilespmem:$0x1E800] =	vst v63  }
0x88: {  	_ =	swait.ge [sflag:s29], $0x3E80  }
0x89: {  	[sflag:s29] =	ssyncset.done $0x0  }
0x8a: {  	s19 =	simm.s32 $0x1480;
	[sflag:s29] =	ssyncadd.s32 $0xFFFFC180  }
0x8b: {  	[spmem:s2] =	stream.indirect.scatter.add.f32 [tilespmem:s26], [sflag:$0x5], $0x80, s19, s23, $0xb8;
	[tilespmem:$0x1E800] =	vst v63  }
0x8c: {  	_ =	swait.ge [sflag:s20], $0x3E80  }
0x8d: {  	[sflag:s20] =	ssyncset.done $0x0  }
0x8e: {  	s9 =	simm.s32 $0x400;
	s11 =	simm.s32 $0x180;
	[sflag:s20] =	ssyncadd.s32 $0xFFFFC180  }
.LBB2_11:
0x8f: {  	[tilespmem:s26], [sflag:$0x2] =	stream.indirect.gather [hbm4b:s4+s23], $0x80, s11, s23, $0xb8;
	[tilespmem:$0x1E800] =	vst v63  }
0x90: {  	s11 =	smov.u32 s9  }
0x91: {  	p6 =	sne.s32 s9, $0x4800;
	s9 =	sadd.s32 $0x400, s9;
	_ =	swait.ge [sflag:s28], $0x3E80  }
0x92: {  	s11 =	sshra.s32 s11, $0x2;
	[sflag:s28] =	ssyncset.done $0x0  }
0x93: {  	s19 =	sadd.s32 $0x1400, s11;
	[sflag:s28] =	ssyncadd.s32 $0xFFFFC180  }
0x94: {  	[spmem:s2] =	stream.indirect.scatter.add.f32 [tilespmem:s24], [sflag:$0x5], $0x80, s19, s23, $0xb8;
	[tilespmem:$0x1E800] =	vst v63  }
0x95: {  	_ =	swait.ge [sflag:s20], $0x3E80  }
0x96: {  	[sflag:s20] =	ssyncset.done $0x0  }
0x97: {  	s19 =	sadd.s32 $0x100, s11;
	[sflag:s20] =	ssyncadd.s32 $0xFFFFC180  }
0x98: {  	[tilespmem:s24], [sflag:$0x1] =	stream.indirect.gather [hbm4b:s4+s23], $0x80, s19, s23, $0xb8;
	[tilespmem:$0x1E800] =	vst v63  }
0x99: {  	_ =	swait.ge [sflag:s29], $0x3E80  }
0x9a: {  	[sflag:s29] =	ssyncset.done $0x0  }
.Ltmp6:
0x9b: {  	s19 =	sadd.s32 $0x1480, s11;
	[sflag:s29] =	ssyncadd.s32 $0xFFFFC180;
	(pc) =	sbr.rel @p6 .LBB2_11-.Ltmp6, $4  }
0x9c: {  	[spmem:s2] =	stream.indirect.scatter.add.f32 [tilespmem:s26], [sflag:$0x5], $0x80, s19, s23, $0xb8;
	[tilespmem:$0x1E800] =	vst v63  }
0x9d: {  	_ =	swait.ge [sflag:s20], $0x3E80  }
0x9e: {  	[sflag:s20] =	ssyncset.done $0x0  }
0x9f: {  	s11 =	sadd.s32 $0x180, s11;
	[sflag:s20] =	ssyncadd.s32 $0xFFFFC180  }
0xa0: {  	[tilespmem:s26], [sflag:$0x2] =	stream.indirect.gather [hbm4b:s4+s23], $0x80, s11, s23, $0xb8;
	[tilespmem:$0x1E800] =	vst v63  }
0xa1: {  	_ =	swait.ge [sflag:s28], $0x3E80  }
0xa2: {  	[sflag:s28] =	ssyncset.done $0x0  }
0xa3: {  	[sflag:s28] =	ssyncadd.s32 $0xFFFFC180  }
0xa4: {  	[spmem:s2] =	stream.indirect.scatter.add.f32 [tilespmem:s24], [sflag:$0x5], $0x80, s30, s23, $0xb8;
	[tilespmem:$0x1E800] =	vst v63  }
0xa5: {  	_ =	swait.ge [sflag:s20], $0x3E80  }
0xa6: {  	[sflag:s20] =	ssyncset.done $0x0  }
0xa7: {  	[sflag:s20] =	ssyncadd.s32 $0xFFFFC180  }
0xa8: {  	_ =	swait.ge [sflag:s29], $0x3E80  }
0xa9: {  	[sflag:s29] =	ssyncset.done $0x0  }
0xaa: {  	[sflag:s29] =	ssyncadd.s32 $0xFFFFC180  }
0xab: {  	[spmem:s2] =	stream.indirect.scatter.add.f32 [tilespmem:s26], [sflag:$0x5], $0x80, s31, s23, $0xb8;
	[tilespmem:$0x1E800] =	vst v63  }
0xac: {  	_ =	swait.ge [sflag:s20], $0x3E80  }
0xad: {  	[sflag:s20] =	ssyncset.done $0x0  }
0xae: {  	s9 =	sshll.u32 @!p0 s1, $0x6;
	[sflag:s20] =	ssyncadd.s32 $0xFFFFC180  }
0xaf: {  	s11 =	sshrl.u32 @!p0 s10, $0x3;
	s9 =	sor.u32 @!p0 $0x1C05, s9;
	[bflag:$0x0] =	sbarrier.arrive $0xFFFF  }
0xb0: {  	[hbm:s14], [sflag:s9] =	dma.local @!p0 [spmem:s11], $0x2800  }
0xb1: {  	s9 =	simm.s32 @!p0 $0x5  }
0xb2: {  	s0 =	sadd.s32 $0x1, s0;
	_ =	swait.ge @!p0 [sflag:s9], $0x2800  }
0xb3: {  	p6 =	sne.s32 s0, s16;
	s11 =	sshll.u32 @p5 s1, $0x6;
	[sflag:s9] =	ssyncset.done @!p0 $0x0  }
0xb4: {  	[sflag:s9] =	ssyncadd.s32 @!p0 $0xFFFFD800;
	s9 =	sor.u32 @p5 $0x1C05, s11;
	s11 =	sshrl.u32 @p5 s8, $0x3  }
0xb5: {  	[hbm:s15], [sflag:s9] =	dma.local @p5 [spmem:s11], $0x1900  }
.Ltmp7:
0xb6: {  	_ = 	snop;
	(pc) =	sbr.rel @p6 .LBB2_1-.Ltmp7, $4  }
0xb7: {  	s9 =	simm.s32 @p5 $0x5  }
0xb8: {  	_ =	swait.ge @p5 [sflag:s9], $0x1900  }
0xb9: {  	[sflag:s9] =	ssyncset.done @p5 $0x0  }
0xba: {  	[sflag:s9] =	ssyncadd.s32 @p5 $0xFFFFE700  }
0xbb: {  	_ =	sfence.sel $0x180000  }
0xbc: {  	[bflag:$0x0] =	sbarrier.arrive $0xFFFF  }
0xbd: {  	_ =	strace $0x9000004A  }
0xbe: {  	[bflag:$0x2] =	sbarrier.arrive $0xFFFF  }
0xbf: {  	p0 =	sne.s32 s1, $0x0;
	s0 =	rddreg [dreg:$0x2]  }
0xc0: {  	s0 =	sadd.s32 @!p0 $0x100000, s0  }
0xc1: {  	[sflag:s0] =	ssyncadd.tile.s32 @!p0 $0x1;
	_ =	shalt  }
.Lfunc_end2:
_tile_overlayer_lowered:
.L_overlay_start_2:
0xc2: {  	(tag) =	ssettag $0x2  }
0xc3: {  	s0 =	rddreg [dreg:$0x0];
	s2 =	stileid.u32  }
0xc4: {  	s1 =	rddreg [dreg:$0x1];
	p0 =	sne.s32 s2, $0x0  }
0xc5: {  	s3 =	rddreg [dreg:$0x2];
	[bflag:$0x3] =	sbarrier.arrive $0xFFFF;
	s2 =	simm.s32 @!p0 $0x1C05  }
0xc6: {  	[timem:s3], [sflag:s2] =	dma.local @!p0 [hbm:s0], s1  }
0xc7: {  	s0 =	simm.s32 @!p0 $0x5  }
0xc8: {  	_ =	swait.ge @!p0 [sflag:s0], s1  }
0xc9: {  	s1 =	ssub.s32 @!p0 $0x0, s1;
	[sflag:s0] =	ssyncset.done @!p0 $0x0  }
0xca: {  	[sflag:s0] =	ssyncadd.s32 @!p0 s1  }
0xcb: {  	[bflag:$0x3] =	sbarrier.arrive $0xFFFF  }
0xcc: {  	_ =	shalt  }

// kernel: kernel.18.cloned.1.call-start
scs
__scs_entry_jumppad:
0x0: {  	(pc) =	sbr.rel $0x88, $3  }
0x1: {  	(tag) =	ssettag $0x0;
	lr =	simm.s32 $0x1  }
0x2: {  	[smem:$0x3F92] =	sst lr;
	_ =	strace $0xD0000000  }
0x3: {  	_ = 	snop  }
0x4: {  	_ = 	snop  }
0x5: {  	_ = 	snop  }
0x6: {  	_ = 	snop  }
0x7: {  	_ = 	snop  }
__scs_overlays_trampoline_lowered:
0x8: {  	[smem:$0x3FA1] =	sst s0  }
0x9: {  	[smem:$0x3FA2] =	sst s1  }
0xa: {  	[smem:$0x3FA3] =	sst s2  }
0xb: {  	[smem:$0x3FA4] =	sst s3  }
0xc: {  	[smem:$0x3FA5] =	sst s4  }
0xd: {  	[smem:$0x3FA6] =	sst s5  }
0xe: {  	[smem:$0x3FA7] =	sst s6  }
0xf: {  	[smem:$0x3FA8] =	sst s7  }
0x10: {  	[smem:$0x3FA9] =	sst s8  }
0x11: {  	[smem:$0x3FAA] =	sst s9;
	s0 =	simm.s32 @!p0 $0x0  }
0x12: {  	s1 =	sld [smem:$0x3F90];
	s0 =	simm.s32 @p0 $0x1  }
0x13: {  	[smem:$0x3FAB] =	sst s0;
	s0 =	simm.s32 @!p1 $0x0  }
0x14: {  	s2 =	sld [smem:$0x3F8F];
	s0 =	simm.s32 @p1 $0x1  }
0x15: {  	[smem:$0x3FAC] =	sst s0;
	s0 =	simm.s32 @!p2 $0x0  }
0x16: {  	s3 =	sld [smem:$0x3FDB];
	s0 =	simm.s32 @p2 $0x1  }
0x17: {  	s4 =	simm.s32 $0x1BF5;
	[smem:$0x3FAE] =	sst s0  }
0x18: {  	s0 =	sld [smem:$0x3F91];
	_ =	swait.ge [sflag:s4], $0x0  }
0x19: {  	s7 =	sld [smem:$0x3F92]  }
0x1a: {  	s8 =	sadd.s32 $0xFFFFE003, lr  }
0x1b: {  	s9 =	sadd.s32 $0xFFFFFEF7, lr;
	s5 =	simm.s32 $0xFFFFFFFF;
	p2 =	slt.u32 s8, $0xFFFFF086  }
0x1c: {  	p1 =	slt.u32 s9, $0xF7A;
	s5 =	simm.s32 @!p2 $0x0  }
0x1d: {  	s5 =	simm.s32 @p1 $0x1;
	p0 =	seq.s32 s7, s2  }
0x1e: {  	s7 =	smul.u32 @!p0 $0xF7A, s2;
	p2 =	seq.s32 @!p0 s5, $0x0  }
0x1f: {  	s9 =	smul.u32 $0xF7A, s1;
	s8 =	simm.s32 @!p0 $0x1BF5;
	p2 =	por !p2, p0  }
0x20: {  	[sflag:s8] =	ssyncset.s32 @!p0 $0xFFFFF086;
	s6 =	sadd.s32 @!p0 s3, s7;
	s7 =	simm.s32 @!p0 $0x108  }
0x21: {  	s3 =	sadd.s32 s3, s9;
	s6 =	sadd.s32 @!p0 $0x88, s6;
	s7 =	simm.s32 @p2 $0x1082  }
0x22: {  	[simem:s7], [sflag:s8] =	dma.local @!p0 [hbm:s6], $0xF7A  }
0x23: {  	s9 =	sor.u32 $0xD0000000, s2;
	s6 =	simm.s32 $0x108;
	_ =	swait.ge @!p0 [sflag:s8], $0x0  }
0x24: {  	s3 =	sadd.s32 $0x88, s3;
	s6 =	simm.s32 @!p1 $0x1082;
	[sflag:s4] =	ssyncset.s32 $0xFFFFF086  }
0x25: {  	[simem:s6], [sflag:s4] =	dma.local [hbm:s3], $0xF7A  }
0x26: {  	[smem:$0x3F92] =	sst s1;
	(tag) =	ssettag s2;
	_ =	strace s9  }
0x27: {  	s1 =	sld [smem:$0x3FA2]  }
0x28: {  	s2 =	sld [smem:$0x3FA3]  }
0x29: {  	s4 =	sld [smem:$0x3FA5]  }
0x2a: {  	p0 =	seq.s32 s5, $0x0;
	s5 =	sld [smem:$0x3FA6]  }
0x2b: {  	s6 =	sld [smem:$0x3FA7]  }
0x2c: {  	s7 =	sld [smem:$0x3FA8]  }
0x2d: {  	s3 =	simm.s32 $0x108;
	s8 =	sld [smem:$0x3FA9]  }
0x2e: {  	s3 =	simm.s32 @!p0 $0x1082;
	s9 =	sld [smem:$0x3FAA]  }
0x2f: {  	lr =	sadd.s32 s0, s3;
	s0 =	sld [smem:$0x3FA1]  }
0x30: {  	s3 =	sld [smem:$0x3FA4]  }
0x31: {  	[smem:$0x3FAD] =	sst s10  }
0x32: {  	s10 =	sld [smem:$0x3FAB];
	_ =	sdelay $0x3  }
0x33: {  	p0 =	seq.s32 s10, $0x1;
	s10 =	sld [smem:$0x3FAD];
	_ =	sdelay $0x3  }
0x34: {  	[smem:$0x3FAD] =	sst s10  }
0x35: {  	s10 =	sld [smem:$0x3FAC];
	_ =	sdelay $0x3  }
0x36: {  	p1 =	seq.s32 s10, $0x1;
	s10 =	sld [smem:$0x3FAD];
	_ =	sdelay $0x3  }
0x37: {  	[smem:$0x3FAD] =	sst s10  }
0x38: {  	s10 =	sld [smem:$0x3FAE]  }
0x39: {  	_ = 	snop;
	(pc) =	sbr.ind lr, $3  }
0x3a: {  	_ = 	snop  }
0x3b: {  	_ = 	snop  }
0x3c: {  	p2 =	seq.s32 s10, $0x1;
	s10 =	sld [smem:$0x3FAD]  }
0x3d: {  	_ =	shalt  }
0x3e: {  	_ =	shalt  }
0x3f: {  	_ =	shalt  }
0x40: {  	_ =	shalt  }
0x41: {  	_ =	shalt  }
0x42: {  	_ =	shalt  }
0x43: {  	_ =	shalt  }
0x44: {  	_ =	shalt  }
0x45: {  	_ =	shalt  }
0x46: {  	_ =	shalt  }
0x47: {  	_ =	shalt  }
0x48: {  	_ =	shalt  }
0x49: {  	_ =	shalt  }
0x4a: {  	_ =	shalt  }
0x4b: {  	_ =	shalt  }
0x4c: {  	_ =	shalt  }
0x4d: {  	_ =	shalt  }
0x4e: {  	_ =	shalt  }
0x4f: {  	_ =	shalt  }
0x50: {  	_ =	shalt  }
0x51: {  	_ =	shalt  }
0x52: {  	_ =	shalt  }
0x53: {  	_ =	shalt  }
0x54: {  	_ =	shalt  }
0x55: {  	_ =	shalt  }
0x56: {  	_ =	shalt  }
0x57: {  	_ =	shalt  }
0x58: {  	_ =	shalt  }
0x59: {  	_ =	shalt  }
0x5a: {  	_ =	shalt  }
0x5b: {  	_ =	shalt  }
0x5c: {  	_ =	shalt  }
0x5d: {  	_ =	shalt  }
0x5e: {  	_ =	shalt  }
0x5f: {  	_ =	shalt  }
0x60: {  	_ =	shalt  }
0x61: {  	_ =	shalt  }
0x62: {  	_ =	shalt  }
0x63: {  	_ =	shalt  }
0x64: {  	_ =	shalt  }
0x65: {  	_ =	shalt  }
0x66: {  	_ =	shalt  }
0x67: {  	_ =	shalt  }
0x68: {  	_ =	shalt  }
0x69: {  	_ =	shalt  }
0x6a: {  	_ =	shalt  }
0x6b: {  	_ =	shalt  }
0x6c: {  	_ =	shalt  }
0x6d: {  	_ =	shalt  }
0x6e: {  	_ =	shalt  }
0x6f: {  	_ =	shalt  }
0x70: {  	_ =	shalt  }
0x71: {  	_ =	shalt  }
0x72: {  	_ =	shalt  }
0x73: {  	_ =	shalt  }
0x74: {  	_ =	shalt  }
0x75: {  	_ =	shalt  }
0x76: {  	_ =	shalt  }
0x77: {  	_ =	shalt  }
0x78: {  	_ =	shalt  }
0x79: {  	_ =	shalt  }
0x7a: {  	_ =	shalt  }
0x7b: {  	_ =	shalt  }
0x7c: {  	_ =	shalt  }
0x7d: {  	_ =	shalt  }
0x7e: {  	_ =	shalt  }
0x7f: {  	_ =	shalt  }
0x80: {  	_ =	shalt  }
0x81: {  	_ =	shalt  }
0x82: {  	_ =	shalt  }
0x83: {  	_ =	shalt  }
0x84: {  	_ =	shalt  }
0x85: {  	_ =	shalt  }
0x86: {  	_ =	shalt  }
0x87: {  	_ =	shalt  }
.Lfunc_end0:
.L_simem_size_0:
called_computation.2_lowered:
.L_overlay_start_0:
0x88: {  	s2 =	sld [smem:$0x3FD9]  }
0x89: {  	s3 =	sld [smem:$0x3FFE];
	_ =	sdelay $0x1  }
0x8a: {  	s1 =	srdreg.scid  }
0x8b: {  	s0 =	sand.u32 $0x1, s1  }
0x8c: {  	s16 =	sshll.u32 s0, $0xA;
	s2 =	sadd.s32 s3, s2  }
0x8d: {  	s2 =	sadd.s32 s2, s16  }
0x8e: {  	[smem:$0x3FB9] =	sst s2  }
0x8f: {  	_ = 	snop  }
0x90: {  	(tm) =	ssettm $0x1  }
0x91: {  	s17 =	sld [smem:$0x3FFB];
	_ =	sdelay $0x3  }
0x92: {  	_ =	strace s17  }
0x93: {  	s2 =	sld [smem:$0x3FFC];
	_ =	sdelay $0x3  }
0x94: {  	_ =	strace s2  }
0x95: {  	s2 =	sld [smem:$0x3FFD];
	_ =	sdelay $0x3  }
0x96: {  	_ =	strace s2  }
0x97: {  	_ =	strace $0x8FFFFFFF  }
0x98: {  	s18 =	sld [smem:$0x3FDB];
	_ =	sdelay $0x1  }
0x99: {  	s19 =	simm.s32 $_scs_section_size  }
0x9a: {  	s4 =	simm.s32 $_size__tile_overlayer_lowered;
	s5 =	simm.s32 $_tile_overlayer_lowered  }
0x9b: {  	s22 =	simm.s32 $0x1BFF;
	s21 =	sshll.u32 s5, $0x1;
	s2 =	sadd.s32 s19, s18  }
0x9c: {  	s6 =	simm.s32 $0x0;
	s20 =	sshll.u32 s4, $0x1;
	s4 =	sadd.s32 s21, s2  }
0x9d: {  	[timem:s6], [sflag:s22] =	dma.local [hbm:s4], s20  }
0x9e: {  	_ =	swait.ge [sflag:s22], s20  }
0x9f: {  	s3 =	ssub.s32 $0x0, s20;
	[sflag:s22] =	ssyncset.done $0x0  }
0xa0: {  	[sflag:s22] =	ssyncadd.s32 s3;
	_ =	sdelay $0x1  }
0xa1: {  	s23 =	simm.s32 $0x1B8B  }
0xa2: {  	_ =	swait.ge [sflag:s23], $0x1  }
0xa3: {  	[sflag:s23] =	ssyncset.done $0x0  }
0xa4: {  	s25 =	simm.s32 $0x1B8E;
	s24 =	sld [smem:$0x3FFE];
	[sflag:s23] =	ssyncadd.s32 $0xFFFFFFFF  }
0xa5: {  	s26 =	simm.s32 $execute0_lowered;
	[smem:$0x3FD2] =	sst s25  }
0xa6: {  	s4 =	sshll.u32 s26, $0x1;
	_ =	strace $0x8000004C;
	[dreg:$0x1] =	wrdreg $0xFFFFFFFF  }
0xa7: {  	s28 =	simm.s32 $_size_execute0_lowered;
	s2 =	sadd.s32 s2, s4;
	[dreg:$0x0] =	wrdreg $0x0  }
0xa8: {  	s4 =	sshll.u32 s28, $0x1;
	[dreg:$0x2] =	wrdreg s2  }
0xa9: {  	[dreg:$0x3] =	wrdreg s4  }
0xaa: {  	[dreg:$0x4] =	wrdreg $0xC0  }
0xab: {  	_ =	task [dreg:s6], $0x5FFFF  }
0xac: {  	[dreg:$0x1] =	wrdreg $0xFFFFFFFF  }
0xad: {  	[dreg:$0x0] =	wrdreg $0x60  }
0xae: {  	[dreg:$0x2] =	wrdreg s24  }
0xaf: {  	[dreg:$0x3] =	wrdreg $0xA8000  }
0xb0: {  	[dreg:$0x4] =	wrdreg $0x9  }
0xb1: {  	_ =	task.clear_ibuf [dreg:s6], $0x5FFFF;
	_ =	strace $0x9000004C  }
0xb2: {  	s29 =	simm.s32 $0x9;
	_ =	strace $0x8000004E  }
0xb3: {  	_ =	swait.ge [sflag:s29], $0x1  }
0xb4: {  	[sflag:s29] =	ssyncadd.s32 $0xFFFFFFFF  }
0xb5: {  	_ =	strace $0x9000004E  }
0xb6: {  	_ =	sfence  }
0xb7: {  	s30 =	sld [smem:$0x0];
	_ =	sdelay $0x2  }
0xb8: {  	s31 =	sshll.u32 s1, $0xD;
	s1 =	sshrl.u32 s1, $0x2  }
0xb9: {  	s3 =	sand.u32 $0x4000, s31;
	s1 =	sadd.s32 s1, s30  }
0xba: {  	s0 =	sor.u32 s3, s0;
	s1 =	sshll.u32 s1, $0x11  }
0xbb: {  	s0 =	sor.u32 s1, s0  }
0xbc: {  	s0 =	sadd.s32 $0x8F2B, s0  }
0xbd: {  	[sflag:s0] =	ssyncadd.remote.s32 $0x1  }
0xbe: {  	_ =	sfence.sel $0xFFFF  }
0xbf: {  	[dreg:$0x0] =	wrdreg $0xFFFFFFFF;
	(pc) =	sbr.abs _section_cstart, $3  }
0xc0: {  	[dreg:$0x1] =	wrdreg $0xFFFFFFFF  }
0xc1: {  	_ =	task.clear_ibuf [dreg:s6], $0x2FFFF;
	_ =	strace $0x9FFFFFFF  }
0xc2: {  	(tm) =	ssettm $0x7FFFFFFF  }
0xc3: {  	_ =	shalt  }
tec
execute0_lowered:
.L_overlay_start_1:
0x0: {  	(tag) =	ssettag $0x1  }
0x1: {  	s0 =	rddreg [dreg:$0x0]  }
0x2: {  	s2 =	rddreg [dreg:$0x1];
	s3 =	simm.s32 $0x0;
	s4 =	srdreg.scid  }
0x3: {  	s1 =	stileid.u32;
	s28 =	simm.s32 $0x1;
	s29 =	simm.s32 $0x2  }
0x4: {  	s30 =	simm.s32 $0x2700;
	s31 =	simm.s32 $0x2780;
	[smem:$0x7FF] =	sst s3  }
0x5: {  	s9 =	sand.u32 $0x1, s4;
	s5 =	sshll.u32 s1, $0x1;
	s4 =	sadd.s32 $0x2C000, s0  }
0x6: {  	s11 =	sadd.s32 $0x22000, s0;
	s13 =	sadd.s32 $0x18000, s0;
	s10 =	smul.u32 $0x50000, s1  }
0x7: {  	s14 =	sadd.s32 $0x53200, s0;
	p4 =	sne.s32 s1, $0xF;
	s15 =	smul.u32 $0x2800, s1  }
0x8: {  	p0 =	seq.s32 s1, $0xF;
	s17 =	smul.u32 $0x14000, s1;
	s25 =	sshll.u32 s1, $0x6  }
0x9: {  	_ =	strace $0x8000004D;
	s5 =	sor.u32 s9, s5;
	s6 =	ssub.s32 $0x2, s9  }
0xa: {  	p2 =	seq.s32 s9, $0x0;
	p3 =	seq.s32 s9, $0x1;
	s19 =	smul.u32 $0x140000, s9  }
0xb: {  	s18 =	sor.u32 $0x1C05, s25;
	s25 =	simm.s32 $0x80;
	s7 =	smul.u32 $0x2800, s5  }
0xc: {  	s5 =	sadd.s32 $0x4200, s0;
	s8 =	sshrl.u32 s6, $0x1;
	p1 =	por !p2, !p4  }
0xd: {  	p2 =	por !p2, !p0;
	s0 =	sadd.s32 $0x51800, s0;
	s20 =	sshrl.u32 s10, $0x2  }
0xe: {  	p4 =	por !p4, !p3;
	s21 =	sadd.s32 s4, s15;
	s16 =	ssub.s32 s6, s8  }
0xf: {  	p1 =	por !p1, !p1;
	p2 =	por !p2, !p2;
	[dreg:$0x3] =	wrdreg s0  }
0x10: {  	s8 =	sadd.s32 $0x12C000, s2;
	s10 =	sadd.s32 s20, s2;
	[dreg:$0x4] =	wrdreg s21  }
0x11: {  	p4 =	por !p4, !p4;
	s23 =	sadd.s32 s17, s19;
	s0 =	sshrl.u32 s19, $0x3  }
0x12: {  	s17 =	simm.s32 $0x1400;
	s20 =	simm.s32 $0x5;
	s21 =	simm.s32 $0x3  }
0x13: {  	s12 =	sshrl.u32 s7, $0x3;
	s24 =	sshrl.u32 s23, $0x3;
	s0 =	sadd.s32 s14, s0  }
0x14: {  	s16 =	smax.u32 s16, $0x1;
	s26 =	sshrl.u32 s10, $0x3;
	s23 =	simm.s32 $0x7D  }
0x15: {  	s6 =	sadd.s32 s11, s12;
	s7 =	sadd.s32 s13, s12;
	s22 =	sadd.s32 $0x280, s12  }
0x16: {  	s14 =	sadd.s32 s14, s24;
	s15 =	sadd.s32 $0x25800, s0;
	[dreg:$0x5] =	wrdreg s26  }
0x17: {  	s24 =	simm.s32 $0x2800;
	s26 =	simm.s32 $0x6800;
	s0 =	simm.s32 $0x0  }
0x18: {  	s12 =	sadd.s32 s11, s22;
	s13 =	sadd.s32 s13, s22;
	s22 =	simm.s32 $0x4  }
.LBB2_1:
.Ltmp0:
0x19: {  	(pc) =	sbr.rel @!p1 .LBB2_5-.Ltmp0, $4  }
0x1a: {  	_ = 	snop  }
0x1b: {  	[tilespmem:s3], [sflag:$0x3] =	stream.linear.gather [hbm4b:s6+s3], $0x1400, $0x38;
	[tilespmem:$0x1E800] =	vst v63  }
0x1c: {  	_ = 	snop  }
0x1d: {  	[tilespmem:s17], [sflag:$0x4] =	stream.linear.gather [hbm4b:s7+s3], $0x1400, $0x38;
	[tilespmem:$0x1E800] =	vst v63  }
0x1e: {  	s9 =	rddreg [dreg:$0x4]  }
.Ltmp1:
0x1f: {  	s11 =	rddreg [dreg:$0x5];
	(pc) =	sbr.rel .LBB2_3-.Ltmp1, $4  }
0x20: {  	[spmem:s11], [sflag:s18] =	dma.local [hbm:s9], $0x2800  }
0x21: {  	_ =	swait.ge [sflag:s20], $0x2800  }
0x22: {  	[sflag:s20] =	ssyncset.done $0x0  }
0x23: {  	p5 =	por $0x0, $0x0;
	[sflag:s20] =	ssyncadd.s32 $0xFFFFD800  }
.LBB2_5:
.Ltmp2:
0x24: {  	(pc) =	sbr.rel @!p2 .LBB2_3-.Ltmp2, $2  }
0x25: {  	_ =	sdelay $0x2  }
0x26: {  	p5 =	por p0, p0  }
.Ltmp3:
0x27: {  	(pc) =	sbr.rel .LBB2_7-.Ltmp3, $4  }
0x28: {  	_ = 	snop  }
0x29: {  	s9 =	sshrl.u32 s8, $0x3  }
0x2a: {  	s11 =	rddreg [dreg:$0x3];
	s19 =	simm.s32 $0x1FC5;
	p5 =	por $0x1, $0x1  }
0x2b: {  	[spmem:s9], [sflag:s19] =	dma.local [hbm:s11], $0x1900  }
.LBB2_3:
0x2c: {  	s9 =	sshll.u32 @p4 s1, $0x6;
	p6 =	por @p4 $0x1, $0x1  }
0x2d: {  	s11 =	sshrl.u32 @p4 s10, $0x3;
	s9 =	sor.u32 @p4 $0x1C05, s9;
	p6 =	por @!p4 p3, p3  }
0x2e: {  	[spmem:s11], [sflag:s9] =	dma.local @p4 [hbm:s5], $0x2800  }
0x2f: {  	p6 =	por !p6, !p5  }
0x30: {  	p6 =	por !p6, !p6  }
.Ltmp4:
0x31: {  	_ = 	snop;
	(pc) =	sbr.rel @!p6 .LBB2_8-.Ltmp4, $4  }
0x32: {  	s9 =	simm.s32 @p4 $0x5  }
0x33: {  	_ =	swait.ge @p4 [sflag:s9], $0x2800  }
0x34: {  	[sflag:s9] =	ssyncset.done @p4 $0x0  }
0x35: {  	[sflag:s9] =	ssyncadd.s32 @p4 $0xFFFFD800  }
0x36: {  	s9 =	sshrl.u32 s8, $0x3  }
0x37: {  	[spmem:s9], [sflag:s18] =	dma.local [hbm:s5], $0x1900  }
.LBB2_7:
0x38: {  	_ =	swait.ge [sflag:s20], $0x1900  }
0x39: {  	[sflag:s20] =	ssyncset.done $0x0  }
0x3a: {  	[sflag:s20] =	ssyncadd.s32 $0xFFFFE700  }
.LBB2_8:
0x3b: {  	_ =	swait.ge [sflag:s21], $0x1400  }
0x3c: {  	[sflag:s21] =	ssyncset.done $0x0  }
0x3d: {  	[sflag:s21] =	ssyncadd.s32 $0xFFFFEC00  }
0x3e: {  	_ =	swait.ge [sflag:s22], $0x1400  }
0x3f: {  	[sflag:s22] =	ssyncset.done $0x0  }
0x40: {  	s9 =	simm.s32 $0x0;
	[sflag:s22] =	ssyncadd.s32 $0xFFFFEC00  }
0x41: {  	[tilespmem:s24], [sflag:$0x1] =	stream.indirect.gather [hbm4b:s4+s23], $0x80, s9, s23, $0xb8;
	[tilespmem:$0x1E800] =	vst v63  }
0x42: {  	_ = 	snop  }
0x43: {  	[tilespmem:s26], [sflag:$0x2] =	stream.indirect.gather [hbm4b:s4+s23], $0x80, s25, s23, $0xb8;
	[tilespmem:$0x1E800] =	vst v63  }
0x44: {  	[bflag:$0x0] =	sbarrier.arrive $0xFFFF  }
0x45: {  	_ =	swait.ge [sflag:s28], $0x3E80  }
0x46: {  	[sflag:s28] =	ssyncset.done $0x0  }
0x47: {  	s19 =	simm.s32 $0x1400;
	[sflag:s28] =	ssyncadd.s32 $0xFFFFC180  }
0x48: {  	[spmem:s2] =	stream.indirect.scatter.add.f32 [tilespmem:s24], [sflag:$0x5], $0x80, s19, s23, $0xb8;
	[tilespmem:$0x1E800] =	vst v63  }
0x49: {  	_ =	swait.ge [sflag:s20], $0x3E80  }
0x4a: {  	[sflag:s20] =	ssyncset.done $0x0  }
0x4b: {  	s11 =	simm.s32 $0x100;
	[sflag:s20] =	ssyncadd.s32 $0xFFFFC180  }
0x4c: {  	[tilespmem:s24], [sflag:$0x1] =	stream.indirect.gather [hbm4b:s4+s23], $0x80, s11, s23, $0xb8;
	[tilespmem:$0x1E800] =	vst v63  }
0x4d: {  	_ =	swait.ge [sflag:s29], $0x3E80  }
0x4e: {  	[sflag:s29] =	ssyncset.done $0x0  }
0x4f: {  	s19 =	simm.s32 $0x1480;
	[sflag:s29] =	ssyncadd.s32 $0xFFFFC180  }
0x50: {  	[spmem:s2] =	stream.indirect.scatter.add.f32 [tilespmem:s26], [sflag:$0x5], $0x80, s19, s23, $0xb8;
	[tilespmem:$0x1E800] =	vst v63  }
0x51: {  	_ =	swait.ge [sflag:s20], $0x3E80  }
0x52: {  	[sflag:s20] =	ssyncset.done $0x0  }
0x53: {  	s9 =	simm.s32 $0x400;
	s11 =	simm.s32 $0x180;
	[sflag:s20] =	ssyncadd.s32 $0xFFFFC180  }
.LBB2_9:
0x54: {  	[tilespmem:s26], [sflag:$0x2] =	stream.indirect.gather [hbm4b:s4+s23], $0x80, s11, s23, $0xb8;
	[tilespmem:$0x1E800] =	vst v63  }
0x55: {  	s11 =	smov.u32 s9  }
0x56: {  	p6 =	sne.s32 s9, $0x4800;
	s9 =	sadd.s32 $0x400, s9;
	_ =	swait.ge [sflag:s28], $0x3E80  }
0x57: {  	s11 =	sshra.s32 s11, $0x2;
	[sflag:s28] =	ssyncset.done $0x0  }
0x58: {  	s19 =	sadd.s32 $0x1400, s11;
	[sflag:s28] =	ssyncadd.s32 $0xFFFFC180  }
0x59: {  	[spmem:s2] =	stream.indirect.scatter.add.f32 [tilespmem:s24], [sflag:$0x5], $0x80, s19, s23, $0xb8;
	[tilespmem:$0x1E800] =	vst v63  }
0x5a: {  	_ =	swait.ge [sflag:s20], $0x3E80  }
0x5b: {  	[sflag:s20] =	ssyncset.done $0x0  }
0x5c: {  	s19 =	sadd.s32 $0x100, s11;
	[sflag:s20] =	ssyncadd.s32 $0xFFFFC180  }
0x5d: {  	[tilespmem:s24], [sflag:$0x1] =	stream.indirect.gather [hbm4b:s4+s23], $0x80, s19, s23, $0xb8;
	[tilespmem:$0x1E800] =	vst v63  }
0x5e: {  	_ =	swait.ge [sflag:s29], $0x3E80  }
0x5f: {  	[sflag:s29] =	ssyncset.done $0x0  }
.Ltmp5:
0x60: {  	s19 =	sadd.s32 $0x1480, s11;
	[sflag:s29] =	ssyncadd.s32 $0xFFFFC180;
	(pc) =	sbr.rel @p6 .LBB2_9-.Ltmp5, $4  }
0x61: {  	[spmem:s2] =	stream.indirect.scatter.add.f32 [tilespmem:s26], [sflag:$0x5], $0x80, s19, s23, $0xb8;
	[tilespmem:$0x1E800] =	vst v63  }
0x62: {  	_ =	swait.ge [sflag:s20], $0x3E80  }
0x63: {  	[sflag:s20] =	ssyncset.done $0x0  }
0x64: {  	s11 =	sadd.s32 $0x180, s11;
	[sflag:s20] =	ssyncadd.s32 $0xFFFFC180  }
0x65: {  	[tilespmem:s26], [sflag:$0x2] =	stream.indirect.gather [hbm4b:s4+s23], $0x80, s11, s23, $0xb8;
	[tilespmem:$0x1E800] =	vst v63  }
0x66: {  	_ =	swait.ge [sflag:s28], $0x3E80  }
0x67: {  	[sflag:s28] =	ssyncset.done $0x0  }
0x68: {  	[sflag:s28] =	ssyncadd.s32 $0xFFFFC180  }
0x69: {  	[spmem:s2] =	stream.indirect.scatter.add.f32 [tilespmem:s24], [sflag:$0x5], $0x80, s30, s23, $0xb8;
	[tilespmem:$0x1E800] =	vst v63  }
0x6a: {  	_ =	swait.ge [sflag:s20], $0x3E80  }
0x6b: {  	[sflag:s20] =	ssyncset.done $0x0  }
0x6c: {  	[sflag:s20] =	ssyncadd.s32 $0xFFFFC180  }
0x6d: {  	_ =	swait.ge [sflag:s29], $0x3E80  }
0x6e: {  	[sflag:s29] =	ssyncset.done $0x0  }
0x6f: {  	[sflag:s29] =	ssyncadd.s32 $0xFFFFC180  }
0x70: {  	[spmem:s2] =	stream.indirect.scatter.add.f32 [tilespmem:s26], [sflag:$0x5], $0x80, s31, s23, $0xb8;
	[tilespmem:$0x1E800] =	vst v63  }
0x71: {  	_ =	swait.ge [sflag:s20], $0x3E80  }
0x72: {  	[sflag:s20] =	ssyncset.done $0x0  }
0x73: {  	s9 =	simm.s32 $0x0;
	[sflag:s20] =	ssyncadd.s32 $0xFFFFC180  }
0x74: {  	[tilespmem:s9], [sflag:$0x3] =	stream.linear.gather [hbm4b:s12+s9], $0x1400, $0x38;
	[tilespmem:$0x1E800] =	vst v63  }
0x75: {  	_ = 	snop  }
0x76: {  	[tilespmem:s17], [sflag:$0x4] =	stream.linear.gather [hbm4b:s13+s9], $0x1400, $0x38;
	[tilespmem:$0x1E800] =	vst v63  }
0x77: {  	_ =	swait.ge [sflag:s21], $0x1400  }
0x78: {  	[sflag:s21] =	ssyncset.done $0x0  }
0x79: {  	[sflag:s21] =	ssyncadd.s32 $0xFFFFEC00  }
0x7a: {  	_ =	swait.ge [sflag:s22], $0x1400  }
0x7b: {  	[sflag:s22] =	ssyncset.done $0x0  }
0x7c: {  	[sflag:s22] =	ssyncadd.s32 $0xFFFFEC00  }
0x7d: {  	[tilespmem:s24], [sflag:$0x1] =	stream.indirect.gather [hbm4b:s4+s23], $0x80, s9, s23, $0xb8;
	[tilespmem:$0x1E800] =	vst v63  }
0x7e: {  	_ = 	snop  }
0x7f: {  	[tilespmem:s26], [sflag:$0x2] =	stream.indirect.gather [hbm4b:s4+s23], $0x80, s25, s23, $0xb8;
	[tilespmem:$0x1E800] =	vst v63  }
0x80: {  	_ =	swait.ge [sflag:s28], $0x3E80  }
0x81: {  	[sflag:s28] =	ssyncset.done $0x0  }
0x82: {  	s19 =	simm.s32 $0x1400;
	[sflag:s28] =	ssyncadd.s32 $0xFFFFC180  }
0x83: {  	[spmem:s2] =	stream.indirect.scatter.add.f32 [tilespmem:s24], [sflag:$0x5], $0x80, s19, s23, $0xb8;
	[tilespmem:$0x1E800] =	vst v63  }
0x84: {  	_ =	swait.ge [sflag:s20], $0x3E80  }
0x85: {  	[sflag:s20] =	ssyncset.done $0x0  }
0x86: {  	s11 =	simm.s32 $0x100;
	[sflag:s20] =	ssyncadd.s32 $0xFFFFC180  }
0x87: {  	[tilespmem:s24], [sflag:$0x1] =	stream.indirect.gather [hbm4b:s4+s23], $0x80, s11, s23, $0xb8;
	[tilespmem:$0x1E800] =	vst v63  }
0x88: {  	_ =	swait.ge [sflag:s29], $0x3E80  }
0x89: {  	[sflag:s29] =	ssyncset.done $0x0  }
0x8a: {  	s19 =	simm.s32 $0x1480;
	[sflag:s29] =	ssyncadd.s32 $0xFFFFC180  }
0x8b: {  	[spmem:s2] =	stream.indirect.scatter.add.f32 [tilespmem:s26], [sflag:$0x5], $0x80, s19, s23, $0xb8;
	[tilespmem:$0x1E800] =	vst v63  }
0x8c: {  	_ =	swait.ge [sflag:s20], $0x3E80  }
0x8d: {  	[sflag:s20] =	ssyncset.done $0x0  }
0x8e: {  	s9 =	simm.s32 $0x400;
	s11 =	simm.s32 $0x180;
	[sflag:s20] =	ssyncadd.s32 $0xFFFFC180  }
.LBB2_11:
0x8f: {  	[tilespmem:s26], [sflag:$0x2] =	stream.indirect.gather [hbm4b:s4+s23], $0x80, s11, s23, $0xb8;
	[tilespmem:$0x1E800] =	vst v63  }
0x90: {  	s11 =	smov.u32 s9  }
0x91: {  	p6 =	sne.s32 s9, $0x4800;
	s9 =	sadd.s32 $0x400, s9;
	_ =	swait.ge [sflag:s28], $0x3E80  }
0x92: {  	s11 =	sshra.s32 s11, $0x2;
	[sflag:s28] =	ssyncset.done $0x0  }
0x93: {  	s19 =	sadd.s32 $0x1400, s11;
	[sflag:s28] =	ssyncadd.s32 $0xFFFFC180  }
0x94: {  	[spmem:s2] =	stream.indirect.scatter.add.f32 [tilespmem:s24], [sflag:$0x5], $0x80, s19, s23, $0xb8;
	[tilespmem:$0x1E800] =	vst v63  }
0x95: {  	_ =	swait.ge [sflag:s20], $0x3E80  }
0x96: {  	[sflag:s20] =	ssyncset.done $0x0  }
0x97: {  	s19 =	sadd.s32 $0x100, s11;
	[sflag:s20] =	ssyncadd.s32 $0xFFFFC180  }
0x98: {  	[tilespmem:s24], [sflag:$0x1] =	stream.indirect.gather [hbm4b:s4+s23], $0x80, s19, s23, $0xb8;
	[tilespmem:$0x1E800] =	vst v63  }
0x99: {  	_ =	swait.ge [sflag:s29], $0x3E80  }
0x9a: {  	[sflag:s29] =	ssyncset.done $0x0  }
.Ltmp6:
0x9b: {  	s19 =	sadd.s32 $0x1480, s11;
	[sflag:s29] =	ssyncadd.s32 $0xFFFFC180;
	(pc) =	sbr.rel @p6 .LBB2_11-.Ltmp6, $4  }
0x9c: {  	[spmem:s2] =	stream.indirect.scatter.add.f32 [tilespmem:s26], [sflag:$0x5], $0x80, s19, s23, $0xb8;
	[tilespmem:$0x1E800] =	vst v63  }
0x9d: {  	_ =	swait.ge [sflag:s20], $0x3E80  }
0x9e: {  	[sflag:s20] =	ssyncset.done $0x0  }
0x9f: {  	s11 =	sadd.s32 $0x180, s11;
	[sflag:s20] =	ssyncadd.s32 $0xFFFFC180  }
0xa0: {  	[tilespmem:s26], [sflag:$0x2] =	stream.indirect.gather [hbm4b:s4+s23], $0x80, s11, s23, $0xb8;
	[tilespmem:$0x1E800] =	vst v63  }
0xa1: {  	_ =	swait.ge [sflag:s28], $0x3E80  }
0xa2: {  	[sflag:s28] =	ssyncset.done $0x0  }
0xa3: {  	[sflag:s28] =	ssyncadd.s32 $0xFFFFC180  }
0xa4: {  	[spmem:s2] =	stream.indirect.scatter.add.f32 [tilespmem:s24], [sflag:$0x5], $0x80, s30, s23, $0xb8;
	[tilespmem:$0x1E800] =	vst v63  }
0xa5: {  	_ =	swait.ge [sflag:s20], $0x3E80  }
0xa6: {  	[sflag:s20] =	ssyncset.done $0x0  }
0xa7: {  	[sflag:s20] =	ssyncadd.s32 $0xFFFFC180  }
0xa8: {  	_ =	swait.ge [sflag:s29], $0x3E80  }
0xa9: {  	[sflag:s29] =	ssyncset.done $0x0  }
0xaa: {  	[sflag:s29] =	ssyncadd.s32 $0xFFFFC180  }
0xab: {  	[spmem:s2] =	stream.indirect.scatter.add.f32 [tilespmem:s26], [sflag:$0x5], $0x80, s31, s23, $0xb8;
	[tilespmem:$0x1E800] =	vst v63  }
0xac: {  	_ =	swait.ge [sflag:s20], $0x3E80  }
0xad: {  	[sflag:s20] =	ssyncset.done $0x0  }
0xae: {  	s9 =	sshll.u32 @!p0 s1, $0x6;
	[sflag:s20] =	ssyncadd.s32 $0xFFFFC180  }
0xaf: {  	s11 =	sshrl.u32 @!p0 s10, $0x3;
	s9 =	sor.u32 @!p0 $0x1C05, s9;
	[bflag:$0x0] =	sbarrier.arrive $0xFFFF  }
0xb0: {  	[hbm:s14], [sflag:s9] =	dma.local @!p0 [spmem:s11], $0x2800  }
0xb1: {  	s9 =	simm.s32 @!p0 $0x5  }
0xb2: {  	s0 =	sadd.s32 $0x1, s0;
	_ =	swait.ge @!p0 [sflag:s9], $0x2800  }
0xb3: {  	p6 =	sne.s32 s0, s16;
	s11 =	sshll.u32 @p5 s1, $0x6;
	[sflag:s9] =	ssyncset.done @!p0 $0x0  }
0xb4: {  	[sflag:s9] =	ssyncadd.s32 @!p0 $0xFFFFD800;
	s9 =	sor.u32 @p5 $0x1C05, s11;
	s11 =	sshrl.u32 @p5 s8, $0x3  }
0xb5: {  	[hbm:s15], [sflag:s9] =	dma.local @p5 [spmem:s11], $0x1900  }
.Ltmp7:
0xb6: {  	_ = 	snop;
	(pc) =	sbr.rel @p6 .LBB2_1-.Ltmp7, $4  }
0xb7: {  	s9 =	simm.s32 @p5 $0x5  }
0xb8: {  	_ =	swait.ge @p5 [sflag:s9], $0x1900  }
0xb9: {  	[sflag:s9] =	ssyncset.done @p5 $0x0  }
0xba: {  	[sflag:s9] =	ssyncadd.s32 @p5 $0xFFFFE700  }
0xbb: {  	_ =	sfence.sel $0x180000  }
0xbc: {  	[bflag:$0x0] =	sbarrier.arrive $0xFFFF  }
0xbd: {  	_ =	strace $0x9000004D  }
0xbe: {  	[bflag:$0x2] =	sbarrier.arrive $0xFFFF  }
0xbf: {  	p0 =	sne.s32 s1, $0x0;
	s0 =	rddreg [dreg:$0x2]  }
0xc0: {  	s0 =	sadd.s32 @!p0 $0x100000, s0  }
0xc1: {  	[sflag:s0] =	ssyncadd.tile.s32 @!p0 $0x1;
	_ =	shalt  }
.Lfunc_end2:
_tile_overlayer_lowered:
.L_overlay_start_2:
0xc2: {  	(tag) =	ssettag $0x2  }
0xc3: {  	s0 =	rddreg [dreg:$0x0];
	s2 =	stileid.u32  }
0xc4: {  	s1 =	rddreg [dreg:$0x1];
	p0 =	sne.s32 s2, $0x0  }
0xc5: {  	s3 =	rddreg [dreg:$0x2];
	[bflag:$0x3] =	sbarrier.arrive $0xFFFF;
	s2 =	simm.s32 @!p0 $0x1C05  }
0xc6: {  	[timem:s3], [sflag:s2] =	dma.local @!p0 [hbm:s0], s1  }
0xc7: {  	s0 =	simm.s32 @!p0 $0x5  }
0xc8: {  	_ =	swait.ge @!p0 [sflag:s0], s1  }
0xc9: {  	s1 =	ssub.s32 @!p0 $0x0, s1;
	[sflag:s0] =	ssyncset.done @!p0 $0x0  }
0xca: {  	[sflag:s0] =	ssyncadd.s32 @!p0 s1  }
0xcb: {  	[bflag:$0x3] =	sbarrier.arrive $0xFFFF  }
0xcc: {  	_ =	shalt  }

// kernel: kernel.21.cloned.1.call-start
scs
__scs_entry_jumppad:
0x0: {  	(pc) =	sbr.rel $0x88, $3  }
0x1: {  	(tag) =	ssettag $0x0;
	lr =	simm.s32 $0x1  }
0x2: {  	[smem:$0x3F92] =	sst lr;
	_ =	strace $0xD0000000  }
0x3: {  	_ = 	snop  }
0x4: {  	_ = 	snop  }
0x5: {  	_ = 	snop  }
0x6: {  	_ = 	snop  }
0x7: {  	_ = 	snop  }
__scs_overlays_trampoline_lowered:
0x8: {  	[smem:$0x3FA1] =	sst s0  }
0x9: {  	[smem:$0x3FA2] =	sst s1  }
0xa: {  	[smem:$0x3FA3] =	sst s2  }
0xb: {  	[smem:$0x3FA4] =	sst s3  }
0xc: {  	[smem:$0x3FA5] =	sst s4  }
0xd: {  	[smem:$0x3FA6] =	sst s5  }
0xe: {  	[smem:$0x3FA7] =	sst s6  }
0xf: {  	[smem:$0x3FA8] =	sst s7  }
0x10: {  	[smem:$0x3FA9] =	sst s8  }
0x11: {  	[smem:$0x3FAA] =	sst s9;
	s0 =	simm.s32 @!p0 $0x0  }
0x12: {  	s1 =	sld [smem:$0x3F90];
	s0 =	simm.s32 @p0 $0x1  }
0x13: {  	[smem:$0x3FAB] =	sst s0;
	s0 =	simm.s32 @!p1 $0x0  }
0x14: {  	s2 =	sld [smem:$0x3F8F];
	s0 =	simm.s32 @p1 $0x1  }
0x15: {  	[smem:$0x3FAC] =	sst s0;
	s0 =	simm.s32 @!p2 $0x0  }
0x16: {  	s3 =	sld [smem:$0x3FDB];
	s0 =	simm.s32 @p2 $0x1  }
0x17: {  	s4 =	simm.s32 $0x1BF5;
	[smem:$0x3FAE] =	sst s0  }
0x18: {  	s0 =	sld [smem:$0x3F91];
	_ =	swait.ge [sflag:s4], $0x0  }
0x19: {  	s7 =	sld [smem:$0x3F92]  }
0x1a: {  	s8 =	sadd.s32 $0xFFFFE003, lr  }
0x1b: {  	s9 =	sadd.s32 $0xFFFFFEF7, lr;
	s5 =	simm.s32 $0xFFFFFFFF;
	p2 =	slt.u32 s8, $0xFFFFF086  }
0x1c: {  	p1 =	slt.u32 s9, $0xF7A;
	s5 =	simm.s32 @!p2 $0x0  }
0x1d: {  	s5 =	simm.s32 @p1 $0x1;
	p0 =	seq.s32 s7, s2  }
0x1e: {  	s7 =	smul.u32 @!p0 $0xF7A, s2;
	p2 =	seq.s32 @!p0 s5, $0x0  }
0x1f: {  	s9 =	smul.u32 $0xF7A, s1;
	s8 =	simm.s32 @!p0 $0x1BF5;
	p2 =	por !p2, p0  }
0x20: {  	[sflag:s8] =	ssyncset.s32 @!p0 $0xFFFFF086;
	s6 =	sadd.s32 @!p0 s3, s7;
	s7 =	simm.s32 @!p0 $0x108  }
0x21: {  	s3 =	sadd.s32 s3, s9;
	s6 =	sadd.s32 @!p0 $0x88, s6;
	s7 =	simm.s32 @p2 $0x1082  }
0x22: {  	[simem:s7], [sflag:s8] =	dma.local @!p0 [hbm:s6], $0xF7A  }
0x23: {  	s9 =	sor.u32 $0xD0000000, s2;
	s6 =	simm.s32 $0x108;
	_ =	swait.ge @!p0 [sflag:s8], $0x0  }
0x24: {  	s3 =	sadd.s32 $0x88, s3;
	s6 =	simm.s32 @!p1 $0x1082;
	[sflag:s4] =	ssyncset.s32 $0xFFFFF086  }
0x25: {  	[simem:s6], [sflag:s4] =	dma.local [hbm:s3], $0xF7A  }
0x26: {  	[smem:$0x3F92] =	sst s1;
	(tag) =	ssettag s2;
	_ =	strace s9  }
0x27: {  	s1 =	sld [smem:$0x3FA2]  }
0x28: {  	s2 =	sld [smem:$0x3FA3]  }
0x29: {  	s4 =	sld [smem:$0x3FA5]  }
0x2a: {  	p0 =	seq.s32 s5, $0x0;
	s5 =	sld [smem:$0x3FA6]  }
0x2b: {  	s6 =	sld [smem:$0x3FA7]  }
0x2c: {  	s7 =	sld [smem:$0x3FA8]  }
0x2d: {  	s3 =	simm.s32 $0x108;
	s8 =	sld [smem:$0x3FA9]  }
0x2e: {  	s3 =	simm.s32 @!p0 $0x1082;
	s9 =	sld [smem:$0x3FAA]  }
0x2f: {  	lr =	sadd.s32 s0, s3;
	s0 =	sld [smem:$0x3FA1]  }
0x30: {  	s3 =	sld [smem:$0x3FA4]  }
0x31: {  	[smem:$0x3FAD] =	sst s10  }
0x32: {  	s10 =	sld [smem:$0x3FAB];
	_ =	sdelay $0x3  }
0x33: {  	p0 =	seq.s32 s10, $0x1;
	s10 =	sld [smem:$0x3FAD];
	_ =	sdelay $0x3  }
0x34: {  	[smem:$0x3FAD] =	sst s10  }
0x35: {  	s10 =	sld [smem:$0x3FAC];
	_ =	sdelay $0x3  }
0x36: {  	p1 =	seq.s32 s10, $0x1;
	s10 =	sld [smem:$0x3FAD];
	_ =	sdelay $0x3  }
0x37: {  	[smem:$0x3FAD] =	sst s10  }
0x38: {  	s10 =	sld [smem:$0x3FAE]  }
0x39: {  	_ = 	snop;
	(pc) =	sbr.ind lr, $3  }
0x3a: {  	_ = 	snop  }
0x3b: {  	_ = 	snop  }
0x3c: {  	p2 =	seq.s32 s10, $0x1;
	s10 =	sld [smem:$0x3FAD]  }
0x3d: {  	_ =	shalt  }
0x3e: {  	_ =	shalt  }
0x3f: {  	_ =	shalt  }
0x40: {  	_ =	shalt  }
0x41: {  	_ =	shalt  }
0x42: {  	_ =	shalt  }
0x43: {  	_ =	shalt  }
0x44: {  	_ =	shalt  }
0x45: {  	_ =	shalt  }
0x46: {  	_ =	shalt  }
0x47: {  	_ =	shalt  }
0x48: {  	_ =	shalt  }
0x49: {  	_ =	shalt  }
0x4a: {  	_ =	shalt  }
0x4b: {  	_ =	shalt  }
0x4c: {  	_ =	shalt  }
0x4d: {  	_ =	shalt  }
0x4e: {  	_ =	shalt  }
0x4f: {  	_ =	shalt  }
0x50: {  	_ =	shalt  }
0x51: {  	_ =	shalt  }
0x52: {  	_ =	shalt  }
0x53: {  	_ =	shalt  }
0x54: {  	_ =	shalt  }
0x55: {  	_ =	shalt  }
0x56: {  	_ =	shalt  }
0x57: {  	_ =	shalt  }
0x58: {  	_ =	shalt  }
0x59: {  	_ =	shalt  }
0x5a: {  	_ =	shalt  }
0x5b: {  	_ =	shalt  }
0x5c: {  	_ =	shalt  }
0x5d: {  	_ =	shalt  }
0x5e: {  	_ =	shalt  }
0x5f: {  	_ =	shalt  }
0x60: {  	_ =	shalt  }
0x61: {  	_ =	shalt  }
0x62: {  	_ =	shalt  }
0x63: {  	_ =	shalt  }
0x64: {  	_ =	shalt  }
0x65: {  	_ =	shalt  }
0x66: {  	_ =	shalt  }
0x67: {  	_ =	shalt  }
0x68: {  	_ =	shalt  }
0x69: {  	_ =	shalt  }
0x6a: {  	_ =	shalt  }
0x6b: {  	_ =	shalt  }
0x6c: {  	_ =	shalt  }
0x6d: {  	_ =	shalt  }
0x6e: {  	_ =	shalt  }
0x6f: {  	_ =	shalt  }
0x70: {  	_ =	shalt  }
0x71: {  	_ =	shalt  }
0x72: {  	_ =	shalt  }
0x73: {  	_ =	shalt  }
0x74: {  	_ =	shalt  }
0x75: {  	_ =	shalt  }
0x76: {  	_ =	shalt  }
0x77: {  	_ =	shalt  }
0x78: {  	_ =	shalt  }
0x79: {  	_ =	shalt  }
0x7a: {  	_ =	shalt  }
0x7b: {  	_ =	shalt  }
0x7c: {  	_ =	shalt  }
0x7d: {  	_ =	shalt  }
0x7e: {  	_ =	shalt  }
0x7f: {  	_ =	shalt  }
0x80: {  	_ =	shalt  }
0x81: {  	_ =	shalt  }
0x82: {  	_ =	shalt  }
0x83: {  	_ =	shalt  }
0x84: {  	_ =	shalt  }
0x85: {  	_ =	shalt  }
0x86: {  	_ =	shalt  }
0x87: {  	_ =	shalt  }
.Lfunc_end0:
.L_simem_size_0:
called_computation.3_lowered:
.L_overlay_start_0:
0x88: {  	s2 =	sld [smem:$0x3FD9]  }
0x89: {  	s3 =	sld [smem:$0x3FFE];
	_ =	sdelay $0x1  }
0x8a: {  	s1 =	srdreg.scid  }
0x8b: {  	s0 =	sand.u32 $0x1, s1  }
0x8c: {  	s16 =	sshll.u32 s0, $0xA;
	s2 =	sadd.s32 s3, s2  }
0x8d: {  	s2 =	sadd.s32 s2, s16  }
0x8e: {  	[smem:$0x3FB9] =	sst s2  }
0x8f: {  	_ = 	snop  }
0x90: {  	(tm) =	ssettm $0x1  }
0x91: {  	s17 =	sld [smem:$0x3FFB];
	_ =	sdelay $0x3  }
0x92: {  	_ =	strace s17  }
0x93: {  	s2 =	sld [smem:$0x3FFC];
	_ =	sdelay $0x3  }
0x94: {  	_ =	strace s2  }
0x95: {  	s2 =	sld [smem:$0x3FFD];
	_ =	sdelay $0x3  }
0x96: {  	_ =	strace s2  }
0x97: {  	_ =	strace $0x8FFFFFFF  }
0x98: {  	s18 =	sld [smem:$0x3FDB];
	_ =	sdelay $0x1  }
0x99: {  	s19 =	simm.s32 $_scs_section_size  }
0x9a: {  	s4 =	simm.s32 $_size__tile_overlayer_lowered;
	s5 =	simm.s32 $_tile_overlayer_lowered  }
0x9b: {  	s22 =	simm.s32 $0x1BFF;
	s21 =	sshll.u32 s5, $0x1;
	s2 =	sadd.s32 s19, s18  }
0x9c: {  	s6 =	simm.s32 $0x0;
	s20 =	sshll.u32 s4, $0x1;
	s4 =	sadd.s32 s21, s2  }
0x9d: {  	[timem:s6], [sflag:s22] =	dma.local [hbm:s4], s20  }
0x9e: {  	_ =	swait.ge [sflag:s22], s20  }
0x9f: {  	s3 =	ssub.s32 $0x0, s20;
	[sflag:s22] =	ssyncset.done $0x0  }
0xa0: {  	[sflag:s22] =	ssyncadd.s32 s3;
	_ =	sdelay $0x1  }
0xa1: {  	s23 =	simm.s32 $0x1B8B  }
0xa2: {  	_ =	swait.ge [sflag:s23], $0x1  }
0xa3: {  	[sflag:s23] =	ssyncset.done $0x0  }
0xa4: {  	s25 =	simm.s32 $0x1B8E;
	s24 =	sld [smem:$0x3FFE];
	[sflag:s23] =	ssyncadd.s32 $0xFFFFFFFF  }
0xa5: {  	s26 =	simm.s32 $execute0_lowered;
	[smem:$0x3FD2] =	sst s25  }
0xa6: {  	s4 =	sshll.u32 s26, $0x1;
	_ =	strace $0x8000004F;
	[dreg:$0x1] =	wrdreg $0xFFFFFFFF  }
0xa7: {  	s28 =	simm.s32 $_size_execute0_lowered;
	s2 =	sadd.s32 s2, s4;
	[dreg:$0x0] =	wrdreg $0x0  }
0xa8: {  	s4 =	sshll.u32 s28, $0x1;
	[dreg:$0x2] =	wrdreg s2  }
0xa9: {  	[dreg:$0x3] =	wrdreg s4  }
0xaa: {  	[dreg:$0x4] =	wrdreg $0xC0  }
0xab: {  	_ =	task [dreg:s6], $0x5FFFF  }
0xac: {  	[dreg:$0x1] =	wrdreg $0xFFFFFFFF  }
0xad: {  	[dreg:$0x0] =	wrdreg $0x60  }
0xae: {  	[dreg:$0x2] =	wrdreg s24  }
0xaf: {  	[dreg:$0x3] =	wrdreg $0xA8000  }
0xb0: {  	[dreg:$0x4] =	wrdreg $0x9  }
0xb1: {  	_ =	task.clear_ibuf [dreg:s6], $0x5FFFF;
	_ =	strace $0x9000004F  }
0xb2: {  	s29 =	simm.s32 $0x9;
	_ =	strace $0x80000051  }
0xb3: {  	_ =	swait.ge [sflag:s29], $0x1  }
0xb4: {  	[sflag:s29] =	ssyncadd.s32 $0xFFFFFFFF  }
0xb5: {  	_ =	strace $0x90000051  }
0xb6: {  	_ =	sfence  }
0xb7: {  	s30 =	sld [smem:$0x0];
	_ =	sdelay $0x2  }
0xb8: {  	s31 =	sshll.u32 s1, $0xD;
	s1 =	sshrl.u32 s1, $0x2  }
0xb9: {  	s3 =	sand.u32 $0x4000, s31;
	s1 =	sadd.s32 s1, s30  }
0xba: {  	s0 =	sor.u32 s3, s0;
	s1 =	sshll.u32 s1, $0x11  }
0xbb: {  	s0 =	sor.u32 s1, s0  }
0xbc: {  	s0 =	sadd.s32 $0x8F2B, s0  }
0xbd: {  	[sflag:s0] =	ssyncadd.remote.s32 $0x1  }
0xbe: {  	_ =	sfence.sel $0xFFFF  }
0xbf: {  	[dreg:$0x0] =	wrdreg $0xFFFFFFFF;
	(pc) =	sbr.abs _section_cstart, $3  }
0xc0: {  	[dreg:$0x1] =	wrdreg $0xFFFFFFFF  }
0xc1: {  	_ =	task.clear_ibuf [dreg:s6], $0x2FFFF;
	_ =	strace $0x9FFFFFFF  }
0xc2: {  	(tm) =	ssettm $0x7FFFFFFF  }
0xc3: {  	_ =	shalt  }
tec
execute0_lowered:
.L_overlay_start_1:
0x0: {  	(tag) =	ssettag $0x1  }
0x1: {  	s0 =	rddreg [dreg:$0x0]  }
0x2: {  	s2 =	rddreg [dreg:$0x1];
	s3 =	simm.s32 $0x0;
	s4 =	srdreg.scid  }
0x3: {  	s1 =	stileid.u32;
	s28 =	simm.s32 $0x1;
	s29 =	simm.s32 $0x2  }
0x4: {  	s30 =	simm.s32 $0x2700;
	s31 =	simm.s32 $0x2780;
	[smem:$0x7FF] =	sst s3  }
0x5: {  	s9 =	sand.u32 $0x1, s4;
	s5 =	sshll.u32 s1, $0x1;
	s4 =	sadd.s32 $0x2C000, s0  }
0x6: {  	s11 =	sadd.s32 $0x22000, s0;
	s13 =	sadd.s32 $0x18000, s0;
	s10 =	smul.u32 $0x50000, s1  }
0x7: {  	s14 =	sadd.s32 $0x53200, s0;
	p4 =	sne.s32 s1, $0xF;
	s15 =	smul.u32 $0x2800, s1  }
0x8: {  	p0 =	seq.s32 s1, $0xF;
	s17 =	smul.u32 $0x14000, s1;
	s25 =	sshll.u32 s1, $0x6  }
0x9: {  	_ =	strace $0x80000050;
	s5 =	sor.u32 s9, s5;
	s6 =	ssub.s32 $0x2, s9  }
0xa: {  	p2 =	seq.s32 s9, $0x0;
	p3 =	seq.s32 s9, $0x1;
	s19 =	smul.u32 $0x140000, s9  }
0xb: {  	s18 =	sor.u32 $0x1C05, s25;
	s25 =	simm.s32 $0x80;
	s7 =	smul.u32 $0x2800, s5  }
0xc: {  	s5 =	sadd.s32 $0x4200, s0;
	s8 =	sshrl.u32 s6, $0x1;
	p1 =	por !p2, !p4  }
0xd: {  	p2 =	por !p2, !p0;
	s0 =	sadd.s32 $0x51800, s0;
	s20 =	sshrl.u32 s10, $0x2  }
0xe: {  	p4 =	por !p4, !p3;
	s21 =	sadd.s32 s4, s15;
	s16 =	ssub.s32 s6, s8  }
0xf: {  	p1 =	por !p1, !p1;
	p2 =	por !p2, !p2;
	[dreg:$0x3] =	wrdreg s0  }
0x10: {  	s8 =	sadd.s32 $0x12C000, s2;
	s10 =	sadd.s32 s20, s2;
	[dreg:$0x4] =	wrdreg s21  }
0x11: {  	p4 =	por !p4, !p4;
	s23 =	sadd.s32 s17, s19;
	s0 =	sshrl.u32 s19, $0x3  }
0x12: {  	s17 =	simm.s32 $0x1400;
	s20 =	simm.s32 $0x5;
	s21 =	simm.s32 $0x3  }
0x13: {  	s12 =	sshrl.u32 s7, $0x3;
	s24 =	sshrl.u32 s23, $0x3;
	s0 =	sadd.s32 s14, s0  }
0x14: {  	s16 =	smax.u32 s16, $0x1;
	s26 =	sshrl.u32 s10, $0x3;
	s23 =	simm.s32 $0x7D  }
0x15: {  	s6 =	sadd.s32 s11, s12;
	s7 =	sadd.s32 s13, s12;
	s22 =	sadd.s32 $0x280, s12  }
0x16: {  	s14 =	sadd.s32 s14, s24;
	s15 =	sadd.s32 $0x25800, s0;
	[dreg:$0x5] =	wrdreg s26  }
0x17: {  	s24 =	simm.s32 $0x2800;
	s26 =	simm.s32 $0x6800;
	s0 =	simm.s32 $0x0  }
0x18: {  	s12 =	sadd.s32 s11, s22;
	s13 =	sadd.s32 s13, s22;
	s22 =	simm.s32 $0x4  }
.LBB2_1:
.Ltmp0:
0x19: {  	(pc) =	sbr.rel @!p1 .LBB2_5-.Ltmp0, $4  }
0x1a: {  	_ = 	snop  }
0x1b: {  	[tilespmem:s3], [sflag:$0x3] =	stream.linear.gather [hbm4b:s6+s3], $0x1400, $0x38;
	[tilespmem:$0x1E800] =	vst v63  }
0x1c: {  	_ = 	snop  }
0x1d: {  	[tilespmem:s17], [sflag:$0x4] =	stream.linear.gather [hbm4b:s7+s3], $0x1400, $0x38;
	[tilespmem:$0x1E800] =	vst v63  }
0x1e: {  	s9 =	rddreg [dreg:$0x4]  }
.Ltmp1:
0x1f: {  	s11 =	rddreg [dreg:$0x5];
	(pc) =	sbr.rel .LBB2_3-.Ltmp1, $4  }
0x20: {  	[spmem:s11], [sflag:s18] =	dma.local [hbm:s9], $0x2800  }
0x21: {  	_ =	swait.ge [sflag:s20], $0x2800  }
0x22: {  	[sflag:s20] =	ssyncset.done $0x0  }
0x23: {  	p5 =	por $0x0, $0x0;
	[sflag:s20] =	ssyncadd.s32 $0xFFFFD800  }
.LBB2_5:
.Ltmp2:
0x24: {  	(pc) =	sbr.rel @!p2 .LBB2_3-.Ltmp2, $2  }
0x25: {  	_ =	sdelay $0x2  }
0x26: {  	p5 =	por p0, p0  }
.Ltmp3:
0x27: {  	(pc) =	sbr.rel .LBB2_7-.Ltmp3, $4  }
0x28: {  	_ = 	snop  }
0x29: {  	s9 =	sshrl.u32 s8, $0x3  }
0x2a: {  	s11 =	rddreg [dreg:$0x3];
	s19 =	simm.s32 $0x1FC5;
	p5 =	por $0x1, $0x1  }
0x2b: {  	[spmem:s9], [sflag:s19] =	dma.local [hbm:s11], $0x1900  }
.LBB2_3:
0x2c: {  	s9 =	sshll.u32 @p4 s1, $0x6;
	p6 =	por @p4 $0x1, $0x1  }
0x2d: {  	s11 =	sshrl.u32 @p4 s10, $0x3;
	s9 =	sor.u32 @p4 $0x1C05, s9;
	p6 =	por @!p4 p3, p3  }
0x2e: {  	[spmem:s11], [sflag:s9] =	dma.local @p4 [hbm:s5], $0x2800  }
0x2f: {  	p6 =	por !p6, !p5  }
0x30: {  	p6 =	por !p6, !p6  }
.Ltmp4:
0x31: {  	_ = 	snop;
	(pc) =	sbr.rel @!p6 .LBB2_8-.Ltmp4, $4  }
0x32: {  	s9 =	simm.s32 @p4 $0x5  }
0x33: {  	_ =	swait.ge @p4 [sflag:s9], $0x2800  }
0x34: {  	[sflag:s9] =	ssyncset.done @p4 $0x0  }
0x35: {  	[sflag:s9] =	ssyncadd.s32 @p4 $0xFFFFD800  }
0x36: {  	s9 =	sshrl.u32 s8, $0x3  }
0x37: {  	[spmem:s9], [sflag:s18] =	dma.local [hbm:s5], $0x1900  }
.LBB2_7:
0x38: {  	_ =	swait.ge [sflag:s20], $0x1900  }
0x39: {  	[sflag:s20] =	ssyncset.done $0x0  }
0x3a: {  	[sflag:s20] =	ssyncadd.s32 $0xFFFFE700  }
.LBB2_8:
0x3b: {  	_ =	swait.ge [sflag:s21], $0x1400  }
0x3c: {  	[sflag:s21] =	ssyncset.done $0x0  }
0x3d: {  	[sflag:s21] =	ssyncadd.s32 $0xFFFFEC00  }
0x3e: {  	_ =	swait.ge [sflag:s22], $0x1400  }
0x3f: {  	[sflag:s22] =	ssyncset.done $0x0  }
0x40: {  	s9 =	simm.s32 $0x0;
	[sflag:s22] =	ssyncadd.s32 $0xFFFFEC00  }
0x41: {  	[tilespmem:s24], [sflag:$0x1] =	stream.indirect.gather [hbm4b:s4+s23], $0x80, s9, s23, $0xb8;
	[tilespmem:$0x1E800] =	vst v63  }
0x42: {  	_ = 	snop  }
0x43: {  	[tilespmem:s26], [sflag:$0x2] =	stream.indirect.gather [hbm4b:s4+s23], $0x80, s25, s23, $0xb8;
	[tilespmem:$0x1E800] =	vst v63  }
0x44: {  	[bflag:$0x0] =	sbarrier.arrive $0xFFFF  }
0x45: {  	_ =	swait.ge [sflag:s28], $0x3E80  }
0x46: {  	[sflag:s28] =	ssyncset.done $0x0  }
0x47: {  	s19 =	simm.s32 $0x1400;
	[sflag:s28] =	ssyncadd.s32 $0xFFFFC180  }
0x48: {  	[spmem:s2] =	stream.indirect.scatter.add.f32 [tilespmem:s24], [sflag:$0x5], $0x80, s19, s23, $0xb8;
	[tilespmem:$0x1E800] =	vst v63  }
0x49: {  	_ =	swait.ge [sflag:s20], $0x3E80  }
0x4a: {  	[sflag:s20] =	ssyncset.done $0x0  }
0x4b: {  	s11 =	simm.s32 $0x100;
	[sflag:s20] =	ssyncadd.s32 $0xFFFFC180  }
0x4c: {  	[tilespmem:s24], [sflag:$0x1] =	stream.indirect.gather [hbm4b:s4+s23], $0x80, s11, s23, $0xb8;
	[tilespmem:$0x1E800] =	vst v63  }
0x4d: {  	_ =	swait.ge [sflag:s29], $0x3E80  }
0x4e: {  	[sflag:s29] =	ssyncset.done $0x0  }
0x4f: {  	s19 =	simm.s32 $0x1480;
	[sflag:s29] =	ssyncadd.s32 $0xFFFFC180  }
0x50: {  	[spmem:s2] =	stream.indirect.scatter.add.f32 [tilespmem:s26], [sflag:$0x5], $0x80, s19, s23, $0xb8;
	[tilespmem:$0x1E800] =	vst v63  }
0x51: {  	_ =	swait.ge [sflag:s20], $0x3E80  }
0x52: {  	[sflag:s20] =	ssyncset.done $0x0  }
0x53: {  	s9 =	simm.s32 $0x400;
	s11 =	simm.s32 $0x180;
	[sflag:s20] =	ssyncadd.s32 $0xFFFFC180  }
.LBB2_9:
0x54: {  	[tilespmem:s26], [sflag:$0x2] =	stream.indirect.gather [hbm4b:s4+s23], $0x80, s11, s23, $0xb8;
	[tilespmem:$0x1E800] =	vst v63  }
0x55: {  	s11 =	smov.u32 s9  }
0x56: {  	p6 =	sne.s32 s9, $0x4800;
	s9 =	sadd.s32 $0x400, s9;
	_ =	swait.ge [sflag:s28], $0x3E80  }
0x57: {  	s11 =	sshra.s32 s11, $0x2;
	[sflag:s28] =	ssyncset.done $0x0  }
0x58: {  	s19 =	sadd.s32 $0x1400, s11;
	[sflag:s28] =	ssyncadd.s32 $0xFFFFC180  }
0x59: {  	[spmem:s2] =	stream.indirect.scatter.add.f32 [tilespmem:s24], [sflag:$0x5], $0x80, s19, s23, $0xb8;
	[tilespmem:$0x1E800] =	vst v63  }
0x5a: {  	_ =	swait.ge [sflag:s20], $0x3E80  }
0x5b: {  	[sflag:s20] =	ssyncset.done $0x0  }
0x5c: {  	s19 =	sadd.s32 $0x100, s11;
	[sflag:s20] =	ssyncadd.s32 $0xFFFFC180  }
0x5d: {  	[tilespmem:s24], [sflag:$0x1] =	stream.indirect.gather [hbm4b:s4+s23], $0x80, s19, s23, $0xb8;
	[tilespmem:$0x1E800] =	vst v63  }
0x5e: {  	_ =	swait.ge [sflag:s29], $0x3E80  }
0x5f: {  	[sflag:s29] =	ssyncset.done $0x0  }
.Ltmp5:
0x60: {  	s19 =	sadd.s32 $0x1480, s11;
	[sflag:s29] =	ssyncadd.s32 $0xFFFFC180;
	(pc) =	sbr.rel @p6 .LBB2_9-.Ltmp5, $4  }
0x61: {  	[spmem:s2] =	stream.indirect.scatter.add.f32 [tilespmem:s26], [sflag:$0x5], $0x80, s19, s23, $0xb8;
	[tilespmem:$0x1E800] =	vst v63  }
0x62: {  	_ =	swait.ge [sflag:s20], $0x3E80  }
0x63: {  	[sflag:s20] =	ssyncset.done $0x0  }
0x64: {  	s11 =	sadd.s32 $0x180, s11;
	[sflag:s20] =	ssyncadd.s32 $0xFFFFC180  }
0x65: {  	[tilespmem:s26], [sflag:$0x2] =	stream.indirect.gather [hbm4b:s4+s23], $0x80, s11, s23, $0xb8;
	[tilespmem:$0x1E800] =	vst v63  }
0x66: {  	_ =	swait.ge [sflag:s28], $0x3E80  }
0x67: {  	[sflag:s28] =	ssyncset.done $0x0  }
0x68: {  	[sflag:s28] =	ssyncadd.s32 $0xFFFFC180  }
0x69: {  	[spmem:s2] =	stream.indirect.scatter.add.f32 [tilespmem:s24], [sflag:$0x5], $0x80, s30, s23, $0xb8;
	[tilespmem:$0x1E800] =	vst v63  }
0x6a: {  	_ =	swait.ge [sflag:s20], $0x3E80  }
0x6b: {  	[sflag:s20] =	ssyncset.done $0x0  }
0x6c: {  	[sflag:s20] =	ssyncadd.s32 $0xFFFFC180  }
0x6d: {  	_ =	swait.ge [sflag:s29], $0x3E80  }
0x6e: {  	[sflag:s29] =	ssyncset.done $0x0  }
0x6f: {  	[sflag:s29] =	ssyncadd.s32 $0xFFFFC180  }
0x70: {  	[spmem:s2] =	stream.indirect.scatter.add.f32 [tilespmem:s26], [sflag:$0x5], $0x80, s31, s23, $0xb8;
	[tilespmem:$0x1E800] =	vst v63  }
0x71: {  	_ =	swait.ge [sflag:s20], $0x3E80  }
0x72: {  	[sflag:s20] =	ssyncset.done $0x0  }
0x73: {  	s9 =	simm.s32 $0x0;
	[sflag:s20] =	ssyncadd.s32 $0xFFFFC180  }
0x74: {  	[tilespmem:s9], [sflag:$0x3] =	stream.linear.gather [hbm4b:s12+s9], $0x1400, $0x38;
	[tilespmem:$0x1E800] =	vst v63  }
0x75: {  	_ = 	snop  }
0x76: {  	[tilespmem:s17], [sflag:$0x4] =	stream.linear.gather [hbm4b:s13+s9], $0x1400, $0x38;
	[tilespmem:$0x1E800] =	vst v63  }
0x77: {  	_ =	swait.ge [sflag:s21], $0x1400  }
0x78: {  	[sflag:s21] =	ssyncset.done $0x0  }
0x79: {  	[sflag:s21] =	ssyncadd.s32 $0xFFFFEC00  }
0x7a: {  	_ =	swait.ge [sflag:s22], $0x1400  }
0x7b: {  	[sflag:s22] =	ssyncset.done $0x0  }
0x7c: {  	[sflag:s22] =	ssyncadd.s32 $0xFFFFEC00  }
0x7d: {  	[tilespmem:s24], [sflag:$0x1] =	stream.indirect.gather [hbm4b:s4+s23], $0x80, s9, s23, $0xb8;
	[tilespmem:$0x1E800] =	vst v63  }
0x7e: {  	_ = 	snop  }
0x7f: {  	[tilespmem:s26], [sflag:$0x2] =	stream.indirect.gather [hbm4b:s4+s23], $0x80, s25, s23, $0xb8;
	[tilespmem:$0x1E800] =	vst v63  }
0x80: {  	_ =	swait.ge [sflag:s28], $0x3E80  }
0x81: {  	[sflag:s28] =	ssyncset.done $0x0  }
0x82: {  	s19 =	simm.s32 $0x1400;
	[sflag:s28] =	ssyncadd.s32 $0xFFFFC180  }
0x83: {  	[spmem:s2] =	stream.indirect.scatter.add.f32 [tilespmem:s24], [sflag:$0x5], $0x80, s19, s23, $0xb8;
	[tilespmem:$0x1E800] =	vst v63  }
0x84: {  	_ =	swait.ge [sflag:s20], $0x3E80  }
0x85: {  	[sflag:s20] =	ssyncset.done $0x0  }
0x86: {  	s11 =	simm.s32 $0x100;
	[sflag:s20] =	ssyncadd.s32 $0xFFFFC180  }
0x87: {  	[tilespmem:s24], [sflag:$0x1] =	stream.indirect.gather [hbm4b:s4+s23], $0x80, s11, s23, $0xb8;
	[tilespmem:$0x1E800] =	vst v63  }
0x88: {  	_ =	swait.ge [sflag:s29], $0x3E80  }
0x89: {  	[sflag:s29] =	ssyncset.done $0x0  }
0x8a: {  	s19 =	simm.s32 $0x1480;
	[sflag:s29] =	ssyncadd.s32 $0xFFFFC180  }
0x8b: {  	[spmem:s2] =	stream.indirect.scatter.add.f32 [tilespmem:s26], [sflag:$0x5], $0x80, s19, s23, $0xb8;
	[tilespmem:$0x1E800] =	vst v63  }
0x8c: {  	_ =	swait.ge [sflag:s20], $0x3E80  }
0x8d: {  	[sflag:s20] =	ssyncset.done $0x0  }
0x8e: {  	s9 =	simm.s32 $0x400;
	s11 =	simm.s32 $0x180;
	[sflag:s20] =	ssyncadd.s32 $0xFFFFC180  }
.LBB2_11:
0x8f: {  	[tilespmem:s26], [sflag:$0x2] =	stream.indirect.gather [hbm4b:s4+s23], $0x80, s11, s23, $0xb8;
	[tilespmem:$0x1E800] =	vst v63  }
0x90: {  	s11 =	smov.u32 s9  }
0x91: {  	p6 =	sne.s32 s9, $0x4800;
	s9 =	sadd.s32 $0x400, s9;
	_ =	swait.ge [sflag:s28], $0x3E80  }
0x92: {  	s11 =	sshra.s32 s11, $0x2;
	[sflag:s28] =	ssyncset.done $0x0  }
0x93: {  	s19 =	sadd.s32 $0x1400, s11;
	[sflag:s28] =	ssyncadd.s32 $0xFFFFC180  }
0x94: {  	[spmem:s2] =	stream.indirect.scatter.add.f32 [tilespmem:s24], [sflag:$0x5], $0x80, s19, s23, $0xb8;
	[tilespmem:$0x1E800] =	vst v63  }
0x95: {  	_ =	swait.ge [sflag:s20], $0x3E80  }
0x96: {  	[sflag:s20] =	ssyncset.done $0x0  }
0x97: {  	s19 =	sadd.s32 $0x100, s11;
	[sflag:s20] =	ssyncadd.s32 $0xFFFFC180  }
0x98: {  	[tilespmem:s24], [sflag:$0x1] =	stream.indirect.gather [hbm4b:s4+s23], $0x80, s19, s23, $0xb8;
	[tilespmem:$0x1E800] =	vst v63  }
0x99: {  	_ =	swait.ge [sflag:s29], $0x3E80  }
0x9a: {  	[sflag:s29] =	ssyncset.done $0x0  }
.Ltmp6:
0x9b: {  	s19 =	sadd.s32 $0x1480, s11;
	[sflag:s29] =	ssyncadd.s32 $0xFFFFC180;
	(pc) =	sbr.rel @p6 .LBB2_11-.Ltmp6, $4  }
0x9c: {  	[spmem:s2] =	stream.indirect.scatter.add.f32 [tilespmem:s26], [sflag:$0x5], $0x80, s19, s23, $0xb8;
	[tilespmem:$0x1E800] =	vst v63  }
0x9d: {  	_ =	swait.ge [sflag:s20], $0x3E80  }
0x9e: {  	[sflag:s20] =	ssyncset.done $0x0  }
0x9f: {  	s11 =	sadd.s32 $0x180, s11;
	[sflag:s20] =	ssyncadd.s32 $0xFFFFC180  }
0xa0: {  	[tilespmem:s26], [sflag:$0x2] =	stream.indirect.gather [hbm4b:s4+s23], $0x80, s11, s23, $0xb8;
	[tilespmem:$0x1E800] =	vst v63  }
0xa1: {  	_ =	swait.ge [sflag:s28], $0x3E80  }
0xa2: {  	[sflag:s28] =	ssyncset.done $0x0  }
0xa3: {  	[sflag:s28] =	ssyncadd.s32 $0xFFFFC180  }
0xa4: {  	[spmem:s2] =	stream.indirect.scatter.add.f32 [tilespmem:s24], [sflag:$0x5], $0x80, s30, s23, $0xb8;
	[tilespmem:$0x1E800] =	vst v63  }
0xa5: {  	_ =	swait.ge [sflag:s20], $0x3E80  }
0xa6: {  	[sflag:s20] =	ssyncset.done $0x0  }
0xa7: {  	[sflag:s20] =	ssyncadd.s32 $0xFFFFC180  }
0xa8: {  	_ =	swait.ge [sflag:s29], $0x3E80  }
0xa9: {  	[sflag:s29] =	ssyncset.done $0x0  }
0xaa: {  	[sflag:s29] =	ssyncadd.s32 $0xFFFFC180  }
0xab: {  	[spmem:s2] =	stream.indirect.scatter.add.f32 [tilespmem:s26], [sflag:$0x5], $0x80, s31, s23, $0xb8;
	[tilespmem:$0x1E800] =	vst v63  }
0xac: {  	_ =	swait.ge [sflag:s20], $0x3E80  }
0xad: {  	[sflag:s20] =	ssyncset.done $0x0  }
0xae: {  	s9 =	sshll.u32 @!p0 s1, $0x6;
	[sflag:s20] =	ssyncadd.s32 $0xFFFFC180  }
0xaf: {  	s11 =	sshrl.u32 @!p0 s10, $0x3;
	s9 =	sor.u32 @!p0 $0x1C05, s9;
	[bflag:$0x0] =	sbarrier.arrive $0xFFFF  }
0xb0: {  	[hbm:s14], [sflag:s9] =	dma.local @!p0 [spmem:s11], $0x2800  }
0xb1: {  	s9 =	simm.s32 @!p0 $0x5  }
0xb2: {  	s0 =	sadd.s32 $0x1, s0;
	_ =	swait.ge @!p0 [sflag:s9], $0x2800  }
0xb3: {  	p6 =	sne.s32 s0, s16;
	s11 =	sshll.u32 @p5 s1, $0x6;
	[sflag:s9] =	ssyncset.done @!p0 $0x0  }
0xb4: {  	[sflag:s9] =	ssyncadd.s32 @!p0 $0xFFFFD800;
	s9 =	sor.u32 @p5 $0x1C05, s11;
	s11 =	sshrl.u32 @p5 s8, $0x3  }
0xb5: {  	[hbm:s15], [sflag:s9] =	dma.local @p5 [spmem:s11], $0x1900  }
.Ltmp7:
0xb6: {  	_ = 	snop;
	(pc) =	sbr.rel @p6 .LBB2_1-.Ltmp7, $4  }
0xb7: {  	s9 =	simm.s32 @p5 $0x5  }
0xb8: {  	_ =	swait.ge @p5 [sflag:s9], $0x1900  }
0xb9: {  	[sflag:s9] =	ssyncset.done @p5 $0x0  }
0xba: {  	[sflag:s9] =	ssyncadd.s32 @p5 $0xFFFFE700  }
0xbb: {  	_ =	sfence.sel $0x180000  }
0xbc: {  	[bflag:$0x0] =	sbarrier.arrive $0xFFFF  }
0xbd: {  	_ =	strace $0x90000050  }
0xbe: {  	[bflag:$0x2] =	sbarrier.arrive $0xFFFF  }
0xbf: {  	p0 =	sne.s32 s1, $0x0;
	s0 =	rddreg [dreg:$0x2]  }
0xc0: {  	s0 =	sadd.s32 @!p0 $0x100000, s0  }
0xc1: {  	[sflag:s0] =	ssyncadd.tile.s32 @!p0 $0x1;
	_ =	shalt  }
.Lfunc_end2:
_tile_overlayer_lowered:
.L_overlay_start_2:
0xc2: {  	(tag) =	ssettag $0x2  }
0xc3: {  	s0 =	rddreg [dreg:$0x0];
	s2 =	stileid.u32  }
0xc4: {  	s1 =	rddreg [dreg:$0x1];
	p0 =	sne.s32 s2, $0x0  }
0xc5: {  	s3 =	rddreg [dreg:$0x2];
	[bflag:$0x3] =	sbarrier.arrive $0xFFFF;
	s2 =	simm.s32 @!p0 $0x1C05  }
0xc6: {  	[timem:s3], [sflag:s2] =	dma.local @!p0 [hbm:s0], s1  }
0xc7: {  	s0 =	simm.s32 @!p0 $0x5  }
0xc8: {  	_ =	swait.ge @!p0 [sflag:s0], s1  }
0xc9: {  	s1 =	ssub.s32 @!p0 $0x0, s1;
	[sflag:s0] =	ssyncset.done @!p0 $0x0  }
0xca: {  	[sflag:s0] =	ssyncadd.s32 @!p0 s1  }
0xcb: {  	[bflag:$0x3] =	sbarrier.arrive $0xFFFF  }
0xcc: {  	_ =	shalt  }

// kernel: kernel.24.cloned.1.call-start
scs
__scs_entry_jumppad:
0x0: {  	(pc) =	sbr.rel $0x88, $3  }
0x1: {  	(tag) =	ssettag $0x0;
	lr =	simm.s32 $0x1  }
0x2: {  	[smem:$0x3F92] =	sst lr;
	_ =	strace $0xD0000000  }
0x3: {  	_ = 	snop  }
0x4: {  	_ = 	snop  }
0x5: {  	_ = 	snop  }
0x6: {  	_ = 	snop  }
0x7: {  	_ = 	snop  }
__scs_overlays_trampoline_lowered:
0x8: {  	[smem:$0x3FA1] =	sst s0  }
0x9: {  	[smem:$0x3FA2] =	sst s1  }
0xa: {  	[smem:$0x3FA3] =	sst s2  }
0xb: {  	[smem:$0x3FA4] =	sst s3  }
0xc: {  	[smem:$0x3FA5] =	sst s4  }
0xd: {  	[smem:$0x3FA6] =	sst s5  }
0xe: {  	[smem:$0x3FA7] =	sst s6  }
0xf: {  	[smem:$0x3FA8] =	sst s7  }
0x10: {  	[smem:$0x3FA9] =	sst s8  }
0x11: {  	[smem:$0x3FAA] =	sst s9;
	s0 =	simm.s32 @!p0 $0x0  }
0x12: {  	s1 =	sld [smem:$0x3F90];
	s0 =	simm.s32 @p0 $0x1  }
0x13: {  	[smem:$0x3FAB] =	sst s0;
	s0 =	simm.s32 @!p1 $0x0  }
0x14: {  	s2 =	sld [smem:$0x3F8F];
	s0 =	simm.s32 @p1 $0x1  }
0x15: {  	[smem:$0x3FAC] =	sst s0;
	s0 =	simm.s32 @!p2 $0x0  }
0x16: {  	s3 =	sld [smem:$0x3FDB];
	s0 =	simm.s32 @p2 $0x1  }
0x17: {  	s4 =	simm.s32 $0x1BF5;
	[smem:$0x3FAE] =	sst s0  }
0x18: {  	s0 =	sld [smem:$0x3F91];
	_ =	swait.ge [sflag:s4], $0x0  }
0x19: {  	s7 =	sld [smem:$0x3F92]  }
0x1a: {  	s8 =	sadd.s32 $0xFFFFE003, lr  }
0x1b: {  	s9 =	sadd.s32 $0xFFFFFEF7, lr;
	s5 =	simm.s32 $0xFFFFFFFF;
	p2 =	slt.u32 s8, $0xFFFFF086  }
0x1c: {  	p1 =	slt.u32 s9, $0xF7A;
	s5 =	simm.s32 @!p2 $0x0  }
0x1d: {  	s5 =	simm.s32 @p1 $0x1;
	p0 =	seq.s32 s7, s2  }
0x1e: {  	s7 =	smul.u32 @!p0 $0xF7A, s2;
	p2 =	seq.s32 @!p0 s5, $0x0  }
0x1f: {  	s9 =	smul.u32 $0xF7A, s1;
	s8 =	simm.s32 @!p0 $0x1BF5;
	p2 =	por !p2, p0  }
0x20: {  	[sflag:s8] =	ssyncset.s32 @!p0 $0xFFFFF086;
	s6 =	sadd.s32 @!p0 s3, s7;
	s7 =	simm.s32 @!p0 $0x108  }
0x21: {  	s3 =	sadd.s32 s3, s9;
	s6 =	sadd.s32 @!p0 $0x88, s6;
	s7 =	simm.s32 @p2 $0x1082  }
0x22: {  	[simem:s7], [sflag:s8] =	dma.local @!p0 [hbm:s6], $0xF7A  }
0x23: {  	s9 =	sor.u32 $0xD0000000, s2;
	s6 =	simm.s32 $0x108;
	_ =	swait.ge @!p0 [sflag:s8], $0x0  }
0x24: {  	s3 =	sadd.s32 $0x88, s3;
	s6 =	simm.s32 @!p1 $0x1082;
	[sflag:s4] =	ssyncset.s32 $0xFFFFF086  }
0x25: {  	[simem:s6], [sflag:s4] =	dma.local [hbm:s3], $0xF7A  }
0x26: {  	[smem:$0x3F92] =	sst s1;
	(tag) =	ssettag s2;
	_ =	strace s9  }
0x27: {  	s1 =	sld [smem:$0x3FA2]  }
0x28: {  	s2 =	sld [smem:$0x3FA3]  }
0x29: {  	s4 =	sld [smem:$0x3FA5]  }
0x2a: {  	p0 =	seq.s32 s5, $0x0;
	s5 =	sld [smem:$0x3FA6]  }
0x2b: {  	s6 =	sld [smem:$0x3FA7]  }
0x2c: {  	s7 =	sld [smem:$0x3FA8]  }
0x2d: {  	s3 =	simm.s32 $0x108;
	s8 =	sld [smem:$0x3FA9]  }
0x2e: {  	s3 =	simm.s32 @!p0 $0x1082;
	s9 =	sld [smem:$0x3FAA]  }
0x2f: {  	lr =	sadd.s32 s0, s3;
	s0 =	sld [smem:$0x3FA1]  }
0x30: {  	s3 =	sld [smem:$0x3FA4]  }
0x31: {  	[smem:$0x3FAD] =	sst s10  }
0x32: {  	s10 =	sld [smem:$0x3FAB];
	_ =	sdelay $0x3  }
0x33: {  	p0 =	seq.s32 s10, $0x1;
	s10 =	sld [smem:$0x3FAD];
	_ =	sdelay $0x3  }
0x34: {  	[smem:$0x3FAD] =	sst s10  }
0x35: {  	s10 =	sld [smem:$0x3FAC];
	_ =	sdelay $0x3  }
0x36: {  	p1 =	seq.s32 s10, $0x1;
	s10 =	sld [smem:$0x3FAD];
	_ =	sdelay $0x3  }
0x37: {  	[smem:$0x3FAD] =	sst s10  }
0x38: {  	s10 =	sld [smem:$0x3FAE]  }
0x39: {  	_ = 	snop;
	(pc) =	sbr.ind lr, $3  }
0x3a: {  	_ = 	snop  }
0x3b: {  	_ = 	snop  }
0x3c: {  	p2 =	seq.s32 s10, $0x1;
	s10 =	sld [smem:$0x3FAD]  }
0x3d: {  	_ =	shalt  }
0x3e: {  	_ =	shalt  }
0x3f: {  	_ =	shalt  }
0x40: {  	_ =	shalt  }
0x41: {  	_ =	shalt  }
0x42: {  	_ =	shalt  }
0x43: {  	_ =	shalt  }
0x44: {  	_ =	shalt  }
0x45: {  	_ =	shalt  }
0x46: {  	_ =	shalt  }
0x47: {  	_ =	shalt  }
0x48: {  	_ =	shalt  }
0x49: {  	_ =	shalt  }
0x4a: {  	_ =	shalt  }
0x4b: {  	_ =	shalt  }
0x4c: {  	_ =	shalt  }
0x4d: {  	_ =	shalt  }
0x4e: {  	_ =	shalt  }
0x4f: {  	_ =	shalt  }
0x50: {  	_ =	shalt  }
0x51: {  	_ =	shalt  }
0x52: {  	_ =	shalt  }
0x53: {  	_ =	shalt  }
0x54: {  	_ =	shalt  }
0x55: {  	_ =	shalt  }
0x56: {  	_ =	shalt  }
0x57: {  	_ =	shalt  }
0x58: {  	_ =	shalt  }
0x59: {  	_ =	shalt  }
0x5a: {  	_ =	shalt  }
0x5b: {  	_ =	shalt  }
0x5c: {  	_ =	shalt  }
0x5d: {  	_ =	shalt  }
0x5e: {  	_ =	shalt  }
0x5f: {  	_ =	shalt  }
0x60: {  	_ =	shalt  }
0x61: {  	_ =	shalt  }
0x62: {  	_ =	shalt  }
0x63: {  	_ =	shalt  }
0x64: {  	_ =	shalt  }
0x65: {  	_ =	shalt  }
0x66: {  	_ =	shalt  }
0x67: {  	_ =	shalt  }
0x68: {  	_ =	shalt  }
0x69: {  	_ =	shalt  }
0x6a: {  	_ =	shalt  }
0x6b: {  	_ =	shalt  }
0x6c: {  	_ =	shalt  }
0x6d: {  	_ =	shalt  }
0x6e: {  	_ =	shalt  }
0x6f: {  	_ =	shalt  }
0x70: {  	_ =	shalt  }
0x71: {  	_ =	shalt  }
0x72: {  	_ =	shalt  }
0x73: {  	_ =	shalt  }
0x74: {  	_ =	shalt  }
0x75: {  	_ =	shalt  }
0x76: {  	_ =	shalt  }
0x77: {  	_ =	shalt  }
0x78: {  	_ =	shalt  }
0x79: {  	_ =	shalt  }
0x7a: {  	_ =	shalt  }
0x7b: {  	_ =	shalt  }
0x7c: {  	_ =	shalt  }
0x7d: {  	_ =	shalt  }
0x7e: {  	_ =	shalt  }
0x7f: {  	_ =	shalt  }
0x80: {  	_ =	shalt  }
0x81: {  	_ =	shalt  }
0x82: {  	_ =	shalt  }
0x83: {  	_ =	shalt  }
0x84: {  	_ =	shalt  }
0x85: {  	_ =	shalt  }
0x86: {  	_ =	shalt  }
0x87: {  	_ =	shalt  }
.Lfunc_end0:
.L_simem_size_0:
called_computation.4_lowered:
.L_overlay_start_0:
0x88: {  	s2 =	sld [smem:$0x3FD9]  }
0x89: {  	s3 =	sld [smem:$0x3FFE];
	_ =	sdelay $0x1  }
0x8a: {  	s1 =	srdreg.scid  }
0x8b: {  	s0 =	sand.u32 $0x1, s1  }
0x8c: {  	s16 =	sshll.u32 s0, $0xA;
	s2 =	sadd.s32 s3, s2  }
0x8d: {  	s2 =	sadd.s32 s2, s16  }
0x8e: {  	[smem:$0x3FB9] =	sst s2  }
0x8f: {  	_ = 	snop  }
0x90: {  	(tm) =	ssettm $0x1  }
0x91: {  	s17 =	sld [smem:$0x3FFB];
	_ =	sdelay $0x3  }
0x92: {  	_ =	strace s17  }
0x93: {  	s2 =	sld [smem:$0x3FFC];
	_ =	sdelay $0x3  }
0x94: {  	_ =	strace s2  }
0x95: {  	s2 =	sld [smem:$0x3FFD];
	_ =	sdelay $0x3  }
0x96: {  	_ =	strace s2  }
0x97: {  	_ =	strace $0x8FFFFFFF  }
0x98: {  	s18 =	sld [smem:$0x3FDB];
	_ =	sdelay $0x1  }
0x99: {  	s19 =	simm.s32 $_scs_section_size  }
0x9a: {  	s4 =	simm.s32 $_size__tile_overlayer_lowered;
	s5 =	simm.s32 $_tile_overlayer_lowered  }
0x9b: {  	s22 =	simm.s32 $0x1BFF;
	s21 =	sshll.u32 s5, $0x1;
	s2 =	sadd.s32 s19, s18  }
0x9c: {  	s6 =	simm.s32 $0x0;
	s20 =	sshll.u32 s4, $0x1;
	s4 =	sadd.s32 s21, s2  }
0x9d: {  	[timem:s6], [sflag:s22] =	dma.local [hbm:s4], s20  }
0x9e: {  	_ =	swait.ge [sflag:s22], s20  }
0x9f: {  	s3 =	ssub.s32 $0x0, s20;
	[sflag:s22] =	ssyncset.done $0x0  }
0xa0: {  	[sflag:s22] =	ssyncadd.s32 s3;
	_ =	sdelay $0x1  }
0xa1: {  	s23 =	simm.s32 $0x1B8B  }
0xa2: {  	_ =	swait.ge [sflag:s23], $0x1  }
0xa3: {  	[sflag:s23] =	ssyncset.done $0x0  }
0xa4: {  	s25 =	simm.s32 $0x1B8E;
	s24 =	sld [smem:$0x3FFE];
	[sflag:s23] =	ssyncadd.s32 $0xFFFFFFFF  }
0xa5: {  	s26 =	simm.s32 $execute0_lowered;
	[smem:$0x3FD2] =	sst s25  }
0xa6: {  	s4 =	sshll.u32 s26, $0x1;
	_ =	strace $0x80000052;
	[dreg:$0x1] =	wrdreg $0xFFFFFFFF  }
0xa7: {  	s28 =	simm.s32 $_size_execute0_lowered;
	s2 =	sadd.s32 s2, s4;
	[dreg:$0x0] =	wrdreg $0x0  }
0xa8: {  	s4 =	sshll.u32 s28, $0x1;
	[dreg:$0x2] =	wrdreg s2  }
0xa9: {  	[dreg:$0x3] =	wrdreg s4  }
0xaa: {  	[dreg:$0x4] =	wrdreg $0xC0  }
0xab: {  	_ =	task [dreg:s6], $0x5FFFF  }
0xac: {  	[dreg:$0x1] =	wrdreg $0xFFFFFFFF  }
0xad: {  	[dreg:$0x0] =	wrdreg $0x60  }
0xae: {  	[dreg:$0x2] =	wrdreg s24  }
0xaf: {  	[dreg:$0x3] =	wrdreg $0xA8000  }
0xb0: {  	[dreg:$0x4] =	wrdreg $0x9  }
0xb1: {  	_ =	task.clear_ibuf [dreg:s6], $0x5FFFF;
	_ =	strace $0x90000052  }
0xb2: {  	s29 =	simm.s32 $0x9;
	_ =	strace $0x80000054  }
0xb3: {  	_ =	swait.ge [sflag:s29], $0x1  }
0xb4: {  	[sflag:s29] =	ssyncadd.s32 $0xFFFFFFFF  }
0xb5: {  	_ =	strace $0x90000054  }
0xb6: {  	_ =	sfence  }
0xb7: {  	s30 =	sld [smem:$0x0];
	_ =	sdelay $0x2  }
0xb8: {  	s31 =	sshll.u32 s1, $0xD;
	s1 =	sshrl.u32 s1, $0x2  }
0xb9: {  	s3 =	sand.u32 $0x4000, s31;
	s1 =	sadd.s32 s1, s30  }
0xba: {  	s0 =	sor.u32 s3, s0;
	s1 =	sshll.u32 s1, $0x11  }
0xbb: {  	s0 =	sor.u32 s1, s0  }
0xbc: {  	s0 =	sadd.s32 $0x8F2B, s0  }
0xbd: {  	[sflag:s0] =	ssyncadd.remote.s32 $0x1  }
0xbe: {  	_ =	sfence.sel $0xFFFF  }
0xbf: {  	[dreg:$0x0] =	wrdreg $0xFFFFFFFF;
	(pc) =	sbr.abs _section_cstart, $3  }
0xc0: {  	[dreg:$0x1] =	wrdreg $0xFFFFFFFF  }
0xc1: {  	_ =	task.clear_ibuf [dreg:s6], $0x2FFFF;
	_ =	strace $0x9FFFFFFF  }
0xc2: {  	(tm) =	ssettm $0x7FFFFFFF  }
0xc3: {  	_ =	shalt  }
tec
execute0_lowered:
.L_overlay_start_1:
0x0: {  	(tag) =	ssettag $0x1  }
0x1: {  	s0 =	rddreg [dreg:$0x0]  }
0x2: {  	s2 =	rddreg [dreg:$0x1];
	s3 =	simm.s32 $0x0;
	s4 =	srdreg.scid  }
0x3: {  	s1 =	stileid.u32;
	s28 =	simm.s32 $0x1;
	s29 =	simm.s32 $0x2  }
0x4: {  	s30 =	simm.s32 $0x2700;
	s31 =	simm.s32 $0x2780;
	[smem:$0x7FF] =	sst s3  }
0x5: {  	s9 =	sand.u32 $0x1, s4;
	s5 =	sshll.u32 s1, $0x1;
	s4 =	sadd.s32 $0x2C000, s0  }
0x6: {  	s11 =	sadd.s32 $0x22000, s0;
	s13 =	sadd.s32 $0x18000, s0;
	s10 =	smul.u32 $0x50000, s1  }
0x7: {  	s14 =	sadd.s32 $0x53200, s0;
	p4 =	sne.s32 s1, $0xF;
	s15 =	smul.u32 $0x2800, s1  }
0x8: {  	p0 =	seq.s32 s1, $0xF;
	s17 =	smul.u32 $0x14000, s1;
	s25 =	sshll.u32 s1, $0x6  }
0x9: {  	_ =	strace $0x80000053;
	s5 =	sor.u32 s9, s5;
	s6 =	ssub.s32 $0x2, s9  }
0xa: {  	p2 =	seq.s32 s9, $0x0;
	p3 =	seq.s32 s9, $0x1;
	s19 =	smul.u32 $0x140000, s9  }
0xb: {  	s18 =	sor.u32 $0x1C05, s25;
	s25 =	simm.s32 $0x80;
	s7 =	smul.u32 $0x2800, s5  }
0xc: {  	s5 =	sadd.s32 $0x4200, s0;
	s8 =	sshrl.u32 s6, $0x1;
	p1 =	por !p2, !p4  }
0xd: {  	p2 =	por !p2, !p0;
	s0 =	sadd.s32 $0x51800, s0;
	s20 =	sshrl.u32 s10, $0x2  }
0xe: {  	p4 =	por !p4, !p3;
	s21 =	sadd.s32 s4, s15;
	s16 =	ssub.s32 s6, s8  }
0xf: {  	p1 =	por !p1, !p1;
	p2 =	por !p2, !p2;
	[dreg:$0x3] =	wrdreg s0  }
0x10: {  	s8 =	sadd.s32 $0x12C000, s2;
	s10 =	sadd.s32 s20, s2;
	[dreg:$0x4] =	wrdreg s21  }
0x11: {  	p4 =	por !p4, !p4;
	s23 =	sadd.s32 s17, s19;
	s0 =	sshrl.u32 s19, $0x3  }
0x12: {  	s17 =	simm.s32 $0x1400;
	s20 =	simm.s32 $0x5;
	s21 =	simm.s32 $0x3  }
0x13: {  	s12 =	sshrl.u32 s7, $0x3;
	s24 =	sshrl.u32 s23, $0x3;
	s0 =	sadd.s32 s14, s0  }
0x14: {  	s16 =	smax.u32 s16, $0x1;
	s26 =	sshrl.u32 s10, $0x3;
	s23 =	simm.s32 $0x7D  }
0x15: {  	s6 =	sadd.s32 s11, s12;
	s7 =	sadd.s32 s13, s12;
	s22 =	sadd.s32 $0x280, s12  }
0x16: {  	s14 =	sadd.s32 s14, s24;
	s15 =	sadd.s32 $0x25800, s0;
	[dreg:$0x5] =	wrdreg s26  }
0x17: {  	s24 =	simm.s32 $0x2800;
	s26 =	simm.s32 $0x6800;
	s0 =	simm.s32 $0x0  }
0x18: {  	s12 =	sadd.s32 s11, s22;
	s13 =	sadd.s32 s13, s22;
	s22 =	simm.s32 $0x4  }
.LBB2_1:
.Ltmp0:
0x19: {  	(pc) =	sbr.rel @!p1 .LBB2_5-.Ltmp0, $4  }
0x1a: {  	_ = 	snop  }
0x1b: {  	[tilespmem:s3], [sflag:$0x3] =	stream.linear.gather [hbm4b:s6+s3], $0x1400, $0x38;
	[tilespmem:$0x1E800] =	vst v63  }
0x1c: {  	_ = 	snop  }
0x1d: {  	[tilespmem:s17], [sflag:$0x4] =	stream.linear.gather [hbm4b:s7+s3], $0x1400, $0x38;
	[tilespmem:$0x1E800] =	vst v63  }
0x1e: {  	s9 =	rddreg [dreg:$0x4]  }
.Ltmp1:
0x1f: {  	s11 =	rddreg [dreg:$0x5];
	(pc) =	sbr.rel .LBB2_3-.Ltmp1, $4  }
0x20: {  	[spmem:s11], [sflag:s18] =	dma.local [hbm:s9], $0x2800  }
0x21: {  	_ =	swait.ge [sflag:s20], $0x2800  }
0x22: {  	[sflag:s20] =	ssyncset.done $0x0  }
0x23: {  	p5 =	por $0x0, $0x0;
	[sflag:s20] =	ssyncadd.s32 $0xFFFFD800  }
.LBB2_5:
.Ltmp2:
0x24: {  	(pc) =	sbr.rel @!p2 .LBB2_3-.Ltmp2, $2  }
0x25: {  	_ =	sdelay $0x2  }
0x26: {  	p5 =	por p0, p0  }
.Ltmp3:
0x27: {  	(pc) =	sbr.rel .LBB2_7-.Ltmp3, $4  }
0x28: {  	_ = 	snop  }
0x29: {  	s9 =	sshrl.u32 s8, $0x3  }
0x2a: {  	s11 =	rddreg [dreg:$0x3];
	s19 =	simm.s32 $0x1FC5;
	p5 =	por $0x1, $0x1  }
0x2b: {  	[spmem:s9], [sflag:s19] =	dma.local [hbm:s11], $0x1900  }
.LBB2_3:
0x2c: {  	s9 =	sshll.u32 @p4 s1, $0x6;
	p6 =	por @p4 $0x1, $0x1  }
0x2d: {  	s11 =	sshrl.u32 @p4 s10, $0x3;
	s9 =	sor.u32 @p4 $0x1C05, s9;
	p6 =	por @!p4 p3, p3  }
0x2e: {  	[spmem:s11], [sflag:s9] =	dma.local @p4 [hbm:s5], $0x2800  }
0x2f: {  	p6 =	por !p6, !p5  }
0x30: {  	p6 =	por !p6, !p6  }
.Ltmp4:
0x31: {  	_ = 	snop;
	(pc) =	sbr.rel @!p6 .LBB2_8-.Ltmp4, $4  }
0x32: {  	s9 =	simm.s32 @p4 $0x5  }
0x33: {  	_ =	swait.ge @p4 [sflag:s9], $0x2800  }
0x34: {  	[sflag:s9] =	ssyncset.done @p4 $0x0  }
0x35: {  	[sflag:s9] =	ssyncadd.s32 @p4 $0xFFFFD800  }
0x36: {  	s9 =	sshrl.u32 s8, $0x3  }
0x37: {  	[spmem:s9], [sflag:s18] =	dma.local [hbm:s5], $0x1900  }
.LBB2_7:
0x38: {  	_ =	swait.ge [sflag:s20], $0x1900  }
0x39: {  	[sflag:s20] =	ssyncset.done $0x0  }
0x3a: {  	[sflag:s20] =	ssyncadd.s32 $0xFFFFE700  }
.LBB2_8:
0x3b: {  	_ =	swait.ge [sflag:s21], $0x1400  }
0x3c: {  	[sflag:s21] =	ssyncset.done $0x0  }
0x3d: {  	[sflag:s21] =	ssyncadd.s32 $0xFFFFEC00  }
0x3e: {  	_ =	swait.ge [sflag:s22], $0x1400  }
0x3f: {  	[sflag:s22] =	ssyncset.done $0x0  }
0x40: {  	s9 =	simm.s32 $0x0;
	[sflag:s22] =	ssyncadd.s32 $0xFFFFEC00  }
0x41: {  	[tilespmem:s24], [sflag:$0x1] =	stream.indirect.gather [hbm4b:s4+s23], $0x80, s9, s23, $0xb8;
	[tilespmem:$0x1E800] =	vst v63  }
0x42: {  	_ = 	snop  }
0x43: {  	[tilespmem:s26], [sflag:$0x2] =	stream.indirect.gather [hbm4b:s4+s23], $0x80, s25, s23, $0xb8;
	[tilespmem:$0x1E800] =	vst v63  }
0x44: {  	[bflag:$0x0] =	sbarrier.arrive $0xFFFF  }
0x45: {  	_ =	swait.ge [sflag:s28], $0x3E80  }
0x46: {  	[sflag:s28] =	ssyncset.done $0x0  }
0x47: {  	s19 =	simm.s32 $0x1400;
	[sflag:s28] =	ssyncadd.s32 $0xFFFFC180  }
0x48: {  	[spmem:s2] =	stream.indirect.scatter.add.f32 [tilespmem:s24], [sflag:$0x5], $0x80, s19, s23, $0xb8;
	[tilespmem:$0x1E800] =	vst v63  }
0x49: {  	_ =	swait.ge [sflag:s20], $0x3E80  }
0x4a: {  	[sflag:s20] =	ssyncset.done $0x0  }
0x4b: {  	s11 =	simm.s32 $0x100;
	[sflag:s20] =	ssyncadd.s32 $0xFFFFC180  }
0x4c: {  	[tilespmem:s24], [sflag:$0x1] =	stream.indirect.gather [hbm4b:s4+s23], $0x80, s11, s23, $0xb8;
	[tilespmem:$0x1E800] =	vst v63  }
0x4d: {  	_ =	swait.ge [sflag:s29], $0x3E80  }
0x4e: {  	[sflag:s29] =	ssyncset.done $0x0  }
0x4f: {  	s19 =	simm.s32 $0x1480;
	[sflag:s29] =	ssyncadd.s32 $0xFFFFC180  }
0x50: {  	[spmem:s2] =	stream.indirect.scatter.add.f32 [tilespmem:s26], [sflag:$0x5], $0x80, s19, s23, $0xb8;
	[tilespmem:$0x1E800] =	vst v63  }
0x51: {  	_ =	swait.ge [sflag:s20], $0x3E80  }
0x52: {  	[sflag:s20] =	ssyncset.done $0x0  }
0x53: {  	s9 =	simm.s32 $0x400;
	s11 =	simm.s32 $0x180;
	[sflag:s20] =	ssyncadd.s32 $0xFFFFC180  }
.LBB2_9:
0x54: {  	[tilespmem:s26], [sflag:$0x2] =	stream.indirect.gather [hbm4b:s4+s23], $0x80, s11, s23, $0xb8;
	[tilespmem:$0x1E800] =	vst v63  }
0x55: {  	s11 =	smov.u32 s9  }
0x56: {  	p6 =	sne.s32 s9, $0x4800;
	s9 =	sadd.s32 $0x400, s9;
	_ =	swait.ge [sflag:s28], $0x3E80  }
0x57: {  	s11 =	sshra.s32 s11, $0x2;
	[sflag:s28] =	ssyncset.done $0x0  }
0x58: {  	s19 =	sadd.s32 $0x1400, s11;
	[sflag:s28] =	ssyncadd.s32 $0xFFFFC180  }
0x59: {  	[spmem:s2] =	stream.indirect.scatter.add.f32 [tilespmem:s24], [sflag:$0x5], $0x80, s19, s23, $0xb8;
	[tilespmem:$0x1E800] =	vst v63  }
0x5a: {  	_ =	swait.ge [sflag:s20], $0x3E80  }
0x5b: {  	[sflag:s20] =	ssyncset.done $0x0  }
0x5c: {  	s19 =	sadd.s32 $0x100, s11;
	[sflag:s20] =	ssyncadd.s32 $0xFFFFC180  }
0x5d: {  	[tilespmem:s24], [sflag:$0x1] =	stream.indirect.gather [hbm4b:s4+s23], $0x80, s19, s23, $0xb8;
	[tilespmem:$0x1E800] =	vst v63  }
0x5e: {  	_ =	swait.ge [sflag:s29], $0x3E80  }
0x5f: {  	[sflag:s29] =	ssyncset.done $0x0  }
.Ltmp5:
0x60: {  	s19 =	sadd.s32 $0x1480, s11;
	[sflag:s29] =	ssyncadd.s32 $0xFFFFC180;
	(pc) =	sbr.rel @p6 .LBB2_9-.Ltmp5, $4  }
0x61: {  	[spmem:s2] =	stream.indirect.scatter.add.f32 [tilespmem:s26], [sflag:$0x5], $0x80, s19, s23, $0xb8;
	[tilespmem:$0x1E800] =	vst v63  }
0x62: {  	_ =	swait.ge [sflag:s20], $0x3E80  }
0x63: {  	[sflag:s20] =	ssyncset.done $0x0  }
0x64: {  	s11 =	sadd.s32 $0x180, s11;
	[sflag:s20] =	ssyncadd.s32 $0xFFFFC180  }
0x65: {  	[tilespmem:s26], [sflag:$0x2] =	stream.indirect.gather [hbm4b:s4+s23], $0x80, s11, s23, $0xb8;
	[tilespmem:$0x1E800] =	vst v63  }
0x66: {  	_ =	swait.ge [sflag:s28], $0x3E80  }
0x67: {  	[sflag:s28] =	ssyncset.done $0x0  }
0x68: {  	[sflag:s28] =	ssyncadd.s32 $0xFFFFC180  }
0x69: {  	[spmem:s2] =	stream.indirect.scatter.add.f32 [tilespmem:s24], [sflag:$0x5], $0x80, s30, s23, $0xb8;
	[tilespmem:$0x1E800] =	vst v63  }
0x6a: {  	_ =	swait.ge [sflag:s20], $0x3E80  }
0x6b: {  	[sflag:s20] =	ssyncset.done $0x0  }
0x6c: {  	[sflag:s20] =	ssyncadd.s32 $0xFFFFC180  }
0x6d: {  	_ =	swait.ge [sflag:s29], $0x3E80  }
0x6e: {  	[sflag:s29] =	ssyncset.done $0x0  }
0x6f: {  	[sflag:s29] =	ssyncadd.s32 $0xFFFFC180  }
0x70: {  	[spmem:s2] =	stream.indirect.scatter.add.f32 [tilespmem:s26], [sflag:$0x5], $0x80, s31, s23, $0xb8;
	[tilespmem:$0x1E800] =	vst v63  }
0x71: {  	_ =	swait.ge [sflag:s20], $0x3E80  }
0x72: {  	[sflag:s20] =	ssyncset.done $0x0  }
0x73: {  	s9 =	simm.s32 $0x0;
	[sflag:s20] =	ssyncadd.s32 $0xFFFFC180  }
0x74: {  	[tilespmem:s9], [sflag:$0x3] =	stream.linear.gather [hbm4b:s12+s9], $0x1400, $0x38;
	[tilespmem:$0x1E800] =	vst v63  }
0x75: {  	_ = 	snop  }
0x76: {  	[tilespmem:s17], [sflag:$0x4] =	stream.linear.gather [hbm4b:s13+s9], $0x1400, $0x38;
	[tilespmem:$0x1E800] =	vst v63  }
0x77: {  	_ =	swait.ge [sflag:s21], $0x1400  }
0x78: {  	[sflag:s21] =	ssyncset.done $0x0  }
0x79: {  	[sflag:s21] =	ssyncadd.s32 $0xFFFFEC00  }
0x7a: {  	_ =	swait.ge [sflag:s22], $0x1400  }
0x7b: {  	[sflag:s22] =	ssyncset.done $0x0  }
0x7c: {  	[sflag:s22] =	ssyncadd.s32 $0xFFFFEC00  }
0x7d: {  	[tilespmem:s24], [sflag:$0x1] =	stream.indirect.gather [hbm4b:s4+s23], $0x80, s9, s23, $0xb8;
	[tilespmem:$0x1E800] =	vst v63  }
0x7e: {  	_ = 	snop  }
0x7f: {  	[tilespmem:s26], [sflag:$0x2] =	stream.indirect.gather [hbm4b:s4+s23], $0x80, s25, s23, $0xb8;
	[tilespmem:$0x1E800] =	vst v63  }
0x80: {  	_ =	swait.ge [sflag:s28], $0x3E80  }
0x81: {  	[sflag:s28] =	ssyncset.done $0x0  }
0x82: {  	s19 =	simm.s32 $0x1400;
	[sflag:s28] =	ssyncadd.s32 $0xFFFFC180  }
0x83: {  	[spmem:s2] =	stream.indirect.scatter.add.f32 [tilespmem:s24], [sflag:$0x5], $0x80, s19, s23, $0xb8;
	[tilespmem:$0x1E800] =	vst v63  }
0x84: {  	_ =	swait.ge [sflag:s20], $0x3E80  }
0x85: {  	[sflag:s20] =	ssyncset.done $0x0  }
0x86: {  	s11 =	simm.s32 $0x100;
	[sflag:s20] =	ssyncadd.s32 $0xFFFFC180  }
0x87: {  	[tilespmem:s24], [sflag:$0x1] =	stream.indirect.gather [hbm4b:s4+s23], $0x80, s11, s23, $0xb8;
	[tilespmem:$0x1E800] =	vst v63  }
0x88: {  	_ =	swait.ge [sflag:s29], $0x3E80  }
0x89: {  	[sflag:s29] =	ssyncset.done $0x0  }
0x8a: {  	s19 =	simm.s32 $0x1480;
	[sflag:s29] =	ssyncadd.s32 $0xFFFFC180  }
0x8b: {  	[spmem:s2] =	stream.indirect.scatter.add.f32 [tilespmem:s26], [sflag:$0x5], $0x80, s19, s23, $0xb8;
	[tilespmem:$0x1E800] =	vst v63  }
0x8c: {  	_ =	swait.ge [sflag:s20], $0x3E80  }
0x8d: {  	[sflag:s20] =	ssyncset.done $0x0  }
0x8e: {  	s9 =	simm.s32 $0x400;
	s11 =	simm.s32 $0x180;
	[sflag:s20] =	ssyncadd.s32 $0xFFFFC180  }
.LBB2_11:
0x8f: {  	[tilespmem:s26], [sflag:$0x2] =	stream.indirect.gather [hbm4b:s4+s23], $0x80, s11, s23, $0xb8;
	[tilespmem:$0x1E800] =	vst v63  }
0x90: {  	s11 =	smov.u32 s9  }
0x91: {  	p6 =	sne.s32 s9, $0x4800;
	s9 =	sadd.s32 $0x400, s9;
	_ =	swait.ge [sflag:s28], $0x3E80  }
0x92: {  	s11 =	sshra.s32 s11, $0x2;
	[sflag:s28] =	ssyncset.done $0x0  }
0x93: {  	s19 =	sadd.s32 $0x1400, s11;
	[sflag:s28] =	ssyncadd.s32 $0xFFFFC180  }
0x94: {  	[spmem:s2] =	stream.indirect.scatter.add.f32 [tilespmem:s24], [sflag:$0x5], $0x80, s19, s23, $0xb8;
	[tilespmem:$0x1E800] =	vst v63  }
0x95: {  	_ =	swait.ge [sflag:s20], $0x3E80  }
0x96: {  	[sflag:s20] =	ssyncset.done $0x0  }
0x97: {  	s19 =	sadd.s32 $0x100, s11;
	[sflag:s20] =	ssyncadd.s32 $0xFFFFC180  }
0x98: {  	[tilespmem:s24], [sflag:$0x1] =	stream.indirect.gather [hbm4b:s4+s23], $0x80, s19, s23, $0xb8;
	[tilespmem:$0x1E800] =	vst v63  }
0x99: {  	_ =	swait.ge [sflag:s29], $0x3E80  }
0x9a: {  	[sflag:s29] =	ssyncset.done $0x0  }
.Ltmp6:
0x9b: {  	s19 =	sadd.s32 $0x1480, s11;
	[sflag:s29] =	ssyncadd.s32 $0xFFFFC180;
	(pc) =	sbr.rel @p6 .LBB2_11-.Ltmp6, $4  }
0x9c: {  	[spmem:s2] =	stream.indirect.scatter.add.f32 [tilespmem:s26], [sflag:$0x5], $0x80, s19, s23, $0xb8;
	[tilespmem:$0x1E800] =	vst v63  }
0x9d: {  	_ =	swait.ge [sflag:s20], $0x3E80  }
0x9e: {  	[sflag:s20] =	ssyncset.done $0x0  }
0x9f: {  	s11 =	sadd.s32 $0x180, s11;
	[sflag:s20] =	ssyncadd.s32 $0xFFFFC180  }
0xa0: {  	[tilespmem:s26], [sflag:$0x2] =	stream.indirect.gather [hbm4b:s4+s23], $0x80, s11, s23, $0xb8;
	[tilespmem:$0x1E800] =	vst v63  }
0xa1: {  	_ =	swait.ge [sflag:s28], $0x3E80  }
0xa2: {  	[sflag:s28] =	ssyncset.done $0x0  }
0xa3: {  	[sflag:s28] =	ssyncadd.s32 $0xFFFFC180  }
0xa4: {  	[spmem:s2] =	stream.indirect.scatter.add.f32 [tilespmem:s24], [sflag:$0x5], $0x80, s30, s23, $0xb8;
	[tilespmem:$0x1E800] =	vst v63  }
0xa5: {  	_ =	swait.ge [sflag:s20], $0x3E80  }
0xa6: {  	[sflag:s20] =	ssyncset.done $0x0  }
0xa7: {  	[sflag:s20] =	ssyncadd.s32 $0xFFFFC180  }
0xa8: {  	_ =	swait.ge [sflag:s29], $0x3E80  }
0xa9: {  	[sflag:s29] =	ssyncset.done $0x0  }
0xaa: {  	[sflag:s29] =	ssyncadd.s32 $0xFFFFC180  }
0xab: {  	[spmem:s2] =	stream.indirect.scatter.add.f32 [tilespmem:s26], [sflag:$0x5], $0x80, s31, s23, $0xb8;
	[tilespmem:$0x1E800] =	vst v63  }
0xac: {  	_ =	swait.ge [sflag:s20], $0x3E80  }
0xad: {  	[sflag:s20] =	ssyncset.done $0x0  }
0xae: {  	s9 =	sshll.u32 @!p0 s1, $0x6;
	[sflag:s20] =	ssyncadd.s32 $0xFFFFC180  }
0xaf: {  	s11 =	sshrl.u32 @!p0 s10, $0x3;
	s9 =	sor.u32 @!p0 $0x1C05, s9;
	[bflag:$0x0] =	sbarrier.arrive $0xFFFF  }
0xb0: {  	[hbm:s14], [sflag:s9] =	dma.local @!p0 [spmem:s11], $0x2800  }
0xb1: {  	s9 =	simm.s32 @!p0 $0x5  }
0xb2: {  	s0 =	sadd.s32 $0x1, s0;
	_ =	swait.ge @!p0 [sflag:s9], $0x2800  }
0xb3: {  	p6 =	sne.s32 s0, s16;
	s11 =	sshll.u32 @p5 s1, $0x6;
	[sflag:s9] =	ssyncset.done @!p0 $0x0  }
0xb4: {  	[sflag:s9] =	ssyncadd.s32 @!p0 $0xFFFFD800;
	s9 =	sor.u32 @p5 $0x1C05, s11;
	s11 =	sshrl.u32 @p5 s8, $0x3  }
0xb5: {  	[hbm:s15], [sflag:s9] =	dma.local @p5 [spmem:s11], $0x1900  }
.Ltmp7:
0xb6: {  	_ = 	snop;
	(pc) =	sbr.rel @p6 .LBB2_1-.Ltmp7, $4  }
0xb7: {  	s9 =	simm.s32 @p5 $0x5  }
0xb8: {  	_ =	swait.ge @p5 [sflag:s9], $0x1900  }
0xb9: {  	[sflag:s9] =	ssyncset.done @p5 $0x0  }
0xba: {  	[sflag:s9] =	ssyncadd.s32 @p5 $0xFFFFE700  }
0xbb: {  	_ =	sfence.sel $0x180000  }
0xbc: {  	[bflag:$0x0] =	sbarrier.arrive $0xFFFF  }
0xbd: {  	_ =	strace $0x90000053  }
0xbe: {  	[bflag:$0x2] =	sbarrier.arrive $0xFFFF  }
0xbf: {  	p0 =	sne.s32 s1, $0x0;
	s0 =	rddreg [dreg:$0x2]  }
0xc0: {  	s0 =	sadd.s32 @!p0 $0x100000, s0  }
0xc1: {  	[sflag:s0] =	ssyncadd.tile.s32 @!p0 $0x1;
	_ =	shalt  }
.Lfunc_end2:
_tile_overlayer_lowered:
.L_overlay_start_2:
0xc2: {  	(tag) =	ssettag $0x2  }
0xc3: {  	s0 =	rddreg [dreg:$0x0];
	s2 =	stileid.u32  }
0xc4: {  	s1 =	rddreg [dreg:$0x1];
	p0 =	sne.s32 s2, $0x0  }
0xc5: {  	s3 =	rddreg [dreg:$0x2];
	[bflag:$0x3] =	sbarrier.arrive $0xFFFF;
	s2 =	simm.s32 @!p0 $0x1C05  }
0xc6: {  	[timem:s3], [sflag:s2] =	dma.local @!p0 [hbm:s0], s1  }
0xc7: {  	s0 =	simm.s32 @!p0 $0x5  }
0xc8: {  	_ =	swait.ge @!p0 [sflag:s0], s1  }
0xc9: {  	s1 =	ssub.s32 @!p0 $0x0, s1;
	[sflag:s0] =	ssyncset.done @!p0 $0x0  }
0xca: {  	[sflag:s0] =	ssyncadd.s32 @!p0 s1  }
0xcb: {  	[bflag:$0x3] =	sbarrier.arrive $0xFFFF  }
0xcc: {  	_ =	shalt  }

</sc_bundles>
